<compile_context>
chip_gen: v7x
topology: tpu7x:2x2x1
jax: 0.10.2.dev20260603
libtpu: 0.0.44.dev20260713+nightly
codegen_flags: <defaults>
</compile_context>

<pallas_src>
import functools

import jax
import jax.numpy as jnp
from jax import lax
from jax.experimental import pallas as pl
from jax.experimental.pallas import tpu as pltpu
from jax.experimental.pallas import tpu_sc as plsc

NUM_CORES = 2
NUM_SUBCORES = 16
LANES = 16
NW = NUM_CORES * NUM_SUBCORES
R = 16
NBUF = 4


def _sc_body(D, b_per_w, emb_hbm, idx_hbm, table_hbm, out_hbm,
             table_v, idx_v, ebuf0, ebuf1, ebuf2, ebuf3,
             tab_sem, in_sem0, in_sem1, in_sem2, in_sem3,
             out_sem0, out_sem1, out_sem2, out_sem3):
    c = lax.axis_index("c")
    s = lax.axis_index("s")
    wid = s * NUM_CORES + c
    base = wid * b_per_w
    n_chunks = b_per_w // R

    ebufs = (ebuf0, ebuf1, ebuf2, ebuf3)
    in_sems = (in_sem0, in_sem1, in_sem2, in_sem3)
    out_sems = (out_sem0, out_sem1, out_sem2, out_sem3)

    def start_in(j, b):
        pltpu.async_copy(emb_hbm.at[pl.ds(base + j * R, R)], ebufs[b],
                         in_sems[b])

    def wait_in(j, b):
        pltpu.make_async_copy(emb_hbm.at[pl.ds(base + j * R, R)], ebufs[b],
                              in_sems[b]).wait()

    def start_out(j, b):
        pltpu.async_copy(ebufs[b], out_hbm.at[pl.ds(base + j * R, R)],
                         out_sems[b])

    def wait_out(j, b):
        pltpu.make_async_copy(ebufs[b], out_hbm.at[pl.ds(base + j * R, R)],
                              out_sems[b]).wait()

    start_in(0, 0)
    pltpu.async_copy(table_hbm, table_v, tab_sem)
    pltpu.sync_copy(idx_hbm.at[wid], idx_v.at[pl.ds(0, b_per_w)])
    pltpu.make_async_copy(table_hbm, table_v, tab_sem).wait()

    def chunk_group(g, carry):
        for bs in range(NBUF):
            j = g + bs

            wait_in(j, bs)

            @pl.when(j + 1 < n_chunks)
            def _prefetch():
                nb = (bs + 1) % NBUF

                @pl.when(j >= NBUF - 1)
                def _free():
                    wait_out(j - (NBUF - 1), nb)

                start_in(j + 1, nb)

            @plsc.parallel_loop(0, R, 1, unroll=1)
            def _add_row(r):
                iv = idx_v[pl.ds(j * R + r, LANES)]
                rbase = iv[0] * D
                for cc in range(D // LANES):
                    v = table_v[pl.ds(rbase + cc * LANES, LANES)]
                    plsc.addupdate(
                        ebufs[bs].at[r, pl.ds(cc * LANES, LANES)], v)

            plsc.subcore_barrier()
            start_out(j, bs)
        return carry

    lax.fori_loop(0, n_chunks // NBUF,
                  lambda t, cr: chunk_group(t * NBUF, cr), None)

    for j in range(n_chunks - NBUF, n_chunks):
        wait_out(j, j % NBUF)


def kernel(batch_Phrase_emb, Phrase_type_ids, phrase_attribute_emb_all):
    B, D = batch_Phrase_emb.shape
    V = phrase_attribute_emb_all.shape[0]
    b_per_w = B // NW

    idx = Phrase_type_ids.astype(jnp.int32).reshape(NW, b_per_w)
    table_flat = phrase_attribute_emb_all.reshape(V * D)

    mesh = plsc.VectorSubcoreMesh(
        core_axis_name="c", subcore_axis_name="s",
        num_cores=NUM_CORES, num_subcores=NUM_SUBCORES)
    f = pl.kernel(
        functools.partial(_sc_body, D, b_per_w),
        out_type=jax.ShapeDtypeStruct((B, D), jnp.float32),
        mesh=mesh,
        scratch_types=[
            pltpu.VMEM((V * D,), jnp.float32),
            pltpu.VMEM((b_per_w + LANES,), jnp.int32),
            pltpu.VMEM((R, D), jnp.float32),
            pltpu.VMEM((R, D), jnp.float32),
            pltpu.VMEM((R, D), jnp.float32),
            pltpu.VMEM((R, D), jnp.float32),
            pltpu.SemaphoreType.DMA,
            pltpu.SemaphoreType.DMA,
            pltpu.SemaphoreType.DMA,
            pltpu.SemaphoreType.DMA,
            pltpu.SemaphoreType.DMA,
            pltpu.SemaphoreType.DMA,
            pltpu.SemaphoreType.DMA,
            pltpu.SemaphoreType.DMA,
            pltpu.SemaphoreType.DMA,
        ],
    )
    return f(batch_Phrase_emb, idx, table_flat)

# --- scband reference (transcript-rebuilt; emitter-appended) ---
"""Pipeline reference for scband-phrase-type-encoder-704374637087 (READ-ONLY COPY).

The authoritative reference and input builder live on the scoring server;
editing this copy changes nothing except your own understanding.
"""

import jax, jax.numpy as jnp
import numpy as np

NUM_TYPES = 101  # 100 phrase attribute types + 1 zero 'other' row
HIDDEN = 768
BATCH = 16384


def setup_inputs(seed: int = 0) -> dict:
    key = jax.random.key(seed)
    k1, k2, k3 = jax.random.split(key, 3)
    batch_Phrase_emb = jax.random.normal(k1, (BATCH, HIDDEN), dtype=jnp.float32)
    Phrase_type_ids = jax.random.randint(k2, (BATCH,), 0, NUM_TYPES, dtype=jnp.int64 if jax.config.jax_enable_x64 else jnp.int32)
    # phrase_attribute_emb_all: precomputed BERT [CLS] embeddings for each type text,
    # with a zero row appended for the 'other' type. Modeled as a learned/frozen table.
    type_emb = jax.random.normal(k3, (NUM_TYPES - 1, HIDDEN), dtype=jnp.float32)
    type_other = jnp.zeros((1, HIDDEN), dtype=jnp.float32)
    phrase_attribute_emb_all = jnp.concatenate([type_emb, type_other], axis=0)
    return {
        "batch_Phrase_emb": batch_Phrase_emb,
        "Phrase_type_ids": Phrase_type_ids,
        "phrase_attribute_emb_all": phrase_attribute_emb_all,
    }


def reference(batch_Phrase_emb, Phrase_type_ids, phrase_attribute_emb_all):
    # Embedding lookup into the phrase-type table, then residual add.
    batch_Phrase_type_emb = jnp.take(phrase_attribute_emb_all, Phrase_type_ids, axis=0)
    out = batch_Phrase_emb + batch_Phrase_type_emb
    return out

if __name__ == "__main__":
    import jax
    _d = setup_inputs()
    print(jax.jit(kernel)(*tuple(_d.values())))

</pallas_src>

<mosaic_0001>
#map = affine_map<(d0, d1) -> (0, 0)>
#map1 = affine_map<(d0, d1) -> (0)>
module attributes {stable_mosaic.version = 14 : i64} {
  func.func @_sc_body(%arg0: i32, %arg1: i32, %arg2: memref<16384x768xf32, #tpu.memory_space<hbm>>, %arg3: memref<32x512xi32, #tpu.memory_space<hbm>>, %arg4: memref<77568xf32, #tpu.memory_space<hbm>>, %arg5: memref<16384x768xf32, #tpu.memory_space<hbm>>, %arg6: memref<77568xf32, #tpu.memory_space<vmem>>, %arg7: memref<528xi32, #tpu.memory_space<vmem>>, %arg8: memref<16x768xf32, #tpu.memory_space<vmem>>, %arg9: memref<16x768xf32, #tpu.memory_space<vmem>>, %arg10: memref<16x768xf32, #tpu.memory_space<vmem>>, %arg11: memref<16x768xf32, #tpu.memory_space<vmem>>, %arg12: memref<!tpu.dma_semaphore, #tpu.memory_space<semaphore_mem>>, %arg13: memref<!tpu.dma_semaphore, #tpu.memory_space<semaphore_mem>>, %arg14: memref<!tpu.dma_semaphore, #tpu.memory_space<semaphore_mem>>, %arg15: memref<!tpu.dma_semaphore, #tpu.memory_space<semaphore_mem>>, %arg16: memref<!tpu.dma_semaphore, #tpu.memory_space<semaphore_mem>>, %arg17: memref<!tpu.dma_semaphore, #tpu.memory_space<semaphore_mem>>, %arg18: memref<!tpu.dma_semaphore, #tpu.memory_space<semaphore_mem>>, %arg19: memref<!tpu.dma_semaphore, #tpu.memory_space<semaphore_mem>>, %arg20: memref<!tpu.dma_semaphore, #tpu.memory_space<semaphore_mem>>) attributes {dimension_semantics = [#tpu.dimension_semantics<core_parallel>, #tpu.dimension_semantics<subcore_parallel>], iteration_bounds = array<i64: 2, 16>, scalar_prefetch = 0 : i64, scratch_operands = 15 : i64, tpu.core_type = #tpu.core_type<sc_vector_subcore>, window_params = [{transform_indices = #map}, {transform_indices = #map}, {transform_indices = #map1}, {transform_indices = #map}]} {
    %mul3A = arith.constant 2 : i32
    %mul3A_0 = arith.muli %arg1, %mul3A : i32
    %add3A = arith.addi %mul3A_0, %arg0 : i32
    %mul3A_1 = arith.constant 512 : i32
    %mul3A_2 = arith.muli %add3A, %mul3A_1 : i32
    %add3A_3 = arith.constant 0 : i32
    %add3A_4 = arith.addi %mul3A_2, %add3A_3 : i32
    %dma_start3A = arith.constant 0 : i32
    %dma_start3A_5 = tpu.memref_slice %arg2[%add3A_4, %dma_start3A] : memref<16384x768xf32, #tpu.memory_space<hbm>> -> memref<16x768xf32, #tpu.memory_space<hbm>>
    %dma_start3A_6 = arith.constant 0 : i32
    %dma_start3A_7 = tpu.memref_slice %arg2[%add3A_4, %dma_start3A_6] : memref<16384x768xf32, #tpu.memory_space<hbm>> -> memref<16x768xf32, #tpu.memory_space<hbm>>
    tpu.enqueue_dma source(%dma_start3A_7 : memref<16x768xf32, #tpu.memory_space<hbm>>) target(%arg8 : memref<16x768xf32, #tpu.memory_space<vmem>>) target_semaphore(%arg13 : memref<!tpu.dma_semaphore, #tpu.memory_space<semaphore_mem>>)
    tpu.enqueue_dma source(%arg4 : memref<77568xf32, #tpu.memory_space<hbm>>) target(%arg6 : memref<77568xf32, #tpu.memory_space<vmem>>) target_semaphore(%arg12 : memref<!tpu.dma_semaphore, #tpu.memory_space<semaphore_mem>>)
    "tpu.region"() ({
      %run_scoped3A = tpu.sem_alloc : memref<!tpu.dma_semaphore, #tpu.memory_space<semaphore_mem>>
      %dma_start3A_35 = arith.constant 0 : i32
      %dma_start3A_36 = tpu.memref_slice %arg7[%dma_start3A_35] : memref<528xi32, #tpu.memory_space<vmem>> -> memref<512xi32, #tpu.memory_space<vmem>>
      %dma_start3A_37 = arith.constant 0 : i32
      %dma_start3A_38 = tpu.memref_slice %arg3[%add3A, %dma_start3A_37] : memref<32x512xi32, #tpu.memory_space<hbm>> -> memref<1x512xi32, #tpu.memory_space<hbm>>
      %dma_start3A_39 = tpu.memref_squeeze %dma_start3A_38 : memref<1x512xi32, #tpu.memory_space<hbm>> -> memref<512xi32, #tpu.memory_space<hbm>>
      %dma_start3A_40 = arith.constant 0 : i32
      %dma_start3A_41 = tpu.memref_slice %arg7[%dma_start3A_40] : memref<528xi32, #tpu.memory_space<vmem>> -> memref<512xi32, #tpu.memory_space<vmem>>
      %dma_start3A_42 = arith.constant 0 : i32
      %dma_start3A_43 = tpu.memref_slice %arg3[%add3A, %dma_start3A_42] : memref<32x512xi32, #tpu.memory_space<hbm>> -> memref<1x512xi32, #tpu.memory_space<hbm>>
      %dma_start3A_44 = tpu.memref_squeeze %dma_start3A_43 : memref<1x512xi32, #tpu.memory_space<hbm>> -> memref<512xi32, #tpu.memory_space<hbm>>
      tpu.enqueue_dma source(%dma_start3A_44 : memref<512xi32, #tpu.memory_space<hbm>>) target(%dma_start3A_41 : memref<512xi32, #tpu.memory_space<vmem>>) target_semaphore(%run_scoped3A : memref<!tpu.dma_semaphore, #tpu.memory_space<semaphore_mem>>)
      %dma_wait3A_45 = arith.constant 0 : i32
      %dma_wait3A_46 = tpu.memref_slice %arg7[%dma_wait3A_45] : memref<528xi32, #tpu.memory_space<vmem>> -> memref<512xi32, #tpu.memory_space<vmem>>
      %dma_wait3A_47 = arith.constant 0 : i32
      %dma_wait3A_48 = tpu.memref_slice %arg3[%add3A, %dma_wait3A_47] : memref<32x512xi32, #tpu.memory_space<hbm>> -> memref<1x512xi32, #tpu.memory_space<hbm>>
      %dma_wait3A_49 = tpu.memref_squeeze %dma_wait3A_48 : memref<1x512xi32, #tpu.memory_space<hbm>> -> memref<512xi32, #tpu.memory_space<hbm>>
      %dma_wait3A_50 = arith.constant 0 : i32
      %dma_wait3A_51 = tpu.memref_slice %arg7[%dma_wait3A_50] : memref<528xi32, #tpu.memory_space<vmem>> -> memref<512xi32, #tpu.memory_space<vmem>>
      %dma_wait3A_52 = arith.constant 0 : i32
      %dma_wait3A_53 = tpu.memref_slice %arg3[%add3A, %dma_wait3A_52] : memref<32x512xi32, #tpu.memory_space<hbm>> -> memref<1x512xi32, #tpu.memory_space<hbm>>
      %dma_wait3A_54 = tpu.memref_squeeze %dma_wait3A_53 : memref<1x512xi32, #tpu.memory_space<hbm>> -> memref<512xi32, #tpu.memory_space<hbm>>
      tpu.wait_dma2 semaphore(%run_scoped3A : memref<!tpu.dma_semaphore, #tpu.memory_space<semaphore_mem>>) src(%dma_wait3A_54 : memref<512xi32, #tpu.memory_space<hbm>>) dst(%dma_wait3A_51 : memref<512xi32, #tpu.memory_space<vmem>>)
      tpu.yield
    }) : () -> ()
    tpu.wait_dma2 semaphore(%arg12 : memref<!tpu.dma_semaphore, #tpu.memory_space<semaphore_mem>>) src(%arg4 : memref<77568xf32, #tpu.memory_space<hbm>>) dst(%arg6 : memref<77568xf32, #tpu.memory_space<vmem>>)
    %scan3A = arith.constant 0 : i32
    %scan3A_8 = arith.constant 8 : i32
    %scan3A_9 = arith.addi %scan3A, %scan3A_8 : i32
    %scan3A_10 = arith.constant 1 : i32
    scf.for %scan3A_35 = %scan3A to %scan3A_9 step %scan3A_10  : i32 {
      %mul3A_36 = arith.constant 4 : i32
      %mul3A_37 = arith.muli %scan3A_35, %mul3A_36 : i32
      %add3A_38 = arith.constant 0 : i32
      %add3A_39 = arith.addi %mul3A_37, %add3A_38 : i32
      %mul3A_40 = arith.constant 16 : i32
      %mul3A_41 = arith.muli %add3A_39, %mul3A_40 : i32
      %add3A_42 = arith.addi %mul3A_2, %mul3A_41 : i32
      %dma_wait3A_43 = arith.constant 0 : i32
      %dma_wait3A_44 = tpu.memref_slice %arg2[%add3A_42, %dma_wait3A_43] : memref<16384x768xf32, #tpu.memory_space<hbm>> -> memref<16x768xf32, #tpu.memory_space<hbm>>
      %dma_wait3A_45 = arith.constant 0 : i32
      %dma_wait3A_46 = tpu.memref_slice %arg2[%add3A_42, %dma_wait3A_45] : memref<16384x768xf32, #tpu.memory_space<hbm>> -> memref<16x768xf32, #tpu.memory_space<hbm>>
      tpu.wait_dma2 semaphore(%arg13 : memref<!tpu.dma_semaphore, #tpu.memory_space<semaphore_mem>>) src(%dma_wait3A_46 : memref<16x768xf32, #tpu.memory_space<hbm>>) dst(%arg8 : memref<16x768xf32, #tpu.memory_space<vmem>>)
      %add3A_47 = arith.constant 1 : i32
      %add3A_48 = arith.addi %add3A_39, %add3A_47 : i32
      %lt3A = arith.constant 32 : i32
      %lt3A_49 = arith.cmpi slt, %add3A_48, %lt3A : i32
      %convert_element_type3A = arith.extui %lt3A_49 : i1 to i32
      %cond3A = arith.constant 0 : i32
      %cond3A_50 = arith.cmpi ne, %convert_element_type3A, %cond3A : i32
      scf.if %cond3A_50 {
        %ge3A = arith.constant 3 : i32
        %ge3A_141 = arith.cmpi sge, %add3A_39, %ge3A : i32
        %convert_element_type3A_142 = arith.extui %ge3A_141 : i1 to i32
        %cond3A_143 = arith.constant 0 : i32
        %cond3A_144 = arith.cmpi ne, %convert_element_type3A_142, %cond3A_143 : i32
        scf.if %cond3A_144 {
          %sub3A = arith.constant 3 : i32
          %sub3A_154 = arith.subi %add3A_39, %sub3A : i32
          %mul3A_155 = arith.constant 16 : i32
          %mul3A_156 = arith.muli %sub3A_154, %mul3A_155 : i32
          %add3A_157 = arith.addi %mul3A_2, %mul3A_156 : i32
          %dma_wait3A_158 = arith.constant 0 : i32
          %dma_wait3A_159 = tpu.memref_slice %arg5[%add3A_157, %dma_wait3A_158] : memref<16384x768xf32, #tpu.memory_space<hbm>> -> memref<16x768xf32, #tpu.memory_space<hbm>>
          %dma_wait3A_160 = arith.constant 0 : i32
          %dma_wait3A_161 = tpu.memref_slice %arg5[%add3A_157, %dma_wait3A_160] : memref<16384x768xf32, #tpu.memory_space<hbm>> -> memref<16x768xf32, #tpu.memory_space<hbm>>
          tpu.wait_dma2 semaphore(%arg18 : memref<!tpu.dma_semaphore, #tpu.memory_space<semaphore_mem>>) src(%arg9 : memref<16x768xf32, #tpu.memory_space<vmem>>) dst(%dma_wait3A_161 : memref<16x768xf32, #tpu.memory_space<hbm>>)
        } else {
        }
        %add3A_145 = arith.constant 1 : i32
        %add3A_146 = arith.addi %add3A_39, %add3A_145 : i32
        %mul3A_147 = arith.constant 16 : i32
        %mul3A_148 = arith.muli %add3A_146, %mul3A_147 : i32
        %add3A_149 = arith.addi %mul3A_2, %mul3A_148 : i32
        %dma_start3A_150 = arith.constant 0 : i32
        %dma_start3A_151 = tpu.memref_slice %arg2[%add3A_149, %dma_start3A_150] : memref<16384x768xf32, #tpu.memory_space<hbm>> -> memref<16x768xf32, #tpu.memory_space<hbm>>
        %dma_start3A_152 = arith.constant 0 : i32
        %dma_start3A_153 = tpu.memref_slice %arg2[%add3A_149, %dma_start3A_152] : memref<16384x768xf32, #tpu.memory_space<hbm>> -> memref<16x768xf32, #tpu.memory_space<hbm>>
        tpu.enqueue_dma source(%dma_start3A_153 : memref<16x768xf32, #tpu.memory_space<hbm>>) target(%arg9 : memref<16x768xf32, #tpu.memory_space<vmem>>) target_semaphore(%arg14 : memref<!tpu.dma_semaphore, #tpu.memory_space<semaphore_mem>>)
      } else {
      }
      %parallel_loop3A = arith.constant 0 : i32
      %parallel_loop3A_51 = arith.constant 16 : i32
      %parallel_loop3A_52 = arith.constant 1 : i32
      scf.for %parallel_loop3A_141 = %parallel_loop3A to %parallel_loop3A_51 step %parallel_loop3A_52  : i32 {
        %parallel_loop3A_142 = arith.constant 16 : i32
        %parallel_loop3A_143 = arith.muli %add3A_39, %parallel_loop3A_142 : i32
        %parallel_loop3A_144 = arith.addi %parallel_loop3A_143, %parallel_loop3A_141 : i32
        %parallel_loop3A_145 = arith.index_cast %parallel_loop3A_144 : i32 to index
        %parallel_loop3A_146 = tpu.vector_load %arg7[%parallel_loop3A_145] {strides = array<i32>} : memref<528xi32, #tpu.memory_space<vmem>>, vector<16xi32>,
        %parallel_loop3A_147 = vector.shape_cast %parallel_loop3A_146 : vector<16xi32> to vector<16xi32>
        %parallel_loop3A_148 = vector.extract_strided_slice %parallel_loop3A_147 {offsets = [0], sizes = [1], strides = [1]} : vector<16xi32> to vector<1xi32>
        %parallel_loop3A_149 = vector.extract %parallel_loop3A_148[0] : i32 from vector<1xi32>
        %parallel_loop3A_150 = arith.constant 768 : i32
        %parallel_loop3A_151 = arith.muli %parallel_loop3A_149, %parallel_loop3A_150 : i32
        %parallel_loop3A_152 = arith.constant 0 : i32
        %parallel_loop3A_153 = arith.addi %parallel_loop3A_151, %parallel_loop3A_152 : i32
        %parallel_loop3A_154 = arith.index_cast %parallel_loop3A_153 : i32 to index
        %parallel_loop3A_155 = tpu.vector_load %arg6[%parallel_loop3A_154] {strides = array<i32>} : memref<77568xf32, #tpu.memory_space<vmem>>, vector<16xf32>,
        %parallel_loop3A_156 = vector.shape_cast %parallel_loop3A_155 : vector<16xf32> to vector<16xf32>
        %parallel_loop3A_157 = arith.index_cast %parallel_loop3A_141 : i32 to index
        %parallel_loop3A_158 = arith.constant 0 : index
        %parallel_loop3A_159 = tpu.vector_load %arg8[%parallel_loop3A_157, %parallel_loop3A_158] {strides = array<i32>} : memref<16x768xf32, #tpu.memory_space<vmem>>, vector<1x16xf32>,
        %parallel_loop3A_160 = vector.shape_cast %parallel_loop3A_159 : vector<1x16xf32> to vector<16xf32>
        %parallel_loop3A_161 = vector.shape_cast %parallel_loop3A_156 : vector<16xf32> to vector<1x16xf32>
        tpu.vector_store %arg8[%parallel_loop3A_157, %parallel_loop3A_158], %parallel_loop3A_161 {add = true, strides = array<i32>} : memref<16x768xf32, #tpu.memory_space<vmem>>, vector<1x16xf32>,
        %parallel_loop3A_162 = arith.constant 16 : i32
        %parallel_loop3A_163 = arith.addi %parallel_loop3A_151, %parallel_loop3A_162 : i32
        %parallel_loop3A_164 = arith.index_cast %parallel_loop3A_163 : i32 to index
        %parallel_loop3A_165 = tpu.vector_load %arg6[%parallel_loop3A_164] {strides = array<i32>} : memref<77568xf32, #tpu.memory_space<vmem>>, vector<16xf32>,
        %parallel_loop3A_166 = vector.shape_cast %parallel_loop3A_165 : vector<16xf32> to vector<16xf32>
        %parallel_loop3A_167 = arith.index_cast %parallel_loop3A_141 : i32 to index
        %parallel_loop3A_168 = arith.constant 16 : index
        %parallel_loop3A_169 = tpu.vector_load %arg8[%parallel_loop3A_167, %parallel_loop3A_168] {strides = array<i32>} : memref<16x768xf32, #tpu.memory_space<vmem>>, vector<1x16xf32>,
        %parallel_loop3A_170 = vector.shape_cast %parallel_loop3A_169 : vector<1x16xf32> to vector<16xf32>
        %parallel_loop3A_171 = vector.shape_cast %parallel_loop3A_166 : vector<16xf32> to vector<1x16xf32>
        tpu.vector_store %arg8[%parallel_loop3A_167, %parallel_loop3A_168], %parallel_loop3A_171 {add = true, strides = array<i32>} : memref<16x768xf32, #tpu.memory_space<vmem>>, vector<1x16xf32>,
        %parallel_loop3A_172 = arith.constant 32 : i32
        %parallel_loop3A_173 = arith.addi %parallel_loop3A_151, %parallel_loop3A_172 : i32
        %parallel_loop3A_174 = arith.index_cast %parallel_loop3A_173 : i32 to index
        %parallel_loop3A_175 = tpu.vector_load %arg6[%parallel_loop3A_174] {strides = array<i32>} : memref<77568xf32, #tpu.memory_space<vmem>>, vector<16xf32>,
        %parallel_loop3A_176 = vector.shape_cast %parallel_loop3A_175 : vector<16xf32> to vector<16xf32>
        %parallel_loop3A_177 = arith.index_cast %parallel_loop3A_141 : i32 to index
        %parallel_loop3A_178 = arith.constant 32 : index
        %parallel_loop3A_179 = tpu.vector_load %arg8[%parallel_loop3A_177, %parallel_loop3A_178] {strides = array<i32>} : memref<16x768xf32, #tpu.memory_space<vmem>>, vector<1x16xf32>,
        %parallel_loop3A_180 = vector.shape_cast %parallel_loop3A_179 : vector<1x16xf32> to vector<16xf32>
        %parallel_loop3A_181 = vector.shape_cast %parallel_loop3A_176 : vector<16xf32> to vector<1x16xf32>
        tpu.vector_store %arg8[%parallel_loop3A_177, %parallel_loop3A_178], %parallel_loop3A_181 {add = true, strides = array<i32>} : memref<16x768xf32, #tpu.memory_space<vmem>>, vector<1x16xf32>,
        %parallel_loop3A_182 = arith.constant 48 : i32
        %parallel_loop3A_183 = arith.addi %parallel_loop3A_151, %parallel_loop3A_182 : i32
        %parallel_loop3A_184 = arith.index_cast %parallel_loop3A_183 : i32 to index
        %parallel_loop3A_185 = tpu.vector_load %arg6[%parallel_loop3A_184] {strides = array<i32>} : memref<77568xf32, #tpu.memory_space<vmem>>, vector<16xf32>,
        %parallel_loop3A_186 = vector.shape_cast %parallel_loop3A_185 : vector<16xf32> to vector<16xf32>
        %parallel_loop3A_187 = arith.index_cast %parallel_loop3A_141 : i32 to index
        %parallel_loop3A_188 = arith.constant 48 : index
        %parallel_loop3A_189 = tpu.vector_load %arg8[%parallel_loop3A_187, %parallel_loop3A_188] {strides = array<i32>} : memref<16x768xf32, #tpu.memory_space<vmem>>, vector<1x16xf32>,
        %parallel_loop3A_190 = vector.shape_cast %parallel_loop3A_189 : vector<1x16xf32> to vector<16xf32>
        %parallel_loop3A_191 = vector.shape_cast %parallel_loop3A_186 : vector<16xf32> to vector<1x16xf32>
        tpu.vector_store %arg8[%parallel_loop3A_187, %parallel_loop3A_188], %parallel_loop3A_191 {add = true, strides = array<i32>} : memref<16x768xf32, #tpu.memory_space<vmem>>, vector<1x16xf32>,
        %parallel_loop3A_192 = arith.constant 64 : i32
        %parallel_loop3A_193 = arith.addi %parallel_loop3A_151, %parallel_loop3A_192 : i32
        %parallel_loop3A_194 = arith.index_cast %parallel_loop3A_193 : i32 to index
        %parallel_loop3A_195 = tpu.vector_load %arg6[%parallel_loop3A_194] {strides = array<i32>} : memref<77568xf32, #tpu.memory_space<vmem>>, vector<16xf32>,
        %parallel_loop3A_196 = vector.shape_cast %parallel_loop3A_195 : vector<16xf32> to vector<16xf32>
        %parallel_loop3A_197 = arith.index_cast %parallel_loop3A_141 : i32 to index
        %parallel_loop3A_198 = arith.constant 64 : index
        %parallel_loop3A_199 = tpu.vector_load %arg8[%parallel_loop3A_197, %parallel_loop3A_198] {strides = array<i32>} : memref<16x768xf32, #tpu.memory_space<vmem>>, vector<1x16xf32>,
        %parallel_loop3A_200 = vector.shape_cast %parallel_loop3A_199 : vector<1x16xf32> to vector<16xf32>
        %parallel_loop3A_201 = vector.shape_cast %parallel_loop3A_196 : vector<16xf32> to vector<1x16xf32>
        tpu.vector_store %arg8[%parallel_loop3A_197, %parallel_loop3A_198], %parallel_loop3A_201 {add = true, strides = array<i32>} : memref<16x768xf32, #tpu.memory_space<vmem>>, vector<1x16xf32>,
        %parallel_loop3A_202 = arith.constant 80 : i32
        %parallel_loop3A_203 = arith.addi %parallel_loop3A_151, %parallel_loop3A_202 : i32
        %parallel_loop3A_204 = arith.index_cast %parallel_loop3A_203 : i32 to index
        %parallel_loop3A_205 = tpu.vector_load %arg6[%parallel_loop3A_204] {strides = array<i32>} : memref<77568xf32, #tpu.memory_space<vmem>>, vector<16xf32>,
        %parallel_loop3A_206 = vector.shape_cast %parallel_loop3A_205 : vector<16xf32> to vector<16xf32>
        %parallel_loop3A_207 = arith.index_cast %parallel_loop3A_141 : i32 to index
        %parallel_loop3A_208 = arith.constant 80 : index
        %parallel_loop3A_209 = tpu.vector_load %arg8[%parallel_loop3A_207, %parallel_loop3A_208] {strides = array<i32>} : memref<16x768xf32, #tpu.memory_space<vmem>>, vector<1x16xf32>,
        %parallel_loop3A_210 = vector.shape_cast %parallel_loop3A_209 : vector<1x16xf32> to vector<16xf32>
        %parallel_loop3A_211 = vector.shape_cast %parallel_loop3A_206 : vector<16xf32> to vector<1x16xf32>
        tpu.vector_store %arg8[%parallel_loop3A_207, %parallel_loop3A_208], %parallel_loop3A_211 {add = true, strides = array<i32>} : memref<16x768xf32, #tpu.memory_space<vmem>>, vector<1x16xf32>,
        %parallel_loop3A_212 = arith.constant 96 : i32
        %parallel_loop3A_213 = arith.addi %parallel_loop3A_151, %parallel_loop3A_212 : i32
        %parallel_loop3A_214 = arith.index_cast %parallel_loop3A_213 : i32 to index
        %parallel_loop3A_215 = tpu.vector_load %arg6[%parallel_loop3A_214] {strides = array<i32>} : memref<77568xf32, #tpu.memory_space<vmem>>, vector<16xf32>,
        %parallel_loop3A_216 = vector.shape_cast %parallel_loop3A_215 : vector<16xf32> to vector<16xf32>
        %parallel_loop3A_217 = arith.index_cast %parallel_loop3A_141 : i32 to index
        %parallel_loop3A_218 = arith.constant 96 : index
        %parallel_loop3A_219 = tpu.vector_load %arg8[%parallel_loop3A_217, %parallel_loop3A_218] {strides = array<i32>} : memref<16x768xf32, #tpu.memory_space<vmem>>, vector<1x16xf32>,
        %parallel_loop3A_220 = vector.shape_cast %parallel_loop3A_219 : vector<1x16xf32> to vector<16xf32>
        %parallel_loop3A_221 = vector.shape_cast %parallel_loop3A_216 : vector<16xf32> to vector<1x16xf32>
        tpu.vector_store %arg8[%parallel_loop3A_217, %parallel_loop3A_218], %parallel_loop3A_221 {add = true, strides = array<i32>} : memref<16x768xf32, #tpu.memory_space<vmem>>, vector<1x16xf32>,
        %parallel_loop3A_222 = arith.constant 112 : i32
        %parallel_loop3A_223 = arith.addi %parallel_loop3A_151, %parallel_loop3A_222 : i32
        %parallel_loop3A_224 = arith.index_cast %parallel_loop3A_223 : i32 to index
        %parallel_loop3A_225 = tpu.vector_load %arg6[%parallel_loop3A_224] {strides = array<i32>} : memref<77568xf32, #tpu.memory_space<vmem>>, vector<16xf32>,
        %parallel_loop3A_226 = vector.shape_cast %parallel_loop3A_225 : vector<16xf32> to vector<16xf32>
        %parallel_loop3A_227 = arith.index_cast %parallel_loop3A_141 : i32 to index
        %parallel_loop3A_228 = arith.constant 112 : index
        %parallel_loop3A_229 = tpu.vector_load %arg8[%parallel_loop3A_227, %parallel_loop3A_228] {strides = array<i32>} : memref<16x768xf32, #tpu.memory_space<vmem>>, vector<1x16xf32>,
        %parallel_loop3A_230 = vector.shape_cast %parallel_loop3A_229 : vector<1x16xf32> to vector<16xf32>
        %parallel_loop3A_231 = vector.shape_cast %parallel_loop3A_226 : vector<16xf32> to vector<1x16xf32>
        tpu.vector_store %arg8[%parallel_loop3A_227, %parallel_loop3A_228], %parallel_loop3A_231 {add = true, strides = array<i32>} : memref<16x768xf32, #tpu.memory_space<vmem>>, vector<1x16xf32>,
        %parallel_loop3A_232 = arith.constant 128 : i32
        %parallel_loop3A_233 = arith.addi %parallel_loop3A_151, %parallel_loop3A_232 : i32
        %parallel_loop3A_234 = arith.index_cast %parallel_loop3A_233 : i32 to index
        %parallel_loop3A_235 = tpu.vector_load %arg6[%parallel_loop3A_234] {strides = array<i32>} : memref<77568xf32, #tpu.memory_space<vmem>>, vector<16xf32>,
        %parallel_loop3A_236 = vector.shape_cast %parallel_loop3A_235 : vector<16xf32> to vector<16xf32>
        %parallel_loop3A_237 = arith.index_cast %parallel_loop3A_141 : i32 to index
        %parallel_loop3A_238 = arith.constant 128 : index
        %parallel_loop3A_239 = tpu.vector_load %arg8[%parallel_loop3A_237, %parallel_loop3A_238] {strides = array<i32>} : memref<16x768xf32, #tpu.memory_space<vmem>>, vector<1x16xf32>,
        %parallel_loop3A_240 = vector.shape_cast %parallel_loop3A_239 : vector<1x16xf32> to vector<16xf32>
        %parallel_loop3A_241 = vector.shape_cast %parallel_loop3A_236 : vector<16xf32> to vector<1x16xf32>
        tpu.vector_store %arg8[%parallel_loop3A_237, %parallel_loop3A_238], %parallel_loop3A_241 {add = true, strides = array<i32>} : memref<16x768xf32, #tpu.memory_space<vmem>>, vector<1x16xf32>,
        %parallel_loop3A_242 = arith.constant 144 : i32
        %parallel_loop3A_243 = arith.addi %parallel_loop3A_151, %parallel_loop3A_242 : i32
        %parallel_loop3A_244 = arith.index_cast %parallel_loop3A_243 : i32 to index
        %parallel_loop3A_245 = tpu.vector_load %arg6[%parallel_loop3A_244] {strides = array<i32>} : memref<77568xf32, #tpu.memory_space<vmem>>, vector<16xf32>,
        %parallel_loop3A_246 = vector.shape_cast %parallel_loop3A_245 : vector<16xf32> to vector<16xf32>
        %parallel_loop3A_247 = arith.index_cast %parallel_loop3A_141 : i32 to index
        %parallel_loop3A_248 = arith.constant 144 : index
        %parallel_loop3A_249 = tpu.vector_load %arg8[%parallel_loop3A_247, %parallel_loop3A_248] {strides = array<i32>} : memref<16x768xf32, #tpu.memory_space<vmem>>, vector<1x16xf32>,
        %parallel_loop3A_250 = vector.shape_cast %parallel_loop3A_249 : vector<1x16xf32> to vector<16xf32>
        %parallel_loop3A_251 = vector.shape_cast %parallel_loop3A_246 : vector<16xf32> to vector<1x16xf32>
        tpu.vector_store %arg8[%parallel_loop3A_247, %parallel_loop3A_248], %parallel_loop3A_251 {add = true, strides = array<i32>} : memref<16x768xf32, #tpu.memory_space<vmem>>, vector<1x16xf32>,
        %parallel_loop3A_252 = arith.constant 160 : i32
        %parallel_loop3A_253 = arith.addi %parallel_loop3A_151, %parallel_loop3A_252 : i32
        %parallel_loop3A_254 = arith.index_cast %parallel_loop3A_253 : i32 to index
        %parallel_loop3A_255 = tpu.vector_load %arg6[%parallel_loop3A_254] {strides = array<i32>} : memref<77568xf32, #tpu.memory_space<vmem>>, vector<16xf32>,
        %parallel_loop3A_256 = vector.shape_cast %parallel_loop3A_255 : vector<16xf32> to vector<16xf32>
        %parallel_loop3A_257 = arith.index_cast %parallel_loop3A_141 : i32 to index
        %parallel_loop3A_258 = arith.constant 160 : index
        %parallel_loop3A_259 = tpu.vector_load %arg8[%parallel_loop3A_257, %parallel_loop3A_258] {strides = array<i32>} : memref<16x768xf32, #tpu.memory_space<vmem>>, vector<1x16xf32>,
        %parallel_loop3A_260 = vector.shape_cast %parallel_loop3A_259 : vector<1x16xf32> to vector<16xf32>
        %parallel_loop3A_261 = vector.shape_cast %parallel_loop3A_256 : vector<16xf32> to vector<1x16xf32>
        tpu.vector_store %arg8[%parallel_loop3A_257, %parallel_loop3A_258], %parallel_loop3A_261 {add = true, strides = array<i32>} : memref<16x768xf32, #tpu.memory_space<vmem>>, vector<1x16xf32>,
        %parallel_loop3A_262 = arith.constant 176 : i32
        %parallel_loop3A_263 = arith.addi %parallel_loop3A_151, %parallel_loop3A_262 : i32
        %parallel_loop3A_264 = arith.index_cast %parallel_loop3A_263 : i32 to index
        %parallel_loop3A_265 = tpu.vector_load %arg6[%parallel_loop3A_264] {strides = array<i32>} : memref<77568xf32, #tpu.memory_space<vmem>>, vector<16xf32>,
        %parallel_loop3A_266 = vector.shape_cast %parallel_loop3A_265 : vector<16xf32> to vector<16xf32>
        %parallel_loop3A_267 = arith.index_cast %parallel_loop3A_141 : i32 to index
        %parallel_loop3A_268 = arith.constant 176 : index
        %parallel_loop3A_269 = tpu.vector_load %arg8[%parallel_loop3A_267, %parallel_loop3A_268] {strides = array<i32>} : memref<16x768xf32, #tpu.memory_space<vmem>>, vector<1x16xf32>,
        %parallel_loop3A_270 = vector.shape_cast %parallel_loop3A_269 : vector<1x16xf32> to vector<16xf32>
        %parallel_loop3A_271 = vector.shape_cast %parallel_loop3A_266 : vector<16xf32> to vector<1x16xf32>
        tpu.vector_store %arg8[%parallel_loop3A_267, %parallel_loop3A_268], %parallel_loop3A_271 {add = true, strides = array<i32>} : memref<16x768xf32, #tpu.memory_space<vmem>>, vector<1x16xf32>,
        %parallel_loop3A_272 = arith.constant 192 : i32
        %parallel_loop3A_273 = arith.addi %parallel_loop3A_151, %parallel_loop3A_272 : i32
        %parallel_loop3A_274 = arith.index_cast %parallel_loop3A_273 : i32 to index
        %parallel_loop3A_275 = tpu.vector_load %arg6[%parallel_loop3A_274] {strides = array<i32>} : memref<77568xf32, #tpu.memory_space<vmem>>, vector<16xf32>,
        %parallel_loop3A_276 = vector.shape_cast %parallel_loop3A_275 : vector<16xf32> to vector<16xf32>
        %parallel_loop3A_277 = arith.index_cast %parallel_loop3A_141 : i32 to index
        %parallel_loop3A_278 = arith.constant 192 : index
        %parallel_loop3A_279 = tpu.vector_load %arg8[%parallel_loop3A_277, %parallel_loop3A_278] {strides = array<i32>} : memref<16x768xf32, #tpu.memory_space<vmem>>, vector<1x16xf32>,
        %parallel_loop3A_280 = vector.shape_cast %parallel_loop3A_279 : vector<1x16xf32> to vector<16xf32>
        %parallel_loop3A_281 = vector.shape_cast %parallel_loop3A_276 : vector<16xf32> to vector<1x16xf32>
        tpu.vector_store %arg8[%parallel_loop3A_277, %parallel_loop3A_278], %parallel_loop3A_281 {add = true, strides = array<i32>} : memref<16x768xf32, #tpu.memory_space<vmem>>, vector<1x16xf32>,
        %parallel_loop3A_282 = arith.constant 208 : i32
        %parallel_loop3A_283 = arith.addi %parallel_loop3A_151, %parallel_loop3A_282 : i32
        %parallel_loop3A_284 = arith.index_cast %parallel_loop3A_283 : i32 to index
        %parallel_loop3A_285 = tpu.vector_load %arg6[%parallel_loop3A_284] {strides = array<i32>} : memref<77568xf32, #tpu.memory_space<vmem>>, vector<16xf32>,
        %parallel_loop3A_286 = vector.shape_cast %parallel_loop3A_285 : vector<16xf32> to vector<16xf32>
        %parallel_loop3A_287 = arith.index_cast %parallel_loop3A_141 : i32 to index
        %parallel_loop3A_288 = arith.constant 208 : index
        %parallel_loop3A_289 = tpu.vector_load %arg8[%parallel_loop3A_287, %parallel_loop3A_288] {strides = array<i32>} : memref<16x768xf32, #tpu.memory_space<vmem>>, vector<1x16xf32>,
        %parallel_loop3A_290 = vector.shape_cast %parallel_loop3A_289 : vector<1x16xf32> to vector<16xf32>
        %parallel_loop3A_291 = vector.shape_cast %parallel_loop3A_286 : vector<16xf32> to vector<1x16xf32>
        tpu.vector_store %arg8[%parallel_loop3A_287, %parallel_loop3A_288], %parallel_loop3A_291 {add = true, strides = array<i32>} : memref<16x768xf32, #tpu.memory_space<vmem>>, vector<1x16xf32>,
        %parallel_loop3A_292 = arith.constant 224 : i32
        %parallel_loop3A_293 = arith.addi %parallel_loop3A_151, %parallel_loop3A_292 : i32
        %parallel_loop3A_294 = arith.index_cast %parallel_loop3A_293 : i32 to index
        %parallel_loop3A_295 = tpu.vector_load %arg6[%parallel_loop3A_294] {strides = array<i32>} : memref<77568xf32, #tpu.memory_space<vmem>>, vector<16xf32>,
        %parallel_loop3A_296 = vector.shape_cast %parallel_loop3A_295 : vector<16xf32> to vector<16xf32>
        %parallel_loop3A_297 = arith.index_cast %parallel_loop3A_141 : i32 to index
        %parallel_loop3A_298 = arith.constant 224 : index
        %parallel_loop3A_299 = tpu.vector_load %arg8[%parallel_loop3A_297, %parallel_loop3A_298] {strides = array<i32>} : memref<16x768xf32, #tpu.memory_space<vmem>>, vector<1x16xf32>,
        %parallel_loop3A_300 = vector.shape_cast %parallel_loop3A_299 : vector<1x16xf32> to vector<16xf32>
        %parallel_loop3A_301 = vector.shape_cast %parallel_loop3A_296 : vector<16xf32> to vector<1x16xf32>
        tpu.vector_store %arg8[%parallel_loop3A_297, %parallel_loop3A_298], %parallel_loop3A_301 {add = true, strides = array<i32>} : memref<16x768xf32, #tpu.memory_space<vmem>>, vector<1x16xf32>,
        %parallel_loop3A_302 = arith.constant 240 : i32
        %parallel_loop3A_303 = arith.addi %parallel_loop3A_151, %parallel_loop3A_302 : i32
        %parallel_loop3A_304 = arith.index_cast %parallel_loop3A_303 : i32 to index
        %parallel_loop3A_305 = tpu.vector_load %arg6[%parallel_loop3A_304] {strides = array<i32>} : memref<77568xf32, #tpu.memory_space<vmem>>, vector<16xf32>,
        %parallel_loop3A_306 = vector.shape_cast %parallel_loop3A_305 : vector<16xf32> to vector<16xf32>
        %parallel_loop3A_307 = arith.index_cast %parallel_loop3A_141 : i32 to index
        %parallel_loop3A_308 = arith.constant 240 : index
        %parallel_loop3A_309 = tpu.vector_load %arg8[%parallel_loop3A_307, %parallel_loop3A_308] {strides = array<i32>} : memref<16x768xf32, #tpu.memory_space<vmem>>, vector<1x16xf32>,
        %parallel_loop3A_310 = vector.shape_cast %parallel_loop3A_309 : vector<1x16xf32> to vector<16xf32>
        %parallel_loop3A_311 = vector.shape_cast %parallel_loop3A_306 : vector<16xf32> to vector<1x16xf32>
        tpu.vector_store %arg8[%parallel_loop3A_307, %parallel_loop3A_308], %parallel_loop3A_311 {add = true, strides = array<i32>} : memref<16x768xf32, #tpu.memory_space<vmem>>, vector<1x16xf32>,
        %parallel_loop3A_312 = arith.constant 256 : i32
        %parallel_loop3A_313 = arith.addi %parallel_loop3A_151, %parallel_loop3A_312 : i32
        %parallel_loop3A_314 = arith.index_cast %parallel_loop3A_313 : i32 to index
        %parallel_loop3A_315 = tpu.vector_load %arg6[%parallel_loop3A_314] {strides = array<i32>} : memref<77568xf32, #tpu.memory_space<vmem>>, vector<16xf32>,
        %parallel_loop3A_316 = vector.shape_cast %parallel_loop3A_315 : vector<16xf32> to vector<16xf32>
        %parallel_loop3A_317 = arith.index_cast %parallel_loop3A_141 : i32 to index
        %parallel_loop3A_318 = arith.constant 256 : index
        %parallel_loop3A_319 = tpu.vector_load %arg8[%parallel_loop3A_317, %parallel_loop3A_318] {strides = array<i32>} : memref<16x768xf32, #tpu.memory_space<vmem>>, vector<1x16xf32>,
        %parallel_loop3A_320 = vector.shape_cast %parallel_loop3A_319 : vector<1x16xf32> to vector<16xf32>
        %parallel_loop3A_321 = vector.shape_cast %parallel_loop3A_316 : vector<16xf32> to vector<1x16xf32>
        tpu.vector_store %arg8[%parallel_loop3A_317, %parallel_loop3A_318], %parallel_loop3A_321 {add = true, strides = array<i32>} : memref<16x768xf32, #tpu.memory_space<vmem>>, vector<1x16xf32>,
        %parallel_loop3A_322 = arith.constant 272 : i32
        %parallel_loop3A_323 = arith.addi %parallel_loop3A_151, %parallel_loop3A_322 : i32
        %parallel_loop3A_324 = arith.index_cast %parallel_loop3A_323 : i32 to index
        %parallel_loop3A_325 = tpu.vector_load %arg6[%parallel_loop3A_324] {strides = array<i32>} : memref<77568xf32, #tpu.memory_space<vmem>>, vector<16xf32>,
        %parallel_loop3A_326 = vector.shape_cast %parallel_loop3A_325 : vector<16xf32> to vector<16xf32>
        %parallel_loop3A_327 = arith.index_cast %parallel_loop3A_141 : i32 to index
        %parallel_loop3A_328 = arith.constant 272 : index
        %parallel_loop3A_329 = tpu.vector_load %arg8[%parallel_loop3A_327, %parallel_loop3A_328] {strides = array<i32>} : memref<16x768xf32, #tpu.memory_space<vmem>>, vector<1x16xf32>,
        %parallel_loop3A_330 = vector.shape_cast %parallel_loop3A_329 : vector<1x16xf32> to vector<16xf32>
        %parallel_loop3A_331 = vector.shape_cast %parallel_loop3A_326 : vector<16xf32> to vector<1x16xf32>
        tpu.vector_store %arg8[%parallel_loop3A_327, %parallel_loop3A_328], %parallel_loop3A_331 {add = true, strides = array<i32>} : memref<16x768xf32, #tpu.memory_space<vmem>>, vector<1x16xf32>,
        %parallel_loop3A_332 = arith.constant 288 : i32
        %parallel_loop3A_333 = arith.addi %parallel_loop3A_151, %parallel_loop3A_332 : i32
        %parallel_loop3A_334 = arith.index_cast %parallel_loop3A_333 : i32 to index
        %parallel_loop3A_335 = tpu.vector_load %arg6[%parallel_loop3A_334] {strides = array<i32>} : memref<77568xf32, #tpu.memory_space<vmem>>, vector<16xf32>,
        %parallel_loop3A_336 = vector.shape_cast %parallel_loop3A_335 : vector<16xf32> to vector<16xf32>
        %parallel_loop3A_337 = arith.index_cast %parallel_loop3A_141 : i32 to index
        %parallel_loop3A_338 = arith.constant 288 : index
        %parallel_loop3A_339 = tpu.vector_load %arg8[%parallel_loop3A_337, %parallel_loop3A_338] {strides = array<i32>} : memref<16x768xf32, #tpu.memory_space<vmem>>, vector<1x16xf32>,
        %parallel_loop3A_340 = vector.shape_cast %parallel_loop3A_339 : vector<1x16xf32> to vector<16xf32>
        %parallel_loop3A_341 = vector.shape_cast %parallel_loop3A_336 : vector<16xf32> to vector<1x16xf32>
        tpu.vector_store %arg8[%parallel_loop3A_337, %parallel_loop3A_338], %parallel_loop3A_341 {add = true, strides = array<i32>} : memref<16x768xf32, #tpu.memory_space<vmem>>, vector<1x16xf32>,
        %parallel_loop3A_342 = arith.constant 304 : i32
        %parallel_loop3A_343 = arith.addi %parallel_loop3A_151, %parallel_loop3A_342 : i32
        %parallel_loop3A_344 = arith.index_cast %parallel_loop3A_343 : i32 to index
        %parallel_loop3A_345 = tpu.vector_load %arg6[%parallel_loop3A_344] {strides = array<i32>} : memref<77568xf32, #tpu.memory_space<vmem>>, vector<16xf32>,
        %parallel_loop3A_346 = vector.shape_cast %parallel_loop3A_345 : vector<16xf32> to vector<16xf32>
        %parallel_loop3A_347 = arith.index_cast %parallel_loop3A_141 : i32 to index
        %parallel_loop3A_348 = arith.constant 304 : index
        %parallel_loop3A_349 = tpu.vector_load %arg8[%parallel_loop3A_347, %parallel_loop3A_348] {strides = array<i32>} : memref<16x768xf32, #tpu.memory_space<vmem>>, vector<1x16xf32>,
        %parallel_loop3A_350 = vector.shape_cast %parallel_loop3A_349 : vector<1x16xf32> to vector<16xf32>
        %parallel_loop3A_351 = vector.shape_cast %parallel_loop3A_346 : vector<16xf32> to vector<1x16xf32>
        tpu.vector_store %arg8[%parallel_loop3A_347, %parallel_loop3A_348], %parallel_loop3A_351 {add = true, strides = array<i32>} : memref<16x768xf32, #tpu.memory_space<vmem>>, vector<1x16xf32>,
        %parallel_loop3A_352 = arith.constant 320 : i32
        %parallel_loop3A_353 = arith.addi %parallel_loop3A_151, %parallel_loop3A_352 : i32
        %parallel_loop3A_354 = arith.index_cast %parallel_loop3A_353 : i32 to index
        %parallel_loop3A_355 = tpu.vector_load %arg6[%parallel_loop3A_354] {strides = array<i32>} : memref<77568xf32, #tpu.memory_space<vmem>>, vector<16xf32>,
        %parallel_loop3A_356 = vector.shape_cast %parallel_loop3A_355 : vector<16xf32> to vector<16xf32>
        %parallel_loop3A_357 = arith.index_cast %parallel_loop3A_141 : i32 to index
        %parallel_loop3A_358 = arith.constant 320 : index
        %parallel_loop3A_359 = tpu.vector_load %arg8[%parallel_loop3A_357, %parallel_loop3A_358] {strides = array<i32>} : memref<16x768xf32, #tpu.memory_space<vmem>>, vector<1x16xf32>,
        %parallel_loop3A_360 = vector.shape_cast %parallel_loop3A_359 : vector<1x16xf32> to vector<16xf32>
        %parallel_loop3A_361 = vector.shape_cast %parallel_loop3A_356 : vector<16xf32> to vector<1x16xf32>
        tpu.vector_store %arg8[%parallel_loop3A_357, %parallel_loop3A_358], %parallel_loop3A_361 {add = true, strides = array<i32>} : memref<16x768xf32, #tpu.memory_space<vmem>>, vector<1x16xf32>,
        %parallel_loop3A_362 = arith.constant 336 : i32
        %parallel_loop3A_363 = arith.addi %parallel_loop3A_151, %parallel_loop3A_362 : i32
        %parallel_loop3A_364 = arith.index_cast %parallel_loop3A_363 : i32 to index
        %parallel_loop3A_365 = tpu.vector_load %arg6[%parallel_loop3A_364] {strides = array<i32>} : memref<77568xf32, #tpu.memory_space<vmem>>, vector<16xf32>,
        %parallel_loop3A_366 = vector.shape_cast %parallel_loop3A_365 : vector<16xf32> to vector<16xf32>
        %parallel_loop3A_367 = arith.index_cast %parallel_loop3A_141 : i32 to index
        %parallel_loop3A_368 = arith.constant 336 : index
        %parallel_loop3A_369 = tpu.vector_load %arg8[%parallel_loop3A_367, %parallel_loop3A_368] {strides = array<i32>} : memref<16x768xf32, #tpu.memory_space<vmem>>, vector<1x16xf32>,
        %parallel_loop3A_370 = vector.shape_cast %parallel_loop3A_369 : vector<1x16xf32> to vector<16xf32>
        %parallel_loop3A_371 = vector.shape_cast %parallel_loop3A_366 : vector<16xf32> to vector<1x16xf32>
        tpu.vector_store %arg8[%parallel_loop3A_367, %parallel_loop3A_368], %parallel_loop3A_371 {add = true, strides = array<i32>} : memref<16x768xf32, #tpu.memory_space<vmem>>, vector<1x16xf32>,
        %parallel_loop3A_372 = arith.constant 352 : i32
        %parallel_loop3A_373 = arith.addi %parallel_loop3A_151, %parallel_loop3A_372 : i32
        %parallel_loop3A_374 = arith.index_cast %parallel_loop3A_373 : i32 to index
        %parallel_loop3A_375 = tpu.vector_load %arg6[%parallel_loop3A_374] {strides = array<i32>} : memref<77568xf32, #tpu.memory_space<vmem>>, vector<16xf32>,
        %parallel_loop3A_376 = vector.shape_cast %parallel_loop3A_375 : vector<16xf32> to vector<16xf32>
        %parallel_loop3A_377 = arith.index_cast %parallel_loop3A_141 : i32 to index
        %parallel_loop3A_378 = arith.constant 352 : index
        %parallel_loop3A_379 = tpu.vector_load %arg8[%parallel_loop3A_377, %parallel_loop3A_378] {strides = array<i32>} : memref<16x768xf32, #tpu.memory_space<vmem>>, vector<1x16xf32>,
        %parallel_loop3A_380 = vector.shape_cast %parallel_loop3A_379 : vector<1x16xf32> to vector<16xf32>
        %parallel_loop3A_381 = vector.shape_cast %parallel_loop3A_376 : vector<16xf32> to vector<1x16xf32>
        tpu.vector_store %arg8[%parallel_loop3A_377, %parallel_loop3A_378], %parallel_loop3A_381 {add = true, strides = array<i32>} : memref<16x768xf32, #tpu.memory_space<vmem>>, vector<1x16xf32>,
        %parallel_loop3A_382 = arith.constant 368 : i32
        %parallel_loop3A_383 = arith.addi %parallel_loop3A_151, %parallel_loop3A_382 : i32
        %parallel_loop3A_384 = arith.index_cast %parallel_loop3A_383 : i32 to index
        %parallel_loop3A_385 = tpu.vector_load %arg6[%parallel_loop3A_384] {strides = array<i32>} : memref<77568xf32, #tpu.memory_space<vmem>>, vector<16xf32>,
        %parallel_loop3A_386 = vector.shape_cast %parallel_loop3A_385 : vector<16xf32> to vector<16xf32>
        %parallel_loop3A_387 = arith.index_cast %parallel_loop3A_141 : i32 to index
        %parallel_loop3A_388 = arith.constant 368 : index
        %parallel_loop3A_389 = tpu.vector_load %arg8[%parallel_loop3A_387, %parallel_loop3A_388] {strides = array<i32>} : memref<16x768xf32, #tpu.memory_space<vmem>>, vector<1x16xf32>,
        %parallel_loop3A_390 = vector.shape_cast %parallel_loop3A_389 : vector<1x16xf32> to vector<16xf32>
        %parallel_loop3A_391 = vector.shape_cast %parallel_loop3A_386 : vector<16xf32> to vector<1x16xf32>
        tpu.vector_store %arg8[%parallel_loop3A_387, %parallel_loop3A_388], %parallel_loop3A_391 {add = true, strides = array<i32>} : memref<16x768xf32, #tpu.memory_space<vmem>>, vector<1x16xf32>,
        %parallel_loop3A_392 = arith.constant 384 : i32
        %parallel_loop3A_393 = arith.addi %parallel_loop3A_151, %parallel_loop3A_392 : i32
        %parallel_loop3A_394 = arith.index_cast %parallel_loop3A_393 : i32 to index
        %parallel_loop3A_395 = tpu.vector_load %arg6[%parallel_loop3A_394] {strides = array<i32>} : memref<77568xf32, #tpu.memory_space<vmem>>, vector<16xf32>,
        %parallel_loop3A_396 = vector.shape_cast %parallel_loop3A_395 : vector<16xf32> to vector<16xf32>
        %parallel_loop3A_397 = arith.index_cast %parallel_loop3A_141 : i32 to index
        %parallel_loop3A_398 = arith.constant 384 : index
        %parallel_loop3A_399 = tpu.vector_load %arg8[%parallel_loop3A_397, %parallel_loop3A_398] {strides = array<i32>} : memref<16x768xf32, #tpu.memory_space<vmem>>, vector<1x16xf32>,
        %parallel_loop3A_400 = vector.shape_cast %parallel_loop3A_399 : vector<1x16xf32> to vector<16xf32>
        %parallel_loop3A_401 = vector.shape_cast %parallel_loop3A_396 : vector<16xf32> to vector<1x16xf32>
        tpu.vector_store %arg8[%parallel_loop3A_397, %parallel_loop3A_398], %parallel_loop3A_401 {add = true, strides = array<i32>} : memref<16x768xf32, #tpu.memory_space<vmem>>, vector<1x16xf32>,
        %parallel_loop3A_402 = arith.constant 400 : i32
        %parallel_loop3A_403 = arith.addi %parallel_loop3A_151, %parallel_loop3A_402 : i32
        %parallel_loop3A_404 = arith.index_cast %parallel_loop3A_403 : i32 to index
        %parallel_loop3A_405 = tpu.vector_load %arg6[%parallel_loop3A_404] {strides = array<i32>} : memref<77568xf32, #tpu.memory_space<vmem>>, vector<16xf32>,
        %parallel_loop3A_406 = vector.shape_cast %parallel_loop3A_405 : vector<16xf32> to vector<16xf32>
        %parallel_loop3A_407 = arith.index_cast %parallel_loop3A_141 : i32 to index
        %parallel_loop3A_408 = arith.constant 400 : index
        %parallel_loop3A_409 = tpu.vector_load %arg8[%parallel_loop3A_407, %parallel_loop3A_408] {strides = array<i32>} : memref<16x768xf32, #tpu.memory_space<vmem>>, vector<1x16xf32>,
        %parallel_loop3A_410 = vector.shape_cast %parallel_loop3A_409 : vector<1x16xf32> to vector<16xf32>
        %parallel_loop3A_411 = vector.shape_cast %parallel_loop3A_406 : vector<16xf32> to vector<1x16xf32>
        tpu.vector_store %arg8[%parallel_loop3A_407, %parallel_loop3A_408], %parallel_loop3A_411 {add = true, strides = array<i32>} : memref<16x768xf32, #tpu.memory_space<vmem>>, vector<1x16xf32>,
        %parallel_loop3A_412 = arith.constant 416 : i32
        %parallel_loop3A_413 = arith.addi %parallel_loop3A_151, %parallel_loop3A_412 : i32
        %parallel_loop3A_414 = arith.index_cast %parallel_loop3A_413 : i32 to index
        %parallel_loop3A_415 = tpu.vector_load %arg6[%parallel_loop3A_414] {strides = array<i32>} : memref<77568xf32, #tpu.memory_space<vmem>>, vector<16xf32>,
        %parallel_loop3A_416 = vector.shape_cast %parallel_loop3A_415 : vector<16xf32> to vector<16xf32>
        %parallel_loop3A_417 = arith.index_cast %parallel_loop3A_141 : i32 to index
        %parallel_loop3A_418 = arith.constant 416 : index
        %parallel_loop3A_419 = tpu.vector_load %arg8[%parallel_loop3A_417, %parallel_loop3A_418] {strides = array<i32>} : memref<16x768xf32, #tpu.memory_space<vmem>>, vector<1x16xf32>,
        %parallel_loop3A_420 = vector.shape_cast %parallel_loop3A_419 : vector<1x16xf32> to vector<16xf32>
        %parallel_loop3A_421 = vector.shape_cast %parallel_loop3A_416 : vector<16xf32> to vector<1x16xf32>
        tpu.vector_store %arg8[%parallel_loop3A_417, %parallel_loop3A_418], %parallel_loop3A_421 {add = true, strides = array<i32>} : memref<16x768xf32, #tpu.memory_space<vmem>>, vector<1x16xf32>,
        %parallel_loop3A_422 = arith.constant 432 : i32
        %parallel_loop3A_423 = arith.addi %parallel_loop3A_151, %parallel_loop3A_422 : i32
        %parallel_loop3A_424 = arith.index_cast %parallel_loop3A_423 : i32 to index
        %parallel_loop3A_425 = tpu.vector_load %arg6[%parallel_loop3A_424] {strides = array<i32>} : memref<77568xf32, #tpu.memory_space<vmem>>, vector<16xf32>,
        %parallel_loop3A_426 = vector.shape_cast %parallel_loop3A_425 : vector<16xf32> to vector<16xf32>
        %parallel_loop3A_427 = arith.index_cast %parallel_loop3A_141 : i32 to index
        %parallel_loop3A_428 = arith.constant 432 : index
        %parallel_loop3A_429 = tpu.vector_load %arg8[%parallel_loop3A_427, %parallel_loop3A_428] {strides = array<i32>} : memref<16x768xf32, #tpu.memory_space<vmem>>, vector<1x16xf32>,
        %parallel_loop3A_430 = vector.shape_cast %parallel_loop3A_429 : vector<1x16xf32> to vector<16xf32>
        %parallel_loop3A_431 = vector.shape_cast %parallel_loop3A_426 : vector<16xf32> to vector<1x16xf32>
        tpu.vector_store %arg8[%parallel_loop3A_427, %parallel_loop3A_428], %parallel_loop3A_431 {add = true, strides = array<i32>} : memref<16x768xf32, #tpu.memory_space<vmem>>, vector<1x16xf32>,
        %parallel_loop3A_432 = arith.constant 448 : i32
        %parallel_loop3A_433 = arith.addi %parallel_loop3A_151, %parallel_loop3A_432 : i32
        %parallel_loop3A_434 = arith.index_cast %parallel_loop3A_433 : i32 to index
        %parallel_loop3A_435 = tpu.vector_load %arg6[%parallel_loop3A_434] {strides = array<i32>} : memref<77568xf32, #tpu.memory_space<vmem>>, vector<16xf32>,
        %parallel_loop3A_436 = vector.shape_cast %parallel_loop3A_435 : vector<16xf32> to vector<16xf32>
        %parallel_loop3A_437 = arith.index_cast %parallel_loop3A_141 : i32 to index
        %parallel_loop3A_438 = arith.constant 448 : index
        %parallel_loop3A_439 = tpu.vector_load %arg8[%parallel_loop3A_437, %parallel_loop3A_438] {strides = array<i32>} : memref<16x768xf32, #tpu.memory_space<vmem>>, vector<1x16xf32>,
        %parallel_loop3A_440 = vector.shape_cast %parallel_loop3A_439 : vector<1x16xf32> to vector<16xf32>
        %parallel_loop3A_441 = vector.shape_cast %parallel_loop3A_436 : vector<16xf32> to vector<1x16xf32>
        tpu.vector_store %arg8[%parallel_loop3A_437, %parallel_loop3A_438], %parallel_loop3A_441 {add = true, strides = array<i32>} : memref<16x768xf32, #tpu.memory_space<vmem>>, vector<1x16xf32>,
        %parallel_loop3A_442 = arith.constant 464 : i32
        %parallel_loop3A_443 = arith.addi %parallel_loop3A_151, %parallel_loop3A_442 : i32
        %parallel_loop3A_444 = arith.index_cast %parallel_loop3A_443 : i32 to index
        %parallel_loop3A_445 = tpu.vector_load %arg6[%parallel_loop3A_444] {strides = array<i32>} : memref<77568xf32, #tpu.memory_space<vmem>>, vector<16xf32>,
        %parallel_loop3A_446 = vector.shape_cast %parallel_loop3A_445 : vector<16xf32> to vector<16xf32>
        %parallel_loop3A_447 = arith.index_cast %parallel_loop3A_141 : i32 to index
        %parallel_loop3A_448 = arith.constant 464 : index
        %parallel_loop3A_449 = tpu.vector_load %arg8[%parallel_loop3A_447, %parallel_loop3A_448] {strides = array<i32>} : memref<16x768xf32, #tpu.memory_space<vmem>>, vector<1x16xf32>,
        %parallel_loop3A_450 = vector.shape_cast %parallel_loop3A_449 : vector<1x16xf32> to vector<16xf32>
        %parallel_loop3A_451 = vector.shape_cast %parallel_loop3A_446 : vector<16xf32> to vector<1x16xf32>
        tpu.vector_store %arg8[%parallel_loop3A_447, %parallel_loop3A_448], %parallel_loop3A_451 {add = true, strides = array<i32>} : memref<16x768xf32, #tpu.memory_space<vmem>>, vector<1x16xf32>,
        %parallel_loop3A_452 = arith.constant 480 : i32
        %parallel_loop3A_453 = arith.addi %parallel_loop3A_151, %parallel_loop3A_452 : i32
        %parallel_loop3A_454 = arith.index_cast %parallel_loop3A_453 : i32 to index
        %parallel_loop3A_455 = tpu.vector_load %arg6[%parallel_loop3A_454] {strides = array<i32>} : memref<77568xf32, #tpu.memory_space<vmem>>, vector<16xf32>,
        %parallel_loop3A_456 = vector.shape_cast %parallel_loop3A_455 : vector<16xf32> to vector<16xf32>
        %parallel_loop3A_457 = arith.index_cast %parallel_loop3A_141 : i32 to index
        %parallel_loop3A_458 = arith.constant 480 : index
        %parallel_loop3A_459 = tpu.vector_load %arg8[%parallel_loop3A_457, %parallel_loop3A_458] {strides = array<i32>} : memref<16x768xf32, #tpu.memory_space<vmem>>, vector<1x16xf32>,
        %parallel_loop3A_460 = vector.shape_cast %parallel_loop3A_459 : vector<1x16xf32> to vector<16xf32>
        %parallel_loop3A_461 = vector.shape_cast %parallel_loop3A_456 : vector<16xf32> to vector<1x16xf32>
        tpu.vector_store %arg8[%parallel_loop3A_457, %parallel_loop3A_458], %parallel_loop3A_461 {add = true, strides = array<i32>} : memref<16x768xf32, #tpu.memory_space<vmem>>, vector<1x16xf32>,
        %parallel_loop3A_462 = arith.constant 496 : i32
        %parallel_loop3A_463 = arith.addi %parallel_loop3A_151, %parallel_loop3A_462 : i32
        %parallel_loop3A_464 = arith.index_cast %parallel_loop3A_463 : i32 to index
        %parallel_loop3A_465 = tpu.vector_load %arg6[%parallel_loop3A_464] {strides = array<i32>} : memref<77568xf32, #tpu.memory_space<vmem>>, vector<16xf32>,
        %parallel_loop3A_466 = vector.shape_cast %parallel_loop3A_465 : vector<16xf32> to vector<16xf32>
        %parallel_loop3A_467 = arith.index_cast %parallel_loop3A_141 : i32 to index
        %parallel_loop3A_468 = arith.constant 496 : index
        %parallel_loop3A_469 = tpu.vector_load %arg8[%parallel_loop3A_467, %parallel_loop3A_468] {strides = array<i32>} : memref<16x768xf32, #tpu.memory_space<vmem>>, vector<1x16xf32>,
        %parallel_loop3A_470 = vector.shape_cast %parallel_loop3A_469 : vector<1x16xf32> to vector<16xf32>
        %parallel_loop3A_471 = vector.shape_cast %parallel_loop3A_466 : vector<16xf32> to vector<1x16xf32>
        tpu.vector_store %arg8[%parallel_loop3A_467, %parallel_loop3A_468], %parallel_loop3A_471 {add = true, strides = array<i32>} : memref<16x768xf32, #tpu.memory_space<vmem>>, vector<1x16xf32>,
        %parallel_loop3A_472 = arith.constant 512 : i32
        %parallel_loop3A_473 = arith.addi %parallel_loop3A_151, %parallel_loop3A_472 : i32
        %parallel_loop3A_474 = arith.index_cast %parallel_loop3A_473 : i32 to index
        %parallel_loop3A_475 = tpu.vector_load %arg6[%parallel_loop3A_474] {strides = array<i32>} : memref<77568xf32, #tpu.memory_space<vmem>>, vector<16xf32>,
        %parallel_loop3A_476 = vector.shape_cast %parallel_loop3A_475 : vector<16xf32> to vector<16xf32>
        %parallel_loop3A_477 = arith.index_cast %parallel_loop3A_141 : i32 to index
        %parallel_loop3A_478 = arith.constant 512 : index
        %parallel_loop3A_479 = tpu.vector_load %arg8[%parallel_loop3A_477, %parallel_loop3A_478] {strides = array<i32>} : memref<16x768xf32, #tpu.memory_space<vmem>>, vector<1x16xf32>,
        %parallel_loop3A_480 = vector.shape_cast %parallel_loop3A_479 : vector<1x16xf32> to vector<16xf32>
        %parallel_loop3A_481 = vector.shape_cast %parallel_loop3A_476 : vector<16xf32> to vector<1x16xf32>
        tpu.vector_store %arg8[%parallel_loop3A_477, %parallel_loop3A_478], %parallel_loop3A_481 {add = true, strides = array<i32>} : memref<16x768xf32, #tpu.memory_space<vmem>>, vector<1x16xf32>,
        %parallel_loop3A_482 = arith.constant 528 : i32
        %parallel_loop3A_483 = arith.addi %parallel_loop3A_151, %parallel_loop3A_482 : i32
        %parallel_loop3A_484 = arith.index_cast %parallel_loop3A_483 : i32 to index
        %parallel_loop3A_485 = tpu.vector_load %arg6[%parallel_loop3A_484] {strides = array<i32>} : memref<77568xf32, #tpu.memory_space<vmem>>, vector<16xf32>,
        %parallel_loop3A_486 = vector.shape_cast %parallel_loop3A_485 : vector<16xf32> to vector<16xf32>
        %parallel_loop3A_487 = arith.index_cast %parallel_loop3A_141 : i32 to index
        %parallel_loop3A_488 = arith.constant 528 : index
        %parallel_loop3A_489 = tpu.vector_load %arg8[%parallel_loop3A_487, %parallel_loop3A_488] {strides = array<i32>} : memref<16x768xf32, #tpu.memory_space<vmem>>, vector<1x16xf32>,
        %parallel_loop3A_490 = vector.shape_cast %parallel_loop3A_489 : vector<1x16xf32> to vector<16xf32>
        %parallel_loop3A_491 = vector.shape_cast %parallel_loop3A_486 : vector<16xf32> to vector<1x16xf32>
        tpu.vector_store %arg8[%parallel_loop3A_487, %parallel_loop3A_488], %parallel_loop3A_491 {add = true, strides = array<i32>} : memref<16x768xf32, #tpu.memory_space<vmem>>, vector<1x16xf32>,
        %parallel_loop3A_492 = arith.constant 544 : i32
        %parallel_loop3A_493 = arith.addi %parallel_loop3A_151, %parallel_loop3A_492 : i32
        %parallel_loop3A_494 = arith.index_cast %parallel_loop3A_493 : i32 to index
        %parallel_loop3A_495 = tpu.vector_load %arg6[%parallel_loop3A_494] {strides = array<i32>} : memref<77568xf32, #tpu.memory_space<vmem>>, vector<16xf32>,
        %parallel_loop3A_496 = vector.shape_cast %parallel_loop3A_495 : vector<16xf32> to vector<16xf32>
        %parallel_loop3A_497 = arith.index_cast %parallel_loop3A_141 : i32 to index
        %parallel_loop3A_498 = arith.constant 544 : index
        %parallel_loop3A_499 = tpu.vector_load %arg8[%parallel_loop3A_497, %parallel_loop3A_498] {strides = array<i32>} : memref<16x768xf32, #tpu.memory_space<vmem>>, vector<1x16xf32>,
        %parallel_loop3A_500 = vector.shape_cast %parallel_loop3A_499 : vector<1x16xf32> to vector<16xf32>
        %parallel_loop3A_501 = vector.shape_cast %parallel_loop3A_496 : vector<16xf32> to vector<1x16xf32>
        tpu.vector_store %arg8[%parallel_loop3A_497, %parallel_loop3A_498], %parallel_loop3A_501 {add = true, strides = array<i32>} : memref<16x768xf32, #tpu.memory_space<vmem>>, vector<1x16xf32>,
        %parallel_loop3A_502 = arith.constant 560 : i32
        %parallel_loop3A_503 = arith.addi %parallel_loop3A_151, %parallel_loop3A_502 : i32
        %parallel_loop3A_504 = arith.index_cast %parallel_loop3A_503 : i32 to index
        %parallel_loop3A_505 = tpu.vector_load %arg6[%parallel_loop3A_504] {strides = array<i32>} : memref<77568xf32, #tpu.memory_space<vmem>>, vector<16xf32>,
        %parallel_loop3A_506 = vector.shape_cast %parallel_loop3A_505 : vector<16xf32> to vector<16xf32>
        %parallel_loop3A_507 = arith.index_cast %parallel_loop3A_141 : i32 to index
        %parallel_loop3A_508 = arith.constant 560 : index
        %parallel_loop3A_509 = tpu.vector_load %arg8[%parallel_loop3A_507, %parallel_loop3A_508] {strides = array<i32>} : memref<16x768xf32, #tpu.memory_space<vmem>>, vector<1x16xf32>,
        %parallel_loop3A_510 = vector.shape_cast %parallel_loop3A_509 : vector<1x16xf32> to vector<16xf32>
        %parallel_loop3A_511 = vector.shape_cast %parallel_loop3A_506 : vector<16xf32> to vector<1x16xf32>
        tpu.vector_store %arg8[%parallel_loop3A_507, %parallel_loop3A_508], %parallel_loop3A_511 {add = true, strides = array<i32>} : memref<16x768xf32, #tpu.memory_space<vmem>>, vector<1x16xf32>,
        %parallel_loop3A_512 = arith.constant 576 : i32
        %parallel_loop3A_513 = arith.addi %parallel_loop3A_151, %parallel_loop3A_512 : i32
        %parallel_loop3A_514 = arith.index_cast %parallel_loop3A_513 : i32 to index
        %parallel_loop3A_515 = tpu.vector_load %arg6[%parallel_loop3A_514] {strides = array<i32>} : memref<77568xf32, #tpu.memory_space<vmem>>, vector<16xf32>,
        %parallel_loop3A_516 = vector.shape_cast %parallel_loop3A_515 : vector<16xf32> to vector<16xf32>
        %parallel_loop3A_517 = arith.index_cast %parallel_loop3A_141 : i32 to index
        %parallel_loop3A_518 = arith.constant 576 : index
        %parallel_loop3A_519 = tpu.vector_load %arg8[%parallel_loop3A_517, %parallel_loop3A_518] {strides = array<i32>} : memref<16x768xf32, #tpu.memory_space<vmem>>, vector<1x16xf32>,
        %parallel_loop3A_520 = vector.shape_cast %parallel_loop3A_519 : vector<1x16xf32> to vector<16xf32>
        %parallel_loop3A_521 = vector.shape_cast %parallel_loop3A_516 : vector<16xf32> to vector<1x16xf32>
        tpu.vector_store %arg8[%parallel_loop3A_517, %parallel_loop3A_518], %parallel_loop3A_521 {add = true, strides = array<i32>} : memref<16x768xf32, #tpu.memory_space<vmem>>, vector<1x16xf32>,
        %parallel_loop3A_522 = arith.constant 592 : i32
        %parallel_loop3A_523 = arith.addi %parallel_loop3A_151, %parallel_loop3A_522 : i32
        %parallel_loop3A_524 = arith.index_cast %parallel_loop3A_523 : i32 to index
        %parallel_loop3A_525 = tpu.vector_load %arg6[%parallel_loop3A_524] {strides = array<i32>} : memref<77568xf32, #tpu.memory_space<vmem>>, vector<16xf32>,
        %parallel_loop3A_526 = vector.shape_cast %parallel_loop3A_525 : vector<16xf32> to vector<16xf32>
        %parallel_loop3A_527 = arith.index_cast %parallel_loop3A_141 : i32 to index
        %parallel_loop3A_528 = arith.constant 592 : index
        %parallel_loop3A_529 = tpu.vector_load %arg8[%parallel_loop3A_527, %parallel_loop3A_528] {strides = array<i32>} : memref<16x768xf32, #tpu.memory_space<vmem>>, vector<1x16xf32>,
        %parallel_loop3A_530 = vector.shape_cast %parallel_loop3A_529 : vector<1x16xf32> to vector<16xf32>
        %parallel_loop3A_531 = vector.shape_cast %parallel_loop3A_526 : vector<16xf32> to vector<1x16xf32>
        tpu.vector_store %arg8[%parallel_loop3A_527, %parallel_loop3A_528], %parallel_loop3A_531 {add = true, strides = array<i32>} : memref<16x768xf32, #tpu.memory_space<vmem>>, vector<1x16xf32>,
        %parallel_loop3A_532 = arith.constant 608 : i32
        %parallel_loop3A_533 = arith.addi %parallel_loop3A_151, %parallel_loop3A_532 : i32
        %parallel_loop3A_534 = arith.index_cast %parallel_loop3A_533 : i32 to index
        %parallel_loop3A_535 = tpu.vector_load %arg6[%parallel_loop3A_534] {strides = array<i32>} : memref<77568xf32, #tpu.memory_space<vmem>>, vector<16xf32>,
        %parallel_loop3A_536 = vector.shape_cast %parallel_loop3A_535 : vector<16xf32> to vector<16xf32>
        %parallel_loop3A_537 = arith.index_cast %parallel_loop3A_141 : i32 to index
        %parallel_loop3A_538 = arith.constant 608 : index
        %parallel_loop3A_539 = tpu.vector_load %arg8[%parallel_loop3A_537, %parallel_loop3A_538] {strides = array<i32>} : memref<16x768xf32, #tpu.memory_space<vmem>>, vector<1x16xf32>,
        %parallel_loop3A_540 = vector.shape_cast %parallel_loop3A_539 : vector<1x16xf32> to vector<16xf32>
        %parallel_loop3A_541 = vector.shape_cast %parallel_loop3A_536 : vector<16xf32> to vector<1x16xf32>
        tpu.vector_store %arg8[%parallel_loop3A_537, %parallel_loop3A_538], %parallel_loop3A_541 {add = true, strides = array<i32>} : memref<16x768xf32, #tpu.memory_space<vmem>>, vector<1x16xf32>,
        %parallel_loop3A_542 = arith.constant 624 : i32
        %parallel_loop3A_543 = arith.addi %parallel_loop3A_151, %parallel_loop3A_542 : i32
        %parallel_loop3A_544 = arith.index_cast %parallel_loop3A_543 : i32 to index
        %parallel_loop3A_545 = tpu.vector_load %arg6[%parallel_loop3A_544] {strides = array<i32>} : memref<77568xf32, #tpu.memory_space<vmem>>, vector<16xf32>,
        %parallel_loop3A_546 = vector.shape_cast %parallel_loop3A_545 : vector<16xf32> to vector<16xf32>
        %parallel_loop3A_547 = arith.index_cast %parallel_loop3A_141 : i32 to index
        %parallel_loop3A_548 = arith.constant 624 : index
        %parallel_loop3A_549 = tpu.vector_load %arg8[%parallel_loop3A_547, %parallel_loop3A_548] {strides = array<i32>} : memref<16x768xf32, #tpu.memory_space<vmem>>, vector<1x16xf32>,
        %parallel_loop3A_550 = vector.shape_cast %parallel_loop3A_549 : vector<1x16xf32> to vector<16xf32>
        %parallel_loop3A_551 = vector.shape_cast %parallel_loop3A_546 : vector<16xf32> to vector<1x16xf32>
        tpu.vector_store %arg8[%parallel_loop3A_547, %parallel_loop3A_548], %parallel_loop3A_551 {add = true, strides = array<i32>} : memref<16x768xf32, #tpu.memory_space<vmem>>, vector<1x16xf32>,
        %parallel_loop3A_552 = arith.constant 640 : i32
        %parallel_loop3A_553 = arith.addi %parallel_loop3A_151, %parallel_loop3A_552 : i32
        %parallel_loop3A_554 = arith.index_cast %parallel_loop3A_553 : i32 to index
        %parallel_loop3A_555 = tpu.vector_load %arg6[%parallel_loop3A_554] {strides = array<i32>} : memref<77568xf32, #tpu.memory_space<vmem>>, vector<16xf32>,
        %parallel_loop3A_556 = vector.shape_cast %parallel_loop3A_555 : vector<16xf32> to vector<16xf32>
        %parallel_loop3A_557 = arith.index_cast %parallel_loop3A_141 : i32 to index
        %parallel_loop3A_558 = arith.constant 640 : index
        %parallel_loop3A_559 = tpu.vector_load %arg8[%parallel_loop3A_557, %parallel_loop3A_558] {strides = array<i32>} : memref<16x768xf32, #tpu.memory_space<vmem>>, vector<1x16xf32>,
        %parallel_loop3A_560 = vector.shape_cast %parallel_loop3A_559 : vector<1x16xf32> to vector<16xf32>
        %parallel_loop3A_561 = vector.shape_cast %parallel_loop3A_556 : vector<16xf32> to vector<1x16xf32>
        tpu.vector_store %arg8[%parallel_loop3A_557, %parallel_loop3A_558], %parallel_loop3A_561 {add = true, strides = array<i32>} : memref<16x768xf32, #tpu.memory_space<vmem>>, vector<1x16xf32>,
        %parallel_loop3A_562 = arith.constant 656 : i32
        %parallel_loop3A_563 = arith.addi %parallel_loop3A_151, %parallel_loop3A_562 : i32
        %parallel_loop3A_564 = arith.index_cast %parallel_loop3A_563 : i32 to index
        %parallel_loop3A_565 = tpu.vector_load %arg6[%parallel_loop3A_564] {strides = array<i32>} : memref<77568xf32, #tpu.memory_space<vmem>>, vector<16xf32>,
        %parallel_loop3A_566 = vector.shape_cast %parallel_loop3A_565 : vector<16xf32> to vector<16xf32>
        %parallel_loop3A_567 = arith.index_cast %parallel_loop3A_141 : i32 to index
        %parallel_loop3A_568 = arith.constant 656 : index
        %parallel_loop3A_569 = tpu.vector_load %arg8[%parallel_loop3A_567, %parallel_loop3A_568] {strides = array<i32>} : memref<16x768xf32, #tpu.memory_space<vmem>>, vector<1x16xf32>,
        %parallel_loop3A_570 = vector.shape_cast %parallel_loop3A_569 : vector<1x16xf32> to vector<16xf32>
        %parallel_loop3A_571 = vector.shape_cast %parallel_loop3A_566 : vector<16xf32> to vector<1x16xf32>
        tpu.vector_store %arg8[%parallel_loop3A_567, %parallel_loop3A_568], %parallel_loop3A_571 {add = true, strides = array<i32>} : memref<16x768xf32, #tpu.memory_space<vmem>>, vector<1x16xf32>,
        %parallel_loop3A_572 = arith.constant 672 : i32
        %parallel_loop3A_573 = arith.addi %parallel_loop3A_151, %parallel_loop3A_572 : i32
        %parallel_loop3A_574 = arith.index_cast %parallel_loop3A_573 : i32 to index
        %parallel_loop3A_575 = tpu.vector_load %arg6[%parallel_loop3A_574] {strides = array<i32>} : memref<77568xf32, #tpu.memory_space<vmem>>, vector<16xf32>,
        %parallel_loop3A_576 = vector.shape_cast %parallel_loop3A_575 : vector<16xf32> to vector<16xf32>
        %parallel_loop3A_577 = arith.index_cast %parallel_loop3A_141 : i32 to index
        %parallel_loop3A_578 = arith.constant 672 : index
        %parallel_loop3A_579 = tpu.vector_load %arg8[%parallel_loop3A_577, %parallel_loop3A_578] {strides = array<i32>} : memref<16x768xf32, #tpu.memory_space<vmem>>, vector<1x16xf32>,
        %parallel_loop3A_580 = vector.shape_cast %parallel_loop3A_579 : vector<1x16xf32> to vector<16xf32>
        %parallel_loop3A_581 = vector.shape_cast %parallel_loop3A_576 : vector<16xf32> to vector<1x16xf32>
        tpu.vector_store %arg8[%parallel_loop3A_577, %parallel_loop3A_578], %parallel_loop3A_581 {add = true, strides = array<i32>} : memref<16x768xf32, #tpu.memory_space<vmem>>, vector<1x16xf32>,
        %parallel_loop3A_582 = arith.constant 688 : i32
        %parallel_loop3A_583 = arith.addi %parallel_loop3A_151, %parallel_loop3A_582 : i32
        %parallel_loop3A_584 = arith.index_cast %parallel_loop3A_583 : i32 to index
        %parallel_loop3A_585 = tpu.vector_load %arg6[%parallel_loop3A_584] {strides = array<i32>} : memref<77568xf32, #tpu.memory_space<vmem>>, vector<16xf32>,
        %parallel_loop3A_586 = vector.shape_cast %parallel_loop3A_585 : vector<16xf32> to vector<16xf32>
        %parallel_loop3A_587 = arith.index_cast %parallel_loop3A_141 : i32 to index
        %parallel_loop3A_588 = arith.constant 688 : index
        %parallel_loop3A_589 = tpu.vector_load %arg8[%parallel_loop3A_587, %parallel_loop3A_588] {strides = array<i32>} : memref<16x768xf32, #tpu.memory_space<vmem>>, vector<1x16xf32>,
        %parallel_loop3A_590 = vector.shape_cast %parallel_loop3A_589 : vector<1x16xf32> to vector<16xf32>
        %parallel_loop3A_591 = vector.shape_cast %parallel_loop3A_586 : vector<16xf32> to vector<1x16xf32>
        tpu.vector_store %arg8[%parallel_loop3A_587, %parallel_loop3A_588], %parallel_loop3A_591 {add = true, strides = array<i32>} : memref<16x768xf32, #tpu.memory_space<vmem>>, vector<1x16xf32>,
        %parallel_loop3A_592 = arith.constant 704 : i32
        %parallel_loop3A_593 = arith.addi %parallel_loop3A_151, %parallel_loop3A_592 : i32
        %parallel_loop3A_594 = arith.index_cast %parallel_loop3A_593 : i32 to index
        %parallel_loop3A_595 = tpu.vector_load %arg6[%parallel_loop3A_594] {strides = array<i32>} : memref<77568xf32, #tpu.memory_space<vmem>>, vector<16xf32>,
        %parallel_loop3A_596 = vector.shape_cast %parallel_loop3A_595 : vector<16xf32> to vector<16xf32>
        %parallel_loop3A_597 = arith.index_cast %parallel_loop3A_141 : i32 to index
        %parallel_loop3A_598 = arith.constant 704 : index
        %parallel_loop3A_599 = tpu.vector_load %arg8[%parallel_loop3A_597, %parallel_loop3A_598] {strides = array<i32>} : memref<16x768xf32, #tpu.memory_space<vmem>>, vector<1x16xf32>,
        %parallel_loop3A_600 = vector.shape_cast %parallel_loop3A_599 : vector<1x16xf32> to vector<16xf32>
        %parallel_loop3A_601 = vector.shape_cast %parallel_loop3A_596 : vector<16xf32> to vector<1x16xf32>
        tpu.vector_store %arg8[%parallel_loop3A_597, %parallel_loop3A_598], %parallel_loop3A_601 {add = true, strides = array<i32>} : memref<16x768xf32, #tpu.memory_space<vmem>>, vector<1x16xf32>,
        %parallel_loop3A_602 = arith.constant 720 : i32
        %parallel_loop3A_603 = arith.addi %parallel_loop3A_151, %parallel_loop3A_602 : i32
        %parallel_loop3A_604 = arith.index_cast %parallel_loop3A_603 : i32 to index
        %parallel_loop3A_605 = tpu.vector_load %arg6[%parallel_loop3A_604] {strides = array<i32>} : memref<77568xf32, #tpu.memory_space<vmem>>, vector<16xf32>,
        %parallel_loop3A_606 = vector.shape_cast %parallel_loop3A_605 : vector<16xf32> to vector<16xf32>
        %parallel_loop3A_607 = arith.index_cast %parallel_loop3A_141 : i32 to index
        %parallel_loop3A_608 = arith.constant 720 : index
        %parallel_loop3A_609 = tpu.vector_load %arg8[%parallel_loop3A_607, %parallel_loop3A_608] {strides = array<i32>} : memref<16x768xf32, #tpu.memory_space<vmem>>, vector<1x16xf32>,
        %parallel_loop3A_610 = vector.shape_cast %parallel_loop3A_609 : vector<1x16xf32> to vector<16xf32>
        %parallel_loop3A_611 = vector.shape_cast %parallel_loop3A_606 : vector<16xf32> to vector<1x16xf32>
        tpu.vector_store %arg8[%parallel_loop3A_607, %parallel_loop3A_608], %parallel_loop3A_611 {add = true, strides = array<i32>} : memref<16x768xf32, #tpu.memory_space<vmem>>, vector<1x16xf32>,
        %parallel_loop3A_612 = arith.constant 736 : i32
        %parallel_loop3A_613 = arith.addi %parallel_loop3A_151, %parallel_loop3A_612 : i32
        %parallel_loop3A_614 = arith.index_cast %parallel_loop3A_613 : i32 to index
        %parallel_loop3A_615 = tpu.vector_load %arg6[%parallel_loop3A_614] {strides = array<i32>} : memref<77568xf32, #tpu.memory_space<vmem>>, vector<16xf32>,
        %parallel_loop3A_616 = vector.shape_cast %parallel_loop3A_615 : vector<16xf32> to vector<16xf32>
        %parallel_loop3A_617 = arith.index_cast %parallel_loop3A_141 : i32 to index
        %parallel_loop3A_618 = arith.constant 736 : index
        %parallel_loop3A_619 = tpu.vector_load %arg8[%parallel_loop3A_617, %parallel_loop3A_618] {strides = array<i32>} : memref<16x768xf32, #tpu.memory_space<vmem>>, vector<1x16xf32>,
        %parallel_loop3A_620 = vector.shape_cast %parallel_loop3A_619 : vector<1x16xf32> to vector<16xf32>
        %parallel_loop3A_621 = vector.shape_cast %parallel_loop3A_616 : vector<16xf32> to vector<1x16xf32>
        tpu.vector_store %arg8[%parallel_loop3A_617, %parallel_loop3A_618], %parallel_loop3A_621 {add = true, strides = array<i32>} : memref<16x768xf32, #tpu.memory_space<vmem>>, vector<1x16xf32>,
        %parallel_loop3A_622 = arith.constant 752 : i32
        %parallel_loop3A_623 = arith.addi %parallel_loop3A_151, %parallel_loop3A_622 : i32
        %parallel_loop3A_624 = arith.index_cast %parallel_loop3A_623 : i32 to index
        %parallel_loop3A_625 = tpu.vector_load %arg6[%parallel_loop3A_624] {strides = array<i32>} : memref<77568xf32, #tpu.memory_space<vmem>>, vector<16xf32>,
        %parallel_loop3A_626 = vector.shape_cast %parallel_loop3A_625 : vector<16xf32> to vector<16xf32>
        %parallel_loop3A_627 = arith.index_cast %parallel_loop3A_141 : i32 to index
        %parallel_loop3A_628 = arith.constant 752 : index
        %parallel_loop3A_629 = tpu.vector_load %arg8[%parallel_loop3A_627, %parallel_loop3A_628] {strides = array<i32>} : memref<16x768xf32, #tpu.memory_space<vmem>>, vector<1x16xf32>,
        %parallel_loop3A_630 = vector.shape_cast %parallel_loop3A_629 : vector<1x16xf32> to vector<16xf32>
        %parallel_loop3A_631 = vector.shape_cast %parallel_loop3A_626 : vector<16xf32> to vector<1x16xf32>
        tpu.vector_store %arg8[%parallel_loop3A_627, %parallel_loop3A_628], %parallel_loop3A_631 {add = true, strides = array<i32>} : memref<16x768xf32, #tpu.memory_space<vmem>>, vector<1x16xf32>,
      } {sc.loop_unroll_factor = 1 : i64, sc.parallel_access}
      %barrier3A = arith.constant 0 : index
      tpu.barrier barrier_id(%barrier3A)
      %mul3A_53 = arith.constant 16 : i32
      %mul3A_54 = arith.muli %add3A_39, %mul3A_53 : i32
      %add3A_55 = arith.addi %mul3A_2, %mul3A_54 : i32
      %dma_start3A_56 = arith.constant 0 : i32
      %dma_start3A_57 = tpu.memref_slice %arg5[%add3A_55, %dma_start3A_56] : memref<16384x768xf32, #tpu.memory_space<hbm>> -> memref<16x768xf32, #tpu.memory_space<hbm>>
      %dma_start3A_58 = arith.constant 0 : i32
      %dma_start3A_59 = tpu.memref_slice %arg5[%add3A_55, %dma_start3A_58] : memref<16384x768xf32, #tpu.memory_space<hbm>> -> memref<16x768xf32, #tpu.memory_space<hbm>>
      tpu.enqueue_dma source(%arg8 : memref<16x768xf32, #tpu.memory_space<vmem>>) target(%dma_start3A_59 : memref<16x768xf32, #tpu.memory_space<hbm>>) target_semaphore(%arg17 : memref<!tpu.dma_semaphore, #tpu.memory_space<semaphore_mem>>)
      %add3A_60 = arith.constant 1 : i32
      %add3A_61 = arith.addi %mul3A_37, %add3A_60 : i32
      %mul3A_62 = arith.constant 16 : i32
      %mul3A_63 = arith.muli %add3A_61, %mul3A_62 : i32
      %add3A_64 = arith.addi %mul3A_2, %mul3A_63 : i32
      %dma_wait3A_65 = arith.constant 0 : i32
      %dma_wait3A_66 = tpu.memref_slice %arg2[%add3A_64, %dma_wait3A_65] : memref<16384x768xf32, #tpu.memory_space<hbm>> -> memref<16x768xf32, #tpu.memory_space<hbm>>
      %dma_wait3A_67 = arith.constant 0 : i32
      %dma_wait3A_68 = tpu.memref_slice %arg2[%add3A_64, %dma_wait3A_67] : memref<16384x768xf32, #tpu.memory_space<hbm>> -> memref<16x768xf32, #tpu.memory_space<hbm>>
      tpu.wait_dma2 semaphore(%arg14 : memref<!tpu.dma_semaphore, #tpu.memory_space<semaphore_mem>>) src(%dma_wait3A_68 : memref<16x768xf32, #tpu.memory_space<hbm>>) dst(%arg9 : memref<16x768xf32, #tpu.memory_space<vmem>>)
      %add3A_69 = arith.constant 1 : i32
      %add3A_70 = arith.addi %add3A_61, %add3A_69 : i32
      %lt3A_71 = arith.constant 32 : i32
      %lt3A_72 = arith.cmpi slt, %add3A_70, %lt3A_71 : i32
      %convert_element_type3A_73 = arith.extui %lt3A_72 : i1 to i32
      %cond3A_74 = arith.constant 0 : i32
      %cond3A_75 = arith.cmpi ne, %convert_element_type3A_73, %cond3A_74 : i32
      scf.if %cond3A_75 {
        %ge3A = arith.constant 3 : i32
        %ge3A_141 = arith.cmpi sge, %add3A_61, %ge3A : i32
        %convert_element_type3A_142 = arith.extui %ge3A_141 : i1 to i32
        %cond3A_143 = arith.constant 0 : i32
        %cond3A_144 = arith.cmpi ne, %convert_element_type3A_142, %cond3A_143 : i32
        scf.if %cond3A_144 {
          %sub3A = arith.constant 3 : i32
          %sub3A_154 = arith.subi %add3A_61, %sub3A : i32
          %mul3A_155 = arith.constant 16 : i32
          %mul3A_156 = arith.muli %sub3A_154, %mul3A_155 : i32
          %add3A_157 = arith.addi %mul3A_2, %mul3A_156 : i32
          %dma_wait3A_158 = arith.constant 0 : i32
          %dma_wait3A_159 = tpu.memref_slice %arg5[%add3A_157, %dma_wait3A_158] : memref<16384x768xf32, #tpu.memory_space<hbm>> -> memref<16x768xf32, #tpu.memory_space<hbm>>
          %dma_wait3A_160 = arith.constant 0 : i32
          %dma_wait3A_161 = tpu.memref_slice %arg5[%add3A_157, %dma_wait3A_160] : memref<16384x768xf32, #tpu.memory_space<hbm>> -> memref<16x768xf32, #tpu.memory_space<hbm>>
          tpu.wait_dma2 semaphore(%arg19 : memref<!tpu.dma_semaphore, #tpu.memory_space<semaphore_mem>>) src(%arg10 : memref<16x768xf32, #tpu.memory_space<vmem>>) dst(%dma_wait3A_161 : memref<16x768xf32, #tpu.memory_space<hbm>>)
        } else {
        }
        %add3A_145 = arith.constant 1 : i32
        %add3A_146 = arith.addi %add3A_61, %add3A_145 : i32
        %mul3A_147 = arith.constant 16 : i32
        %mul3A_148 = arith.muli %add3A_146, %mul3A_147 : i32
        %add3A_149 = arith.addi %mul3A_2, %mul3A_148 : i32
        %dma_start3A_150 = arith.constant 0 : i32
        %dma_start3A_151 = tpu.memref_slice %arg2[%add3A_149, %dma_start3A_150] : memref<16384x768xf32, #tpu.memory_space<hbm>> -> memref<16x768xf32, #tpu.memory_space<hbm>>
        %dma_start3A_152 = arith.constant 0 : i32
        %dma_start3A_153 = tpu.memref_slice %arg2[%add3A_149, %dma_start3A_152] : memref<16384x768xf32, #tpu.memory_space<hbm>> -> memref<16x768xf32, #tpu.memory_space<hbm>>
        tpu.enqueue_dma source(%dma_start3A_153 : memref<16x768xf32, #tpu.memory_space<hbm>>) target(%arg10 : memref<16x768xf32, #tpu.memory_space<vmem>>) target_semaphore(%arg15 : memref<!tpu.dma_semaphore, #tpu.memory_space<semaphore_mem>>)
      } else {
      }
      %parallel_loop3A_76 = arith.constant 0 : i32
      %parallel_loop3A_77 = arith.constant 16 : i32
      %parallel_loop3A_78 = arith.constant 1 : i32
      scf.for %parallel_loop3A_141 = %parallel_loop3A_76 to %parallel_loop3A_77 step %parallel_loop3A_78  : i32 {
        %parallel_loop3A_142 = arith.constant 16 : i32
        %parallel_loop3A_143 = arith.muli %add3A_61, %parallel_loop3A_142 : i32
        %parallel_loop3A_144 = arith.addi %parallel_loop3A_143, %parallel_loop3A_141 : i32
        %parallel_loop3A_145 = arith.index_cast %parallel_loop3A_144 : i32 to index
        %parallel_loop3A_146 = tpu.vector_load %arg7[%parallel_loop3A_145] {strides = array<i32>} : memref<528xi32, #tpu.memory_space<vmem>>, vector<16xi32>,
        %parallel_loop3A_147 = vector.shape_cast %parallel_loop3A_146 : vector<16xi32> to vector<16xi32>
        %parallel_loop3A_148 = vector.extract_strided_slice %parallel_loop3A_147 {offsets = [0], sizes = [1], strides = [1]} : vector<16xi32> to vector<1xi32>
        %parallel_loop3A_149 = vector.extract %parallel_loop3A_148[0] : i32 from vector<1xi32>
        %parallel_loop3A_150 = arith.constant 768 : i32
        %parallel_loop3A_151 = arith.muli %parallel_loop3A_149, %parallel_loop3A_150 : i32
        %parallel_loop3A_152 = arith.constant 0 : i32
        %parallel_loop3A_153 = arith.addi %parallel_loop3A_151, %parallel_loop3A_152 : i32
        %parallel_loop3A_154 = arith.index_cast %parallel_loop3A_153 : i32 to index
        %parallel_loop3A_155 = tpu.vector_load %arg6[%parallel_loop3A_154] {strides = array<i32>} : memref<77568xf32, #tpu.memory_space<vmem>>, vector<16xf32>,
        %parallel_loop3A_156 = vector.shape_cast %parallel_loop3A_155 : vector<16xf32> to vector<16xf32>
        %parallel_loop3A_157 = arith.index_cast %parallel_loop3A_141 : i32 to index
        %parallel_loop3A_158 = arith.constant 0 : index
        %parallel_loop3A_159 = tpu.vector_load %arg9[%parallel_loop3A_157, %parallel_loop3A_158] {strides = array<i32>} : memref<16x768xf32, #tpu.memory_space<vmem>>, vector<1x16xf32>,
        %parallel_loop3A_160 = vector.shape_cast %parallel_loop3A_159 : vector<1x16xf32> to vector<16xf32>
        %parallel_loop3A_161 = vector.shape_cast %parallel_loop3A_156 : vector<16xf32> to vector<1x16xf32>
        tpu.vector_store %arg9[%parallel_loop3A_157, %parallel_loop3A_158], %parallel_loop3A_161 {add = true, strides = array<i32>} : memref<16x768xf32, #tpu.memory_space<vmem>>, vector<1x16xf32>,
        %parallel_loop3A_162 = arith.constant 16 : i32
        %parallel_loop3A_163 = arith.addi %parallel_loop3A_151, %parallel_loop3A_162 : i32
        %parallel_loop3A_164 = arith.index_cast %parallel_loop3A_163 : i32 to index
        %parallel_loop3A_165 = tpu.vector_load %arg6[%parallel_loop3A_164] {strides = array<i32>} : memref<77568xf32, #tpu.memory_space<vmem>>, vector<16xf32>,
        %parallel_loop3A_166 = vector.shape_cast %parallel_loop3A_165 : vector<16xf32> to vector<16xf32>
        %parallel_loop3A_167 = arith.index_cast %parallel_loop3A_141 : i32 to index
        %parallel_loop3A_168 = arith.constant 16 : index
        %parallel_loop3A_169 = tpu.vector_load %arg9[%parallel_loop3A_167, %parallel_loop3A_168] {strides = array<i32>} : memref<16x768xf32, #tpu.memory_space<vmem>>, vector<1x16xf32>,
        %parallel_loop3A_170 = vector.shape_cast %parallel_loop3A_169 : vector<1x16xf32> to vector<16xf32>
        %parallel_loop3A_171 = vector.shape_cast %parallel_loop3A_166 : vector<16xf32> to vector<1x16xf32>
        tpu.vector_store %arg9[%parallel_loop3A_167, %parallel_loop3A_168], %parallel_loop3A_171 {add = true, strides = array<i32>} : memref<16x768xf32, #tpu.memory_space<vmem>>, vector<1x16xf32>,
        %parallel_loop3A_172 = arith.constant 32 : i32
        %parallel_loop3A_173 = arith.addi %parallel_loop3A_151, %parallel_loop3A_172 : i32
        %parallel_loop3A_174 = arith.index_cast %parallel_loop3A_173 : i32 to index
        %parallel_loop3A_175 = tpu.vector_load %arg6[%parallel_loop3A_174] {strides = array<i32>} : memref<77568xf32, #tpu.memory_space<vmem>>, vector<16xf32>,
        %parallel_loop3A_176 = vector.shape_cast %parallel_loop3A_175 : vector<16xf32> to vector<16xf32>
        %parallel_loop3A_177 = arith.index_cast %parallel_loop3A_141 : i32 to index
        %parallel_loop3A_178 = arith.constant 32 : index
        %parallel_loop3A_179 = tpu.vector_load %arg9[%parallel_loop3A_177, %parallel_loop3A_178] {strides = array<i32>} : memref<16x768xf32, #tpu.memory_space<vmem>>, vector<1x16xf32>,
        %parallel_loop3A_180 = vector.shape_cast %parallel_loop3A_179 : vector<1x16xf32> to vector<16xf32>
        %parallel_loop3A_181 = vector.shape_cast %parallel_loop3A_176 : vector<16xf32> to vector<1x16xf32>
        tpu.vector_store %arg9[%parallel_loop3A_177, %parallel_loop3A_178], %parallel_loop3A_181 {add = true, strides = array<i32>} : memref<16x768xf32, #tpu.memory_space<vmem>>, vector<1x16xf32>,
        %parallel_loop3A_182 = arith.constant 48 : i32
        %parallel_loop3A_183 = arith.addi %parallel_loop3A_151, %parallel_loop3A_182 : i32
        %parallel_loop3A_184 = arith.index_cast %parallel_loop3A_183 : i32 to index
        %parallel_loop3A_185 = tpu.vector_load %arg6[%parallel_loop3A_184] {strides = array<i32>} : memref<77568xf32, #tpu.memory_space<vmem>>, vector<16xf32>,
        %parallel_loop3A_186 = vector.shape_cast %parallel_loop3A_185 : vector<16xf32> to vector<16xf32>
        %parallel_loop3A_187 = arith.index_cast %parallel_loop3A_141 : i32 to index
        %parallel_loop3A_188 = arith.constant 48 : index
        %parallel_loop3A_189 = tpu.vector_load %arg9[%parallel_loop3A_187, %parallel_loop3A_188] {strides = array<i32>} : memref<16x768xf32, #tpu.memory_space<vmem>>, vector<1x16xf32>,
        %parallel_loop3A_190 = vector.shape_cast %parallel_loop3A_189 : vector<1x16xf32> to vector<16xf32>
        %parallel_loop3A_191 = vector.shape_cast %parallel_loop3A_186 : vector<16xf32> to vector<1x16xf32>
        tpu.vector_store %arg9[%parallel_loop3A_187, %parallel_loop3A_188], %parallel_loop3A_191 {add = true, strides = array<i32>} : memref<16x768xf32, #tpu.memory_space<vmem>>, vector<1x16xf32>,
        %parallel_loop3A_192 = arith.constant 64 : i32
        %parallel_loop3A_193 = arith.addi %parallel_loop3A_151, %parallel_loop3A_192 : i32
        %parallel_loop3A_194 = arith.index_cast %parallel_loop3A_193 : i32 to index
        %parallel_loop3A_195 = tpu.vector_load %arg6[%parallel_loop3A_194] {strides = array<i32>} : memref<77568xf32, #tpu.memory_space<vmem>>, vector<16xf32>,
        %parallel_loop3A_196 = vector.shape_cast %parallel_loop3A_195 : vector<16xf32> to vector<16xf32>
        %parallel_loop3A_197 = arith.index_cast %parallel_loop3A_141 : i32 to index
        %parallel_loop3A_198 = arith.constant 64 : index
        %parallel_loop3A_199 = tpu.vector_load %arg9[%parallel_loop3A_197, %parallel_loop3A_198] {strides = array<i32>} : memref<16x768xf32, #tpu.memory_space<vmem>>, vector<1x16xf32>,
        %parallel_loop3A_200 = vector.shape_cast %parallel_loop3A_199 : vector<1x16xf32> to vector<16xf32>
        %parallel_loop3A_201 = vector.shape_cast %parallel_loop3A_196 : vector<16xf32> to vector<1x16xf32>
        tpu.vector_store %arg9[%parallel_loop3A_197, %parallel_loop3A_198], %parallel_loop3A_201 {add = true, strides = array<i32>} : memref<16x768xf32, #tpu.memory_space<vmem>>, vector<1x16xf32>,
        %parallel_loop3A_202 = arith.constant 80 : i32
        %parallel_loop3A_203 = arith.addi %parallel_loop3A_151, %parallel_loop3A_202 : i32
        %parallel_loop3A_204 = arith.index_cast %parallel_loop3A_203 : i32 to index
        %parallel_loop3A_205 = tpu.vector_load %arg6[%parallel_loop3A_204] {strides = array<i32>} : memref<77568xf32, #tpu.memory_space<vmem>>, vector<16xf32>,
        %parallel_loop3A_206 = vector.shape_cast %parallel_loop3A_205 : vector<16xf32> to vector<16xf32>
        %parallel_loop3A_207 = arith.index_cast %parallel_loop3A_141 : i32 to index
        %parallel_loop3A_208 = arith.constant 80 : index
        %parallel_loop3A_209 = tpu.vector_load %arg9[%parallel_loop3A_207, %parallel_loop3A_208] {strides = array<i32>} : memref<16x768xf32, #tpu.memory_space<vmem>>, vector<1x16xf32>,
        %parallel_loop3A_210 = vector.shape_cast %parallel_loop3A_209 : vector<1x16xf32> to vector<16xf32>
        %parallel_loop3A_211 = vector.shape_cast %parallel_loop3A_206 : vector<16xf32> to vector<1x16xf32>
        tpu.vector_store %arg9[%parallel_loop3A_207, %parallel_loop3A_208], %parallel_loop3A_211 {add = true, strides = array<i32>} : memref<16x768xf32, #tpu.memory_space<vmem>>, vector<1x16xf32>,
        %parallel_loop3A_212 = arith.constant 96 : i32
        %parallel_loop3A_213 = arith.addi %parallel_loop3A_151, %parallel_loop3A_212 : i32
        %parallel_loop3A_214 = arith.index_cast %parallel_loop3A_213 : i32 to index
        %parallel_loop3A_215 = tpu.vector_load %arg6[%parallel_loop3A_214] {strides = array<i32>} : memref<77568xf32, #tpu.memory_space<vmem>>, vector<16xf32>,
        %parallel_loop3A_216 = vector.shape_cast %parallel_loop3A_215 : vector<16xf32> to vector<16xf32>
        %parallel_loop3A_217 = arith.index_cast %parallel_loop3A_141 : i32 to index
        %parallel_loop3A_218 = arith.constant 96 : index
        %parallel_loop3A_219 = tpu.vector_load %arg9[%parallel_loop3A_217, %parallel_loop3A_218] {strides = array<i32>} : memref<16x768xf32, #tpu.memory_space<vmem>>, vector<1x16xf32>,
        %parallel_loop3A_220 = vector.shape_cast %parallel_loop3A_219 : vector<1x16xf32> to vector<16xf32>
        %parallel_loop3A_221 = vector.shape_cast %parallel_loop3A_216 : vector<16xf32> to vector<1x16xf32>
        tpu.vector_store %arg9[%parallel_loop3A_217, %parallel_loop3A_218], %parallel_loop3A_221 {add = true, strides = array<i32>} : memref<16x768xf32, #tpu.memory_space<vmem>>, vector<1x16xf32>,
        %parallel_loop3A_222 = arith.constant 112 : i32
        %parallel_loop3A_223 = arith.addi %parallel_loop3A_151, %parallel_loop3A_222 : i32
        %parallel_loop3A_224 = arith.index_cast %parallel_loop3A_223 : i32 to index
        %parallel_loop3A_225 = tpu.vector_load %arg6[%parallel_loop3A_224] {strides = array<i32>} : memref<77568xf32, #tpu.memory_space<vmem>>, vector<16xf32>,
        %parallel_loop3A_226 = vector.shape_cast %parallel_loop3A_225 : vector<16xf32> to vector<16xf32>
        %parallel_loop3A_227 = arith.index_cast %parallel_loop3A_141 : i32 to index
        %parallel_loop3A_228 = arith.constant 112 : index
        %parallel_loop3A_229 = tpu.vector_load %arg9[%parallel_loop3A_227, %parallel_loop3A_228] {strides = array<i32>} : memref<16x768xf32, #tpu.memory_space<vmem>>, vector<1x16xf32>,
        %parallel_loop3A_230 = vector.shape_cast %parallel_loop3A_229 : vector<1x16xf32> to vector<16xf32>
        %parallel_loop3A_231 = vector.shape_cast %parallel_loop3A_226 : vector<16xf32> to vector<1x16xf32>
        tpu.vector_store %arg9[%parallel_loop3A_227, %parallel_loop3A_228], %parallel_loop3A_231 {add = true, strides = array<i32>} : memref<16x768xf32, #tpu.memory_space<vmem>>, vector<1x16xf32>,
        %parallel_loop3A_232 = arith.constant 128 : i32
        %parallel_loop3A_233 = arith.addi %parallel_loop3A_151, %parallel_loop3A_232 : i32
        %parallel_loop3A_234 = arith.index_cast %parallel_loop3A_233 : i32 to index
        %parallel_loop3A_235 = tpu.vector_load %arg6[%parallel_loop3A_234] {strides = array<i32>} : memref<77568xf32, #tpu.memory_space<vmem>>, vector<16xf32>,
        %parallel_loop3A_236 = vector.shape_cast %parallel_loop3A_235 : vector<16xf32> to vector<16xf32>
        %parallel_loop3A_237 = arith.index_cast %parallel_loop3A_141 : i32 to index
        %parallel_loop3A_238 = arith.constant 128 : index
        %parallel_loop3A_239 = tpu.vector_load %arg9[%parallel_loop3A_237, %parallel_loop3A_238] {strides = array<i32>} : memref<16x768xf32, #tpu.memory_space<vmem>>, vector<1x16xf32>,
        %parallel_loop3A_240 = vector.shape_cast %parallel_loop3A_239 : vector<1x16xf32> to vector<16xf32>
        %parallel_loop3A_241 = vector.shape_cast %parallel_loop3A_236 : vector<16xf32> to vector<1x16xf32>
        tpu.vector_store %arg9[%parallel_loop3A_237, %parallel_loop3A_238], %parallel_loop3A_241 {add = true, strides = array<i32>} : memref<16x768xf32, #tpu.memory_space<vmem>>, vector<1x16xf32>,
        %parallel_loop3A_242 = arith.constant 144 : i32
        %parallel_loop3A_243 = arith.addi %parallel_loop3A_151, %parallel_loop3A_242 : i32
        %parallel_loop3A_244 = arith.index_cast %parallel_loop3A_243 : i32 to index
        %parallel_loop3A_245 = tpu.vector_load %arg6[%parallel_loop3A_244] {strides = array<i32>} : memref<77568xf32, #tpu.memory_space<vmem>>, vector<16xf32>,
        %parallel_loop3A_246 = vector.shape_cast %parallel_loop3A_245 : vector<16xf32> to vector<16xf32>
        %parallel_loop3A_247 = arith.index_cast %parallel_loop3A_141 : i32 to index
        %parallel_loop3A_248 = arith.constant 144 : index
        %parallel_loop3A_249 = tpu.vector_load %arg9[%parallel_loop3A_247, %parallel_loop3A_248] {strides = array<i32>} : memref<16x768xf32, #tpu.memory_space<vmem>>, vector<1x16xf32>,
        %parallel_loop3A_250 = vector.shape_cast %parallel_loop3A_249 : vector<1x16xf32> to vector<16xf32>
        %parallel_loop3A_251 = vector.shape_cast %parallel_loop3A_246 : vector<16xf32> to vector<1x16xf32>
        tpu.vector_store %arg9[%parallel_loop3A_247, %parallel_loop3A_248], %parallel_loop3A_251 {add = true, strides = array<i32>} : memref<16x768xf32, #tpu.memory_space<vmem>>, vector<1x16xf32>,
        %parallel_loop3A_252 = arith.constant 160 : i32
        %parallel_loop3A_253 = arith.addi %parallel_loop3A_151, %parallel_loop3A_252 : i32
        %parallel_loop3A_254 = arith.index_cast %parallel_loop3A_253 : i32 to index
        %parallel_loop3A_255 = tpu.vector_load %arg6[%parallel_loop3A_254] {strides = array<i32>} : memref<77568xf32, #tpu.memory_space<vmem>>, vector<16xf32>,
        %parallel_loop3A_256 = vector.shape_cast %parallel_loop3A_255 : vector<16xf32> to vector<16xf32>
        %parallel_loop3A_257 = arith.index_cast %parallel_loop3A_141 : i32 to index
        %parallel_loop3A_258 = arith.constant 160 : index
        %parallel_loop3A_259 = tpu.vector_load %arg9[%parallel_loop3A_257, %parallel_loop3A_258] {strides = array<i32>} : memref<16x768xf32, #tpu.memory_space<vmem>>, vector<1x16xf32>,
        %parallel_loop3A_260 = vector.shape_cast %parallel_loop3A_259 : vector<1x16xf32> to vector<16xf32>
        %parallel_loop3A_261 = vector.shape_cast %parallel_loop3A_256 : vector<16xf32> to vector<1x16xf32>
        tpu.vector_store %arg9[%parallel_loop3A_257, %parallel_loop3A_258], %parallel_loop3A_261 {add = true, strides = array<i32>} : memref<16x768xf32, #tpu.memory_space<vmem>>, vector<1x16xf32>,
        %parallel_loop3A_262 = arith.constant 176 : i32
        %parallel_loop3A_263 = arith.addi %parallel_loop3A_151, %parallel_loop3A_262 : i32
        %parallel_loop3A_264 = arith.index_cast %parallel_loop3A_263 : i32 to index
        %parallel_loop3A_265 = tpu.vector_load %arg6[%parallel_loop3A_264] {strides = array<i32>} : memref<77568xf32, #tpu.memory_space<vmem>>, vector<16xf32>,
        %parallel_loop3A_266 = vector.shape_cast %parallel_loop3A_265 : vector<16xf32> to vector<16xf32>
        %parallel_loop3A_267 = arith.index_cast %parallel_loop3A_141 : i32 to index
        %parallel_loop3A_268 = arith.constant 176 : index
        %parallel_loop3A_269 = tpu.vector_load %arg9[%parallel_loop3A_267, %parallel_loop3A_268] {strides = array<i32>} : memref<16x768xf32, #tpu.memory_space<vmem>>, vector<1x16xf32>,
        %parallel_loop3A_270 = vector.shape_cast %parallel_loop3A_269 : vector<1x16xf32> to vector<16xf32>
        %parallel_loop3A_271 = vector.shape_cast %parallel_loop3A_266 : vector<16xf32> to vector<1x16xf32>
        tpu.vector_store %arg9[%parallel_loop3A_267, %parallel_loop3A_268], %parallel_loop3A_271 {add = true, strides = array<i32>} : memref<16x768xf32, #tpu.memory_space<vmem>>, vector<1x16xf32>,
        %parallel_loop3A_272 = arith.constant 192 : i32
        %parallel_loop3A_273 = arith.addi %parallel_loop3A_151, %parallel_loop3A_272 : i32
        %parallel_loop3A_274 = arith.index_cast %parallel_loop3A_273 : i32 to index
        %parallel_loop3A_275 = tpu.vector_load %arg6[%parallel_loop3A_274] {strides = array<i32>} : memref<77568xf32, #tpu.memory_space<vmem>>, vector<16xf32>,
        %parallel_loop3A_276 = vector.shape_cast %parallel_loop3A_275 : vector<16xf32> to vector<16xf32>
        %parallel_loop3A_277 = arith.index_cast %parallel_loop3A_141 : i32 to index
        %parallel_loop3A_278 = arith.constant 192 : index
        %parallel_loop3A_279 = tpu.vector_load %arg9[%parallel_loop3A_277, %parallel_loop3A_278] {strides = array<i32>} : memref<16x768xf32, #tpu.memory_space<vmem>>, vector<1x16xf32>,
        %parallel_loop3A_280 = vector.shape_cast %parallel_loop3A_279 : vector<1x16xf32> to vector<16xf32>
        %parallel_loop3A_281 = vector.shape_cast %parallel_loop3A_276 : vector<16xf32> to vector<1x16xf32>
        tpu.vector_store %arg9[%parallel_loop3A_277, %parallel_loop3A_278], %parallel_loop3A_281 {add = true, strides = array<i32>} : memref<16x768xf32, #tpu.memory_space<vmem>>, vector<1x16xf32>,
        %parallel_loop3A_282 = arith.constant 208 : i32
        %parallel_loop3A_283 = arith.addi %parallel_loop3A_151, %parallel_loop3A_282 : i32
        %parallel_loop3A_284 = arith.index_cast %parallel_loop3A_283 : i32 to index
        %parallel_loop3A_285 = tpu.vector_load %arg6[%parallel_loop3A_284] {strides = array<i32>} : memref<77568xf32, #tpu.memory_space<vmem>>, vector<16xf32>,
        %parallel_loop3A_286 = vector.shape_cast %parallel_loop3A_285 : vector<16xf32> to vector<16xf32>
        %parallel_loop3A_287 = arith.index_cast %parallel_loop3A_141 : i32 to index
        %parallel_loop3A_288 = arith.constant 208 : index
        %parallel_loop3A_289 = tpu.vector_load %arg9[%parallel_loop3A_287, %parallel_loop3A_288] {strides = array<i32>} : memref<16x768xf32, #tpu.memory_space<vmem>>, vector<1x16xf32>,
        %parallel_loop3A_290 = vector.shape_cast %parallel_loop3A_289 : vector<1x16xf32> to vector<16xf32>
        %parallel_loop3A_291 = vector.shape_cast %parallel_loop3A_286 : vector<16xf32> to vector<1x16xf32>
        tpu.vector_store %arg9[%parallel_loop3A_287, %parallel_loop3A_288], %parallel_loop3A_291 {add = true, strides = array<i32>} : memref<16x768xf32, #tpu.memory_space<vmem>>, vector<1x16xf32>,
        %parallel_loop3A_292 = arith.constant 224 : i32
        %parallel_loop3A_293 = arith.addi %parallel_loop3A_151, %parallel_loop3A_292 : i32
        %parallel_loop3A_294 = arith.index_cast %parallel_loop3A_293 : i32 to index
        %parallel_loop3A_295 = tpu.vector_load %arg6[%parallel_loop3A_294] {strides = array<i32>} : memref<77568xf32, #tpu.memory_space<vmem>>, vector<16xf32>,
        %parallel_loop3A_296 = vector.shape_cast %parallel_loop3A_295 : vector<16xf32> to vector<16xf32>
        %parallel_loop3A_297 = arith.index_cast %parallel_loop3A_141 : i32 to index
        %parallel_loop3A_298 = arith.constant 224 : index
        %parallel_loop3A_299 = tpu.vector_load %arg9[%parallel_loop3A_297, %parallel_loop3A_298] {strides = array<i32>} : memref<16x768xf32, #tpu.memory_space<vmem>>, vector<1x16xf32>,
        %parallel_loop3A_300 = vector.shape_cast %parallel_loop3A_299 : vector<1x16xf32> to vector<16xf32>
        %parallel_loop3A_301 = vector.shape_cast %parallel_loop3A_296 : vector<16xf32> to vector<1x16xf32>
        tpu.vector_store %arg9[%parallel_loop3A_297, %parallel_loop3A_298], %parallel_loop3A_301 {add = true, strides = array<i32>} : memref<16x768xf32, #tpu.memory_space<vmem>>, vector<1x16xf32>,
        %parallel_loop3A_302 = arith.constant 240 : i32
        %parallel_loop3A_303 = arith.addi %parallel_loop3A_151, %parallel_loop3A_302 : i32
        %parallel_loop3A_304 = arith.index_cast %parallel_loop3A_303 : i32 to index
        %parallel_loop3A_305 = tpu.vector_load %arg6[%parallel_loop3A_304] {strides = array<i32>} : memref<77568xf32, #tpu.memory_space<vmem>>, vector<16xf32>,
        %parallel_loop3A_306 = vector.shape_cast %parallel_loop3A_305 : vector<16xf32> to vector<16xf32>
        %parallel_loop3A_307 = arith.index_cast %parallel_loop3A_141 : i32 to index
        %parallel_loop3A_308 = arith.constant 240 : index
        %parallel_loop3A_309 = tpu.vector_load %arg9[%parallel_loop3A_307, %parallel_loop3A_308] {strides = array<i32>} : memref<16x768xf32, #tpu.memory_space<vmem>>, vector<1x16xf32>,
        %parallel_loop3A_310 = vector.shape_cast %parallel_loop3A_309 : vector<1x16xf32> to vector<16xf32>
        %parallel_loop3A_311 = vector.shape_cast %parallel_loop3A_306 : vector<16xf32> to vector<1x16xf32>
        tpu.vector_store %arg9[%parallel_loop3A_307, %parallel_loop3A_308], %parallel_loop3A_311 {add = true, strides = array<i32>} : memref<16x768xf32, #tpu.memory_space<vmem>>, vector<1x16xf32>,
        %parallel_loop3A_312 = arith.constant 256 : i32
        %parallel_loop3A_313 = arith.addi %parallel_loop3A_151, %parallel_loop3A_312 : i32
        %parallel_loop3A_314 = arith.index_cast %parallel_loop3A_313 : i32 to index
        %parallel_loop3A_315 = tpu.vector_load %arg6[%parallel_loop3A_314] {strides = array<i32>} : memref<77568xf32, #tpu.memory_space<vmem>>, vector<16xf32>,
        %parallel_loop3A_316 = vector.shape_cast %parallel_loop3A_315 : vector<16xf32> to vector<16xf32>
        %parallel_loop3A_317 = arith.index_cast %parallel_loop3A_141 : i32 to index
        %parallel_loop3A_318 = arith.constant 256 : index
        %parallel_loop3A_319 = tpu.vector_load %arg9[%parallel_loop3A_317, %parallel_loop3A_318] {strides = array<i32>} : memref<16x768xf32, #tpu.memory_space<vmem>>, vector<1x16xf32>,
        %parallel_loop3A_320 = vector.shape_cast %parallel_loop3A_319 : vector<1x16xf32> to vector<16xf32>
        %parallel_loop3A_321 = vector.shape_cast %parallel_loop3A_316 : vector<16xf32> to vector<1x16xf32>
        tpu.vector_store %arg9[%parallel_loop3A_317, %parallel_loop3A_318], %parallel_loop3A_321 {add = true, strides = array<i32>} : memref<16x768xf32, #tpu.memory_space<vmem>>, vector<1x16xf32>,
        %parallel_loop3A_322 = arith.constant 272 : i32
        %parallel_loop3A_323 = arith.addi %parallel_loop3A_151, %parallel_loop3A_322 : i32
        %parallel_loop3A_324 = arith.index_cast %parallel_loop3A_323 : i32 to index
        %parallel_loop3A_325 = tpu.vector_load %arg6[%parallel_loop3A_324] {strides = array<i32>} : memref<77568xf32, #tpu.memory_space<vmem>>, vector<16xf32>,
        %parallel_loop3A_326 = vector.shape_cast %parallel_loop3A_325 : vector<16xf32> to vector<16xf32>
        %parallel_loop3A_327 = arith.index_cast %parallel_loop3A_141 : i32 to index
        %parallel_loop3A_328 = arith.constant 272 : index
        %parallel_loop3A_329 = tpu.vector_load %arg9[%parallel_loop3A_327, %parallel_loop3A_328] {strides = array<i32>} : memref<16x768xf32, #tpu.memory_space<vmem>>, vector<1x16xf32>,
        %parallel_loop3A_330 = vector.shape_cast %parallel_loop3A_329 : vector<1x16xf32> to vector<16xf32>
        %parallel_loop3A_331 = vector.shape_cast %parallel_loop3A_326 : vector<16xf32> to vector<1x16xf32>
        tpu.vector_store %arg9[%parallel_loop3A_327, %parallel_loop3A_328], %parallel_loop3A_331 {add = true, strides = array<i32>} : memref<16x768xf32, #tpu.memory_space<vmem>>, vector<1x16xf32>,
        %parallel_loop3A_332 = arith.constant 288 : i32
        %parallel_loop3A_333 = arith.addi %parallel_loop3A_151, %parallel_loop3A_332 : i32
        %parallel_loop3A_334 = arith.index_cast %parallel_loop3A_333 : i32 to index
        %parallel_loop3A_335 = tpu.vector_load %arg6[%parallel_loop3A_334] {strides = array<i32>} : memref<77568xf32, #tpu.memory_space<vmem>>, vector<16xf32>,
        %parallel_loop3A_336 = vector.shape_cast %parallel_loop3A_335 : vector<16xf32> to vector<16xf32>
        %parallel_loop3A_337 = arith.index_cast %parallel_loop3A_141 : i32 to index
        %parallel_loop3A_338 = arith.constant 288 : index
        %parallel_loop3A_339 = tpu.vector_load %arg9[%parallel_loop3A_337, %parallel_loop3A_338] {strides = array<i32>} : memref<16x768xf32, #tpu.memory_space<vmem>>, vector<1x16xf32>,
        %parallel_loop3A_340 = vector.shape_cast %parallel_loop3A_339 : vector<1x16xf32> to vector<16xf32>
        %parallel_loop3A_341 = vector.shape_cast %parallel_loop3A_336 : vector<16xf32> to vector<1x16xf32>
        tpu.vector_store %arg9[%parallel_loop3A_337, %parallel_loop3A_338], %parallel_loop3A_341 {add = true, strides = array<i32>} : memref<16x768xf32, #tpu.memory_space<vmem>>, vector<1x16xf32>,
        %parallel_loop3A_342 = arith.constant 304 : i32
        %parallel_loop3A_343 = arith.addi %parallel_loop3A_151, %parallel_loop3A_342 : i32
        %parallel_loop3A_344 = arith.index_cast %parallel_loop3A_343 : i32 to index
        %parallel_loop3A_345 = tpu.vector_load %arg6[%parallel_loop3A_344] {strides = array<i32>} : memref<77568xf32, #tpu.memory_space<vmem>>, vector<16xf32>,
        %parallel_loop3A_346 = vector.shape_cast %parallel_loop3A_345 : vector<16xf32> to vector<16xf32>
        %parallel_loop3A_347 = arith.index_cast %parallel_loop3A_141 : i32 to index
        %parallel_loop3A_348 = arith.constant 304 : index
        %parallel_loop3A_349 = tpu.vector_load %arg9[%parallel_loop3A_347, %parallel_loop3A_348] {strides = array<i32>} : memref<16x768xf32, #tpu.memory_space<vmem>>, vector<1x16xf32>,
        %parallel_loop3A_350 = vector.shape_cast %parallel_loop3A_349 : vector<1x16xf32> to vector<16xf32>
        %parallel_loop3A_351 = vector.shape_cast %parallel_loop3A_346 : vector<16xf32> to vector<1x16xf32>
        tpu.vector_store %arg9[%parallel_loop3A_347, %parallel_loop3A_348], %parallel_loop3A_351 {add = true, strides = array<i32>} : memref<16x768xf32, #tpu.memory_space<vmem>>, vector<1x16xf32>,
        %parallel_loop3A_352 = arith.constant 320 : i32
        %parallel_loop3A_353 = arith.addi %parallel_loop3A_151, %parallel_loop3A_352 : i32
        %parallel_loop3A_354 = arith.index_cast %parallel_loop3A_353 : i32 to index
        %parallel_loop3A_355 = tpu.vector_load %arg6[%parallel_loop3A_354] {strides = array<i32>} : memref<77568xf32, #tpu.memory_space<vmem>>, vector<16xf32>,
        %parallel_loop3A_356 = vector.shape_cast %parallel_loop3A_355 : vector<16xf32> to vector<16xf32>
        %parallel_loop3A_357 = arith.index_cast %parallel_loop3A_141 : i32 to index
        %parallel_loop3A_358 = arith.constant 320 : index
        %parallel_loop3A_359 = tpu.vector_load %arg9[%parallel_loop3A_357, %parallel_loop3A_358] {strides = array<i32>} : memref<16x768xf32, #tpu.memory_space<vmem>>, vector<1x16xf32>,
        %parallel_loop3A_360 = vector.shape_cast %parallel_loop3A_359 : vector<1x16xf32> to vector<16xf32>
        %parallel_loop3A_361 = vector.shape_cast %parallel_loop3A_356 : vector<16xf32> to vector<1x16xf32>
        tpu.vector_store %arg9[%parallel_loop3A_357, %parallel_loop3A_358], %parallel_loop3A_361 {add = true, strides = array<i32>} : memref<16x768xf32, #tpu.memory_space<vmem>>, vector<1x16xf32>,
        %parallel_loop3A_362 = arith.constant 336 : i32
        %parallel_loop3A_363 = arith.addi %parallel_loop3A_151, %parallel_loop3A_362 : i32
        %parallel_loop3A_364 = arith.index_cast %parallel_loop3A_363 : i32 to index
        %parallel_loop3A_365 = tpu.vector_load %arg6[%parallel_loop3A_364] {strides = array<i32>} : memref<77568xf32, #tpu.memory_space<vmem>>, vector<16xf32>,
        %parallel_loop3A_366 = vector.shape_cast %parallel_loop3A_365 : vector<16xf32> to vector<16xf32>
        %parallel_loop3A_367 = arith.index_cast %parallel_loop3A_141 : i32 to index
        %parallel_loop3A_368 = arith.constant 336 : index
        %parallel_loop3A_369 = tpu.vector_load %arg9[%parallel_loop3A_367, %parallel_loop3A_368] {strides = array<i32>} : memref<16x768xf32, #tpu.memory_space<vmem>>, vector<1x16xf32>,
        %parallel_loop3A_370 = vector.shape_cast %parallel_loop3A_369 : vector<1x16xf32> to vector<16xf32>
        %parallel_loop3A_371 = vector.shape_cast %parallel_loop3A_366 : vector<16xf32> to vector<1x16xf32>
        tpu.vector_store %arg9[%parallel_loop3A_367, %parallel_loop3A_368], %parallel_loop3A_371 {add = true, strides = array<i32>} : memref<16x768xf32, #tpu.memory_space<vmem>>, vector<1x16xf32>,
        %parallel_loop3A_372 = arith.constant 352 : i32
        %parallel_loop3A_373 = arith.addi %parallel_loop3A_151, %parallel_loop3A_372 : i32
        %parallel_loop3A_374 = arith.index_cast %parallel_loop3A_373 : i32 to index
        %parallel_loop3A_375 = tpu.vector_load %arg6[%parallel_loop3A_374] {strides = array<i32>} : memref<77568xf32, #tpu.memory_space<vmem>>, vector<16xf32>,
        %parallel_loop3A_376 = vector.shape_cast %parallel_loop3A_375 : vector<16xf32> to vector<16xf32>
        %parallel_loop3A_377 = arith.index_cast %parallel_loop3A_141 : i32 to index
        %parallel_loop3A_378 = arith.constant 352 : index
        %parallel_loop3A_379 = tpu.vector_load %arg9[%parallel_loop3A_377, %parallel_loop3A_378] {strides = array<i32>} : memref<16x768xf32, #tpu.memory_space<vmem>>, vector<1x16xf32>,
        %parallel_loop3A_380 = vector.shape_cast %parallel_loop3A_379 : vector<1x16xf32> to vector<16xf32>
        %parallel_loop3A_381 = vector.shape_cast %parallel_loop3A_376 : vector<16xf32> to vector<1x16xf32>
        tpu.vector_store %arg9[%parallel_loop3A_377, %parallel_loop3A_378], %parallel_loop3A_381 {add = true, strides = array<i32>} : memref<16x768xf32, #tpu.memory_space<vmem>>, vector<1x16xf32>,
        %parallel_loop3A_382 = arith.constant 368 : i32
        %parallel_loop3A_383 = arith.addi %parallel_loop3A_151, %parallel_loop3A_382 : i32
        %parallel_loop3A_384 = arith.index_cast %parallel_loop3A_383 : i32 to index
        %parallel_loop3A_385 = tpu.vector_load %arg6[%parallel_loop3A_384] {strides = array<i32>} : memref<77568xf32, #tpu.memory_space<vmem>>, vector<16xf32>,
        %parallel_loop3A_386 = vector.shape_cast %parallel_loop3A_385 : vector<16xf32> to vector<16xf32>
        %parallel_loop3A_387 = arith.index_cast %parallel_loop3A_141 : i32 to index
        %parallel_loop3A_388 = arith.constant 368 : index
        %parallel_loop3A_389 = tpu.vector_load %arg9[%parallel_loop3A_387, %parallel_loop3A_388] {strides = array<i32>} : memref<16x768xf32, #tpu.memory_space<vmem>>, vector<1x16xf32>,
        %parallel_loop3A_390 = vector.shape_cast %parallel_loop3A_389 : vector<1x16xf32> to vector<16xf32>
        %parallel_loop3A_391 = vector.shape_cast %parallel_loop3A_386 : vector<16xf32> to vector<1x16xf32>
        tpu.vector_store %arg9[%parallel_loop3A_387, %parallel_loop3A_388], %parallel_loop3A_391 {add = true, strides = array<i32>} : memref<16x768xf32, #tpu.memory_space<vmem>>, vector<1x16xf32>,
        %parallel_loop3A_392 = arith.constant 384 : i32
        %parallel_loop3A_393 = arith.addi %parallel_loop3A_151, %parallel_loop3A_392 : i32
        %parallel_loop3A_394 = arith.index_cast %parallel_loop3A_393 : i32 to index
        %parallel_loop3A_395 = tpu.vector_load %arg6[%parallel_loop3A_394] {strides = array<i32>} : memref<77568xf32, #tpu.memory_space<vmem>>, vector<16xf32>,
        %parallel_loop3A_396 = vector.shape_cast %parallel_loop3A_395 : vector<16xf32> to vector<16xf32>
        %parallel_loop3A_397 = arith.index_cast %parallel_loop3A_141 : i32 to index
        %parallel_loop3A_398 = arith.constant 384 : index
        %parallel_loop3A_399 = tpu.vector_load %arg9[%parallel_loop3A_397, %parallel_loop3A_398] {strides = array<i32>} : memref<16x768xf32, #tpu.memory_space<vmem>>, vector<1x16xf32>,
        %parallel_loop3A_400 = vector.shape_cast %parallel_loop3A_399 : vector<1x16xf32> to vector<16xf32>
        %parallel_loop3A_401 = vector.shape_cast %parallel_loop3A_396 : vector<16xf32> to vector<1x16xf32>
        tpu.vector_store %arg9[%parallel_loop3A_397, %parallel_loop3A_398], %parallel_loop3A_401 {add = true, strides = array<i32>} : memref<16x768xf32, #tpu.memory_space<vmem>>, vector<1x16xf32>,
        %parallel_loop3A_402 = arith.constant 400 : i32
        %parallel_loop3A_403 = arith.addi %parallel_loop3A_151, %parallel_loop3A_402 : i32
        %parallel_loop3A_404 = arith.index_cast %parallel_loop3A_403 : i32 to index
        %parallel_loop3A_405 = tpu.vector_load %arg6[%parallel_loop3A_404] {strides = array<i32>} : memref<77568xf32, #tpu.memory_space<vmem>>, vector<16xf32>,
        %parallel_loop3A_406 = vector.shape_cast %parallel_loop3A_405 : vector<16xf32> to vector<16xf32>
        %parallel_loop3A_407 = arith.index_cast %parallel_loop3A_141 : i32 to index
        %parallel_loop3A_408 = arith.constant 400 : index
        %parallel_loop3A_409 = tpu.vector_load %arg9[%parallel_loop3A_407, %parallel_loop3A_408] {strides = array<i32>} : memref<16x768xf32, #tpu.memory_space<vmem>>, vector<1x16xf32>,
        %parallel_loop3A_410 = vector.shape_cast %parallel_loop3A_409 : vector<1x16xf32> to vector<16xf32>
        %parallel_loop3A_411 = vector.shape_cast %parallel_loop3A_406 : vector<16xf32> to vector<1x16xf32>
        tpu.vector_store %arg9[%parallel_loop3A_407, %parallel_loop3A_408], %parallel_loop3A_411 {add = true, strides = array<i32>} : memref<16x768xf32, #tpu.memory_space<vmem>>, vector<1x16xf32>,
        %parallel_loop3A_412 = arith.constant 416 : i32
        %parallel_loop3A_413 = arith.addi %parallel_loop3A_151, %parallel_loop3A_412 : i32
        %parallel_loop3A_414 = arith.index_cast %parallel_loop3A_413 : i32 to index
        %parallel_loop3A_415 = tpu.vector_load %arg6[%parallel_loop3A_414] {strides = array<i32>} : memref<77568xf32, #tpu.memory_space<vmem>>, vector<16xf32>,
        %parallel_loop3A_416 = vector.shape_cast %parallel_loop3A_415 : vector<16xf32> to vector<16xf32>
        %parallel_loop3A_417 = arith.index_cast %parallel_loop3A_141 : i32 to index
        %parallel_loop3A_418 = arith.constant 416 : index
        %parallel_loop3A_419 = tpu.vector_load %arg9[%parallel_loop3A_417, %parallel_loop3A_418] {strides = array<i32>} : memref<16x768xf32, #tpu.memory_space<vmem>>, vector<1x16xf32>,
        %parallel_loop3A_420 = vector.shape_cast %parallel_loop3A_419 : vector<1x16xf32> to vector<16xf32>
        %parallel_loop3A_421 = vector.shape_cast %parallel_loop3A_416 : vector<16xf32> to vector<1x16xf32>
        tpu.vector_store %arg9[%parallel_loop3A_417, %parallel_loop3A_418], %parallel_loop3A_421 {add = true, strides = array<i32>} : memref<16x768xf32, #tpu.memory_space<vmem>>, vector<1x16xf32>,
        %parallel_loop3A_422 = arith.constant 432 : i32
        %parallel_loop3A_423 = arith.addi %parallel_loop3A_151, %parallel_loop3A_422 : i32
        %parallel_loop3A_424 = arith.index_cast %parallel_loop3A_423 : i32 to index
        %parallel_loop3A_425 = tpu.vector_load %arg6[%parallel_loop3A_424] {strides = array<i32>} : memref<77568xf32, #tpu.memory_space<vmem>>, vector<16xf32>,
        %parallel_loop3A_426 = vector.shape_cast %parallel_loop3A_425 : vector<16xf32> to vector<16xf32>
        %parallel_loop3A_427 = arith.index_cast %parallel_loop3A_141 : i32 to index
        %parallel_loop3A_428 = arith.constant 432 : index
        %parallel_loop3A_429 = tpu.vector_load %arg9[%parallel_loop3A_427, %parallel_loop3A_428] {strides = array<i32>} : memref<16x768xf32, #tpu.memory_space<vmem>>, vector<1x16xf32>,
        %parallel_loop3A_430 = vector.shape_cast %parallel_loop3A_429 : vector<1x16xf32> to vector<16xf32>
        %parallel_loop3A_431 = vector.shape_cast %parallel_loop3A_426 : vector<16xf32> to vector<1x16xf32>
        tpu.vector_store %arg9[%parallel_loop3A_427, %parallel_loop3A_428], %parallel_loop3A_431 {add = true, strides = array<i32>} : memref<16x768xf32, #tpu.memory_space<vmem>>, vector<1x16xf32>,
        %parallel_loop3A_432 = arith.constant 448 : i32
        %parallel_loop3A_433 = arith.addi %parallel_loop3A_151, %parallel_loop3A_432 : i32
        %parallel_loop3A_434 = arith.index_cast %parallel_loop3A_433 : i32 to index
        %parallel_loop3A_435 = tpu.vector_load %arg6[%parallel_loop3A_434] {strides = array<i32>} : memref<77568xf32, #tpu.memory_space<vmem>>, vector<16xf32>,
        %parallel_loop3A_436 = vector.shape_cast %parallel_loop3A_435 : vector<16xf32> to vector<16xf32>
        %parallel_loop3A_437 = arith.index_cast %parallel_loop3A_141 : i32 to index
        %parallel_loop3A_438 = arith.constant 448 : index
        %parallel_loop3A_439 = tpu.vector_load %arg9[%parallel_loop3A_437, %parallel_loop3A_438] {strides = array<i32>} : memref<16x768xf32, #tpu.memory_space<vmem>>, vector<1x16xf32>,
        %parallel_loop3A_440 = vector.shape_cast %parallel_loop3A_439 : vector<1x16xf32> to vector<16xf32>
        %parallel_loop3A_441 = vector.shape_cast %parallel_loop3A_436 : vector<16xf32> to vector<1x16xf32>
        tpu.vector_store %arg9[%parallel_loop3A_437, %parallel_loop3A_438], %parallel_loop3A_441 {add = true, strides = array<i32>} : memref<16x768xf32, #tpu.memory_space<vmem>>, vector<1x16xf32>,
        %parallel_loop3A_442 = arith.constant 464 : i32
        %parallel_loop3A_443 = arith.addi %parallel_loop3A_151, %parallel_loop3A_442 : i32
        %parallel_loop3A_444 = arith.index_cast %parallel_loop3A_443 : i32 to index
        %parallel_loop3A_445 = tpu.vector_load %arg6[%parallel_loop3A_444] {strides = array<i32>} : memref<77568xf32, #tpu.memory_space<vmem>>, vector<16xf32>,
        %parallel_loop3A_446 = vector.shape_cast %parallel_loop3A_445 : vector<16xf32> to vector<16xf32>
        %parallel_loop3A_447 = arith.index_cast %parallel_loop3A_141 : i32 to index
        %parallel_loop3A_448 = arith.constant 464 : index
        %parallel_loop3A_449 = tpu.vector_load %arg9[%parallel_loop3A_447, %parallel_loop3A_448] {strides = array<i32>} : memref<16x768xf32, #tpu.memory_space<vmem>>, vector<1x16xf32>,
        %parallel_loop3A_450 = vector.shape_cast %parallel_loop3A_449 : vector<1x16xf32> to vector<16xf32>
        %parallel_loop3A_451 = vector.shape_cast %parallel_loop3A_446 : vector<16xf32> to vector<1x16xf32>
        tpu.vector_store %arg9[%parallel_loop3A_447, %parallel_loop3A_448], %parallel_loop3A_451 {add = true, strides = array<i32>} : memref<16x768xf32, #tpu.memory_space<vmem>>, vector<1x16xf32>,
        %parallel_loop3A_452 = arith.constant 480 : i32
        %parallel_loop3A_453 = arith.addi %parallel_loop3A_151, %parallel_loop3A_452 : i32
        %parallel_loop3A_454 = arith.index_cast %parallel_loop3A_453 : i32 to index
        %parallel_loop3A_455 = tpu.vector_load %arg6[%parallel_loop3A_454] {strides = array<i32>} : memref<77568xf32, #tpu.memory_space<vmem>>, vector<16xf32>,
        %parallel_loop3A_456 = vector.shape_cast %parallel_loop3A_455 : vector<16xf32> to vector<16xf32>
        %parallel_loop3A_457 = arith.index_cast %parallel_loop3A_141 : i32 to index
        %parallel_loop3A_458 = arith.constant 480 : index
        %parallel_loop3A_459 = tpu.vector_load %arg9[%parallel_loop3A_457, %parallel_loop3A_458] {strides = array<i32>} : memref<16x768xf32, #tpu.memory_space<vmem>>, vector<1x16xf32>,
        %parallel_loop3A_460 = vector.shape_cast %parallel_loop3A_459 : vector<1x16xf32> to vector<16xf32>
        %parallel_loop3A_461 = vector.shape_cast %parallel_loop3A_456 : vector<16xf32> to vector<1x16xf32>
        tpu.vector_store %arg9[%parallel_loop3A_457, %parallel_loop3A_458], %parallel_loop3A_461 {add = true, strides = array<i32>} : memref<16x768xf32, #tpu.memory_space<vmem>>, vector<1x16xf32>,
        %parallel_loop3A_462 = arith.constant 496 : i32
        %parallel_loop3A_463 = arith.addi %parallel_loop3A_151, %parallel_loop3A_462 : i32
        %parallel_loop3A_464 = arith.index_cast %parallel_loop3A_463 : i32 to index
        %parallel_loop3A_465 = tpu.vector_load %arg6[%parallel_loop3A_464] {strides = array<i32>} : memref<77568xf32, #tpu.memory_space<vmem>>, vector<16xf32>,
        %parallel_loop3A_466 = vector.shape_cast %parallel_loop3A_465 : vector<16xf32> to vector<16xf32>
        %parallel_loop3A_467 = arith.index_cast %parallel_loop3A_141 : i32 to index
        %parallel_loop3A_468 = arith.constant 496 : index
        %parallel_loop3A_469 = tpu.vector_load %arg9[%parallel_loop3A_467, %parallel_loop3A_468] {strides = array<i32>} : memref<16x768xf32, #tpu.memory_space<vmem>>, vector<1x16xf32>,
        %parallel_loop3A_470 = vector.shape_cast %parallel_loop3A_469 : vector<1x16xf32> to vector<16xf32>
        %parallel_loop3A_471 = vector.shape_cast %parallel_loop3A_466 : vector<16xf32> to vector<1x16xf32>
        tpu.vector_store %arg9[%parallel_loop3A_467, %parallel_loop3A_468], %parallel_loop3A_471 {add = true, strides = array<i32>} : memref<16x768xf32, #tpu.memory_space<vmem>>, vector<1x16xf32>,
        %parallel_loop3A_472 = arith.constant 512 : i32
        %parallel_loop3A_473 = arith.addi %parallel_loop3A_151, %parallel_loop3A_472 : i32
        %parallel_loop3A_474 = arith.index_cast %parallel_loop3A_473 : i32 to index
        %parallel_loop3A_475 = tpu.vector_load %arg6[%parallel_loop3A_474] {strides = array<i32>} : memref<77568xf32, #tpu.memory_space<vmem>>, vector<16xf32>,
        %parallel_loop3A_476 = vector.shape_cast %parallel_loop3A_475 : vector<16xf32> to vector<16xf32>
        %parallel_loop3A_477 = arith.index_cast %parallel_loop3A_141 : i32 to index
        %parallel_loop3A_478 = arith.constant 512 : index
        %parallel_loop3A_479 = tpu.vector_load %arg9[%parallel_loop3A_477, %parallel_loop3A_478] {strides = array<i32>} : memref<16x768xf32, #tpu.memory_space<vmem>>, vector<1x16xf32>,
        %parallel_loop3A_480 = vector.shape_cast %parallel_loop3A_479 : vector<1x16xf32> to vector<16xf32>
        %parallel_loop3A_481 = vector.shape_cast %parallel_loop3A_476 : vector<16xf32> to vector<1x16xf32>
        tpu.vector_store %arg9[%parallel_loop3A_477, %parallel_loop3A_478], %parallel_loop3A_481 {add = true, strides = array<i32>} : memref<16x768xf32, #tpu.memory_space<vmem>>, vector<1x16xf32>,
        %parallel_loop3A_482 = arith.constant 528 : i32
        %parallel_loop3A_483 = arith.addi %parallel_loop3A_151, %parallel_loop3A_482 : i32
        %parallel_loop3A_484 = arith.index_cast %parallel_loop3A_483 : i32 to index
        %parallel_loop3A_485 = tpu.vector_load %arg6[%parallel_loop3A_484] {strides = array<i32>} : memref<77568xf32, #tpu.memory_space<vmem>>, vector<16xf32>,
        %parallel_loop3A_486 = vector.shape_cast %parallel_loop3A_485 : vector<16xf32> to vector<16xf32>
        %parallel_loop3A_487 = arith.index_cast %parallel_loop3A_141 : i32 to index
        %parallel_loop3A_488 = arith.constant 528 : index
        %parallel_loop3A_489 = tpu.vector_load %arg9[%parallel_loop3A_487, %parallel_loop3A_488] {strides = array<i32>} : memref<16x768xf32, #tpu.memory_space<vmem>>, vector<1x16xf32>,
        %parallel_loop3A_490 = vector.shape_cast %parallel_loop3A_489 : vector<1x16xf32> to vector<16xf32>
        %parallel_loop3A_491 = vector.shape_cast %parallel_loop3A_486 : vector<16xf32> to vector<1x16xf32>
        tpu.vector_store %arg9[%parallel_loop3A_487, %parallel_loop3A_488], %parallel_loop3A_491 {add = true, strides = array<i32>} : memref<16x768xf32, #tpu.memory_space<vmem>>, vector<1x16xf32>,
        %parallel_loop3A_492 = arith.constant 544 : i32
        %parallel_loop3A_493 = arith.addi %parallel_loop3A_151, %parallel_loop3A_492 : i32
        %parallel_loop3A_494 = arith.index_cast %parallel_loop3A_493 : i32 to index
        %parallel_loop3A_495 = tpu.vector_load %arg6[%parallel_loop3A_494] {strides = array<i32>} : memref<77568xf32, #tpu.memory_space<vmem>>, vector<16xf32>,
        %parallel_loop3A_496 = vector.shape_cast %parallel_loop3A_495 : vector<16xf32> to vector<16xf32>
        %parallel_loop3A_497 = arith.index_cast %parallel_loop3A_141 : i32 to index
        %parallel_loop3A_498 = arith.constant 544 : index
        %parallel_loop3A_499 = tpu.vector_load %arg9[%parallel_loop3A_497, %parallel_loop3A_498] {strides = array<i32>} : memref<16x768xf32, #tpu.memory_space<vmem>>, vector<1x16xf32>,
        %parallel_loop3A_500 = vector.shape_cast %parallel_loop3A_499 : vector<1x16xf32> to vector<16xf32>
        %parallel_loop3A_501 = vector.shape_cast %parallel_loop3A_496 : vector<16xf32> to vector<1x16xf32>
        tpu.vector_store %arg9[%parallel_loop3A_497, %parallel_loop3A_498], %parallel_loop3A_501 {add = true, strides = array<i32>} : memref<16x768xf32, #tpu.memory_space<vmem>>, vector<1x16xf32>,
        %parallel_loop3A_502 = arith.constant 560 : i32
        %parallel_loop3A_503 = arith.addi %parallel_loop3A_151, %parallel_loop3A_502 : i32
        %parallel_loop3A_504 = arith.index_cast %parallel_loop3A_503 : i32 to index
        %parallel_loop3A_505 = tpu.vector_load %arg6[%parallel_loop3A_504] {strides = array<i32>} : memref<77568xf32, #tpu.memory_space<vmem>>, vector<16xf32>,
        %parallel_loop3A_506 = vector.shape_cast %parallel_loop3A_505 : vector<16xf32> to vector<16xf32>
        %parallel_loop3A_507 = arith.index_cast %parallel_loop3A_141 : i32 to index
        %parallel_loop3A_508 = arith.constant 560 : index
        %parallel_loop3A_509 = tpu.vector_load %arg9[%parallel_loop3A_507, %parallel_loop3A_508] {strides = array<i32>} : memref<16x768xf32, #tpu.memory_space<vmem>>, vector<1x16xf32>,
        %parallel_loop3A_510 = vector.shape_cast %parallel_loop3A_509 : vector<1x16xf32> to vector<16xf32>
        %parallel_loop3A_511 = vector.shape_cast %parallel_loop3A_506 : vector<16xf32> to vector<1x16xf32>
        tpu.vector_store %arg9[%parallel_loop3A_507, %parallel_loop3A_508], %parallel_loop3A_511 {add = true, strides = array<i32>} : memref<16x768xf32, #tpu.memory_space<vmem>>, vector<1x16xf32>,
        %parallel_loop3A_512 = arith.constant 576 : i32
        %parallel_loop3A_513 = arith.addi %parallel_loop3A_151, %parallel_loop3A_512 : i32
        %parallel_loop3A_514 = arith.index_cast %parallel_loop3A_513 : i32 to index
        %parallel_loop3A_515 = tpu.vector_load %arg6[%parallel_loop3A_514] {strides = array<i32>} : memref<77568xf32, #tpu.memory_space<vmem>>, vector<16xf32>,
        %parallel_loop3A_516 = vector.shape_cast %parallel_loop3A_515 : vector<16xf32> to vector<16xf32>
        %parallel_loop3A_517 = arith.index_cast %parallel_loop3A_141 : i32 to index
        %parallel_loop3A_518 = arith.constant 576 : index
        %parallel_loop3A_519 = tpu.vector_load %arg9[%parallel_loop3A_517, %parallel_loop3A_518] {strides = array<i32>} : memref<16x768xf32, #tpu.memory_space<vmem>>, vector<1x16xf32>,
        %parallel_loop3A_520 = vector.shape_cast %parallel_loop3A_519 : vector<1x16xf32> to vector<16xf32>
        %parallel_loop3A_521 = vector.shape_cast %parallel_loop3A_516 : vector<16xf32> to vector<1x16xf32>
        tpu.vector_store %arg9[%parallel_loop3A_517, %parallel_loop3A_518], %parallel_loop3A_521 {add = true, strides = array<i32>} : memref<16x768xf32, #tpu.memory_space<vmem>>, vector<1x16xf32>,
        %parallel_loop3A_522 = arith.constant 592 : i32
        %parallel_loop3A_523 = arith.addi %parallel_loop3A_151, %parallel_loop3A_522 : i32
        %parallel_loop3A_524 = arith.index_cast %parallel_loop3A_523 : i32 to index
        %parallel_loop3A_525 = tpu.vector_load %arg6[%parallel_loop3A_524] {strides = array<i32>} : memref<77568xf32, #tpu.memory_space<vmem>>, vector<16xf32>,
        %parallel_loop3A_526 = vector.shape_cast %parallel_loop3A_525 : vector<16xf32> to vector<16xf32>
        %parallel_loop3A_527 = arith.index_cast %parallel_loop3A_141 : i32 to index
        %parallel_loop3A_528 = arith.constant 592 : index
        %parallel_loop3A_529 = tpu.vector_load %arg9[%parallel_loop3A_527, %parallel_loop3A_528] {strides = array<i32>} : memref<16x768xf32, #tpu.memory_space<vmem>>, vector<1x16xf32>,
        %parallel_loop3A_530 = vector.shape_cast %parallel_loop3A_529 : vector<1x16xf32> to vector<16xf32>
        %parallel_loop3A_531 = vector.shape_cast %parallel_loop3A_526 : vector<16xf32> to vector<1x16xf32>
        tpu.vector_store %arg9[%parallel_loop3A_527, %parallel_loop3A_528], %parallel_loop3A_531 {add = true, strides = array<i32>} : memref<16x768xf32, #tpu.memory_space<vmem>>, vector<1x16xf32>,
        %parallel_loop3A_532 = arith.constant 608 : i32
        %parallel_loop3A_533 = arith.addi %parallel_loop3A_151, %parallel_loop3A_532 : i32
        %parallel_loop3A_534 = arith.index_cast %parallel_loop3A_533 : i32 to index
        %parallel_loop3A_535 = tpu.vector_load %arg6[%parallel_loop3A_534] {strides = array<i32>} : memref<77568xf32, #tpu.memory_space<vmem>>, vector<16xf32>,
        %parallel_loop3A_536 = vector.shape_cast %parallel_loop3A_535 : vector<16xf32> to vector<16xf32>
        %parallel_loop3A_537 = arith.index_cast %parallel_loop3A_141 : i32 to index
        %parallel_loop3A_538 = arith.constant 608 : index
        %parallel_loop3A_539 = tpu.vector_load %arg9[%parallel_loop3A_537, %parallel_loop3A_538] {strides = array<i32>} : memref<16x768xf32, #tpu.memory_space<vmem>>, vector<1x16xf32>,
        %parallel_loop3A_540 = vector.shape_cast %parallel_loop3A_539 : vector<1x16xf32> to vector<16xf32>
        %parallel_loop3A_541 = vector.shape_cast %parallel_loop3A_536 : vector<16xf32> to vector<1x16xf32>
        tpu.vector_store %arg9[%parallel_loop3A_537, %parallel_loop3A_538], %parallel_loop3A_541 {add = true, strides = array<i32>} : memref<16x768xf32, #tpu.memory_space<vmem>>, vector<1x16xf32>,
        %parallel_loop3A_542 = arith.constant 624 : i32
        %parallel_loop3A_543 = arith.addi %parallel_loop3A_151, %parallel_loop3A_542 : i32
        %parallel_loop3A_544 = arith.index_cast %parallel_loop3A_543 : i32 to index
        %parallel_loop3A_545 = tpu.vector_load %arg6[%parallel_loop3A_544] {strides = array<i32>} : memref<77568xf32, #tpu.memory_space<vmem>>, vector<16xf32>,
        %parallel_loop3A_546 = vector.shape_cast %parallel_loop3A_545 : vector<16xf32> to vector<16xf32>
        %parallel_loop3A_547 = arith.index_cast %parallel_loop3A_141 : i32 to index
        %parallel_loop3A_548 = arith.constant 624 : index
        %parallel_loop3A_549 = tpu.vector_load %arg9[%parallel_loop3A_547, %parallel_loop3A_548] {strides = array<i32>} : memref<16x768xf32, #tpu.memory_space<vmem>>, vector<1x16xf32>,
        %parallel_loop3A_550 = vector.shape_cast %parallel_loop3A_549 : vector<1x16xf32> to vector<16xf32>
        %parallel_loop3A_551 = vector.shape_cast %parallel_loop3A_546 : vector<16xf32> to vector<1x16xf32>
        tpu.vector_store %arg9[%parallel_loop3A_547, %parallel_loop3A_548], %parallel_loop3A_551 {add = true, strides = array<i32>} : memref<16x768xf32, #tpu.memory_space<vmem>>, vector<1x16xf32>,
        %parallel_loop3A_552 = arith.constant 640 : i32
        %parallel_loop3A_553 = arith.addi %parallel_loop3A_151, %parallel_loop3A_552 : i32
        %parallel_loop3A_554 = arith.index_cast %parallel_loop3A_553 : i32 to index
        %parallel_loop3A_555 = tpu.vector_load %arg6[%parallel_loop3A_554] {strides = array<i32>} : memref<77568xf32, #tpu.memory_space<vmem>>, vector<16xf32>,
        %parallel_loop3A_556 = vector.shape_cast %parallel_loop3A_555 : vector<16xf32> to vector<16xf32>
        %parallel_loop3A_557 = arith.index_cast %parallel_loop3A_141 : i32 to index
        %parallel_loop3A_558 = arith.constant 640 : index
        %parallel_loop3A_559 = tpu.vector_load %arg9[%parallel_loop3A_557, %parallel_loop3A_558] {strides = array<i32>} : memref<16x768xf32, #tpu.memory_space<vmem>>, vector<1x16xf32>,
        %parallel_loop3A_560 = vector.shape_cast %parallel_loop3A_559 : vector<1x16xf32> to vector<16xf32>
        %parallel_loop3A_561 = vector.shape_cast %parallel_loop3A_556 : vector<16xf32> to vector<1x16xf32>
        tpu.vector_store %arg9[%parallel_loop3A_557, %parallel_loop3A_558], %parallel_loop3A_561 {add = true, strides = array<i32>} : memref<16x768xf32, #tpu.memory_space<vmem>>, vector<1x16xf32>,
        %parallel_loop3A_562 = arith.constant 656 : i32
        %parallel_loop3A_563 = arith.addi %parallel_loop3A_151, %parallel_loop3A_562 : i32
        %parallel_loop3A_564 = arith.index_cast %parallel_loop3A_563 : i32 to index
        %parallel_loop3A_565 = tpu.vector_load %arg6[%parallel_loop3A_564] {strides = array<i32>} : memref<77568xf32, #tpu.memory_space<vmem>>, vector<16xf32>,
        %parallel_loop3A_566 = vector.shape_cast %parallel_loop3A_565 : vector<16xf32> to vector<16xf32>
        %parallel_loop3A_567 = arith.index_cast %parallel_loop3A_141 : i32 to index
        %parallel_loop3A_568 = arith.constant 656 : index
        %parallel_loop3A_569 = tpu.vector_load %arg9[%parallel_loop3A_567, %parallel_loop3A_568] {strides = array<i32>} : memref<16x768xf32, #tpu.memory_space<vmem>>, vector<1x16xf32>,
        %parallel_loop3A_570 = vector.shape_cast %parallel_loop3A_569 : vector<1x16xf32> to vector<16xf32>
        %parallel_loop3A_571 = vector.shape_cast %parallel_loop3A_566 : vector<16xf32> to vector<1x16xf32>
        tpu.vector_store %arg9[%parallel_loop3A_567, %parallel_loop3A_568], %parallel_loop3A_571 {add = true, strides = array<i32>} : memref<16x768xf32, #tpu.memory_space<vmem>>, vector<1x16xf32>,
        %parallel_loop3A_572 = arith.constant 672 : i32
        %parallel_loop3A_573 = arith.addi %parallel_loop3A_151, %parallel_loop3A_572 : i32
        %parallel_loop3A_574 = arith.index_cast %parallel_loop3A_573 : i32 to index
        %parallel_loop3A_575 = tpu.vector_load %arg6[%parallel_loop3A_574] {strides = array<i32>} : memref<77568xf32, #tpu.memory_space<vmem>>, vector<16xf32>,
        %parallel_loop3A_576 = vector.shape_cast %parallel_loop3A_575 : vector<16xf32> to vector<16xf32>
        %parallel_loop3A_577 = arith.index_cast %parallel_loop3A_141 : i32 to index
        %parallel_loop3A_578 = arith.constant 672 : index
        %parallel_loop3A_579 = tpu.vector_load %arg9[%parallel_loop3A_577, %parallel_loop3A_578] {strides = array<i32>} : memref<16x768xf32, #tpu.memory_space<vmem>>, vector<1x16xf32>,
        %parallel_loop3A_580 = vector.shape_cast %parallel_loop3A_579 : vector<1x16xf32> to vector<16xf32>
        %parallel_loop3A_581 = vector.shape_cast %parallel_loop3A_576 : vector<16xf32> to vector<1x16xf32>
        tpu.vector_store %arg9[%parallel_loop3A_577, %parallel_loop3A_578], %parallel_loop3A_581 {add = true, strides = array<i32>} : memref<16x768xf32, #tpu.memory_space<vmem>>, vector<1x16xf32>,
        %parallel_loop3A_582 = arith.constant 688 : i32
        %parallel_loop3A_583 = arith.addi %parallel_loop3A_151, %parallel_loop3A_582 : i32
        %parallel_loop3A_584 = arith.index_cast %parallel_loop3A_583 : i32 to index
        %parallel_loop3A_585 = tpu.vector_load %arg6[%parallel_loop3A_584] {strides = array<i32>} : memref<77568xf32, #tpu.memory_space<vmem>>, vector<16xf32>,
        %parallel_loop3A_586 = vector.shape_cast %parallel_loop3A_585 : vector<16xf32> to vector<16xf32>
        %parallel_loop3A_587 = arith.index_cast %parallel_loop3A_141 : i32 to index
        %parallel_loop3A_588 = arith.constant 688 : index
        %parallel_loop3A_589 = tpu.vector_load %arg9[%parallel_loop3A_587, %parallel_loop3A_588] {strides = array<i32>} : memref<16x768xf32, #tpu.memory_space<vmem>>, vector<1x16xf32>,
        %parallel_loop3A_590 = vector.shape_cast %parallel_loop3A_589 : vector<1x16xf32> to vector<16xf32>
        %parallel_loop3A_591 = vector.shape_cast %parallel_loop3A_586 : vector<16xf32> to vector<1x16xf32>
        tpu.vector_store %arg9[%parallel_loop3A_587, %parallel_loop3A_588], %parallel_loop3A_591 {add = true, strides = array<i32>} : memref<16x768xf32, #tpu.memory_space<vmem>>, vector<1x16xf32>,
        %parallel_loop3A_592 = arith.constant 704 : i32
        %parallel_loop3A_593 = arith.addi %parallel_loop3A_151, %parallel_loop3A_592 : i32
        %parallel_loop3A_594 = arith.index_cast %parallel_loop3A_593 : i32 to index
        %parallel_loop3A_595 = tpu.vector_load %arg6[%parallel_loop3A_594] {strides = array<i32>} : memref<77568xf32, #tpu.memory_space<vmem>>, vector<16xf32>,
        %parallel_loop3A_596 = vector.shape_cast %parallel_loop3A_595 : vector<16xf32> to vector<16xf32>
        %parallel_loop3A_597 = arith.index_cast %parallel_loop3A_141 : i32 to index
        %parallel_loop3A_598 = arith.constant 704 : index
        %parallel_loop3A_599 = tpu.vector_load %arg9[%parallel_loop3A_597, %parallel_loop3A_598] {strides = array<i32>} : memref<16x768xf32, #tpu.memory_space<vmem>>, vector<1x16xf32>,
        %parallel_loop3A_600 = vector.shape_cast %parallel_loop3A_599 : vector<1x16xf32> to vector<16xf32>
        %parallel_loop3A_601 = vector.shape_cast %parallel_loop3A_596 : vector<16xf32> to vector<1x16xf32>
        tpu.vector_store %arg9[%parallel_loop3A_597, %parallel_loop3A_598], %parallel_loop3A_601 {add = true, strides = array<i32>} : memref<16x768xf32, #tpu.memory_space<vmem>>, vector<1x16xf32>,
        %parallel_loop3A_602 = arith.constant 720 : i32
        %parallel_loop3A_603 = arith.addi %parallel_loop3A_151, %parallel_loop3A_602 : i32
        %parallel_loop3A_604 = arith.index_cast %parallel_loop3A_603 : i32 to index
        %parallel_loop3A_605 = tpu.vector_load %arg6[%parallel_loop3A_604] {strides = array<i32>} : memref<77568xf32, #tpu.memory_space<vmem>>, vector<16xf32>,
        %parallel_loop3A_606 = vector.shape_cast %parallel_loop3A_605 : vector<16xf32> to vector<16xf32>
        %parallel_loop3A_607 = arith.index_cast %parallel_loop3A_141 : i32 to index
        %parallel_loop3A_608 = arith.constant 720 : index
        %parallel_loop3A_609 = tpu.vector_load %arg9[%parallel_loop3A_607, %parallel_loop3A_608] {strides = array<i32>} : memref<16x768xf32, #tpu.memory_space<vmem>>, vector<1x16xf32>,
        %parallel_loop3A_610 = vector.shape_cast %parallel_loop3A_609 : vector<1x16xf32> to vector<16xf32>
        %parallel_loop3A_611 = vector.shape_cast %parallel_loop3A_606 : vector<16xf32> to vector<1x16xf32>
        tpu.vector_store %arg9[%parallel_loop3A_607, %parallel_loop3A_608], %parallel_loop3A_611 {add = true, strides = array<i32>} : memref<16x768xf32, #tpu.memory_space<vmem>>, vector<1x16xf32>,
        %parallel_loop3A_612 = arith.constant 736 : i32
        %parallel_loop3A_613 = arith.addi %parallel_loop3A_151, %parallel_loop3A_612 : i32
        %parallel_loop3A_614 = arith.index_cast %parallel_loop3A_613 : i32 to index
        %parallel_loop3A_615 = tpu.vector_load %arg6[%parallel_loop3A_614] {strides = array<i32>} : memref<77568xf32, #tpu.memory_space<vmem>>, vector<16xf32>,
        %parallel_loop3A_616 = vector.shape_cast %parallel_loop3A_615 : vector<16xf32> to vector<16xf32>
        %parallel_loop3A_617 = arith.index_cast %parallel_loop3A_141 : i32 to index
        %parallel_loop3A_618 = arith.constant 736 : index
        %parallel_loop3A_619 = tpu.vector_load %arg9[%parallel_loop3A_617, %parallel_loop3A_618] {strides = array<i32>} : memref<16x768xf32, #tpu.memory_space<vmem>>, vector<1x16xf32>,
        %parallel_loop3A_620 = vector.shape_cast %parallel_loop3A_619 : vector<1x16xf32> to vector<16xf32>
        %parallel_loop3A_621 = vector.shape_cast %parallel_loop3A_616 : vector<16xf32> to vector<1x16xf32>
        tpu.vector_store %arg9[%parallel_loop3A_617, %parallel_loop3A_618], %parallel_loop3A_621 {add = true, strides = array<i32>} : memref<16x768xf32, #tpu.memory_space<vmem>>, vector<1x16xf32>,
        %parallel_loop3A_622 = arith.constant 752 : i32
        %parallel_loop3A_623 = arith.addi %parallel_loop3A_151, %parallel_loop3A_622 : i32
        %parallel_loop3A_624 = arith.index_cast %parallel_loop3A_623 : i32 to index
        %parallel_loop3A_625 = tpu.vector_load %arg6[%parallel_loop3A_624] {strides = array<i32>} : memref<77568xf32, #tpu.memory_space<vmem>>, vector<16xf32>,
        %parallel_loop3A_626 = vector.shape_cast %parallel_loop3A_625 : vector<16xf32> to vector<16xf32>
        %parallel_loop3A_627 = arith.index_cast %parallel_loop3A_141 : i32 to index
        %parallel_loop3A_628 = arith.constant 752 : index
        %parallel_loop3A_629 = tpu.vector_load %arg9[%parallel_loop3A_627, %parallel_loop3A_628] {strides = array<i32>} : memref<16x768xf32, #tpu.memory_space<vmem>>, vector<1x16xf32>,
        %parallel_loop3A_630 = vector.shape_cast %parallel_loop3A_629 : vector<1x16xf32> to vector<16xf32>
        %parallel_loop3A_631 = vector.shape_cast %parallel_loop3A_626 : vector<16xf32> to vector<1x16xf32>
        tpu.vector_store %arg9[%parallel_loop3A_627, %parallel_loop3A_628], %parallel_loop3A_631 {add = true, strides = array<i32>} : memref<16x768xf32, #tpu.memory_space<vmem>>, vector<1x16xf32>,
      } {sc.loop_unroll_factor = 1 : i64, sc.parallel_access}
      %barrier3A_79 = arith.constant 0 : index
      tpu.barrier barrier_id(%barrier3A_79)
      %mul3A_80 = arith.constant 16 : i32
      %mul3A_81 = arith.muli %add3A_61, %mul3A_80 : i32
      %add3A_82 = arith.addi %mul3A_2, %mul3A_81 : i32
      %dma_start3A_83 = arith.constant 0 : i32
      %dma_start3A_84 = tpu.memref_slice %arg5[%add3A_82, %dma_start3A_83] : memref<16384x768xf32, #tpu.memory_space<hbm>> -> memref<16x768xf32, #tpu.memory_space<hbm>>
      %dma_start3A_85 = arith.constant 0 : i32
      %dma_start3A_86 = tpu.memref_slice %arg5[%add3A_82, %dma_start3A_85] : memref<16384x768xf32, #tpu.memory_space<hbm>> -> memref<16x768xf32, #tpu.memory_space<hbm>>
      tpu.enqueue_dma source(%arg9 : memref<16x768xf32, #tpu.memory_space<vmem>>) target(%dma_start3A_86 : memref<16x768xf32, #tpu.memory_space<hbm>>) target_semaphore(%arg18 : memref<!tpu.dma_semaphore, #tpu.memory_space<semaphore_mem>>)
      %add3A_87 = arith.constant 2 : i32
      %add3A_88 = arith.addi %mul3A_37, %add3A_87 : i32
      %mul3A_89 = arith.constant 16 : i32
      %mul3A_90 = arith.muli %add3A_88, %mul3A_89 : i32
      %add3A_91 = arith.addi %mul3A_2, %mul3A_90 : i32
      %dma_wait3A_92 = arith.constant 0 : i32
      %dma_wait3A_93 = tpu.memref_slice %arg2[%add3A_91, %dma_wait3A_92] : memref<16384x768xf32, #tpu.memory_space<hbm>> -> memref<16x768xf32, #tpu.memory_space<hbm>>
      %dma_wait3A_94 = arith.constant 0 : i32
      %dma_wait3A_95 = tpu.memref_slice %arg2[%add3A_91, %dma_wait3A_94] : memref<16384x768xf32, #tpu.memory_space<hbm>> -> memref<16x768xf32, #tpu.memory_space<hbm>>
      tpu.wait_dma2 semaphore(%arg15 : memref<!tpu.dma_semaphore, #tpu.memory_space<semaphore_mem>>) src(%dma_wait3A_95 : memref<16x768xf32, #tpu.memory_space<hbm>>) dst(%arg10 : memref<16x768xf32, #tpu.memory_space<vmem>>)
      %add3A_96 = arith.constant 1 : i32
      %add3A_97 = arith.addi %add3A_88, %add3A_96 : i32
      %lt3A_98 = arith.constant 32 : i32
      %lt3A_99 = arith.cmpi slt, %add3A_97, %lt3A_98 : i32
      %convert_element_type3A_100 = arith.extui %lt3A_99 : i1 to i32
      %cond3A_101 = arith.constant 0 : i32
      %cond3A_102 = arith.cmpi ne, %convert_element_type3A_100, %cond3A_101 : i32
      scf.if %cond3A_102 {
        %ge3A = arith.constant 3 : i32
        %ge3A_141 = arith.cmpi sge, %add3A_88, %ge3A : i32
        %convert_element_type3A_142 = arith.extui %ge3A_141 : i1 to i32
        %cond3A_143 = arith.constant 0 : i32
        %cond3A_144 = arith.cmpi ne, %convert_element_type3A_142, %cond3A_143 : i32
        scf.if %cond3A_144 {
          %sub3A = arith.constant 3 : i32
          %sub3A_154 = arith.subi %add3A_88, %sub3A : i32
          %mul3A_155 = arith.constant 16 : i32
          %mul3A_156 = arith.muli %sub3A_154, %mul3A_155 : i32
          %add3A_157 = arith.addi %mul3A_2, %mul3A_156 : i32
          %dma_wait3A_158 = arith.constant 0 : i32
          %dma_wait3A_159 = tpu.memref_slice %arg5[%add3A_157, %dma_wait3A_158] : memref<16384x768xf32, #tpu.memory_space<hbm>> -> memref<16x768xf32, #tpu.memory_space<hbm>>
          %dma_wait3A_160 = arith.constant 0 : i32
          %dma_wait3A_161 = tpu.memref_slice %arg5[%add3A_157, %dma_wait3A_160] : memref<16384x768xf32, #tpu.memory_space<hbm>> -> memref<16x768xf32, #tpu.memory_space<hbm>>
          tpu.wait_dma2 semaphore(%arg20 : memref<!tpu.dma_semaphore, #tpu.memory_space<semaphore_mem>>) src(%arg11 : memref<16x768xf32, #tpu.memory_space<vmem>>) dst(%dma_wait3A_161 : memref<16x768xf32, #tpu.memory_space<hbm>>)
        } else {
        }
        %add3A_145 = arith.constant 1 : i32
        %add3A_146 = arith.addi %add3A_88, %add3A_145 : i32
        %mul3A_147 = arith.constant 16 : i32
        %mul3A_148 = arith.muli %add3A_146, %mul3A_147 : i32
        %add3A_149 = arith.addi %mul3A_2, %mul3A_148 : i32
        %dma_start3A_150 = arith.constant 0 : i32
        %dma_start3A_151 = tpu.memref_slice %arg2[%add3A_149, %dma_start3A_150] : memref<16384x768xf32, #tpu.memory_space<hbm>> -> memref<16x768xf32, #tpu.memory_space<hbm>>
        %dma_start3A_152 = arith.constant 0 : i32
        %dma_start3A_153 = tpu.memref_slice %arg2[%add3A_149, %dma_start3A_152] : memref<16384x768xf32, #tpu.memory_space<hbm>> -> memref<16x768xf32, #tpu.memory_space<hbm>>
        tpu.enqueue_dma source(%dma_start3A_153 : memref<16x768xf32, #tpu.memory_space<hbm>>) target(%arg11 : memref<16x768xf32, #tpu.memory_space<vmem>>) target_semaphore(%arg16 : memref<!tpu.dma_semaphore, #tpu.memory_space<semaphore_mem>>)
      } else {
      }
      %parallel_loop3A_103 = arith.constant 0 : i32
      %parallel_loop3A_104 = arith.constant 16 : i32
      %parallel_loop3A_105 = arith.constant 1 : i32
      scf.for %parallel_loop3A_141 = %parallel_loop3A_103 to %parallel_loop3A_104 step %parallel_loop3A_105  : i32 {
        %parallel_loop3A_142 = arith.constant 16 : i32
        %parallel_loop3A_143 = arith.muli %add3A_88, %parallel_loop3A_142 : i32
        %parallel_loop3A_144 = arith.addi %parallel_loop3A_143, %parallel_loop3A_141 : i32
        %parallel_loop3A_145 = arith.index_cast %parallel_loop3A_144 : i32 to index
        %parallel_loop3A_146 = tpu.vector_load %arg7[%parallel_loop3A_145] {strides = array<i32>} : memref<528xi32, #tpu.memory_space<vmem>>, vector<16xi32>,
        %parallel_loop3A_147 = vector.shape_cast %parallel_loop3A_146 : vector<16xi32> to vector<16xi32>
        %parallel_loop3A_148 = vector.extract_strided_slice %parallel_loop3A_147 {offsets = [0], sizes = [1], strides = [1]} : vector<16xi32> to vector<1xi32>
        %parallel_loop3A_149 = vector.extract %parallel_loop3A_148[0] : i32 from vector<1xi32>
        %parallel_loop3A_150 = arith.constant 768 : i32
        %parallel_loop3A_151 = arith.muli %parallel_loop3A_149, %parallel_loop3A_150 : i32
        %parallel_loop3A_152 = arith.constant 0 : i32
        %parallel_loop3A_153 = arith.addi %parallel_loop3A_151, %parallel_loop3A_152 : i32
        %parallel_loop3A_154 = arith.index_cast %parallel_loop3A_153 : i32 to index
        %parallel_loop3A_155 = tpu.vector_load %arg6[%parallel_loop3A_154] {strides = array<i32>} : memref<77568xf32, #tpu.memory_space<vmem>>, vector<16xf32>,
        %parallel_loop3A_156 = vector.shape_cast %parallel_loop3A_155 : vector<16xf32> to vector<16xf32>
        %parallel_loop3A_157 = arith.index_cast %parallel_loop3A_141 : i32 to index
        %parallel_loop3A_158 = arith.constant 0 : index
        %parallel_loop3A_159 = tpu.vector_load %arg10[%parallel_loop3A_157, %parallel_loop3A_158] {strides = array<i32>} : memref<16x768xf32, #tpu.memory_space<vmem>>, vector<1x16xf32>,
        %parallel_loop3A_160 = vector.shape_cast %parallel_loop3A_159 : vector<1x16xf32> to vector<16xf32>
        %parallel_loop3A_161 = vector.shape_cast %parallel_loop3A_156 : vector<16xf32> to vector<1x16xf32>
        tpu.vector_store %arg10[%parallel_loop3A_157, %parallel_loop3A_158], %parallel_loop3A_161 {add = true, strides = array<i32>} : memref<16x768xf32, #tpu.memory_space<vmem>>, vector<1x16xf32>,
        %parallel_loop3A_162 = arith.constant 16 : i32
        %parallel_loop3A_163 = arith.addi %parallel_loop3A_151, %parallel_loop3A_162 : i32
        %parallel_loop3A_164 = arith.index_cast %parallel_loop3A_163 : i32 to index
        %parallel_loop3A_165 = tpu.vector_load %arg6[%parallel_loop3A_164] {strides = array<i32>} : memref<77568xf32, #tpu.memory_space<vmem>>, vector<16xf32>,
        %parallel_loop3A_166 = vector.shape_cast %parallel_loop3A_165 : vector<16xf32> to vector<16xf32>
        %parallel_loop3A_167 = arith.index_cast %parallel_loop3A_141 : i32 to index
        %parallel_loop3A_168 = arith.constant 16 : index
        %parallel_loop3A_169 = tpu.vector_load %arg10[%parallel_loop3A_167, %parallel_loop3A_168] {strides = array<i32>} : memref<16x768xf32, #tpu.memory_space<vmem>>, vector<1x16xf32>,
        %parallel_loop3A_170 = vector.shape_cast %parallel_loop3A_169 : vector<1x16xf32> to vector<16xf32>
        %parallel_loop3A_171 = vector.shape_cast %parallel_loop3A_166 : vector<16xf32> to vector<1x16xf32>
        tpu.vector_store %arg10[%parallel_loop3A_167, %parallel_loop3A_168], %parallel_loop3A_171 {add = true, strides = array<i32>} : memref<16x768xf32, #tpu.memory_space<vmem>>, vector<1x16xf32>,
        %parallel_loop3A_172 = arith.constant 32 : i32
        %parallel_loop3A_173 = arith.addi %parallel_loop3A_151, %parallel_loop3A_172 : i32
        %parallel_loop3A_174 = arith.index_cast %parallel_loop3A_173 : i32 to index
        %parallel_loop3A_175 = tpu.vector_load %arg6[%parallel_loop3A_174] {strides = array<i32>} : memref<77568xf32, #tpu.memory_space<vmem>>, vector<16xf32>,
        %parallel_loop3A_176 = vector.shape_cast %parallel_loop3A_175 : vector<16xf32> to vector<16xf32>
        %parallel_loop3A_177 = arith.index_cast %parallel_loop3A_141 : i32 to index
        %parallel_loop3A_178 = arith.constant 32 : index
        %parallel_loop3A_179 = tpu.vector_load %arg10[%parallel_loop3A_177, %parallel_loop3A_178] {strides = array<i32>} : memref<16x768xf32, #tpu.memory_space<vmem>>, vector<1x16xf32>,
        %parallel_loop3A_180 = vector.shape_cast %parallel_loop3A_179 : vector<1x16xf32> to vector<16xf32>
        %parallel_loop3A_181 = vector.shape_cast %parallel_loop3A_176 : vector<16xf32> to vector<1x16xf32>
        tpu.vector_store %arg10[%parallel_loop3A_177, %parallel_loop3A_178], %parallel_loop3A_181 {add = true, strides = array<i32>} : memref<16x768xf32, #tpu.memory_space<vmem>>, vector<1x16xf32>,
        %parallel_loop3A_182 = arith.constant 48 : i32
        %parallel_loop3A_183 = arith.addi %parallel_loop3A_151, %parallel_loop3A_182 : i32
        %parallel_loop3A_184 = arith.index_cast %parallel_loop3A_183 : i32 to index
        %parallel_loop3A_185 = tpu.vector_load %arg6[%parallel_loop3A_184] {strides = array<i32>} : memref<77568xf32, #tpu.memory_space<vmem>>, vector<16xf32>,
        %parallel_loop3A_186 = vector.shape_cast %parallel_loop3A_185 : vector<16xf32> to vector<16xf32>
        %parallel_loop3A_187 = arith.index_cast %parallel_loop3A_141 : i32 to index
        %parallel_loop3A_188 = arith.constant 48 : index
        %parallel_loop3A_189 = tpu.vector_load %arg10[%parallel_loop3A_187, %parallel_loop3A_188] {strides = array<i32>} : memref<16x768xf32, #tpu.memory_space<vmem>>, vector<1x16xf32>,
        %parallel_loop3A_190 = vector.shape_cast %parallel_loop3A_189 : vector<1x16xf32> to vector<16xf32>
        %parallel_loop3A_191 = vector.shape_cast %parallel_loop3A_186 : vector<16xf32> to vector<1x16xf32>
        tpu.vector_store %arg10[%parallel_loop3A_187, %parallel_loop3A_188], %parallel_loop3A_191 {add = true, strides = array<i32>} : memref<16x768xf32, #tpu.memory_space<vmem>>, vector<1x16xf32>,
        %parallel_loop3A_192 = arith.constant 64 : i32
        %parallel_loop3A_193 = arith.addi %parallel_loop3A_151, %parallel_loop3A_192 : i32
        %parallel_loop3A_194 = arith.index_cast %parallel_loop3A_193 : i32 to index
        %parallel_loop3A_195 = tpu.vector_load %arg6[%parallel_loop3A_194] {strides = array<i32>} : memref<77568xf32, #tpu.memory_space<vmem>>, vector<16xf32>,
        %parallel_loop3A_196 = vector.shape_cast %parallel_loop3A_195 : vector<16xf32> to vector<16xf32>
        %parallel_loop3A_197 = arith.index_cast %parallel_loop3A_141 : i32 to index
        %parallel_loop3A_198 = arith.constant 64 : index
        %parallel_loop3A_199 = tpu.vector_load %arg10[%parallel_loop3A_197, %parallel_loop3A_198] {strides = array<i32>} : memref<16x768xf32, #tpu.memory_space<vmem>>, vector<1x16xf32>,
        %parallel_loop3A_200 = vector.shape_cast %parallel_loop3A_199 : vector<1x16xf32> to vector<16xf32>
        %parallel_loop3A_201 = vector.shape_cast %parallel_loop3A_196 : vector<16xf32> to vector<1x16xf32>
        tpu.vector_store %arg10[%parallel_loop3A_197, %parallel_loop3A_198], %parallel_loop3A_201 {add = true, strides = array<i32>} : memref<16x768xf32, #tpu.memory_space<vmem>>, vector<1x16xf32>,
        %parallel_loop3A_202 = arith.constant 80 : i32
        %parallel_loop3A_203 = arith.addi %parallel_loop3A_151, %parallel_loop3A_202 : i32
        %parallel_loop3A_204 = arith.index_cast %parallel_loop3A_203 : i32 to index
        %parallel_loop3A_205 = tpu.vector_load %arg6[%parallel_loop3A_204] {strides = array<i32>} : memref<77568xf32, #tpu.memory_space<vmem>>, vector<16xf32>,
        %parallel_loop3A_206 = vector.shape_cast %parallel_loop3A_205 : vector<16xf32> to vector<16xf32>
        %parallel_loop3A_207 = arith.index_cast %parallel_loop3A_141 : i32 to index
        %parallel_loop3A_208 = arith.constant 80 : index
        %parallel_loop3A_209 = tpu.vector_load %arg10[%parallel_loop3A_207, %parallel_loop3A_208] {strides = array<i32>} : memref<16x768xf32, #tpu.memory_space<vmem>>, vector<1x16xf32>,
        %parallel_loop3A_210 = vector.shape_cast %parallel_loop3A_209 : vector<1x16xf32> to vector<16xf32>
        %parallel_loop3A_211 = vector.shape_cast %parallel_loop3A_206 : vector<16xf32> to vector<1x16xf32>
        tpu.vector_store %arg10[%parallel_loop3A_207, %parallel_loop3A_208], %parallel_loop3A_211 {add = true, strides = array<i32>} : memref<16x768xf32, #tpu.memory_space<vmem>>, vector<1x16xf32>,
        %parallel_loop3A_212 = arith.constant 96 : i32
        %parallel_loop3A_213 = arith.addi %parallel_loop3A_151, %parallel_loop3A_212 : i32
        %parallel_loop3A_214 = arith.index_cast %parallel_loop3A_213 : i32 to index
        %parallel_loop3A_215 = tpu.vector_load %arg6[%parallel_loop3A_214] {strides = array<i32>} : memref<77568xf32, #tpu.memory_space<vmem>>, vector<16xf32>,
        %parallel_loop3A_216 = vector.shape_cast %parallel_loop3A_215 : vector<16xf32> to vector<16xf32>
        %parallel_loop3A_217 = arith.index_cast %parallel_loop3A_141 : i32 to index
        %parallel_loop3A_218 = arith.constant 96 : index
        %parallel_loop3A_219 = tpu.vector_load %arg10[%parallel_loop3A_217, %parallel_loop3A_218] {strides = array<i32>} : memref<16x768xf32, #tpu.memory_space<vmem>>, vector<1x16xf32>,
        %parallel_loop3A_220 = vector.shape_cast %parallel_loop3A_219 : vector<1x16xf32> to vector<16xf32>
        %parallel_loop3A_221 = vector.shape_cast %parallel_loop3A_216 : vector<16xf32> to vector<1x16xf32>
        tpu.vector_store %arg10[%parallel_loop3A_217, %parallel_loop3A_218], %parallel_loop3A_221 {add = true, strides = array<i32>} : memref<16x768xf32, #tpu.memory_space<vmem>>, vector<1x16xf32>,
        %parallel_loop3A_222 = arith.constant 112 : i32
        %parallel_loop3A_223 = arith.addi %parallel_loop3A_151, %parallel_loop3A_222 : i32
        %parallel_loop3A_224 = arith.index_cast %parallel_loop3A_223 : i32 to index
        %parallel_loop3A_225 = tpu.vector_load %arg6[%parallel_loop3A_224] {strides = array<i32>} : memref<77568xf32, #tpu.memory_space<vmem>>, vector<16xf32>,
        %parallel_loop3A_226 = vector.shape_cast %parallel_loop3A_225 : vector<16xf32> to vector<16xf32>
        %parallel_loop3A_227 = arith.index_cast %parallel_loop3A_141 : i32 to index
        %parallel_loop3A_228 = arith.constant 112 : index
        %parallel_loop3A_229 = tpu.vector_load %arg10[%parallel_loop3A_227, %parallel_loop3A_228] {strides = array<i32>} : memref<16x768xf32, #tpu.memory_space<vmem>>, vector<1x16xf32>,
        %parallel_loop3A_230 = vector.shape_cast %parallel_loop3A_229 : vector<1x16xf32> to vector<16xf32>
        %parallel_loop3A_231 = vector.shape_cast %parallel_loop3A_226 : vector<16xf32> to vector<1x16xf32>
        tpu.vector_store %arg10[%parallel_loop3A_227, %parallel_loop3A_228], %parallel_loop3A_231 {add = true, strides = array<i32>} : memref<16x768xf32, #tpu.memory_space<vmem>>, vector<1x16xf32>,
        %parallel_loop3A_232 = arith.constant 128 : i32
        %parallel_loop3A_233 = arith.addi %parallel_loop3A_151, %parallel_loop3A_232 : i32
        %parallel_loop3A_234 = arith.index_cast %parallel_loop3A_233 : i32 to index
        %parallel_loop3A_235 = tpu.vector_load %arg6[%parallel_loop3A_234] {strides = array<i32>} : memref<77568xf32, #tpu.memory_space<vmem>>, vector<16xf32>,
        %parallel_loop3A_236 = vector.shape_cast %parallel_loop3A_235 : vector<16xf32> to vector<16xf32>
        %parallel_loop3A_237 = arith.index_cast %parallel_loop3A_141 : i32 to index
        %parallel_loop3A_238 = arith.constant 128 : index
        %parallel_loop3A_239 = tpu.vector_load %arg10[%parallel_loop3A_237, %parallel_loop3A_238] {strides = array<i32>} : memref<16x768xf32, #tpu.memory_space<vmem>>, vector<1x16xf32>,
        %parallel_loop3A_240 = vector.shape_cast %parallel_loop3A_239 : vector<1x16xf32> to vector<16xf32>
        %parallel_loop3A_241 = vector.shape_cast %parallel_loop3A_236 : vector<16xf32> to vector<1x16xf32>
        tpu.vector_store %arg10[%parallel_loop3A_237, %parallel_loop3A_238], %parallel_loop3A_241 {add = true, strides = array<i32>} : memref<16x768xf32, #tpu.memory_space<vmem>>, vector<1x16xf32>,
        %parallel_loop3A_242 = arith.constant 144 : i32
        %parallel_loop3A_243 = arith.addi %parallel_loop3A_151, %parallel_loop3A_242 : i32
        %parallel_loop3A_244 = arith.index_cast %parallel_loop3A_243 : i32 to index
        %parallel_loop3A_245 = tpu.vector_load %arg6[%parallel_loop3A_244] {strides = array<i32>} : memref<77568xf32, #tpu.memory_space<vmem>>, vector<16xf32>,
        %parallel_loop3A_246 = vector.shape_cast %parallel_loop3A_245 : vector<16xf32> to vector<16xf32>
        %parallel_loop3A_247 = arith.index_cast %parallel_loop3A_141 : i32 to index
        %parallel_loop3A_248 = arith.constant 144 : index
        %parallel_loop3A_249 = tpu.vector_load %arg10[%parallel_loop3A_247, %parallel_loop3A_248] {strides = array<i32>} : memref<16x768xf32, #tpu.memory_space<vmem>>, vector<1x16xf32>,
        %parallel_loop3A_250 = vector.shape_cast %parallel_loop3A_249 : vector<1x16xf32> to vector<16xf32>
        %parallel_loop3A_251 = vector.shape_cast %parallel_loop3A_246 : vector<16xf32> to vector<1x16xf32>
        tpu.vector_store %arg10[%parallel_loop3A_247, %parallel_loop3A_248], %parallel_loop3A_251 {add = true, strides = array<i32>} : memref<16x768xf32, #tpu.memory_space<vmem>>, vector<1x16xf32>,
        %parallel_loop3A_252 = arith.constant 160 : i32
        %parallel_loop3A_253 = arith.addi %parallel_loop3A_151, %parallel_loop3A_252 : i32
        %parallel_loop3A_254 = arith.index_cast %parallel_loop3A_253 : i32 to index
        %parallel_loop3A_255 = tpu.vector_load %arg6[%parallel_loop3A_254] {strides = array<i32>} : memref<77568xf32, #tpu.memory_space<vmem>>, vector<16xf32>,
        %parallel_loop3A_256 = vector.shape_cast %parallel_loop3A_255 : vector<16xf32> to vector<16xf32>
        %parallel_loop3A_257 = arith.index_cast %parallel_loop3A_141 : i32 to index
        %parallel_loop3A_258 = arith.constant 160 : index
        %parallel_loop3A_259 = tpu.vector_load %arg10[%parallel_loop3A_257, %parallel_loop3A_258] {strides = array<i32>} : memref<16x768xf32, #tpu.memory_space<vmem>>, vector<1x16xf32>,
        %parallel_loop3A_260 = vector.shape_cast %parallel_loop3A_259 : vector<1x16xf32> to vector<16xf32>
        %parallel_loop3A_261 = vector.shape_cast %parallel_loop3A_256 : vector<16xf32> to vector<1x16xf32>
        tpu.vector_store %arg10[%parallel_loop3A_257, %parallel_loop3A_258], %parallel_loop3A_261 {add = true, strides = array<i32>} : memref<16x768xf32, #tpu.memory_space<vmem>>, vector<1x16xf32>,
        %parallel_loop3A_262 = arith.constant 176 : i32
        %parallel_loop3A_263 = arith.addi %parallel_loop3A_151, %parallel_loop3A_262 : i32
        %parallel_loop3A_264 = arith.index_cast %parallel_loop3A_263 : i32 to index
        %parallel_loop3A_265 = tpu.vector_load %arg6[%parallel_loop3A_264] {strides = array<i32>} : memref<77568xf32, #tpu.memory_space<vmem>>, vector<16xf32>,
        %parallel_loop3A_266 = vector.shape_cast %parallel_loop3A_265 : vector<16xf32> to vector<16xf32>
        %parallel_loop3A_267 = arith.index_cast %parallel_loop3A_141 : i32 to index
        %parallel_loop3A_268 = arith.constant 176 : index
        %parallel_loop3A_269 = tpu.vector_load %arg10[%parallel_loop3A_267, %parallel_loop3A_268] {strides = array<i32>} : memref<16x768xf32, #tpu.memory_space<vmem>>, vector<1x16xf32>,
        %parallel_loop3A_270 = vector.shape_cast %parallel_loop3A_269 : vector<1x16xf32> to vector<16xf32>
        %parallel_loop3A_271 = vector.shape_cast %parallel_loop3A_266 : vector<16xf32> to vector<1x16xf32>
        tpu.vector_store %arg10[%parallel_loop3A_267, %parallel_loop3A_268], %parallel_loop3A_271 {add = true, strides = array<i32>} : memref<16x768xf32, #tpu.memory_space<vmem>>, vector<1x16xf32>,
        %parallel_loop3A_272 = arith.constant 192 : i32
        %parallel_loop3A_273 = arith.addi %parallel_loop3A_151, %parallel_loop3A_272 : i32
        %parallel_loop3A_274 = arith.index_cast %parallel_loop3A_273 : i32 to index
        %parallel_loop3A_275 = tpu.vector_load %arg6[%parallel_loop3A_274] {strides = array<i32>} : memref<77568xf32, #tpu.memory_space<vmem>>, vector<16xf32>,
        %parallel_loop3A_276 = vector.shape_cast %parallel_loop3A_275 : vector<16xf32> to vector<16xf32>
        %parallel_loop3A_277 = arith.index_cast %parallel_loop3A_141 : i32 to index
        %parallel_loop3A_278 = arith.constant 192 : index
        %parallel_loop3A_279 = tpu.vector_load %arg10[%parallel_loop3A_277, %parallel_loop3A_278] {strides = array<i32>} : memref<16x768xf32, #tpu.memory_space<vmem>>, vector<1x16xf32>,
        %parallel_loop3A_280 = vector.shape_cast %parallel_loop3A_279 : vector<1x16xf32> to vector<16xf32>
        %parallel_loop3A_281 = vector.shape_cast %parallel_loop3A_276 : vector<16xf32> to vector<1x16xf32>
        tpu.vector_store %arg10[%parallel_loop3A_277, %parallel_loop3A_278], %parallel_loop3A_281 {add = true, strides = array<i32>} : memref<16x768xf32, #tpu.memory_space<vmem>>, vector<1x16xf32>,
        %parallel_loop3A_282 = arith.constant 208 : i32
        %parallel_loop3A_283 = arith.addi %parallel_loop3A_151, %parallel_loop3A_282 : i32
        %parallel_loop3A_284 = arith.index_cast %parallel_loop3A_283 : i32 to index
        %parallel_loop3A_285 = tpu.vector_load %arg6[%parallel_loop3A_284] {strides = array<i32>} : memref<77568xf32, #tpu.memory_space<vmem>>, vector<16xf32>,
        %parallel_loop3A_286 = vector.shape_cast %parallel_loop3A_285 : vector<16xf32> to vector<16xf32>
        %parallel_loop3A_287 = arith.index_cast %parallel_loop3A_141 : i32 to index
        %parallel_loop3A_288 = arith.constant 208 : index
        %parallel_loop3A_289 = tpu.vector_load %arg10[%parallel_loop3A_287, %parallel_loop3A_288] {strides = array<i32>} : memref<16x768xf32, #tpu.memory_space<vmem>>, vector<1x16xf32>,
        %parallel_loop3A_290 = vector.shape_cast %parallel_loop3A_289 : vector<1x16xf32> to vector<16xf32>
        %parallel_loop3A_291 = vector.shape_cast %parallel_loop3A_286 : vector<16xf32> to vector<1x16xf32>
        tpu.vector_store %arg10[%parallel_loop3A_287, %parallel_loop3A_288], %parallel_loop3A_291 {add = true, strides = array<i32>} : memref<16x768xf32, #tpu.memory_space<vmem>>, vector<1x16xf32>,
        %parallel_loop3A_292 = arith.constant 224 : i32
        %parallel_loop3A_293 = arith.addi %parallel_loop3A_151, %parallel_loop3A_292 : i32
        %parallel_loop3A_294 = arith.index_cast %parallel_loop3A_293 : i32 to index
        %parallel_loop3A_295 = tpu.vector_load %arg6[%parallel_loop3A_294] {strides = array<i32>} : memref<77568xf32, #tpu.memory_space<vmem>>, vector<16xf32>,
        %parallel_loop3A_296 = vector.shape_cast %parallel_loop3A_295 : vector<16xf32> to vector<16xf32>
        %parallel_loop3A_297 = arith.index_cast %parallel_loop3A_141 : i32 to index
        %parallel_loop3A_298 = arith.constant 224 : index
        %parallel_loop3A_299 = tpu.vector_load %arg10[%parallel_loop3A_297, %parallel_loop3A_298] {strides = array<i32>} : memref<16x768xf32, #tpu.memory_space<vmem>>, vector<1x16xf32>,
        %parallel_loop3A_300 = vector.shape_cast %parallel_loop3A_299 : vector<1x16xf32> to vector<16xf32>
        %parallel_loop3A_301 = vector.shape_cast %parallel_loop3A_296 : vector<16xf32> to vector<1x16xf32>
        tpu.vector_store %arg10[%parallel_loop3A_297, %parallel_loop3A_298], %parallel_loop3A_301 {add = true, strides = array<i32>} : memref<16x768xf32, #tpu.memory_space<vmem>>, vector<1x16xf32>,
        %parallel_loop3A_302 = arith.constant 240 : i32
        %parallel_loop3A_303 = arith.addi %parallel_loop3A_151, %parallel_loop3A_302 : i32
        %parallel_loop3A_304 = arith.index_cast %parallel_loop3A_303 : i32 to index
        %parallel_loop3A_305 = tpu.vector_load %arg6[%parallel_loop3A_304] {strides = array<i32>} : memref<77568xf32, #tpu.memory_space<vmem>>, vector<16xf32>,
        %parallel_loop3A_306 = vector.shape_cast %parallel_loop3A_305 : vector<16xf32> to vector<16xf32>
        %parallel_loop3A_307 = arith.index_cast %parallel_loop3A_141 : i32 to index
        %parallel_loop3A_308 = arith.constant 240 : index
        %parallel_loop3A_309 = tpu.vector_load %arg10[%parallel_loop3A_307, %parallel_loop3A_308] {strides = array<i32>} : memref<16x768xf32, #tpu.memory_space<vmem>>, vector<1x16xf32>,
        %parallel_loop3A_310 = vector.shape_cast %parallel_loop3A_309 : vector<1x16xf32> to vector<16xf32>
        %parallel_loop3A_311 = vector.shape_cast %parallel_loop3A_306 : vector<16xf32> to vector<1x16xf32>
        tpu.vector_store %arg10[%parallel_loop3A_307, %parallel_loop3A_308], %parallel_loop3A_311 {add = true, strides = array<i32>} : memref<16x768xf32, #tpu.memory_space<vmem>>, vector<1x16xf32>,
        %parallel_loop3A_312 = arith.constant 256 : i32
        %parallel_loop3A_313 = arith.addi %parallel_loop3A_151, %parallel_loop3A_312 : i32
        %parallel_loop3A_314 = arith.index_cast %parallel_loop3A_313 : i32 to index
        %parallel_loop3A_315 = tpu.vector_load %arg6[%parallel_loop3A_314] {strides = array<i32>} : memref<77568xf32, #tpu.memory_space<vmem>>, vector<16xf32>,
        %parallel_loop3A_316 = vector.shape_cast %parallel_loop3A_315 : vector<16xf32> to vector<16xf32>
        %parallel_loop3A_317 = arith.index_cast %parallel_loop3A_141 : i32 to index
        %parallel_loop3A_318 = arith.constant 256 : index
        %parallel_loop3A_319 = tpu.vector_load %arg10[%parallel_loop3A_317, %parallel_loop3A_318] {strides = array<i32>} : memref<16x768xf32, #tpu.memory_space<vmem>>, vector<1x16xf32>,
        %parallel_loop3A_320 = vector.shape_cast %parallel_loop3A_319 : vector<1x16xf32> to vector<16xf32>
        %parallel_loop3A_321 = vector.shape_cast %parallel_loop3A_316 : vector<16xf32> to vector<1x16xf32>
        tpu.vector_store %arg10[%parallel_loop3A_317, %parallel_loop3A_318], %parallel_loop3A_321 {add = true, strides = array<i32>} : memref<16x768xf32, #tpu.memory_space<vmem>>, vector<1x16xf32>,
        %parallel_loop3A_322 = arith.constant 272 : i32
        %parallel_loop3A_323 = arith.addi %parallel_loop3A_151, %parallel_loop3A_322 : i32
        %parallel_loop3A_324 = arith.index_cast %parallel_loop3A_323 : i32 to index
        %parallel_loop3A_325 = tpu.vector_load %arg6[%parallel_loop3A_324] {strides = array<i32>} : memref<77568xf32, #tpu.memory_space<vmem>>, vector<16xf32>,
        %parallel_loop3A_326 = vector.shape_cast %parallel_loop3A_325 : vector<16xf32> to vector<16xf32>
        %parallel_loop3A_327 = arith.index_cast %parallel_loop3A_141 : i32 to index
        %parallel_loop3A_328 = arith.constant 272 : index
        %parallel_loop3A_329 = tpu.vector_load %arg10[%parallel_loop3A_327, %parallel_loop3A_328] {strides = array<i32>} : memref<16x768xf32, #tpu.memory_space<vmem>>, vector<1x16xf32>,
        %parallel_loop3A_330 = vector.shape_cast %parallel_loop3A_329 : vector<1x16xf32> to vector<16xf32>
        %parallel_loop3A_331 = vector.shape_cast %parallel_loop3A_326 : vector<16xf32> to vector<1x16xf32>
        tpu.vector_store %arg10[%parallel_loop3A_327, %parallel_loop3A_328], %parallel_loop3A_331 {add = true, strides = array<i32>} : memref<16x768xf32, #tpu.memory_space<vmem>>, vector<1x16xf32>,
        %parallel_loop3A_332 = arith.constant 288 : i32
        %parallel_loop3A_333 = arith.addi %parallel_loop3A_151, %parallel_loop3A_332 : i32
        %parallel_loop3A_334 = arith.index_cast %parallel_loop3A_333 : i32 to index
        %parallel_loop3A_335 = tpu.vector_load %arg6[%parallel_loop3A_334] {strides = array<i32>} : memref<77568xf32, #tpu.memory_space<vmem>>, vector<16xf32>,
        %parallel_loop3A_336 = vector.shape_cast %parallel_loop3A_335 : vector<16xf32> to vector<16xf32>
        %parallel_loop3A_337 = arith.index_cast %parallel_loop3A_141 : i32 to index
        %parallel_loop3A_338 = arith.constant 288 : index
        %parallel_loop3A_339 = tpu.vector_load %arg10[%parallel_loop3A_337, %parallel_loop3A_338] {strides = array<i32>} : memref<16x768xf32, #tpu.memory_space<vmem>>, vector<1x16xf32>,
        %parallel_loop3A_340 = vector.shape_cast %parallel_loop3A_339 : vector<1x16xf32> to vector<16xf32>
        %parallel_loop3A_341 = vector.shape_cast %parallel_loop3A_336 : vector<16xf32> to vector<1x16xf32>
        tpu.vector_store %arg10[%parallel_loop3A_337, %parallel_loop3A_338], %parallel_loop3A_341 {add = true, strides = array<i32>} : memref<16x768xf32, #tpu.memory_space<vmem>>, vector<1x16xf32>,
        %parallel_loop3A_342 = arith.constant 304 : i32
        %parallel_loop3A_343 = arith.addi %parallel_loop3A_151, %parallel_loop3A_342 : i32
        %parallel_loop3A_344 = arith.index_cast %parallel_loop3A_343 : i32 to index
        %parallel_loop3A_345 = tpu.vector_load %arg6[%parallel_loop3A_344] {strides = array<i32>} : memref<77568xf32, #tpu.memory_space<vmem>>, vector<16xf32>,
        %parallel_loop3A_346 = vector.shape_cast %parallel_loop3A_345 : vector<16xf32> to vector<16xf32>
        %parallel_loop3A_347 = arith.index_cast %parallel_loop3A_141 : i32 to index
        %parallel_loop3A_348 = arith.constant 304 : index
        %parallel_loop3A_349 = tpu.vector_load %arg10[%parallel_loop3A_347, %parallel_loop3A_348] {strides = array<i32>} : memref<16x768xf32, #tpu.memory_space<vmem>>, vector<1x16xf32>,
        %parallel_loop3A_350 = vector.shape_cast %parallel_loop3A_349 : vector<1x16xf32> to vector<16xf32>
        %parallel_loop3A_351 = vector.shape_cast %parallel_loop3A_346 : vector<16xf32> to vector<1x16xf32>
        tpu.vector_store %arg10[%parallel_loop3A_347, %parallel_loop3A_348], %parallel_loop3A_351 {add = true, strides = array<i32>} : memref<16x768xf32, #tpu.memory_space<vmem>>, vector<1x16xf32>,
        %parallel_loop3A_352 = arith.constant 320 : i32
        %parallel_loop3A_353 = arith.addi %parallel_loop3A_151, %parallel_loop3A_352 : i32
        %parallel_loop3A_354 = arith.index_cast %parallel_loop3A_353 : i32 to index
        %parallel_loop3A_355 = tpu.vector_load %arg6[%parallel_loop3A_354] {strides = array<i32>} : memref<77568xf32, #tpu.memory_space<vmem>>, vector<16xf32>,
        %parallel_loop3A_356 = vector.shape_cast %parallel_loop3A_355 : vector<16xf32> to vector<16xf32>
        %parallel_loop3A_357 = arith.index_cast %parallel_loop3A_141 : i32 to index
        %parallel_loop3A_358 = arith.constant 320 : index
        %parallel_loop3A_359 = tpu.vector_load %arg10[%parallel_loop3A_357, %parallel_loop3A_358] {strides = array<i32>} : memref<16x768xf32, #tpu.memory_space<vmem>>, vector<1x16xf32>,
        %parallel_loop3A_360 = vector.shape_cast %parallel_loop3A_359 : vector<1x16xf32> to vector<16xf32>
        %parallel_loop3A_361 = vector.shape_cast %parallel_loop3A_356 : vector<16xf32> to vector<1x16xf32>
        tpu.vector_store %arg10[%parallel_loop3A_357, %parallel_loop3A_358], %parallel_loop3A_361 {add = true, strides = array<i32>} : memref<16x768xf32, #tpu.memory_space<vmem>>, vector<1x16xf32>,
        %parallel_loop3A_362 = arith.constant 336 : i32
        %parallel_loop3A_363 = arith.addi %parallel_loop3A_151, %parallel_loop3A_362 : i32
        %parallel_loop3A_364 = arith.index_cast %parallel_loop3A_363 : i32 to index
        %parallel_loop3A_365 = tpu.vector_load %arg6[%parallel_loop3A_364] {strides = array<i32>} : memref<77568xf32, #tpu.memory_space<vmem>>, vector<16xf32>,
        %parallel_loop3A_366 = vector.shape_cast %parallel_loop3A_365 : vector<16xf32> to vector<16xf32>
        %parallel_loop3A_367 = arith.index_cast %parallel_loop3A_141 : i32 to index
        %parallel_loop3A_368 = arith.constant 336 : index
        %parallel_loop3A_369 = tpu.vector_load %arg10[%parallel_loop3A_367, %parallel_loop3A_368] {strides = array<i32>} : memref<16x768xf32, #tpu.memory_space<vmem>>, vector<1x16xf32>,
        %parallel_loop3A_370 = vector.shape_cast %parallel_loop3A_369 : vector<1x16xf32> to vector<16xf32>
        %parallel_loop3A_371 = vector.shape_cast %parallel_loop3A_366 : vector<16xf32> to vector<1x16xf32>
        tpu.vector_store %arg10[%parallel_loop3A_367, %parallel_loop3A_368], %parallel_loop3A_371 {add = true, strides = array<i32>} : memref<16x768xf32, #tpu.memory_space<vmem>>, vector<1x16xf32>,
        %parallel_loop3A_372 = arith.constant 352 : i32
        %parallel_loop3A_373 = arith.addi %parallel_loop3A_151, %parallel_loop3A_372 : i32
        %parallel_loop3A_374 = arith.index_cast %parallel_loop3A_373 : i32 to index
        %parallel_loop3A_375 = tpu.vector_load %arg6[%parallel_loop3A_374] {strides = array<i32>} : memref<77568xf32, #tpu.memory_space<vmem>>, vector<16xf32>,
        %parallel_loop3A_376 = vector.shape_cast %parallel_loop3A_375 : vector<16xf32> to vector<16xf32>
        %parallel_loop3A_377 = arith.index_cast %parallel_loop3A_141 : i32 to index
        %parallel_loop3A_378 = arith.constant 352 : index
        %parallel_loop3A_379 = tpu.vector_load %arg10[%parallel_loop3A_377, %parallel_loop3A_378] {strides = array<i32>} : memref<16x768xf32, #tpu.memory_space<vmem>>, vector<1x16xf32>,
        %parallel_loop3A_380 = vector.shape_cast %parallel_loop3A_379 : vector<1x16xf32> to vector<16xf32>
        %parallel_loop3A_381 = vector.shape_cast %parallel_loop3A_376 : vector<16xf32> to vector<1x16xf32>
        tpu.vector_store %arg10[%parallel_loop3A_377, %parallel_loop3A_378], %parallel_loop3A_381 {add = true, strides = array<i32>} : memref<16x768xf32, #tpu.memory_space<vmem>>, vector<1x16xf32>,
        %parallel_loop3A_382 = arith.constant 368 : i32
        %parallel_loop3A_383 = arith.addi %parallel_loop3A_151, %parallel_loop3A_382 : i32
        %parallel_loop3A_384 = arith.index_cast %parallel_loop3A_383 : i32 to index
        %parallel_loop3A_385 = tpu.vector_load %arg6[%parallel_loop3A_384] {strides = array<i32>} : memref<77568xf32, #tpu.memory_space<vmem>>, vector<16xf32>,
        %parallel_loop3A_386 = vector.shape_cast %parallel_loop3A_385 : vector<16xf32> to vector<16xf32>
        %parallel_loop3A_387 = arith.index_cast %parallel_loop3A_141 : i32 to index
        %parallel_loop3A_388 = arith.constant 368 : index
        %parallel_loop3A_389 = tpu.vector_load %arg10[%parallel_loop3A_387, %parallel_loop3A_388] {strides = array<i32>} : memref<16x768xf32, #tpu.memory_space<vmem>>, vector<1x16xf32>,
        %parallel_loop3A_390 = vector.shape_cast %parallel_loop3A_389 : vector<1x16xf32> to vector<16xf32>
        %parallel_loop3A_391 = vector.shape_cast %parallel_loop3A_386 : vector<16xf32> to vector<1x16xf32>
        tpu.vector_store %arg10[%parallel_loop3A_387, %parallel_loop3A_388], %parallel_loop3A_391 {add = true, strides = array<i32>} : memref<16x768xf32, #tpu.memory_space<vmem>>, vector<1x16xf32>,
        %parallel_loop3A_392 = arith.constant 384 : i32
        %parallel_loop3A_393 = arith.addi %parallel_loop3A_151, %parallel_loop3A_392 : i32
        %parallel_loop3A_394 = arith.index_cast %parallel_loop3A_393 : i32 to index
        %parallel_loop3A_395 = tpu.vector_load %arg6[%parallel_loop3A_394] {strides = array<i32>} : memref<77568xf32, #tpu.memory_space<vmem>>, vector<16xf32>,
        %parallel_loop3A_396 = vector.shape_cast %parallel_loop3A_395 : vector<16xf32> to vector<16xf32>
        %parallel_loop3A_397 = arith.index_cast %parallel_loop3A_141 : i32 to index
        %parallel_loop3A_398 = arith.constant 384 : index
        %parallel_loop3A_399 = tpu.vector_load %arg10[%parallel_loop3A_397, %parallel_loop3A_398] {strides = array<i32>} : memref<16x768xf32, #tpu.memory_space<vmem>>, vector<1x16xf32>,
        %parallel_loop3A_400 = vector.shape_cast %parallel_loop3A_399 : vector<1x16xf32> to vector<16xf32>
        %parallel_loop3A_401 = vector.shape_cast %parallel_loop3A_396 : vector<16xf32> to vector<1x16xf32>
        tpu.vector_store %arg10[%parallel_loop3A_397, %parallel_loop3A_398], %parallel_loop3A_401 {add = true, strides = array<i32>} : memref<16x768xf32, #tpu.memory_space<vmem>>, vector<1x16xf32>,
        %parallel_loop3A_402 = arith.constant 400 : i32
        %parallel_loop3A_403 = arith.addi %parallel_loop3A_151, %parallel_loop3A_402 : i32
        %parallel_loop3A_404 = arith.index_cast %parallel_loop3A_403 : i32 to index
        %parallel_loop3A_405 = tpu.vector_load %arg6[%parallel_loop3A_404] {strides = array<i32>} : memref<77568xf32, #tpu.memory_space<vmem>>, vector<16xf32>,
        %parallel_loop3A_406 = vector.shape_cast %parallel_loop3A_405 : vector<16xf32> to vector<16xf32>
        %parallel_loop3A_407 = arith.index_cast %parallel_loop3A_141 : i32 to index
        %parallel_loop3A_408 = arith.constant 400 : index
        %parallel_loop3A_409 = tpu.vector_load %arg10[%parallel_loop3A_407, %parallel_loop3A_408] {strides = array<i32>} : memref<16x768xf32, #tpu.memory_space<vmem>>, vector<1x16xf32>,
        %parallel_loop3A_410 = vector.shape_cast %parallel_loop3A_409 : vector<1x16xf32> to vector<16xf32>
        %parallel_loop3A_411 = vector.shape_cast %parallel_loop3A_406 : vector<16xf32> to vector<1x16xf32>
        tpu.vector_store %arg10[%parallel_loop3A_407, %parallel_loop3A_408], %parallel_loop3A_411 {add = true, strides = array<i32>} : memref<16x768xf32, #tpu.memory_space<vmem>>, vector<1x16xf32>,
        %parallel_loop3A_412 = arith.constant 416 : i32
        %parallel_loop3A_413 = arith.addi %parallel_loop3A_151, %parallel_loop3A_412 : i32
        %parallel_loop3A_414 = arith.index_cast %parallel_loop3A_413 : i32 to index
        %parallel_loop3A_415 = tpu.vector_load %arg6[%parallel_loop3A_414] {strides = array<i32>} : memref<77568xf32, #tpu.memory_space<vmem>>, vector<16xf32>,
        %parallel_loop3A_416 = vector.shape_cast %parallel_loop3A_415 : vector<16xf32> to vector<16xf32>
        %parallel_loop3A_417 = arith.index_cast %parallel_loop3A_141 : i32 to index
        %parallel_loop3A_418 = arith.constant 416 : index
        %parallel_loop3A_419 = tpu.vector_load %arg10[%parallel_loop3A_417, %parallel_loop3A_418] {strides = array<i32>} : memref<16x768xf32, #tpu.memory_space<vmem>>, vector<1x16xf32>,
        %parallel_loop3A_420 = vector.shape_cast %parallel_loop3A_419 : vector<1x16xf32> to vector<16xf32>
        %parallel_loop3A_421 = vector.shape_cast %parallel_loop3A_416 : vector<16xf32> to vector<1x16xf32>
        tpu.vector_store %arg10[%parallel_loop3A_417, %parallel_loop3A_418], %parallel_loop3A_421 {add = true, strides = array<i32>} : memref<16x768xf32, #tpu.memory_space<vmem>>, vector<1x16xf32>,
        %parallel_loop3A_422 = arith.constant 432 : i32
        %parallel_loop3A_423 = arith.addi %parallel_loop3A_151, %parallel_loop3A_422 : i32
        %parallel_loop3A_424 = arith.index_cast %parallel_loop3A_423 : i32 to index
        %parallel_loop3A_425 = tpu.vector_load %arg6[%parallel_loop3A_424] {strides = array<i32>} : memref<77568xf32, #tpu.memory_space<vmem>>, vector<16xf32>,
        %parallel_loop3A_426 = vector.shape_cast %parallel_loop3A_425 : vector<16xf32> to vector<16xf32>
        %parallel_loop3A_427 = arith.index_cast %parallel_loop3A_141 : i32 to index
        %parallel_loop3A_428 = arith.constant 432 : index
        %parallel_loop3A_429 = tpu.vector_load %arg10[%parallel_loop3A_427, %parallel_loop3A_428] {strides = array<i32>} : memref<16x768xf32, #tpu.memory_space<vmem>>, vector<1x16xf32>,
        %parallel_loop3A_430 = vector.shape_cast %parallel_loop3A_429 : vector<1x16xf32> to vector<16xf32>
        %parallel_loop3A_431 = vector.shape_cast %parallel_loop3A_426 : vector<16xf32> to vector<1x16xf32>
        tpu.vector_store %arg10[%parallel_loop3A_427, %parallel_loop3A_428], %parallel_loop3A_431 {add = true, strides = array<i32>} : memref<16x768xf32, #tpu.memory_space<vmem>>, vector<1x16xf32>,
        %parallel_loop3A_432 = arith.constant 448 : i32
        %parallel_loop3A_433 = arith.addi %parallel_loop3A_151, %parallel_loop3A_432 : i32
        %parallel_loop3A_434 = arith.index_cast %parallel_loop3A_433 : i32 to index
        %parallel_loop3A_435 = tpu.vector_load %arg6[%parallel_loop3A_434] {strides = array<i32>} : memref<77568xf32, #tpu.memory_space<vmem>>, vector<16xf32>,
        %parallel_loop3A_436 = vector.shape_cast %parallel_loop3A_435 : vector<16xf32> to vector<16xf32>
        %parallel_loop3A_437 = arith.index_cast %parallel_loop3A_141 : i32 to index
        %parallel_loop3A_438 = arith.constant 448 : index
        %parallel_loop3A_439 = tpu.vector_load %arg10[%parallel_loop3A_437, %parallel_loop3A_438] {strides = array<i32>} : memref<16x768xf32, #tpu.memory_space<vmem>>, vector<1x16xf32>,
        %parallel_loop3A_440 = vector.shape_cast %parallel_loop3A_439 : vector<1x16xf32> to vector<16xf32>
        %parallel_loop3A_441 = vector.shape_cast %parallel_loop3A_436 : vector<16xf32> to vector<1x16xf32>
        tpu.vector_store %arg10[%parallel_loop3A_437, %parallel_loop3A_438], %parallel_loop3A_441 {add = true, strides = array<i32>} : memref<16x768xf32, #tpu.memory_space<vmem>>, vector<1x16xf32>,
        %parallel_loop3A_442 = arith.constant 464 : i32
        %parallel_loop3A_443 = arith.addi %parallel_loop3A_151, %parallel_loop3A_442 : i32
        %parallel_loop3A_444 = arith.index_cast %parallel_loop3A_443 : i32 to index
        %parallel_loop3A_445 = tpu.vector_load %arg6[%parallel_loop3A_444] {strides = array<i32>} : memref<77568xf32, #tpu.memory_space<vmem>>, vector<16xf32>,
        %parallel_loop3A_446 = vector.shape_cast %parallel_loop3A_445 : vector<16xf32> to vector<16xf32>
        %parallel_loop3A_447 = arith.index_cast %parallel_loop3A_141 : i32 to index
        %parallel_loop3A_448 = arith.constant 464 : index
        %parallel_loop3A_449 = tpu.vector_load %arg10[%parallel_loop3A_447, %parallel_loop3A_448] {strides = array<i32>} : memref<16x768xf32, #tpu.memory_space<vmem>>, vector<1x16xf32>,
        %parallel_loop3A_450 = vector.shape_cast %parallel_loop3A_449 : vector<1x16xf32> to vector<16xf32>
        %parallel_loop3A_451 = vector.shape_cast %parallel_loop3A_446 : vector<16xf32> to vector<1x16xf32>
        tpu.vector_store %arg10[%parallel_loop3A_447, %parallel_loop3A_448], %parallel_loop3A_451 {add = true, strides = array<i32>} : memref<16x768xf32, #tpu.memory_space<vmem>>, vector<1x16xf32>,
        %parallel_loop3A_452 = arith.constant 480 : i32
        %parallel_loop3A_453 = arith.addi %parallel_loop3A_151, %parallel_loop3A_452 : i32
        %parallel_loop3A_454 = arith.index_cast %parallel_loop3A_453 : i32 to index
        %parallel_loop3A_455 = tpu.vector_load %arg6[%parallel_loop3A_454] {strides = array<i32>} : memref<77568xf32, #tpu.memory_space<vmem>>, vector<16xf32>,
        %parallel_loop3A_456 = vector.shape_cast %parallel_loop3A_455 : vector<16xf32> to vector<16xf32>
        %parallel_loop3A_457 = arith.index_cast %parallel_loop3A_141 : i32 to index
        %parallel_loop3A_458 = arith.constant 480 : index
        %parallel_loop3A_459 = tpu.vector_load %arg10[%parallel_loop3A_457, %parallel_loop3A_458] {strides = array<i32>} : memref<16x768xf32, #tpu.memory_space<vmem>>, vector<1x16xf32>,
        %parallel_loop3A_460 = vector.shape_cast %parallel_loop3A_459 : vector<1x16xf32> to vector<16xf32>
        %parallel_loop3A_461 = vector.shape_cast %parallel_loop3A_456 : vector<16xf32> to vector<1x16xf32>
        tpu.vector_store %arg10[%parallel_loop3A_457, %parallel_loop3A_458], %parallel_loop3A_461 {add = true, strides = array<i32>} : memref<16x768xf32, #tpu.memory_space<vmem>>, vector<1x16xf32>,
        %parallel_loop3A_462 = arith.constant 496 : i32
        %parallel_loop3A_463 = arith.addi %parallel_loop3A_151, %parallel_loop3A_462 : i32
        %parallel_loop3A_464 = arith.index_cast %parallel_loop3A_463 : i32 to index
        %parallel_loop3A_465 = tpu.vector_load %arg6[%parallel_loop3A_464] {strides = array<i32>} : memref<77568xf32, #tpu.memory_space<vmem>>, vector<16xf32>,
        %parallel_loop3A_466 = vector.shape_cast %parallel_loop3A_465 : vector<16xf32> to vector<16xf32>
        %parallel_loop3A_467 = arith.index_cast %parallel_loop3A_141 : i32 to index
        %parallel_loop3A_468 = arith.constant 496 : index
        %parallel_loop3A_469 = tpu.vector_load %arg10[%parallel_loop3A_467, %parallel_loop3A_468] {strides = array<i32>} : memref<16x768xf32, #tpu.memory_space<vmem>>, vector<1x16xf32>,
        %parallel_loop3A_470 = vector.shape_cast %parallel_loop3A_469 : vector<1x16xf32> to vector<16xf32>
        %parallel_loop3A_471 = vector.shape_cast %parallel_loop3A_466 : vector<16xf32> to vector<1x16xf32>
        tpu.vector_store %arg10[%parallel_loop3A_467, %parallel_loop3A_468], %parallel_loop3A_471 {add = true, strides = array<i32>} : memref<16x768xf32, #tpu.memory_space<vmem>>, vector<1x16xf32>,
        %parallel_loop3A_472 = arith.constant 512 : i32
        %parallel_loop3A_473 = arith.addi %parallel_loop3A_151, %parallel_loop3A_472 : i32
        %parallel_loop3A_474 = arith.index_cast %parallel_loop3A_473 : i32 to index
        %parallel_loop3A_475 = tpu.vector_load %arg6[%parallel_loop3A_474] {strides = array<i32>} : memref<77568xf32, #tpu.memory_space<vmem>>, vector<16xf32>,
        %parallel_loop3A_476 = vector.shape_cast %parallel_loop3A_475 : vector<16xf32> to vector<16xf32>
        %parallel_loop3A_477 = arith.index_cast %parallel_loop3A_141 : i32 to index
        %parallel_loop3A_478 = arith.constant 512 : index
        %parallel_loop3A_479 = tpu.vector_load %arg10[%parallel_loop3A_477, %parallel_loop3A_478] {strides = array<i32>} : memref<16x768xf32, #tpu.memory_space<vmem>>, vector<1x16xf32>,
        %parallel_loop3A_480 = vector.shape_cast %parallel_loop3A_479 : vector<1x16xf32> to vector<16xf32>
        %parallel_loop3A_481 = vector.shape_cast %parallel_loop3A_476 : vector<16xf32> to vector<1x16xf32>
        tpu.vector_store %arg10[%parallel_loop3A_477, %parallel_loop3A_478], %parallel_loop3A_481 {add = true, strides = array<i32>} : memref<16x768xf32, #tpu.memory_space<vmem>>, vector<1x16xf32>,
        %parallel_loop3A_482 = arith.constant 528 : i32
        %parallel_loop3A_483 = arith.addi %parallel_loop3A_151, %parallel_loop3A_482 : i32
        %parallel_loop3A_484 = arith.index_cast %parallel_loop3A_483 : i32 to index
        %parallel_loop3A_485 = tpu.vector_load %arg6[%parallel_loop3A_484] {strides = array<i32>} : memref<77568xf32, #tpu.memory_space<vmem>>, vector<16xf32>,
        %parallel_loop3A_486 = vector.shape_cast %parallel_loop3A_485 : vector<16xf32> to vector<16xf32>
        %parallel_loop3A_487 = arith.index_cast %parallel_loop3A_141 : i32 to index
        %parallel_loop3A_488 = arith.constant 528 : index
        %parallel_loop3A_489 = tpu.vector_load %arg10[%parallel_loop3A_487, %parallel_loop3A_488] {strides = array<i32>} : memref<16x768xf32, #tpu.memory_space<vmem>>, vector<1x16xf32>,
        %parallel_loop3A_490 = vector.shape_cast %parallel_loop3A_489 : vector<1x16xf32> to vector<16xf32>
        %parallel_loop3A_491 = vector.shape_cast %parallel_loop3A_486 : vector<16xf32> to vector<1x16xf32>
        tpu.vector_store %arg10[%parallel_loop3A_487, %parallel_loop3A_488], %parallel_loop3A_491 {add = true, strides = array<i32>} : memref<16x768xf32, #tpu.memory_space<vmem>>, vector<1x16xf32>,
        %parallel_loop3A_492 = arith.constant 544 : i32
        %parallel_loop3A_493 = arith.addi %parallel_loop3A_151, %parallel_loop3A_492 : i32
        %parallel_loop3A_494 = arith.index_cast %parallel_loop3A_493 : i32 to index
        %parallel_loop3A_495 = tpu.vector_load %arg6[%parallel_loop3A_494] {strides = array<i32>} : memref<77568xf32, #tpu.memory_space<vmem>>, vector<16xf32>,
        %parallel_loop3A_496 = vector.shape_cast %parallel_loop3A_495 : vector<16xf32> to vector<16xf32>
        %parallel_loop3A_497 = arith.index_cast %parallel_loop3A_141 : i32 to index
        %parallel_loop3A_498 = arith.constant 544 : index
        %parallel_loop3A_499 = tpu.vector_load %arg10[%parallel_loop3A_497, %parallel_loop3A_498] {strides = array<i32>} : memref<16x768xf32, #tpu.memory_space<vmem>>, vector<1x16xf32>,
        %parallel_loop3A_500 = vector.shape_cast %parallel_loop3A_499 : vector<1x16xf32> to vector<16xf32>
        %parallel_loop3A_501 = vector.shape_cast %parallel_loop3A_496 : vector<16xf32> to vector<1x16xf32>
        tpu.vector_store %arg10[%parallel_loop3A_497, %parallel_loop3A_498], %parallel_loop3A_501 {add = true, strides = array<i32>} : memref<16x768xf32, #tpu.memory_space<vmem>>, vector<1x16xf32>,
        %parallel_loop3A_502 = arith.constant 560 : i32
        %parallel_loop3A_503 = arith.addi %parallel_loop3A_151, %parallel_loop3A_502 : i32
        %parallel_loop3A_504 = arith.index_cast %parallel_loop3A_503 : i32 to index
        %parallel_loop3A_505 = tpu.vector_load %arg6[%parallel_loop3A_504] {strides = array<i32>} : memref<77568xf32, #tpu.memory_space<vmem>>, vector<16xf32>,
        %parallel_loop3A_506 = vector.shape_cast %parallel_loop3A_505 : vector<16xf32> to vector<16xf32>
        %parallel_loop3A_507 = arith.index_cast %parallel_loop3A_141 : i32 to index
        %parallel_loop3A_508 = arith.constant 560 : index
        %parallel_loop3A_509 = tpu.vector_load %arg10[%parallel_loop3A_507, %parallel_loop3A_508] {strides = array<i32>} : memref<16x768xf32, #tpu.memory_space<vmem>>, vector<1x16xf32>,
        %parallel_loop3A_510 = vector.shape_cast %parallel_loop3A_509 : vector<1x16xf32> to vector<16xf32>
        %parallel_loop3A_511 = vector.shape_cast %parallel_loop3A_506 : vector<16xf32> to vector<1x16xf32>
        tpu.vector_store %arg10[%parallel_loop3A_507, %parallel_loop3A_508], %parallel_loop3A_511 {add = true, strides = array<i32>} : memref<16x768xf32, #tpu.memory_space<vmem>>, vector<1x16xf32>,
        %parallel_loop3A_512 = arith.constant 576 : i32
        %parallel_loop3A_513 = arith.addi %parallel_loop3A_151, %parallel_loop3A_512 : i32
        %parallel_loop3A_514 = arith.index_cast %parallel_loop3A_513 : i32 to index
        %parallel_loop3A_515 = tpu.vector_load %arg6[%parallel_loop3A_514] {strides = array<i32>} : memref<77568xf32, #tpu.memory_space<vmem>>, vector<16xf32>,
        %parallel_loop3A_516 = vector.shape_cast %parallel_loop3A_515 : vector<16xf32> to vector<16xf32>
        %parallel_loop3A_517 = arith.index_cast %parallel_loop3A_141 : i32 to index
        %parallel_loop3A_518 = arith.constant 576 : index
        %parallel_loop3A_519 = tpu.vector_load %arg10[%parallel_loop3A_517, %parallel_loop3A_518] {strides = array<i32>} : memref<16x768xf32, #tpu.memory_space<vmem>>, vector<1x16xf32>,
        %parallel_loop3A_520 = vector.shape_cast %parallel_loop3A_519 : vector<1x16xf32> to vector<16xf32>
        %parallel_loop3A_521 = vector.shape_cast %parallel_loop3A_516 : vector<16xf32> to vector<1x16xf32>
        tpu.vector_store %arg10[%parallel_loop3A_517, %parallel_loop3A_518], %parallel_loop3A_521 {add = true, strides = array<i32>} : memref<16x768xf32, #tpu.memory_space<vmem>>, vector<1x16xf32>,
        %parallel_loop3A_522 = arith.constant 592 : i32
        %parallel_loop3A_523 = arith.addi %parallel_loop3A_151, %parallel_loop3A_522 : i32
        %parallel_loop3A_524 = arith.index_cast %parallel_loop3A_523 : i32 to index
        %parallel_loop3A_525 = tpu.vector_load %arg6[%parallel_loop3A_524] {strides = array<i32>} : memref<77568xf32, #tpu.memory_space<vmem>>, vector<16xf32>,
        %parallel_loop3A_526 = vector.shape_cast %parallel_loop3A_525 : vector<16xf32> to vector<16xf32>
        %parallel_loop3A_527 = arith.index_cast %parallel_loop3A_141 : i32 to index
        %parallel_loop3A_528 = arith.constant 592 : index
        %parallel_loop3A_529 = tpu.vector_load %arg10[%parallel_loop3A_527, %parallel_loop3A_528] {strides = array<i32>} : memref<16x768xf32, #tpu.memory_space<vmem>>, vector<1x16xf32>,
        %parallel_loop3A_530 = vector.shape_cast %parallel_loop3A_529 : vector<1x16xf32> to vector<16xf32>
        %parallel_loop3A_531 = vector.shape_cast %parallel_loop3A_526 : vector<16xf32> to vector<1x16xf32>
        tpu.vector_store %arg10[%parallel_loop3A_527, %parallel_loop3A_528], %parallel_loop3A_531 {add = true, strides = array<i32>} : memref<16x768xf32, #tpu.memory_space<vmem>>, vector<1x16xf32>,
        %parallel_loop3A_532 = arith.constant 608 : i32
        %parallel_loop3A_533 = arith.addi %parallel_loop3A_151, %parallel_loop3A_532 : i32
        %parallel_loop3A_534 = arith.index_cast %parallel_loop3A_533 : i32 to index
        %parallel_loop3A_535 = tpu.vector_load %arg6[%parallel_loop3A_534] {strides = array<i32>} : memref<77568xf32, #tpu.memory_space<vmem>>, vector<16xf32>,
        %parallel_loop3A_536 = vector.shape_cast %parallel_loop3A_535 : vector<16xf32> to vector<16xf32>
        %parallel_loop3A_537 = arith.index_cast %parallel_loop3A_141 : i32 to index
        %parallel_loop3A_538 = arith.constant 608 : index
        %parallel_loop3A_539 = tpu.vector_load %arg10[%parallel_loop3A_537, %parallel_loop3A_538] {strides = array<i32>} : memref<16x768xf32, #tpu.memory_space<vmem>>, vector<1x16xf32>,
        %parallel_loop3A_540 = vector.shape_cast %parallel_loop3A_539 : vector<1x16xf32> to vector<16xf32>
        %parallel_loop3A_541 = vector.shape_cast %parallel_loop3A_536 : vector<16xf32> to vector<1x16xf32>
        tpu.vector_store %arg10[%parallel_loop3A_537, %parallel_loop3A_538], %parallel_loop3A_541 {add = true, strides = array<i32>} : memref<16x768xf32, #tpu.memory_space<vmem>>, vector<1x16xf32>,
        %parallel_loop3A_542 = arith.constant 624 : i32
        %parallel_loop3A_543 = arith.addi %parallel_loop3A_151, %parallel_loop3A_542 : i32
        %parallel_loop3A_544 = arith.index_cast %parallel_loop3A_543 : i32 to index
        %parallel_loop3A_545 = tpu.vector_load %arg6[%parallel_loop3A_544] {strides = array<i32>} : memref<77568xf32, #tpu.memory_space<vmem>>, vector<16xf32>,
        %parallel_loop3A_546 = vector.shape_cast %parallel_loop3A_545 : vector<16xf32> to vector<16xf32>
        %parallel_loop3A_547 = arith.index_cast %parallel_loop3A_141 : i32 to index
        %parallel_loop3A_548 = arith.constant 624 : index
        %parallel_loop3A_549 = tpu.vector_load %arg10[%parallel_loop3A_547, %parallel_loop3A_548] {strides = array<i32>} : memref<16x768xf32, #tpu.memory_space<vmem>>, vector<1x16xf32>,
        %parallel_loop3A_550 = vector.shape_cast %parallel_loop3A_549 : vector<1x16xf32> to vector<16xf32>
        %parallel_loop3A_551 = vector.shape_cast %parallel_loop3A_546 : vector<16xf32> to vector<1x16xf32>
        tpu.vector_store %arg10[%parallel_loop3A_547, %parallel_loop3A_548], %parallel_loop3A_551 {add = true, strides = array<i32>} : memref<16x768xf32, #tpu.memory_space<vmem>>, vector<1x16xf32>,
        %parallel_loop3A_552 = arith.constant 640 : i32
        %parallel_loop3A_553 = arith.addi %parallel_loop3A_151, %parallel_loop3A_552 : i32
        %parallel_loop3A_554 = arith.index_cast %parallel_loop3A_553 : i32 to index
        %parallel_loop3A_555 = tpu.vector_load %arg6[%parallel_loop3A_554] {strides = array<i32>} : memref<77568xf32, #tpu.memory_space<vmem>>, vector<16xf32>,
        %parallel_loop3A_556 = vector.shape_cast %parallel_loop3A_555 : vector<16xf32> to vector<16xf32>
        %parallel_loop3A_557 = arith.index_cast %parallel_loop3A_141 : i32 to index
        %parallel_loop3A_558 = arith.constant 640 : index
        %parallel_loop3A_559 = tpu.vector_load %arg10[%parallel_loop3A_557, %parallel_loop3A_558] {strides = array<i32>} : memref<16x768xf32, #tpu.memory_space<vmem>>, vector<1x16xf32>,
        %parallel_loop3A_560 = vector.shape_cast %parallel_loop3A_559 : vector<1x16xf32> to vector<16xf32>
        %parallel_loop3A_561 = vector.shape_cast %parallel_loop3A_556 : vector<16xf32> to vector<1x16xf32>
        tpu.vector_store %arg10[%parallel_loop3A_557, %parallel_loop3A_558], %parallel_loop3A_561 {add = true, strides = array<i32>} : memref<16x768xf32, #tpu.memory_space<vmem>>, vector<1x16xf32>,
        %parallel_loop3A_562 = arith.constant 656 : i32
        %parallel_loop3A_563 = arith.addi %parallel_loop3A_151, %parallel_loop3A_562 : i32
        %parallel_loop3A_564 = arith.index_cast %parallel_loop3A_563 : i32 to index
        %parallel_loop3A_565 = tpu.vector_load %arg6[%parallel_loop3A_564] {strides = array<i32>} : memref<77568xf32, #tpu.memory_space<vmem>>, vector<16xf32>,
        %parallel_loop3A_566 = vector.shape_cast %parallel_loop3A_565 : vector<16xf32> to vector<16xf32>
        %parallel_loop3A_567 = arith.index_cast %parallel_loop3A_141 : i32 to index
        %parallel_loop3A_568 = arith.constant 656 : index
        %parallel_loop3A_569 = tpu.vector_load %arg10[%parallel_loop3A_567, %parallel_loop3A_568] {strides = array<i32>} : memref<16x768xf32, #tpu.memory_space<vmem>>, vector<1x16xf32>,
        %parallel_loop3A_570 = vector.shape_cast %parallel_loop3A_569 : vector<1x16xf32> to vector<16xf32>
        %parallel_loop3A_571 = vector.shape_cast %parallel_loop3A_566 : vector<16xf32> to vector<1x16xf32>
        tpu.vector_store %arg10[%parallel_loop3A_567, %parallel_loop3A_568], %parallel_loop3A_571 {add = true, strides = array<i32>} : memref<16x768xf32, #tpu.memory_space<vmem>>, vector<1x16xf32>,
        %parallel_loop3A_572 = arith.constant 672 : i32
        %parallel_loop3A_573 = arith.addi %parallel_loop3A_151, %parallel_loop3A_572 : i32
        %parallel_loop3A_574 = arith.index_cast %parallel_loop3A_573 : i32 to index
        %parallel_loop3A_575 = tpu.vector_load %arg6[%parallel_loop3A_574] {strides = array<i32>} : memref<77568xf32, #tpu.memory_space<vmem>>, vector<16xf32>,
        %parallel_loop3A_576 = vector.shape_cast %parallel_loop3A_575 : vector<16xf32> to vector<16xf32>
        %parallel_loop3A_577 = arith.index_cast %parallel_loop3A_141 : i32 to index
        %parallel_loop3A_578 = arith.constant 672 : index
        %parallel_loop3A_579 = tpu.vector_load %arg10[%parallel_loop3A_577, %parallel_loop3A_578] {strides = array<i32>} : memref<16x768xf32, #tpu.memory_space<vmem>>, vector<1x16xf32>,
        %parallel_loop3A_580 = vector.shape_cast %parallel_loop3A_579 : vector<1x16xf32> to vector<16xf32>
        %parallel_loop3A_581 = vector.shape_cast %parallel_loop3A_576 : vector<16xf32> to vector<1x16xf32>
        tpu.vector_store %arg10[%parallel_loop3A_577, %parallel_loop3A_578], %parallel_loop3A_581 {add = true, strides = array<i32>} : memref<16x768xf32, #tpu.memory_space<vmem>>, vector<1x16xf32>,
        %parallel_loop3A_582 = arith.constant 688 : i32
        %parallel_loop3A_583 = arith.addi %parallel_loop3A_151, %parallel_loop3A_582 : i32
        %parallel_loop3A_584 = arith.index_cast %parallel_loop3A_583 : i32 to index
        %parallel_loop3A_585 = tpu.vector_load %arg6[%parallel_loop3A_584] {strides = array<i32>} : memref<77568xf32, #tpu.memory_space<vmem>>, vector<16xf32>,
        %parallel_loop3A_586 = vector.shape_cast %parallel_loop3A_585 : vector<16xf32> to vector<16xf32>
        %parallel_loop3A_587 = arith.index_cast %parallel_loop3A_141 : i32 to index
        %parallel_loop3A_588 = arith.constant 688 : index
        %parallel_loop3A_589 = tpu.vector_load %arg10[%parallel_loop3A_587, %parallel_loop3A_588] {strides = array<i32>} : memref<16x768xf32, #tpu.memory_space<vmem>>, vector<1x16xf32>,
        %parallel_loop3A_590 = vector.shape_cast %parallel_loop3A_589 : vector<1x16xf32> to vector<16xf32>
        %parallel_loop3A_591 = vector.shape_cast %parallel_loop3A_586 : vector<16xf32> to vector<1x16xf32>
        tpu.vector_store %arg10[%parallel_loop3A_587, %parallel_loop3A_588], %parallel_loop3A_591 {add = true, strides = array<i32>} : memref<16x768xf32, #tpu.memory_space<vmem>>, vector<1x16xf32>,
        %parallel_loop3A_592 = arith.constant 704 : i32
        %parallel_loop3A_593 = arith.addi %parallel_loop3A_151, %parallel_loop3A_592 : i32
        %parallel_loop3A_594 = arith.index_cast %parallel_loop3A_593 : i32 to index
        %parallel_loop3A_595 = tpu.vector_load %arg6[%parallel_loop3A_594] {strides = array<i32>} : memref<77568xf32, #tpu.memory_space<vmem>>, vector<16xf32>,
        %parallel_loop3A_596 = vector.shape_cast %parallel_loop3A_595 : vector<16xf32> to vector<16xf32>
        %parallel_loop3A_597 = arith.index_cast %parallel_loop3A_141 : i32 to index
        %parallel_loop3A_598 = arith.constant 704 : index
        %parallel_loop3A_599 = tpu.vector_load %arg10[%parallel_loop3A_597, %parallel_loop3A_598] {strides = array<i32>} : memref<16x768xf32, #tpu.memory_space<vmem>>, vector<1x16xf32>,
        %parallel_loop3A_600 = vector.shape_cast %parallel_loop3A_599 : vector<1x16xf32> to vector<16xf32>
        %parallel_loop3A_601 = vector.shape_cast %parallel_loop3A_596 : vector<16xf32> to vector<1x16xf32>
        tpu.vector_store %arg10[%parallel_loop3A_597, %parallel_loop3A_598], %parallel_loop3A_601 {add = true, strides = array<i32>} : memref<16x768xf32, #tpu.memory_space<vmem>>, vector<1x16xf32>,
        %parallel_loop3A_602 = arith.constant 720 : i32
        %parallel_loop3A_603 = arith.addi %parallel_loop3A_151, %parallel_loop3A_602 : i32
        %parallel_loop3A_604 = arith.index_cast %parallel_loop3A_603 : i32 to index
        %parallel_loop3A_605 = tpu.vector_load %arg6[%parallel_loop3A_604] {strides = array<i32>} : memref<77568xf32, #tpu.memory_space<vmem>>, vector<16xf32>,
        %parallel_loop3A_606 = vector.shape_cast %parallel_loop3A_605 : vector<16xf32> to vector<16xf32>
        %parallel_loop3A_607 = arith.index_cast %parallel_loop3A_141 : i32 to index
        %parallel_loop3A_608 = arith.constant 720 : index
        %parallel_loop3A_609 = tpu.vector_load %arg10[%parallel_loop3A_607, %parallel_loop3A_608] {strides = array<i32>} : memref<16x768xf32, #tpu.memory_space<vmem>>, vector<1x16xf32>,
        %parallel_loop3A_610 = vector.shape_cast %parallel_loop3A_609 : vector<1x16xf32> to vector<16xf32>
        %parallel_loop3A_611 = vector.shape_cast %parallel_loop3A_606 : vector<16xf32> to vector<1x16xf32>
        tpu.vector_store %arg10[%parallel_loop3A_607, %parallel_loop3A_608], %parallel_loop3A_611 {add = true, strides = array<i32>} : memref<16x768xf32, #tpu.memory_space<vmem>>, vector<1x16xf32>,
        %parallel_loop3A_612 = arith.constant 736 : i32
        %parallel_loop3A_613 = arith.addi %parallel_loop3A_151, %parallel_loop3A_612 : i32
        %parallel_loop3A_614 = arith.index_cast %parallel_loop3A_613 : i32 to index
        %parallel_loop3A_615 = tpu.vector_load %arg6[%parallel_loop3A_614] {strides = array<i32>} : memref<77568xf32, #tpu.memory_space<vmem>>, vector<16xf32>,
        %parallel_loop3A_616 = vector.shape_cast %parallel_loop3A_615 : vector<16xf32> to vector<16xf32>
        %parallel_loop3A_617 = arith.index_cast %parallel_loop3A_141 : i32 to index
        %parallel_loop3A_618 = arith.constant 736 : index
        %parallel_loop3A_619 = tpu.vector_load %arg10[%parallel_loop3A_617, %parallel_loop3A_618] {strides = array<i32>} : memref<16x768xf32, #tpu.memory_space<vmem>>, vector<1x16xf32>,
        %parallel_loop3A_620 = vector.shape_cast %parallel_loop3A_619 : vector<1x16xf32> to vector<16xf32>
        %parallel_loop3A_621 = vector.shape_cast %parallel_loop3A_616 : vector<16xf32> to vector<1x16xf32>
        tpu.vector_store %arg10[%parallel_loop3A_617, %parallel_loop3A_618], %parallel_loop3A_621 {add = true, strides = array<i32>} : memref<16x768xf32, #tpu.memory_space<vmem>>, vector<1x16xf32>,
        %parallel_loop3A_622 = arith.constant 752 : i32
        %parallel_loop3A_623 = arith.addi %parallel_loop3A_151, %parallel_loop3A_622 : i32
        %parallel_loop3A_624 = arith.index_cast %parallel_loop3A_623 : i32 to index
        %parallel_loop3A_625 = tpu.vector_load %arg6[%parallel_loop3A_624] {strides = array<i32>} : memref<77568xf32, #tpu.memory_space<vmem>>, vector<16xf32>,
        %parallel_loop3A_626 = vector.shape_cast %parallel_loop3A_625 : vector<16xf32> to vector<16xf32>
        %parallel_loop3A_627 = arith.index_cast %parallel_loop3A_141 : i32 to index
        %parallel_loop3A_628 = arith.constant 752 : index
        %parallel_loop3A_629 = tpu.vector_load %arg10[%parallel_loop3A_627, %parallel_loop3A_628] {strides = array<i32>} : memref<16x768xf32, #tpu.memory_space<vmem>>, vector<1x16xf32>,
        %parallel_loop3A_630 = vector.shape_cast %parallel_loop3A_629 : vector<1x16xf32> to vector<16xf32>
        %parallel_loop3A_631 = vector.shape_cast %parallel_loop3A_626 : vector<16xf32> to vector<1x16xf32>
        tpu.vector_store %arg10[%parallel_loop3A_627, %parallel_loop3A_628], %parallel_loop3A_631 {add = true, strides = array<i32>} : memref<16x768xf32, #tpu.memory_space<vmem>>, vector<1x16xf32>,
      } {sc.loop_unroll_factor = 1 : i64, sc.parallel_access}
      %barrier3A_106 = arith.constant 0 : index
      tpu.barrier barrier_id(%barrier3A_106)
      %mul3A_107 = arith.constant 16 : i32
      %mul3A_108 = arith.muli %add3A_88, %mul3A_107 : i32
      %add3A_109 = arith.addi %mul3A_2, %mul3A_108 : i32
      %dma_start3A_110 = arith.constant 0 : i32
      %dma_start3A_111 = tpu.memref_slice %arg5[%add3A_109, %dma_start3A_110] : memref<16384x768xf32, #tpu.memory_space<hbm>> -> memref<16x768xf32, #tpu.memory_space<hbm>>
      %dma_start3A_112 = arith.constant 0 : i32
      %dma_start3A_113 = tpu.memref_slice %arg5[%add3A_109, %dma_start3A_112] : memref<16384x768xf32, #tpu.memory_space<hbm>> -> memref<16x768xf32, #tpu.memory_space<hbm>>
      tpu.enqueue_dma source(%arg10 : memref<16x768xf32, #tpu.memory_space<vmem>>) target(%dma_start3A_113 : memref<16x768xf32, #tpu.memory_space<hbm>>) target_semaphore(%arg19 : memref<!tpu.dma_semaphore, #tpu.memory_space<semaphore_mem>>)
      %add3A_114 = arith.constant 3 : i32
      %add3A_115 = arith.addi %mul3A_37, %add3A_114 : i32
      %mul3A_116 = arith.constant 16 : i32
      %mul3A_117 = arith.muli %add3A_115, %mul3A_116 : i32
      %add3A_118 = arith.addi %mul3A_2, %mul3A_117 : i32
      %dma_wait3A_119 = arith.constant 0 : i32
      %dma_wait3A_120 = tpu.memref_slice %arg2[%add3A_118, %dma_wait3A_119] : memref<16384x768xf32, #tpu.memory_space<hbm>> -> memref<16x768xf32, #tpu.memory_space<hbm>>
      %dma_wait3A_121 = arith.constant 0 : i32
      %dma_wait3A_122 = tpu.memref_slice %arg2[%add3A_118, %dma_wait3A_121] : memref<16384x768xf32, #tpu.memory_space<hbm>> -> memref<16x768xf32, #tpu.memory_space<hbm>>
      tpu.wait_dma2 semaphore(%arg16 : memref<!tpu.dma_semaphore, #tpu.memory_space<semaphore_mem>>) src(%dma_wait3A_122 : memref<16x768xf32, #tpu.memory_space<hbm>>) dst(%arg11 : memref<16x768xf32, #tpu.memory_space<vmem>>)
      %add3A_123 = arith.constant 1 : i32
      %add3A_124 = arith.addi %add3A_115, %add3A_123 : i32
      %lt3A_125 = arith.constant 32 : i32
      %lt3A_126 = arith.cmpi slt, %add3A_124, %lt3A_125 : i32
      %convert_element_type3A_127 = arith.extui %lt3A_126 : i1 to i32
      %cond3A_128 = arith.constant 0 : i32
      %cond3A_129 = arith.cmpi ne, %convert_element_type3A_127, %cond3A_128 : i32
      scf.if %cond3A_129 {
        %ge3A = arith.constant 3 : i32
        %ge3A_141 = arith.cmpi sge, %add3A_115, %ge3A : i32
        %convert_element_type3A_142 = arith.extui %ge3A_141 : i1 to i32
        %cond3A_143 = arith.constant 0 : i32
        %cond3A_144 = arith.cmpi ne, %convert_element_type3A_142, %cond3A_143 : i32
        scf.if %cond3A_144 {
          %sub3A = arith.constant 3 : i32
          %sub3A_154 = arith.subi %add3A_115, %sub3A : i32
          %mul3A_155 = arith.constant 16 : i32
          %mul3A_156 = arith.muli %sub3A_154, %mul3A_155 : i32
          %add3A_157 = arith.addi %mul3A_2, %mul3A_156 : i32
          %dma_wait3A_158 = arith.constant 0 : i32
          %dma_wait3A_159 = tpu.memref_slice %arg5[%add3A_157, %dma_wait3A_158] : memref<16384x768xf32, #tpu.memory_space<hbm>> -> memref<16x768xf32, #tpu.memory_space<hbm>>
          %dma_wait3A_160 = arith.constant 0 : i32
          %dma_wait3A_161 = tpu.memref_slice %arg5[%add3A_157, %dma_wait3A_160] : memref<16384x768xf32, #tpu.memory_space<hbm>> -> memref<16x768xf32, #tpu.memory_space<hbm>>
          tpu.wait_dma2 semaphore(%arg17 : memref<!tpu.dma_semaphore, #tpu.memory_space<semaphore_mem>>) src(%arg8 : memref<16x768xf32, #tpu.memory_space<vmem>>) dst(%dma_wait3A_161 : memref<16x768xf32, #tpu.memory_space<hbm>>)
        } else {
        }
        %add3A_145 = arith.constant 1 : i32
        %add3A_146 = arith.addi %add3A_115, %add3A_145 : i32
        %mul3A_147 = arith.constant 16 : i32
        %mul3A_148 = arith.muli %add3A_146, %mul3A_147 : i32
        %add3A_149 = arith.addi %mul3A_2, %mul3A_148 : i32
        %dma_start3A_150 = arith.constant 0 : i32
        %dma_start3A_151 = tpu.memref_slice %arg2[%add3A_149, %dma_start3A_150] : memref<16384x768xf32, #tpu.memory_space<hbm>> -> memref<16x768xf32, #tpu.memory_space<hbm>>
        %dma_start3A_152 = arith.constant 0 : i32
        %dma_start3A_153 = tpu.memref_slice %arg2[%add3A_149, %dma_start3A_152] : memref<16384x768xf32, #tpu.memory_space<hbm>> -> memref<16x768xf32, #tpu.memory_space<hbm>>
        tpu.enqueue_dma source(%dma_start3A_153 : memref<16x768xf32, #tpu.memory_space<hbm>>) target(%arg8 : memref<16x768xf32, #tpu.memory_space<vmem>>) target_semaphore(%arg13 : memref<!tpu.dma_semaphore, #tpu.memory_space<semaphore_mem>>)
      } else {
      }
      %parallel_loop3A_130 = arith.constant 0 : i32
      %parallel_loop3A_131 = arith.constant 16 : i32
      %parallel_loop3A_132 = arith.constant 1 : i32
      scf.for %parallel_loop3A_141 = %parallel_loop3A_130 to %parallel_loop3A_131 step %parallel_loop3A_132  : i32 {
        %parallel_loop3A_142 = arith.constant 16 : i32
        %parallel_loop3A_143 = arith.muli %add3A_115, %parallel_loop3A_142 : i32
        %parallel_loop3A_144 = arith.addi %parallel_loop3A_143, %parallel_loop3A_141 : i32
        %parallel_loop3A_145 = arith.index_cast %parallel_loop3A_144 : i32 to index
        %parallel_loop3A_146 = tpu.vector_load %arg7[%parallel_loop3A_145] {strides = array<i32>} : memref<528xi32, #tpu.memory_space<vmem>>, vector<16xi32>,
        %parallel_loop3A_147 = vector.shape_cast %parallel_loop3A_146 : vector<16xi32> to vector<16xi32>
        %parallel_loop3A_148 = vector.extract_strided_slice %parallel_loop3A_147 {offsets = [0], sizes = [1], strides = [1]} : vector<16xi32> to vector<1xi32>
        %parallel_loop3A_149 = vector.extract %parallel_loop3A_148[0] : i32 from vector<1xi32>
        %parallel_loop3A_150 = arith.constant 768 : i32
        %parallel_loop3A_151 = arith.muli %parallel_loop3A_149, %parallel_loop3A_150 : i32
        %parallel_loop3A_152 = arith.constant 0 : i32
        %parallel_loop3A_153 = arith.addi %parallel_loop3A_151, %parallel_loop3A_152 : i32
        %parallel_loop3A_154 = arith.index_cast %parallel_loop3A_153 : i32 to index
        %parallel_loop3A_155 = tpu.vector_load %arg6[%parallel_loop3A_154] {strides = array<i32>} : memref<77568xf32, #tpu.memory_space<vmem>>, vector<16xf32>,
        %parallel_loop3A_156 = vector.shape_cast %parallel_loop3A_155 : vector<16xf32> to vector<16xf32>
        %parallel_loop3A_157 = arith.index_cast %parallel_loop3A_141 : i32 to index
        %parallel_loop3A_158 = arith.constant 0 : index
        %parallel_loop3A_159 = tpu.vector_load %arg11[%parallel_loop3A_157, %parallel_loop3A_158] {strides = array<i32>} : memref<16x768xf32, #tpu.memory_space<vmem>>, vector<1x16xf32>,
        %parallel_loop3A_160 = vector.shape_cast %parallel_loop3A_159 : vector<1x16xf32> to vector<16xf32>
        %parallel_loop3A_161 = vector.shape_cast %parallel_loop3A_156 : vector<16xf32> to vector<1x16xf32>
        tpu.vector_store %arg11[%parallel_loop3A_157, %parallel_loop3A_158], %parallel_loop3A_161 {add = true, strides = array<i32>} : memref<16x768xf32, #tpu.memory_space<vmem>>, vector<1x16xf32>,
        %parallel_loop3A_162 = arith.constant 16 : i32
        %parallel_loop3A_163 = arith.addi %parallel_loop3A_151, %parallel_loop3A_162 : i32
        %parallel_loop3A_164 = arith.index_cast %parallel_loop3A_163 : i32 to index
        %parallel_loop3A_165 = tpu.vector_load %arg6[%parallel_loop3A_164] {strides = array<i32>} : memref<77568xf32, #tpu.memory_space<vmem>>, vector<16xf32>,
        %parallel_loop3A_166 = vector.shape_cast %parallel_loop3A_165 : vector<16xf32> to vector<16xf32>
        %parallel_loop3A_167 = arith.index_cast %parallel_loop3A_141 : i32 to index
        %parallel_loop3A_168 = arith.constant 16 : index
        %parallel_loop3A_169 = tpu.vector_load %arg11[%parallel_loop3A_167, %parallel_loop3A_168] {strides = array<i32>} : memref<16x768xf32, #tpu.memory_space<vmem>>, vector<1x16xf32>,
        %parallel_loop3A_170 = vector.shape_cast %parallel_loop3A_169 : vector<1x16xf32> to vector<16xf32>
        %parallel_loop3A_171 = vector.shape_cast %parallel_loop3A_166 : vector<16xf32> to vector<1x16xf32>
        tpu.vector_store %arg11[%parallel_loop3A_167, %parallel_loop3A_168], %parallel_loop3A_171 {add = true, strides = array<i32>} : memref<16x768xf32, #tpu.memory_space<vmem>>, vector<1x16xf32>,
        %parallel_loop3A_172 = arith.constant 32 : i32
        %parallel_loop3A_173 = arith.addi %parallel_loop3A_151, %parallel_loop3A_172 : i32
        %parallel_loop3A_174 = arith.index_cast %parallel_loop3A_173 : i32 to index
        %parallel_loop3A_175 = tpu.vector_load %arg6[%parallel_loop3A_174] {strides = array<i32>} : memref<77568xf32, #tpu.memory_space<vmem>>, vector<16xf32>,
        %parallel_loop3A_176 = vector.shape_cast %parallel_loop3A_175 : vector<16xf32> to vector<16xf32>
        %parallel_loop3A_177 = arith.index_cast %parallel_loop3A_141 : i32 to index
        %parallel_loop3A_178 = arith.constant 32 : index
        %parallel_loop3A_179 = tpu.vector_load %arg11[%parallel_loop3A_177, %parallel_loop3A_178] {strides = array<i32>} : memref<16x768xf32, #tpu.memory_space<vmem>>, vector<1x16xf32>,
        %parallel_loop3A_180 = vector.shape_cast %parallel_loop3A_179 : vector<1x16xf32> to vector<16xf32>
        %parallel_loop3A_181 = vector.shape_cast %parallel_loop3A_176 : vector<16xf32> to vector<1x16xf32>
        tpu.vector_store %arg11[%parallel_loop3A_177, %parallel_loop3A_178], %parallel_loop3A_181 {add = true, strides = array<i32>} : memref<16x768xf32, #tpu.memory_space<vmem>>, vector<1x16xf32>,
        %parallel_loop3A_182 = arith.constant 48 : i32
        %parallel_loop3A_183 = arith.addi %parallel_loop3A_151, %parallel_loop3A_182 : i32
        %parallel_loop3A_184 = arith.index_cast %parallel_loop3A_183 : i32 to index
        %parallel_loop3A_185 = tpu.vector_load %arg6[%parallel_loop3A_184] {strides = array<i32>} : memref<77568xf32, #tpu.memory_space<vmem>>, vector<16xf32>,
        %parallel_loop3A_186 = vector.shape_cast %parallel_loop3A_185 : vector<16xf32> to vector<16xf32>
        %parallel_loop3A_187 = arith.index_cast %parallel_loop3A_141 : i32 to index
        %parallel_loop3A_188 = arith.constant 48 : index
        %parallel_loop3A_189 = tpu.vector_load %arg11[%parallel_loop3A_187, %parallel_loop3A_188] {strides = array<i32>} : memref<16x768xf32, #tpu.memory_space<vmem>>, vector<1x16xf32>,
        %parallel_loop3A_190 = vector.shape_cast %parallel_loop3A_189 : vector<1x16xf32> to vector<16xf32>
        %parallel_loop3A_191 = vector.shape_cast %parallel_loop3A_186 : vector<16xf32> to vector<1x16xf32>
        tpu.vector_store %arg11[%parallel_loop3A_187, %parallel_loop3A_188], %parallel_loop3A_191 {add = true, strides = array<i32>} : memref<16x768xf32, #tpu.memory_space<vmem>>, vector<1x16xf32>,
        %parallel_loop3A_192 = arith.constant 64 : i32
        %parallel_loop3A_193 = arith.addi %parallel_loop3A_151, %parallel_loop3A_192 : i32
        %parallel_loop3A_194 = arith.index_cast %parallel_loop3A_193 : i32 to index
        %parallel_loop3A_195 = tpu.vector_load %arg6[%parallel_loop3A_194] {strides = array<i32>} : memref<77568xf32, #tpu.memory_space<vmem>>, vector<16xf32>,
        %parallel_loop3A_196 = vector.shape_cast %parallel_loop3A_195 : vector<16xf32> to vector<16xf32>
        %parallel_loop3A_197 = arith.index_cast %parallel_loop3A_141 : i32 to index
        %parallel_loop3A_198 = arith.constant 64 : index
        %parallel_loop3A_199 = tpu.vector_load %arg11[%parallel_loop3A_197, %parallel_loop3A_198] {strides = array<i32>} : memref<16x768xf32, #tpu.memory_space<vmem>>, vector<1x16xf32>,
        %parallel_loop3A_200 = vector.shape_cast %parallel_loop3A_199 : vector<1x16xf32> to vector<16xf32>
        %parallel_loop3A_201 = vector.shape_cast %parallel_loop3A_196 : vector<16xf32> to vector<1x16xf32>
        tpu.vector_store %arg11[%parallel_loop3A_197, %parallel_loop3A_198], %parallel_loop3A_201 {add = true, strides = array<i32>} : memref<16x768xf32, #tpu.memory_space<vmem>>, vector<1x16xf32>,
        %parallel_loop3A_202 = arith.constant 80 : i32
        %parallel_loop3A_203 = arith.addi %parallel_loop3A_151, %parallel_loop3A_202 : i32
        %parallel_loop3A_204 = arith.index_cast %parallel_loop3A_203 : i32 to index
        %parallel_loop3A_205 = tpu.vector_load %arg6[%parallel_loop3A_204] {strides = array<i32>} : memref<77568xf32, #tpu.memory_space<vmem>>, vector<16xf32>,
        %parallel_loop3A_206 = vector.shape_cast %parallel_loop3A_205 : vector<16xf32> to vector<16xf32>
        %parallel_loop3A_207 = arith.index_cast %parallel_loop3A_141 : i32 to index
        %parallel_loop3A_208 = arith.constant 80 : index
        %parallel_loop3A_209 = tpu.vector_load %arg11[%parallel_loop3A_207, %parallel_loop3A_208] {strides = array<i32>} : memref<16x768xf32, #tpu.memory_space<vmem>>, vector<1x16xf32>,
        %parallel_loop3A_210 = vector.shape_cast %parallel_loop3A_209 : vector<1x16xf32> to vector<16xf32>
        %parallel_loop3A_211 = vector.shape_cast %parallel_loop3A_206 : vector<16xf32> to vector<1x16xf32>
        tpu.vector_store %arg11[%parallel_loop3A_207, %parallel_loop3A_208], %parallel_loop3A_211 {add = true, strides = array<i32>} : memref<16x768xf32, #tpu.memory_space<vmem>>, vector<1x16xf32>,
        %parallel_loop3A_212 = arith.constant 96 : i32
        %parallel_loop3A_213 = arith.addi %parallel_loop3A_151, %parallel_loop3A_212 : i32
        %parallel_loop3A_214 = arith.index_cast %parallel_loop3A_213 : i32 to index
        %parallel_loop3A_215 = tpu.vector_load %arg6[%parallel_loop3A_214] {strides = array<i32>} : memref<77568xf32, #tpu.memory_space<vmem>>, vector<16xf32>,
        %parallel_loop3A_216 = vector.shape_cast %parallel_loop3A_215 : vector<16xf32> to vector<16xf32>
        %parallel_loop3A_217 = arith.index_cast %parallel_loop3A_141 : i32 to index
        %parallel_loop3A_218 = arith.constant 96 : index
        %parallel_loop3A_219 = tpu.vector_load %arg11[%parallel_loop3A_217, %parallel_loop3A_218] {strides = array<i32>} : memref<16x768xf32, #tpu.memory_space<vmem>>, vector<1x16xf32>,
        %parallel_loop3A_220 = vector.shape_cast %parallel_loop3A_219 : vector<1x16xf32> to vector<16xf32>
        %parallel_loop3A_221 = vector.shape_cast %parallel_loop3A_216 : vector<16xf32> to vector<1x16xf32>
        tpu.vector_store %arg11[%parallel_loop3A_217, %parallel_loop3A_218], %parallel_loop3A_221 {add = true, strides = array<i32>} : memref<16x768xf32, #tpu.memory_space<vmem>>, vector<1x16xf32>,
        %parallel_loop3A_222 = arith.constant 112 : i32
        %parallel_loop3A_223 = arith.addi %parallel_loop3A_151, %parallel_loop3A_222 : i32
        %parallel_loop3A_224 = arith.index_cast %parallel_loop3A_223 : i32 to index
        %parallel_loop3A_225 = tpu.vector_load %arg6[%parallel_loop3A_224] {strides = array<i32>} : memref<77568xf32, #tpu.memory_space<vmem>>, vector<16xf32>,
        %parallel_loop3A_226 = vector.shape_cast %parallel_loop3A_225 : vector<16xf32> to vector<16xf32>
        %parallel_loop3A_227 = arith.index_cast %parallel_loop3A_141 : i32 to index
        %parallel_loop3A_228 = arith.constant 112 : index
        %parallel_loop3A_229 = tpu.vector_load %arg11[%parallel_loop3A_227, %parallel_loop3A_228] {strides = array<i32>} : memref<16x768xf32, #tpu.memory_space<vmem>>, vector<1x16xf32>,
        %parallel_loop3A_230 = vector.shape_cast %parallel_loop3A_229 : vector<1x16xf32> to vector<16xf32>
        %parallel_loop3A_231 = vector.shape_cast %parallel_loop3A_226 : vector<16xf32> to vector<1x16xf32>
        tpu.vector_store %arg11[%parallel_loop3A_227, %parallel_loop3A_228], %parallel_loop3A_231 {add = true, strides = array<i32>} : memref<16x768xf32, #tpu.memory_space<vmem>>, vector<1x16xf32>,
        %parallel_loop3A_232 = arith.constant 128 : i32
        %parallel_loop3A_233 = arith.addi %parallel_loop3A_151, %parallel_loop3A_232 : i32
        %parallel_loop3A_234 = arith.index_cast %parallel_loop3A_233 : i32 to index
        %parallel_loop3A_235 = tpu.vector_load %arg6[%parallel_loop3A_234] {strides = array<i32>} : memref<77568xf32, #tpu.memory_space<vmem>>, vector<16xf32>,
        %parallel_loop3A_236 = vector.shape_cast %parallel_loop3A_235 : vector<16xf32> to vector<16xf32>
        %parallel_loop3A_237 = arith.index_cast %parallel_loop3A_141 : i32 to index
        %parallel_loop3A_238 = arith.constant 128 : index
        %parallel_loop3A_239 = tpu.vector_load %arg11[%parallel_loop3A_237, %parallel_loop3A_238] {strides = array<i32>} : memref<16x768xf32, #tpu.memory_space<vmem>>, vector<1x16xf32>,
        %parallel_loop3A_240 = vector.shape_cast %parallel_loop3A_239 : vector<1x16xf32> to vector<16xf32>
        %parallel_loop3A_241 = vector.shape_cast %parallel_loop3A_236 : vector<16xf32> to vector<1x16xf32>
        tpu.vector_store %arg11[%parallel_loop3A_237, %parallel_loop3A_238], %parallel_loop3A_241 {add = true, strides = array<i32>} : memref<16x768xf32, #tpu.memory_space<vmem>>, vector<1x16xf32>,
        %parallel_loop3A_242 = arith.constant 144 : i32
        %parallel_loop3A_243 = arith.addi %parallel_loop3A_151, %parallel_loop3A_242 : i32
        %parallel_loop3A_244 = arith.index_cast %parallel_loop3A_243 : i32 to index
        %parallel_loop3A_245 = tpu.vector_load %arg6[%parallel_loop3A_244] {strides = array<i32>} : memref<77568xf32, #tpu.memory_space<vmem>>, vector<16xf32>,
        %parallel_loop3A_246 = vector.shape_cast %parallel_loop3A_245 : vector<16xf32> to vector<16xf32>
        %parallel_loop3A_247 = arith.index_cast %parallel_loop3A_141 : i32 to index
        %parallel_loop3A_248 = arith.constant 144 : index
        %parallel_loop3A_249 = tpu.vector_load %arg11[%parallel_loop3A_247, %parallel_loop3A_248] {strides = array<i32>} : memref<16x768xf32, #tpu.memory_space<vmem>>, vector<1x16xf32>,
        %parallel_loop3A_250 = vector.shape_cast %parallel_loop3A_249 : vector<1x16xf32> to vector<16xf32>
        %parallel_loop3A_251 = vector.shape_cast %parallel_loop3A_246 : vector<16xf32> to vector<1x16xf32>
        tpu.vector_store %arg11[%parallel_loop3A_247, %parallel_loop3A_248], %parallel_loop3A_251 {add = true, strides = array<i32>} : memref<16x768xf32, #tpu.memory_space<vmem>>, vector<1x16xf32>,
        %parallel_loop3A_252 = arith.constant 160 : i32
        %parallel_loop3A_253 = arith.addi %parallel_loop3A_151, %parallel_loop3A_252 : i32
        %parallel_loop3A_254 = arith.index_cast %parallel_loop3A_253 : i32 to index
        %parallel_loop3A_255 = tpu.vector_load %arg6[%parallel_loop3A_254] {strides = array<i32>} : memref<77568xf32, #tpu.memory_space<vmem>>, vector<16xf32>,
        %parallel_loop3A_256 = vector.shape_cast %parallel_loop3A_255 : vector<16xf32> to vector<16xf32>
        %parallel_loop3A_257 = arith.index_cast %parallel_loop3A_141 : i32 to index
        %parallel_loop3A_258 = arith.constant 160 : index
        %parallel_loop3A_259 = tpu.vector_load %arg11[%parallel_loop3A_257, %parallel_loop3A_258] {strides = array<i32>} : memref<16x768xf32, #tpu.memory_space<vmem>>, vector<1x16xf32>,
        %parallel_loop3A_260 = vector.shape_cast %parallel_loop3A_259 : vector<1x16xf32> to vector<16xf32>
        %parallel_loop3A_261 = vector.shape_cast %parallel_loop3A_256 : vector<16xf32> to vector<1x16xf32>
        tpu.vector_store %arg11[%parallel_loop3A_257, %parallel_loop3A_258], %parallel_loop3A_261 {add = true, strides = array<i32>} : memref<16x768xf32, #tpu.memory_space<vmem>>, vector<1x16xf32>,
        %parallel_loop3A_262 = arith.constant 176 : i32
        %parallel_loop3A_263 = arith.addi %parallel_loop3A_151, %parallel_loop3A_262 : i32
        %parallel_loop3A_264 = arith.index_cast %parallel_loop3A_263 : i32 to index
        %parallel_loop3A_265 = tpu.vector_load %arg6[%parallel_loop3A_264] {strides = array<i32>} : memref<77568xf32, #tpu.memory_space<vmem>>, vector<16xf32>,
        %parallel_loop3A_266 = vector.shape_cast %parallel_loop3A_265 : vector<16xf32> to vector<16xf32>
        %parallel_loop3A_267 = arith.index_cast %parallel_loop3A_141 : i32 to index
        %parallel_loop3A_268 = arith.constant 176 : index
        %parallel_loop3A_269 = tpu.vector_load %arg11[%parallel_loop3A_267, %parallel_loop3A_268] {strides = array<i32>} : memref<16x768xf32, #tpu.memory_space<vmem>>, vector<1x16xf32>,
        %parallel_loop3A_270 = vector.shape_cast %parallel_loop3A_269 : vector<1x16xf32> to vector<16xf32>
        %parallel_loop3A_271 = vector.shape_cast %parallel_loop3A_266 : vector<16xf32> to vector<1x16xf32>
        tpu.vector_store %arg11[%parallel_loop3A_267, %parallel_loop3A_268], %parallel_loop3A_271 {add = true, strides = array<i32>} : memref<16x768xf32, #tpu.memory_space<vmem>>, vector<1x16xf32>,
        %parallel_loop3A_272 = arith.constant 192 : i32
        %parallel_loop3A_273 = arith.addi %parallel_loop3A_151, %parallel_loop3A_272 : i32
        %parallel_loop3A_274 = arith.index_cast %parallel_loop3A_273 : i32 to index
        %parallel_loop3A_275 = tpu.vector_load %arg6[%parallel_loop3A_274] {strides = array<i32>} : memref<77568xf32, #tpu.memory_space<vmem>>, vector<16xf32>,
        %parallel_loop3A_276 = vector.shape_cast %parallel_loop3A_275 : vector<16xf32> to vector<16xf32>
        %parallel_loop3A_277 = arith.index_cast %parallel_loop3A_141 : i32 to index
        %parallel_loop3A_278 = arith.constant 192 : index
        %parallel_loop3A_279 = tpu.vector_load %arg11[%parallel_loop3A_277, %parallel_loop3A_278] {strides = array<i32>} : memref<16x768xf32, #tpu.memory_space<vmem>>, vector<1x16xf32>,
        %parallel_loop3A_280 = vector.shape_cast %parallel_loop3A_279 : vector<1x16xf32> to vector<16xf32>
        %parallel_loop3A_281 = vector.shape_cast %parallel_loop3A_276 : vector<16xf32> to vector<1x16xf32>
        tpu.vector_store %arg11[%parallel_loop3A_277, %parallel_loop3A_278], %parallel_loop3A_281 {add = true, strides = array<i32>} : memref<16x768xf32, #tpu.memory_space<vmem>>, vector<1x16xf32>,
        %parallel_loop3A_282 = arith.constant 208 : i32
        %parallel_loop3A_283 = arith.addi %parallel_loop3A_151, %parallel_loop3A_282 : i32
        %parallel_loop3A_284 = arith.index_cast %parallel_loop3A_283 : i32 to index
        %parallel_loop3A_285 = tpu.vector_load %arg6[%parallel_loop3A_284] {strides = array<i32>} : memref<77568xf32, #tpu.memory_space<vmem>>, vector<16xf32>,
        %parallel_loop3A_286 = vector.shape_cast %parallel_loop3A_285 : vector<16xf32> to vector<16xf32>
        %parallel_loop3A_287 = arith.index_cast %parallel_loop3A_141 : i32 to index
        %parallel_loop3A_288 = arith.constant 208 : index
        %parallel_loop3A_289 = tpu.vector_load %arg11[%parallel_loop3A_287, %parallel_loop3A_288] {strides = array<i32>} : memref<16x768xf32, #tpu.memory_space<vmem>>, vector<1x16xf32>,
        %parallel_loop3A_290 = vector.shape_cast %parallel_loop3A_289 : vector<1x16xf32> to vector<16xf32>
        %parallel_loop3A_291 = vector.shape_cast %parallel_loop3A_286 : vector<16xf32> to vector<1x16xf32>
        tpu.vector_store %arg11[%parallel_loop3A_287, %parallel_loop3A_288], %parallel_loop3A_291 {add = true, strides = array<i32>} : memref<16x768xf32, #tpu.memory_space<vmem>>, vector<1x16xf32>,
        %parallel_loop3A_292 = arith.constant 224 : i32
        %parallel_loop3A_293 = arith.addi %parallel_loop3A_151, %parallel_loop3A_292 : i32
        %parallel_loop3A_294 = arith.index_cast %parallel_loop3A_293 : i32 to index
        %parallel_loop3A_295 = tpu.vector_load %arg6[%parallel_loop3A_294] {strides = array<i32>} : memref<77568xf32, #tpu.memory_space<vmem>>, vector<16xf32>,
        %parallel_loop3A_296 = vector.shape_cast %parallel_loop3A_295 : vector<16xf32> to vector<16xf32>
        %parallel_loop3A_297 = arith.index_cast %parallel_loop3A_141 : i32 to index
        %parallel_loop3A_298 = arith.constant 224 : index
        %parallel_loop3A_299 = tpu.vector_load %arg11[%parallel_loop3A_297, %parallel_loop3A_298] {strides = array<i32>} : memref<16x768xf32, #tpu.memory_space<vmem>>, vector<1x16xf32>,
        %parallel_loop3A_300 = vector.shape_cast %parallel_loop3A_299 : vector<1x16xf32> to vector<16xf32>
        %parallel_loop3A_301 = vector.shape_cast %parallel_loop3A_296 : vector<16xf32> to vector<1x16xf32>
        tpu.vector_store %arg11[%parallel_loop3A_297, %parallel_loop3A_298], %parallel_loop3A_301 {add = true, strides = array<i32>} : memref<16x768xf32, #tpu.memory_space<vmem>>, vector<1x16xf32>,
        %parallel_loop3A_302 = arith.constant 240 : i32
        %parallel_loop3A_303 = arith.addi %parallel_loop3A_151, %parallel_loop3A_302 : i32
        %parallel_loop3A_304 = arith.index_cast %parallel_loop3A_303 : i32 to index
        %parallel_loop3A_305 = tpu.vector_load %arg6[%parallel_loop3A_304] {strides = array<i32>} : memref<77568xf32, #tpu.memory_space<vmem>>, vector<16xf32>,
        %parallel_loop3A_306 = vector.shape_cast %parallel_loop3A_305 : vector<16xf32> to vector<16xf32>
        %parallel_loop3A_307 = arith.index_cast %parallel_loop3A_141 : i32 to index
        %parallel_loop3A_308 = arith.constant 240 : index
        %parallel_loop3A_309 = tpu.vector_load %arg11[%parallel_loop3A_307, %parallel_loop3A_308] {strides = array<i32>} : memref<16x768xf32, #tpu.memory_space<vmem>>, vector<1x16xf32>,
        %parallel_loop3A_310 = vector.shape_cast %parallel_loop3A_309 : vector<1x16xf32> to vector<16xf32>
        %parallel_loop3A_311 = vector.shape_cast %parallel_loop3A_306 : vector<16xf32> to vector<1x16xf32>
        tpu.vector_store %arg11[%parallel_loop3A_307, %parallel_loop3A_308], %parallel_loop3A_311 {add = true, strides = array<i32>} : memref<16x768xf32, #tpu.memory_space<vmem>>, vector<1x16xf32>,
        %parallel_loop3A_312 = arith.constant 256 : i32
        %parallel_loop3A_313 = arith.addi %parallel_loop3A_151, %parallel_loop3A_312 : i32
        %parallel_loop3A_314 = arith.index_cast %parallel_loop3A_313 : i32 to index
        %parallel_loop3A_315 = tpu.vector_load %arg6[%parallel_loop3A_314] {strides = array<i32>} : memref<77568xf32, #tpu.memory_space<vmem>>, vector<16xf32>,
        %parallel_loop3A_316 = vector.shape_cast %parallel_loop3A_315 : vector<16xf32> to vector<16xf32>
        %parallel_loop3A_317 = arith.index_cast %parallel_loop3A_141 : i32 to index
        %parallel_loop3A_318 = arith.constant 256 : index
        %parallel_loop3A_319 = tpu.vector_load %arg11[%parallel_loop3A_317, %parallel_loop3A_318] {strides = array<i32>} : memref<16x768xf32, #tpu.memory_space<vmem>>, vector<1x16xf32>,
        %parallel_loop3A_320 = vector.shape_cast %parallel_loop3A_319 : vector<1x16xf32> to vector<16xf32>
        %parallel_loop3A_321 = vector.shape_cast %parallel_loop3A_316 : vector<16xf32> to vector<1x16xf32>
        tpu.vector_store %arg11[%parallel_loop3A_317, %parallel_loop3A_318], %parallel_loop3A_321 {add = true, strides = array<i32>} : memref<16x768xf32, #tpu.memory_space<vmem>>, vector<1x16xf32>,
        %parallel_loop3A_322 = arith.constant 272 : i32
        %parallel_loop3A_323 = arith.addi %parallel_loop3A_151, %parallel_loop3A_322 : i32
        %parallel_loop3A_324 = arith.index_cast %parallel_loop3A_323 : i32 to index
        %parallel_loop3A_325 = tpu.vector_load %arg6[%parallel_loop3A_324] {strides = array<i32>} : memref<77568xf32, #tpu.memory_space<vmem>>, vector<16xf32>,
        %parallel_loop3A_326 = vector.shape_cast %parallel_loop3A_325 : vector<16xf32> to vector<16xf32>
        %parallel_loop3A_327 = arith.index_cast %parallel_loop3A_141 : i32 to index
        %parallel_loop3A_328 = arith.constant 272 : index
        %parallel_loop3A_329 = tpu.vector_load %arg11[%parallel_loop3A_327, %parallel_loop3A_328] {strides = array<i32>} : memref<16x768xf32, #tpu.memory_space<vmem>>, vector<1x16xf32>,
        %parallel_loop3A_330 = vector.shape_cast %parallel_loop3A_329 : vector<1x16xf32> to vector<16xf32>
        %parallel_loop3A_331 = vector.shape_cast %parallel_loop3A_326 : vector<16xf32> to vector<1x16xf32>
        tpu.vector_store %arg11[%parallel_loop3A_327, %parallel_loop3A_328], %parallel_loop3A_331 {add = true, strides = array<i32>} : memref<16x768xf32, #tpu.memory_space<vmem>>, vector<1x16xf32>,
        %parallel_loop3A_332 = arith.constant 288 : i32
        %parallel_loop3A_333 = arith.addi %parallel_loop3A_151, %parallel_loop3A_332 : i32
        %parallel_loop3A_334 = arith.index_cast %parallel_loop3A_333 : i32 to index
        %parallel_loop3A_335 = tpu.vector_load %arg6[%parallel_loop3A_334] {strides = array<i32>} : memref<77568xf32, #tpu.memory_space<vmem>>, vector<16xf32>,
        %parallel_loop3A_336 = vector.shape_cast %parallel_loop3A_335 : vector<16xf32> to vector<16xf32>
        %parallel_loop3A_337 = arith.index_cast %parallel_loop3A_141 : i32 to index
        %parallel_loop3A_338 = arith.constant 288 : index
        %parallel_loop3A_339 = tpu.vector_load %arg11[%parallel_loop3A_337, %parallel_loop3A_338] {strides = array<i32>} : memref<16x768xf32, #tpu.memory_space<vmem>>, vector<1x16xf32>,
        %parallel_loop3A_340 = vector.shape_cast %parallel_loop3A_339 : vector<1x16xf32> to vector<16xf32>
        %parallel_loop3A_341 = vector.shape_cast %parallel_loop3A_336 : vector<16xf32> to vector<1x16xf32>
        tpu.vector_store %arg11[%parallel_loop3A_337, %parallel_loop3A_338], %parallel_loop3A_341 {add = true, strides = array<i32>} : memref<16x768xf32, #tpu.memory_space<vmem>>, vector<1x16xf32>,
        %parallel_loop3A_342 = arith.constant 304 : i32
        %parallel_loop3A_343 = arith.addi %parallel_loop3A_151, %parallel_loop3A_342 : i32
        %parallel_loop3A_344 = arith.index_cast %parallel_loop3A_343 : i32 to index
        %parallel_loop3A_345 = tpu.vector_load %arg6[%parallel_loop3A_344] {strides = array<i32>} : memref<77568xf32, #tpu.memory_space<vmem>>, vector<16xf32>,
        %parallel_loop3A_346 = vector.shape_cast %parallel_loop3A_345 : vector<16xf32> to vector<16xf32>
        %parallel_loop3A_347 = arith.index_cast %parallel_loop3A_141 : i32 to index
        %parallel_loop3A_348 = arith.constant 304 : index
        %parallel_loop3A_349 = tpu.vector_load %arg11[%parallel_loop3A_347, %parallel_loop3A_348] {strides = array<i32>} : memref<16x768xf32, #tpu.memory_space<vmem>>, vector<1x16xf32>,
        %parallel_loop3A_350 = vector.shape_cast %parallel_loop3A_349 : vector<1x16xf32> to vector<16xf32>
        %parallel_loop3A_351 = vector.shape_cast %parallel_loop3A_346 : vector<16xf32> to vector<1x16xf32>
        tpu.vector_store %arg11[%parallel_loop3A_347, %parallel_loop3A_348], %parallel_loop3A_351 {add = true, strides = array<i32>} : memref<16x768xf32, #tpu.memory_space<vmem>>, vector<1x16xf32>,
        %parallel_loop3A_352 = arith.constant 320 : i32
        %parallel_loop3A_353 = arith.addi %parallel_loop3A_151, %parallel_loop3A_352 : i32
        %parallel_loop3A_354 = arith.index_cast %parallel_loop3A_353 : i32 to index
        %parallel_loop3A_355 = tpu.vector_load %arg6[%parallel_loop3A_354] {strides = array<i32>} : memref<77568xf32, #tpu.memory_space<vmem>>, vector<16xf32>,
        %parallel_loop3A_356 = vector.shape_cast %parallel_loop3A_355 : vector<16xf32> to vector<16xf32>
        %parallel_loop3A_357 = arith.index_cast %parallel_loop3A_141 : i32 to index
        %parallel_loop3A_358 = arith.constant 320 : index
        %parallel_loop3A_359 = tpu.vector_load %arg11[%parallel_loop3A_357, %parallel_loop3A_358] {strides = array<i32>} : memref<16x768xf32, #tpu.memory_space<vmem>>, vector<1x16xf32>,
        %parallel_loop3A_360 = vector.shape_cast %parallel_loop3A_359 : vector<1x16xf32> to vector<16xf32>
        %parallel_loop3A_361 = vector.shape_cast %parallel_loop3A_356 : vector<16xf32> to vector<1x16xf32>
        tpu.vector_store %arg11[%parallel_loop3A_357, %parallel_loop3A_358], %parallel_loop3A_361 {add = true, strides = array<i32>} : memref<16x768xf32, #tpu.memory_space<vmem>>, vector<1x16xf32>,
        %parallel_loop3A_362 = arith.constant 336 : i32
        %parallel_loop3A_363 = arith.addi %parallel_loop3A_151, %parallel_loop3A_362 : i32
        %parallel_loop3A_364 = arith.index_cast %parallel_loop3A_363 : i32 to index
        %parallel_loop3A_365 = tpu.vector_load %arg6[%parallel_loop3A_364] {strides = array<i32>} : memref<77568xf32, #tpu.memory_space<vmem>>, vector<16xf32>,
        %parallel_loop3A_366 = vector.shape_cast %parallel_loop3A_365 : vector<16xf32> to vector<16xf32>
        %parallel_loop3A_367 = arith.index_cast %parallel_loop3A_141 : i32 to index
        %parallel_loop3A_368 = arith.constant 336 : index
        %parallel_loop3A_369 = tpu.vector_load %arg11[%parallel_loop3A_367, %parallel_loop3A_368] {strides = array<i32>} : memref<16x768xf32, #tpu.memory_space<vmem>>, vector<1x16xf32>,
        %parallel_loop3A_370 = vector.shape_cast %parallel_loop3A_369 : vector<1x16xf32> to vector<16xf32>
        %parallel_loop3A_371 = vector.shape_cast %parallel_loop3A_366 : vector<16xf32> to vector<1x16xf32>
        tpu.vector_store %arg11[%parallel_loop3A_367, %parallel_loop3A_368], %parallel_loop3A_371 {add = true, strides = array<i32>} : memref<16x768xf32, #tpu.memory_space<vmem>>, vector<1x16xf32>,
        %parallel_loop3A_372 = arith.constant 352 : i32
        %parallel_loop3A_373 = arith.addi %parallel_loop3A_151, %parallel_loop3A_372 : i32
        %parallel_loop3A_374 = arith.index_cast %parallel_loop3A_373 : i32 to index
        %parallel_loop3A_375 = tpu.vector_load %arg6[%parallel_loop3A_374] {strides = array<i32>} : memref<77568xf32, #tpu.memory_space<vmem>>, vector<16xf32>,
        %parallel_loop3A_376 = vector.shape_cast %parallel_loop3A_375 : vector<16xf32> to vector<16xf32>
        %parallel_loop3A_377 = arith.index_cast %parallel_loop3A_141 : i32 to index
        %parallel_loop3A_378 = arith.constant 352 : index
        %parallel_loop3A_379 = tpu.vector_load %arg11[%parallel_loop3A_377, %parallel_loop3A_378] {strides = array<i32>} : memref<16x768xf32, #tpu.memory_space<vmem>>, vector<1x16xf32>,
        %parallel_loop3A_380 = vector.shape_cast %parallel_loop3A_379 : vector<1x16xf32> to vector<16xf32>
        %parallel_loop3A_381 = vector.shape_cast %parallel_loop3A_376 : vector<16xf32> to vector<1x16xf32>
        tpu.vector_store %arg11[%parallel_loop3A_377, %parallel_loop3A_378], %parallel_loop3A_381 {add = true, strides = array<i32>} : memref<16x768xf32, #tpu.memory_space<vmem>>, vector<1x16xf32>,
        %parallel_loop3A_382 = arith.constant 368 : i32
        %parallel_loop3A_383 = arith.addi %parallel_loop3A_151, %parallel_loop3A_382 : i32
        %parallel_loop3A_384 = arith.index_cast %parallel_loop3A_383 : i32 to index
        %parallel_loop3A_385 = tpu.vector_load %arg6[%parallel_loop3A_384] {strides = array<i32>} : memref<77568xf32, #tpu.memory_space<vmem>>, vector<16xf32>,
        %parallel_loop3A_386 = vector.shape_cast %parallel_loop3A_385 : vector<16xf32> to vector<16xf32>
        %parallel_loop3A_387 = arith.index_cast %parallel_loop3A_141 : i32 to index
        %parallel_loop3A_388 = arith.constant 368 : index
        %parallel_loop3A_389 = tpu.vector_load %arg11[%parallel_loop3A_387, %parallel_loop3A_388] {strides = array<i32>} : memref<16x768xf32, #tpu.memory_space<vmem>>, vector<1x16xf32>,
        %parallel_loop3A_390 = vector.shape_cast %parallel_loop3A_389 : vector<1x16xf32> to vector<16xf32>
        %parallel_loop3A_391 = vector.shape_cast %parallel_loop3A_386 : vector<16xf32> to vector<1x16xf32>
        tpu.vector_store %arg11[%parallel_loop3A_387, %parallel_loop3A_388], %parallel_loop3A_391 {add = true, strides = array<i32>} : memref<16x768xf32, #tpu.memory_space<vmem>>, vector<1x16xf32>,
        %parallel_loop3A_392 = arith.constant 384 : i32
        %parallel_loop3A_393 = arith.addi %parallel_loop3A_151, %parallel_loop3A_392 : i32
        %parallel_loop3A_394 = arith.index_cast %parallel_loop3A_393 : i32 to index
        %parallel_loop3A_395 = tpu.vector_load %arg6[%parallel_loop3A_394] {strides = array<i32>} : memref<77568xf32, #tpu.memory_space<vmem>>, vector<16xf32>,
        %parallel_loop3A_396 = vector.shape_cast %parallel_loop3A_395 : vector<16xf32> to vector<16xf32>
        %parallel_loop3A_397 = arith.index_cast %parallel_loop3A_141 : i32 to index
        %parallel_loop3A_398 = arith.constant 384 : index
        %parallel_loop3A_399 = tpu.vector_load %arg11[%parallel_loop3A_397, %parallel_loop3A_398] {strides = array<i32>} : memref<16x768xf32, #tpu.memory_space<vmem>>, vector<1x16xf32>,
        %parallel_loop3A_400 = vector.shape_cast %parallel_loop3A_399 : vector<1x16xf32> to vector<16xf32>
        %parallel_loop3A_401 = vector.shape_cast %parallel_loop3A_396 : vector<16xf32> to vector<1x16xf32>
        tpu.vector_store %arg11[%parallel_loop3A_397, %parallel_loop3A_398], %parallel_loop3A_401 {add = true, strides = array<i32>} : memref<16x768xf32, #tpu.memory_space<vmem>>, vector<1x16xf32>,
        %parallel_loop3A_402 = arith.constant 400 : i32
        %parallel_loop3A_403 = arith.addi %parallel_loop3A_151, %parallel_loop3A_402 : i32
        %parallel_loop3A_404 = arith.index_cast %parallel_loop3A_403 : i32 to index
        %parallel_loop3A_405 = tpu.vector_load %arg6[%parallel_loop3A_404] {strides = array<i32>} : memref<77568xf32, #tpu.memory_space<vmem>>, vector<16xf32>,
        %parallel_loop3A_406 = vector.shape_cast %parallel_loop3A_405 : vector<16xf32> to vector<16xf32>
        %parallel_loop3A_407 = arith.index_cast %parallel_loop3A_141 : i32 to index
        %parallel_loop3A_408 = arith.constant 400 : index
        %parallel_loop3A_409 = tpu.vector_load %arg11[%parallel_loop3A_407, %parallel_loop3A_408] {strides = array<i32>} : memref<16x768xf32, #tpu.memory_space<vmem>>, vector<1x16xf32>,
        %parallel_loop3A_410 = vector.shape_cast %parallel_loop3A_409 : vector<1x16xf32> to vector<16xf32>
        %parallel_loop3A_411 = vector.shape_cast %parallel_loop3A_406 : vector<16xf32> to vector<1x16xf32>
        tpu.vector_store %arg11[%parallel_loop3A_407, %parallel_loop3A_408], %parallel_loop3A_411 {add = true, strides = array<i32>} : memref<16x768xf32, #tpu.memory_space<vmem>>, vector<1x16xf32>,
        %parallel_loop3A_412 = arith.constant 416 : i32
        %parallel_loop3A_413 = arith.addi %parallel_loop3A_151, %parallel_loop3A_412 : i32
        %parallel_loop3A_414 = arith.index_cast %parallel_loop3A_413 : i32 to index
        %parallel_loop3A_415 = tpu.vector_load %arg6[%parallel_loop3A_414] {strides = array<i32>} : memref<77568xf32, #tpu.memory_space<vmem>>, vector<16xf32>,
        %parallel_loop3A_416 = vector.shape_cast %parallel_loop3A_415 : vector<16xf32> to vector<16xf32>
        %parallel_loop3A_417 = arith.index_cast %parallel_loop3A_141 : i32 to index
        %parallel_loop3A_418 = arith.constant 416 : index
        %parallel_loop3A_419 = tpu.vector_load %arg11[%parallel_loop3A_417, %parallel_loop3A_418] {strides = array<i32>} : memref<16x768xf32, #tpu.memory_space<vmem>>, vector<1x16xf32>,
        %parallel_loop3A_420 = vector.shape_cast %parallel_loop3A_419 : vector<1x16xf32> to vector<16xf32>
        %parallel_loop3A_421 = vector.shape_cast %parallel_loop3A_416 : vector<16xf32> to vector<1x16xf32>
        tpu.vector_store %arg11[%parallel_loop3A_417, %parallel_loop3A_418], %parallel_loop3A_421 {add = true, strides = array<i32>} : memref<16x768xf32, #tpu.memory_space<vmem>>, vector<1x16xf32>,
        %parallel_loop3A_422 = arith.constant 432 : i32
        %parallel_loop3A_423 = arith.addi %parallel_loop3A_151, %parallel_loop3A_422 : i32
        %parallel_loop3A_424 = arith.index_cast %parallel_loop3A_423 : i32 to index
        %parallel_loop3A_425 = tpu.vector_load %arg6[%parallel_loop3A_424] {strides = array<i32>} : memref<77568xf32, #tpu.memory_space<vmem>>, vector<16xf32>,
        %parallel_loop3A_426 = vector.shape_cast %parallel_loop3A_425 : vector<16xf32> to vector<16xf32>
        %parallel_loop3A_427 = arith.index_cast %parallel_loop3A_141 : i32 to index
        %parallel_loop3A_428 = arith.constant 432 : index
        %parallel_loop3A_429 = tpu.vector_load %arg11[%parallel_loop3A_427, %parallel_loop3A_428] {strides = array<i32>} : memref<16x768xf32, #tpu.memory_space<vmem>>, vector<1x16xf32>,
        %parallel_loop3A_430 = vector.shape_cast %parallel_loop3A_429 : vector<1x16xf32> to vector<16xf32>
        %parallel_loop3A_431 = vector.shape_cast %parallel_loop3A_426 : vector<16xf32> to vector<1x16xf32>
        tpu.vector_store %arg11[%parallel_loop3A_427, %parallel_loop3A_428], %parallel_loop3A_431 {add = true, strides = array<i32>} : memref<16x768xf32, #tpu.memory_space<vmem>>, vector<1x16xf32>,
        %parallel_loop3A_432 = arith.constant 448 : i32
        %parallel_loop3A_433 = arith.addi %parallel_loop3A_151, %parallel_loop3A_432 : i32
        %parallel_loop3A_434 = arith.index_cast %parallel_loop3A_433 : i32 to index
        %parallel_loop3A_435 = tpu.vector_load %arg6[%parallel_loop3A_434] {strides = array<i32>} : memref<77568xf32, #tpu.memory_space<vmem>>, vector<16xf32>,
        %parallel_loop3A_436 = vector.shape_cast %parallel_loop3A_435 : vector<16xf32> to vector<16xf32>
        %parallel_loop3A_437 = arith.index_cast %parallel_loop3A_141 : i32 to index
        %parallel_loop3A_438 = arith.constant 448 : index
        %parallel_loop3A_439 = tpu.vector_load %arg11[%parallel_loop3A_437, %parallel_loop3A_438] {strides = array<i32>} : memref<16x768xf32, #tpu.memory_space<vmem>>, vector<1x16xf32>,
        %parallel_loop3A_440 = vector.shape_cast %parallel_loop3A_439 : vector<1x16xf32> to vector<16xf32>
        %parallel_loop3A_441 = vector.shape_cast %parallel_loop3A_436 : vector<16xf32> to vector<1x16xf32>
        tpu.vector_store %arg11[%parallel_loop3A_437, %parallel_loop3A_438], %parallel_loop3A_441 {add = true, strides = array<i32>} : memref<16x768xf32, #tpu.memory_space<vmem>>, vector<1x16xf32>,
        %parallel_loop3A_442 = arith.constant 464 : i32
        %parallel_loop3A_443 = arith.addi %parallel_loop3A_151, %parallel_loop3A_442 : i32
        %parallel_loop3A_444 = arith.index_cast %parallel_loop3A_443 : i32 to index
        %parallel_loop3A_445 = tpu.vector_load %arg6[%parallel_loop3A_444] {strides = array<i32>} : memref<77568xf32, #tpu.memory_space<vmem>>, vector<16xf32>,
        %parallel_loop3A_446 = vector.shape_cast %parallel_loop3A_445 : vector<16xf32> to vector<16xf32>
        %parallel_loop3A_447 = arith.index_cast %parallel_loop3A_141 : i32 to index
        %parallel_loop3A_448 = arith.constant 464 : index
        %parallel_loop3A_449 = tpu.vector_load %arg11[%parallel_loop3A_447, %parallel_loop3A_448] {strides = array<i32>} : memref<16x768xf32, #tpu.memory_space<vmem>>, vector<1x16xf32>,
        %parallel_loop3A_450 = vector.shape_cast %parallel_loop3A_449 : vector<1x16xf32> to vector<16xf32>
        %parallel_loop3A_451 = vector.shape_cast %parallel_loop3A_446 : vector<16xf32> to vector<1x16xf32>
        tpu.vector_store %arg11[%parallel_loop3A_447, %parallel_loop3A_448], %parallel_loop3A_451 {add = true, strides = array<i32>} : memref<16x768xf32, #tpu.memory_space<vmem>>, vector<1x16xf32>,
        %parallel_loop3A_452 = arith.constant 480 : i32
        %parallel_loop3A_453 = arith.addi %parallel_loop3A_151, %parallel_loop3A_452 : i32
        %parallel_loop3A_454 = arith.index_cast %parallel_loop3A_453 : i32 to index
        %parallel_loop3A_455 = tpu.vector_load %arg6[%parallel_loop3A_454] {strides = array<i32>} : memref<77568xf32, #tpu.memory_space<vmem>>, vector<16xf32>,
        %parallel_loop3A_456 = vector.shape_cast %parallel_loop3A_455 : vector<16xf32> to vector<16xf32>
        %parallel_loop3A_457 = arith.index_cast %parallel_loop3A_141 : i32 to index
        %parallel_loop3A_458 = arith.constant 480 : index
        %parallel_loop3A_459 = tpu.vector_load %arg11[%parallel_loop3A_457, %parallel_loop3A_458] {strides = array<i32>} : memref<16x768xf32, #tpu.memory_space<vmem>>, vector<1x16xf32>,
        %parallel_loop3A_460 = vector.shape_cast %parallel_loop3A_459 : vector<1x16xf32> to vector<16xf32>
        %parallel_loop3A_461 = vector.shape_cast %parallel_loop3A_456 : vector<16xf32> to vector<1x16xf32>
        tpu.vector_store %arg11[%parallel_loop3A_457, %parallel_loop3A_458], %parallel_loop3A_461 {add = true, strides = array<i32>} : memref<16x768xf32, #tpu.memory_space<vmem>>, vector<1x16xf32>,
        %parallel_loop3A_462 = arith.constant 496 : i32
        %parallel_loop3A_463 = arith.addi %parallel_loop3A_151, %parallel_loop3A_462 : i32
        %parallel_loop3A_464 = arith.index_cast %parallel_loop3A_463 : i32 to index
        %parallel_loop3A_465 = tpu.vector_load %arg6[%parallel_loop3A_464] {strides = array<i32>} : memref<77568xf32, #tpu.memory_space<vmem>>, vector<16xf32>,
        %parallel_loop3A_466 = vector.shape_cast %parallel_loop3A_465 : vector<16xf32> to vector<16xf32>
        %parallel_loop3A_467 = arith.index_cast %parallel_loop3A_141 : i32 to index
        %parallel_loop3A_468 = arith.constant 496 : index
        %parallel_loop3A_469 = tpu.vector_load %arg11[%parallel_loop3A_467, %parallel_loop3A_468] {strides = array<i32>} : memref<16x768xf32, #tpu.memory_space<vmem>>, vector<1x16xf32>,
        %parallel_loop3A_470 = vector.shape_cast %parallel_loop3A_469 : vector<1x16xf32> to vector<16xf32>
        %parallel_loop3A_471 = vector.shape_cast %parallel_loop3A_466 : vector<16xf32> to vector<1x16xf32>
        tpu.vector_store %arg11[%parallel_loop3A_467, %parallel_loop3A_468], %parallel_loop3A_471 {add = true, strides = array<i32>} : memref<16x768xf32, #tpu.memory_space<vmem>>, vector<1x16xf32>,
        %parallel_loop3A_472 = arith.constant 512 : i32
        %parallel_loop3A_473 = arith.addi %parallel_loop3A_151, %parallel_loop3A_472 : i32
        %parallel_loop3A_474 = arith.index_cast %parallel_loop3A_473 : i32 to index
        %parallel_loop3A_475 = tpu.vector_load %arg6[%parallel_loop3A_474] {strides = array<i32>} : memref<77568xf32, #tpu.memory_space<vmem>>, vector<16xf32>,
        %parallel_loop3A_476 = vector.shape_cast %parallel_loop3A_475 : vector<16xf32> to vector<16xf32>
        %parallel_loop3A_477 = arith.index_cast %parallel_loop3A_141 : i32 to index
        %parallel_loop3A_478 = arith.constant 512 : index
        %parallel_loop3A_479 = tpu.vector_load %arg11[%parallel_loop3A_477, %parallel_loop3A_478] {strides = array<i32>} : memref<16x768xf32, #tpu.memory_space<vmem>>, vector<1x16xf32>,
        %parallel_loop3A_480 = vector.shape_cast %parallel_loop3A_479 : vector<1x16xf32> to vector<16xf32>
        %parallel_loop3A_481 = vector.shape_cast %parallel_loop3A_476 : vector<16xf32> to vector<1x16xf32>
        tpu.vector_store %arg11[%parallel_loop3A_477, %parallel_loop3A_478], %parallel_loop3A_481 {add = true, strides = array<i32>} : memref<16x768xf32, #tpu.memory_space<vmem>>, vector<1x16xf32>,
        %parallel_loop3A_482 = arith.constant 528 : i32
        %parallel_loop3A_483 = arith.addi %parallel_loop3A_151, %parallel_loop3A_482 : i32
        %parallel_loop3A_484 = arith.index_cast %parallel_loop3A_483 : i32 to index
        %parallel_loop3A_485 = tpu.vector_load %arg6[%parallel_loop3A_484] {strides = array<i32>} : memref<77568xf32, #tpu.memory_space<vmem>>, vector<16xf32>,
        %parallel_loop3A_486 = vector.shape_cast %parallel_loop3A_485 : vector<16xf32> to vector<16xf32>
        %parallel_loop3A_487 = arith.index_cast %parallel_loop3A_141 : i32 to index
        %parallel_loop3A_488 = arith.constant 528 : index
        %parallel_loop3A_489 = tpu.vector_load %arg11[%parallel_loop3A_487, %parallel_loop3A_488] {strides = array<i32>} : memref<16x768xf32, #tpu.memory_space<vmem>>, vector<1x16xf32>,
        %parallel_loop3A_490 = vector.shape_cast %parallel_loop3A_489 : vector<1x16xf32> to vector<16xf32>
        %parallel_loop3A_491 = vector.shape_cast %parallel_loop3A_486 : vector<16xf32> to vector<1x16xf32>
        tpu.vector_store %arg11[%parallel_loop3A_487, %parallel_loop3A_488], %parallel_loop3A_491 {add = true, strides = array<i32>} : memref<16x768xf32, #tpu.memory_space<vmem>>, vector<1x16xf32>,
        %parallel_loop3A_492 = arith.constant 544 : i32
        %parallel_loop3A_493 = arith.addi %parallel_loop3A_151, %parallel_loop3A_492 : i32
        %parallel_loop3A_494 = arith.index_cast %parallel_loop3A_493 : i32 to index
        %parallel_loop3A_495 = tpu.vector_load %arg6[%parallel_loop3A_494] {strides = array<i32>} : memref<77568xf32, #tpu.memory_space<vmem>>, vector<16xf32>,
        %parallel_loop3A_496 = vector.shape_cast %parallel_loop3A_495 : vector<16xf32> to vector<16xf32>
        %parallel_loop3A_497 = arith.index_cast %parallel_loop3A_141 : i32 to index
        %parallel_loop3A_498 = arith.constant 544 : index
        %parallel_loop3A_499 = tpu.vector_load %arg11[%parallel_loop3A_497, %parallel_loop3A_498] {strides = array<i32>} : memref<16x768xf32, #tpu.memory_space<vmem>>, vector<1x16xf32>,
        %parallel_loop3A_500 = vector.shape_cast %parallel_loop3A_499 : vector<1x16xf32> to vector<16xf32>
        %parallel_loop3A_501 = vector.shape_cast %parallel_loop3A_496 : vector<16xf32> to vector<1x16xf32>
        tpu.vector_store %arg11[%parallel_loop3A_497, %parallel_loop3A_498], %parallel_loop3A_501 {add = true, strides = array<i32>} : memref<16x768xf32, #tpu.memory_space<vmem>>, vector<1x16xf32>,
        %parallel_loop3A_502 = arith.constant 560 : i32
        %parallel_loop3A_503 = arith.addi %parallel_loop3A_151, %parallel_loop3A_502 : i32
        %parallel_loop3A_504 = arith.index_cast %parallel_loop3A_503 : i32 to index
        %parallel_loop3A_505 = tpu.vector_load %arg6[%parallel_loop3A_504] {strides = array<i32>} : memref<77568xf32, #tpu.memory_space<vmem>>, vector<16xf32>,
        %parallel_loop3A_506 = vector.shape_cast %parallel_loop3A_505 : vector<16xf32> to vector<16xf32>
        %parallel_loop3A_507 = arith.index_cast %parallel_loop3A_141 : i32 to index
        %parallel_loop3A_508 = arith.constant 560 : index
        %parallel_loop3A_509 = tpu.vector_load %arg11[%parallel_loop3A_507, %parallel_loop3A_508] {strides = array<i32>} : memref<16x768xf32, #tpu.memory_space<vmem>>, vector<1x16xf32>,
        %parallel_loop3A_510 = vector.shape_cast %parallel_loop3A_509 : vector<1x16xf32> to vector<16xf32>
        %parallel_loop3A_511 = vector.shape_cast %parallel_loop3A_506 : vector<16xf32> to vector<1x16xf32>
        tpu.vector_store %arg11[%parallel_loop3A_507, %parallel_loop3A_508], %parallel_loop3A_511 {add = true, strides = array<i32>} : memref<16x768xf32, #tpu.memory_space<vmem>>, vector<1x16xf32>,
        %parallel_loop3A_512 = arith.constant 576 : i32
        %parallel_loop3A_513 = arith.addi %parallel_loop3A_151, %parallel_loop3A_512 : i32
        %parallel_loop3A_514 = arith.index_cast %parallel_loop3A_513 : i32 to index
        %parallel_loop3A_515 = tpu.vector_load %arg6[%parallel_loop3A_514] {strides = array<i32>} : memref<77568xf32, #tpu.memory_space<vmem>>, vector<16xf32>,
        %parallel_loop3A_516 = vector.shape_cast %parallel_loop3A_515 : vector<16xf32> to vector<16xf32>
        %parallel_loop3A_517 = arith.index_cast %parallel_loop3A_141 : i32 to index
        %parallel_loop3A_518 = arith.constant 576 : index
        %parallel_loop3A_519 = tpu.vector_load %arg11[%parallel_loop3A_517, %parallel_loop3A_518] {strides = array<i32>} : memref<16x768xf32, #tpu.memory_space<vmem>>, vector<1x16xf32>,
        %parallel_loop3A_520 = vector.shape_cast %parallel_loop3A_519 : vector<1x16xf32> to vector<16xf32>
        %parallel_loop3A_521 = vector.shape_cast %parallel_loop3A_516 : vector<16xf32> to vector<1x16xf32>
        tpu.vector_store %arg11[%parallel_loop3A_517, %parallel_loop3A_518], %parallel_loop3A_521 {add = true, strides = array<i32>} : memref<16x768xf32, #tpu.memory_space<vmem>>, vector<1x16xf32>,
        %parallel_loop3A_522 = arith.constant 592 : i32
        %parallel_loop3A_523 = arith.addi %parallel_loop3A_151, %parallel_loop3A_522 : i32
        %parallel_loop3A_524 = arith.index_cast %parallel_loop3A_523 : i32 to index
        %parallel_loop3A_525 = tpu.vector_load %arg6[%parallel_loop3A_524] {strides = array<i32>} : memref<77568xf32, #tpu.memory_space<vmem>>, vector<16xf32>,
        %parallel_loop3A_526 = vector.shape_cast %parallel_loop3A_525 : vector<16xf32> to vector<16xf32>
        %parallel_loop3A_527 = arith.index_cast %parallel_loop3A_141 : i32 to index
        %parallel_loop3A_528 = arith.constant 592 : index
        %parallel_loop3A_529 = tpu.vector_load %arg11[%parallel_loop3A_527, %parallel_loop3A_528] {strides = array<i32>} : memref<16x768xf32, #tpu.memory_space<vmem>>, vector<1x16xf32>,
        %parallel_loop3A_530 = vector.shape_cast %parallel_loop3A_529 : vector<1x16xf32> to vector<16xf32>
        %parallel_loop3A_531 = vector.shape_cast %parallel_loop3A_526 : vector<16xf32> to vector<1x16xf32>
        tpu.vector_store %arg11[%parallel_loop3A_527, %parallel_loop3A_528], %parallel_loop3A_531 {add = true, strides = array<i32>} : memref<16x768xf32, #tpu.memory_space<vmem>>, vector<1x16xf32>,
        %parallel_loop3A_532 = arith.constant 608 : i32
        %parallel_loop3A_533 = arith.addi %parallel_loop3A_151, %parallel_loop3A_532 : i32
        %parallel_loop3A_534 = arith.index_cast %parallel_loop3A_533 : i32 to index
        %parallel_loop3A_535 = tpu.vector_load %arg6[%parallel_loop3A_534] {strides = array<i32>} : memref<77568xf32, #tpu.memory_space<vmem>>, vector<16xf32>,
        %parallel_loop3A_536 = vector.shape_cast %parallel_loop3A_535 : vector<16xf32> to vector<16xf32>
        %parallel_loop3A_537 = arith.index_cast %parallel_loop3A_141 : i32 to index
        %parallel_loop3A_538 = arith.constant 608 : index
        %parallel_loop3A_539 = tpu.vector_load %arg11[%parallel_loop3A_537, %parallel_loop3A_538] {strides = array<i32>} : memref<16x768xf32, #tpu.memory_space<vmem>>, vector<1x16xf32>,
        %parallel_loop3A_540 = vector.shape_cast %parallel_loop3A_539 : vector<1x16xf32> to vector<16xf32>
        %parallel_loop3A_541 = vector.shape_cast %parallel_loop3A_536 : vector<16xf32> to vector<1x16xf32>
        tpu.vector_store %arg11[%parallel_loop3A_537, %parallel_loop3A_538], %parallel_loop3A_541 {add = true, strides = array<i32>} : memref<16x768xf32, #tpu.memory_space<vmem>>, vector<1x16xf32>,
        %parallel_loop3A_542 = arith.constant 624 : i32
        %parallel_loop3A_543 = arith.addi %parallel_loop3A_151, %parallel_loop3A_542 : i32
        %parallel_loop3A_544 = arith.index_cast %parallel_loop3A_543 : i32 to index
        %parallel_loop3A_545 = tpu.vector_load %arg6[%parallel_loop3A_544] {strides = array<i32>} : memref<77568xf32, #tpu.memory_space<vmem>>, vector<16xf32>,
        %parallel_loop3A_546 = vector.shape_cast %parallel_loop3A_545 : vector<16xf32> to vector<16xf32>
        %parallel_loop3A_547 = arith.index_cast %parallel_loop3A_141 : i32 to index
        %parallel_loop3A_548 = arith.constant 624 : index
        %parallel_loop3A_549 = tpu.vector_load %arg11[%parallel_loop3A_547, %parallel_loop3A_548] {strides = array<i32>} : memref<16x768xf32, #tpu.memory_space<vmem>>, vector<1x16xf32>,
        %parallel_loop3A_550 = vector.shape_cast %parallel_loop3A_549 : vector<1x16xf32> to vector<16xf32>
        %parallel_loop3A_551 = vector.shape_cast %parallel_loop3A_546 : vector<16xf32> to vector<1x16xf32>
        tpu.vector_store %arg11[%parallel_loop3A_547, %parallel_loop3A_548], %parallel_loop3A_551 {add = true, strides = array<i32>} : memref<16x768xf32, #tpu.memory_space<vmem>>, vector<1x16xf32>,
        %parallel_loop3A_552 = arith.constant 640 : i32
        %parallel_loop3A_553 = arith.addi %parallel_loop3A_151, %parallel_loop3A_552 : i32
        %parallel_loop3A_554 = arith.index_cast %parallel_loop3A_553 : i32 to index
        %parallel_loop3A_555 = tpu.vector_load %arg6[%parallel_loop3A_554] {strides = array<i32>} : memref<77568xf32, #tpu.memory_space<vmem>>, vector<16xf32>,
        %parallel_loop3A_556 = vector.shape_cast %parallel_loop3A_555 : vector<16xf32> to vector<16xf32>
        %parallel_loop3A_557 = arith.index_cast %parallel_loop3A_141 : i32 to index
        %parallel_loop3A_558 = arith.constant 640 : index
        %parallel_loop3A_559 = tpu.vector_load %arg11[%parallel_loop3A_557, %parallel_loop3A_558] {strides = array<i32>} : memref<16x768xf32, #tpu.memory_space<vmem>>, vector<1x16xf32>,
        %parallel_loop3A_560 = vector.shape_cast %parallel_loop3A_559 : vector<1x16xf32> to vector<16xf32>
        %parallel_loop3A_561 = vector.shape_cast %parallel_loop3A_556 : vector<16xf32> to vector<1x16xf32>
        tpu.vector_store %arg11[%parallel_loop3A_557, %parallel_loop3A_558], %parallel_loop3A_561 {add = true, strides = array<i32>} : memref<16x768xf32, #tpu.memory_space<vmem>>, vector<1x16xf32>,
        %parallel_loop3A_562 = arith.constant 656 : i32
        %parallel_loop3A_563 = arith.addi %parallel_loop3A_151, %parallel_loop3A_562 : i32
        %parallel_loop3A_564 = arith.index_cast %parallel_loop3A_563 : i32 to index
        %parallel_loop3A_565 = tpu.vector_load %arg6[%parallel_loop3A_564] {strides = array<i32>} : memref<77568xf32, #tpu.memory_space<vmem>>, vector<16xf32>,
        %parallel_loop3A_566 = vector.shape_cast %parallel_loop3A_565 : vector<16xf32> to vector<16xf32>
        %parallel_loop3A_567 = arith.index_cast %parallel_loop3A_141 : i32 to index
        %parallel_loop3A_568 = arith.constant 656 : index
        %parallel_loop3A_569 = tpu.vector_load %arg11[%parallel_loop3A_567, %parallel_loop3A_568] {strides = array<i32>} : memref<16x768xf32, #tpu.memory_space<vmem>>, vector<1x16xf32>,
        %parallel_loop3A_570 = vector.shape_cast %parallel_loop3A_569 : vector<1x16xf32> to vector<16xf32>
        %parallel_loop3A_571 = vector.shape_cast %parallel_loop3A_566 : vector<16xf32> to vector<1x16xf32>
        tpu.vector_store %arg11[%parallel_loop3A_567, %parallel_loop3A_568], %parallel_loop3A_571 {add = true, strides = array<i32>} : memref<16x768xf32, #tpu.memory_space<vmem>>, vector<1x16xf32>,
        %parallel_loop3A_572 = arith.constant 672 : i32
        %parallel_loop3A_573 = arith.addi %parallel_loop3A_151, %parallel_loop3A_572 : i32
        %parallel_loop3A_574 = arith.index_cast %parallel_loop3A_573 : i32 to index
        %parallel_loop3A_575 = tpu.vector_load %arg6[%parallel_loop3A_574] {strides = array<i32>} : memref<77568xf32, #tpu.memory_space<vmem>>, vector<16xf32>,
        %parallel_loop3A_576 = vector.shape_cast %parallel_loop3A_575 : vector<16xf32> to vector<16xf32>
        %parallel_loop3A_577 = arith.index_cast %parallel_loop3A_141 : i32 to index
        %parallel_loop3A_578 = arith.constant 672 : index
        %parallel_loop3A_579 = tpu.vector_load %arg11[%parallel_loop3A_577, %parallel_loop3A_578] {strides = array<i32>} : memref<16x768xf32, #tpu.memory_space<vmem>>, vector<1x16xf32>,
        %parallel_loop3A_580 = vector.shape_cast %parallel_loop3A_579 : vector<1x16xf32> to vector<16xf32>
        %parallel_loop3A_581 = vector.shape_cast %parallel_loop3A_576 : vector<16xf32> to vector<1x16xf32>
        tpu.vector_store %arg11[%parallel_loop3A_577, %parallel_loop3A_578], %parallel_loop3A_581 {add = true, strides = array<i32>} : memref<16x768xf32, #tpu.memory_space<vmem>>, vector<1x16xf32>,
        %parallel_loop3A_582 = arith.constant 688 : i32
        %parallel_loop3A_583 = arith.addi %parallel_loop3A_151, %parallel_loop3A_582 : i32
        %parallel_loop3A_584 = arith.index_cast %parallel_loop3A_583 : i32 to index
        %parallel_loop3A_585 = tpu.vector_load %arg6[%parallel_loop3A_584] {strides = array<i32>} : memref<77568xf32, #tpu.memory_space<vmem>>, vector<16xf32>,
        %parallel_loop3A_586 = vector.shape_cast %parallel_loop3A_585 : vector<16xf32> to vector<16xf32>
        %parallel_loop3A_587 = arith.index_cast %parallel_loop3A_141 : i32 to index
        %parallel_loop3A_588 = arith.constant 688 : index
        %parallel_loop3A_589 = tpu.vector_load %arg11[%parallel_loop3A_587, %parallel_loop3A_588] {strides = array<i32>} : memref<16x768xf32, #tpu.memory_space<vmem>>, vector<1x16xf32>,
        %parallel_loop3A_590 = vector.shape_cast %parallel_loop3A_589 : vector<1x16xf32> to vector<16xf32>
        %parallel_loop3A_591 = vector.shape_cast %parallel_loop3A_586 : vector<16xf32> to vector<1x16xf32>
        tpu.vector_store %arg11[%parallel_loop3A_587, %parallel_loop3A_588], %parallel_loop3A_591 {add = true, strides = array<i32>} : memref<16x768xf32, #tpu.memory_space<vmem>>, vector<1x16xf32>,
        %parallel_loop3A_592 = arith.constant 704 : i32
        %parallel_loop3A_593 = arith.addi %parallel_loop3A_151, %parallel_loop3A_592 : i32
        %parallel_loop3A_594 = arith.index_cast %parallel_loop3A_593 : i32 to index
        %parallel_loop3A_595 = tpu.vector_load %arg6[%parallel_loop3A_594] {strides = array<i32>} : memref<77568xf32, #tpu.memory_space<vmem>>, vector<16xf32>,
        %parallel_loop3A_596 = vector.shape_cast %parallel_loop3A_595 : vector<16xf32> to vector<16xf32>
        %parallel_loop3A_597 = arith.index_cast %parallel_loop3A_141 : i32 to index
        %parallel_loop3A_598 = arith.constant 704 : index
        %parallel_loop3A_599 = tpu.vector_load %arg11[%parallel_loop3A_597, %parallel_loop3A_598] {strides = array<i32>} : memref<16x768xf32, #tpu.memory_space<vmem>>, vector<1x16xf32>,
        %parallel_loop3A_600 = vector.shape_cast %parallel_loop3A_599 : vector<1x16xf32> to vector<16xf32>
        %parallel_loop3A_601 = vector.shape_cast %parallel_loop3A_596 : vector<16xf32> to vector<1x16xf32>
        tpu.vector_store %arg11[%parallel_loop3A_597, %parallel_loop3A_598], %parallel_loop3A_601 {add = true, strides = array<i32>} : memref<16x768xf32, #tpu.memory_space<vmem>>, vector<1x16xf32>,
        %parallel_loop3A_602 = arith.constant 720 : i32
        %parallel_loop3A_603 = arith.addi %parallel_loop3A_151, %parallel_loop3A_602 : i32
        %parallel_loop3A_604 = arith.index_cast %parallel_loop3A_603 : i32 to index
        %parallel_loop3A_605 = tpu.vector_load %arg6[%parallel_loop3A_604] {strides = array<i32>} : memref<77568xf32, #tpu.memory_space<vmem>>, vector<16xf32>,
        %parallel_loop3A_606 = vector.shape_cast %parallel_loop3A_605 : vector<16xf32> to vector<16xf32>
        %parallel_loop3A_607 = arith.index_cast %parallel_loop3A_141 : i32 to index
        %parallel_loop3A_608 = arith.constant 720 : index
        %parallel_loop3A_609 = tpu.vector_load %arg11[%parallel_loop3A_607, %parallel_loop3A_608] {strides = array<i32>} : memref<16x768xf32, #tpu.memory_space<vmem>>, vector<1x16xf32>,
        %parallel_loop3A_610 = vector.shape_cast %parallel_loop3A_609 : vector<1x16xf32> to vector<16xf32>
        %parallel_loop3A_611 = vector.shape_cast %parallel_loop3A_606 : vector<16xf32> to vector<1x16xf32>
        tpu.vector_store %arg11[%parallel_loop3A_607, %parallel_loop3A_608], %parallel_loop3A_611 {add = true, strides = array<i32>} : memref<16x768xf32, #tpu.memory_space<vmem>>, vector<1x16xf32>,
        %parallel_loop3A_612 = arith.constant 736 : i32
        %parallel_loop3A_613 = arith.addi %parallel_loop3A_151, %parallel_loop3A_612 : i32
        %parallel_loop3A_614 = arith.index_cast %parallel_loop3A_613 : i32 to index
        %parallel_loop3A_615 = tpu.vector_load %arg6[%parallel_loop3A_614] {strides = array<i32>} : memref<77568xf32, #tpu.memory_space<vmem>>, vector<16xf32>,
        %parallel_loop3A_616 = vector.shape_cast %parallel_loop3A_615 : vector<16xf32> to vector<16xf32>
        %parallel_loop3A_617 = arith.index_cast %parallel_loop3A_141 : i32 to index
        %parallel_loop3A_618 = arith.constant 736 : index
        %parallel_loop3A_619 = tpu.vector_load %arg11[%parallel_loop3A_617, %parallel_loop3A_618] {strides = array<i32>} : memref<16x768xf32, #tpu.memory_space<vmem>>, vector<1x16xf32>,
        %parallel_loop3A_620 = vector.shape_cast %parallel_loop3A_619 : vector<1x16xf32> to vector<16xf32>
        %parallel_loop3A_621 = vector.shape_cast %parallel_loop3A_616 : vector<16xf32> to vector<1x16xf32>
        tpu.vector_store %arg11[%parallel_loop3A_617, %parallel_loop3A_618], %parallel_loop3A_621 {add = true, strides = array<i32>} : memref<16x768xf32, #tpu.memory_space<vmem>>, vector<1x16xf32>,
        %parallel_loop3A_622 = arith.constant 752 : i32
        %parallel_loop3A_623 = arith.addi %parallel_loop3A_151, %parallel_loop3A_622 : i32
        %parallel_loop3A_624 = arith.index_cast %parallel_loop3A_623 : i32 to index
        %parallel_loop3A_625 = tpu.vector_load %arg6[%parallel_loop3A_624] {strides = array<i32>} : memref<77568xf32, #tpu.memory_space<vmem>>, vector<16xf32>,
        %parallel_loop3A_626 = vector.shape_cast %parallel_loop3A_625 : vector<16xf32> to vector<16xf32>
        %parallel_loop3A_627 = arith.index_cast %parallel_loop3A_141 : i32 to index
        %parallel_loop3A_628 = arith.constant 752 : index
        %parallel_loop3A_629 = tpu.vector_load %arg11[%parallel_loop3A_627, %parallel_loop3A_628] {strides = array<i32>} : memref<16x768xf32, #tpu.memory_space<vmem>>, vector<1x16xf32>,
        %parallel_loop3A_630 = vector.shape_cast %parallel_loop3A_629 : vector<1x16xf32> to vector<16xf32>
        %parallel_loop3A_631 = vector.shape_cast %parallel_loop3A_626 : vector<16xf32> to vector<1x16xf32>
        tpu.vector_store %arg11[%parallel_loop3A_627, %parallel_loop3A_628], %parallel_loop3A_631 {add = true, strides = array<i32>} : memref<16x768xf32, #tpu.memory_space<vmem>>, vector<1x16xf32>,
      } {sc.loop_unroll_factor = 1 : i64, sc.parallel_access}
      %barrier3A_133 = arith.constant 0 : index
      tpu.barrier barrier_id(%barrier3A_133)
      %mul3A_134 = arith.constant 16 : i32
      %mul3A_135 = arith.muli %add3A_115, %mul3A_134 : i32
      %add3A_136 = arith.addi %mul3A_2, %mul3A_135 : i32
      %dma_start3A_137 = arith.constant 0 : i32
      %dma_start3A_138 = tpu.memref_slice %arg5[%add3A_136, %dma_start3A_137] : memref<16384x768xf32, #tpu.memory_space<hbm>> -> memref<16x768xf32, #tpu.memory_space<hbm>>
      %dma_start3A_139 = arith.constant 0 : i32
      %dma_start3A_140 = tpu.memref_slice %arg5[%add3A_136, %dma_start3A_139] : memref<16384x768xf32, #tpu.memory_space<hbm>> -> memref<16x768xf32, #tpu.memory_space<hbm>>
      tpu.enqueue_dma source(%arg11 : memref<16x768xf32, #tpu.memory_space<vmem>>) target(%dma_start3A_140 : memref<16x768xf32, #tpu.memory_space<hbm>>) target_semaphore(%arg20 : memref<!tpu.dma_semaphore, #tpu.memory_space<semaphore_mem>>)
    }
    %scan3A_11 = arith.constant 8 : i32
    %add3A_12 = arith.constant 448 : i32
    %add3A_13 = arith.addi %mul3A_2, %add3A_12 : i32
    %dma_wait3A = arith.constant 0 : i32
    %dma_wait3A_14 = tpu.memref_slice %arg5[%add3A_13, %dma_wait3A] : memref<16384x768xf32, #tpu.memory_space<hbm>> -> memref<16x768xf32, #tpu.memory_space<hbm>>
    %dma_wait3A_15 = arith.constant 0 : i32
    %dma_wait3A_16 = tpu.memref_slice %arg5[%add3A_13, %dma_wait3A_15] : memref<16384x768xf32, #tpu.memory_space<hbm>> -> memref<16x768xf32, #tpu.memory_space<hbm>>
    tpu.wait_dma2 semaphore(%arg17 : memref<!tpu.dma_semaphore, #tpu.memory_space<semaphore_mem>>) src(%arg8 : memref<16x768xf32, #tpu.memory_space<vmem>>) dst(%dma_wait3A_16 : memref<16x768xf32, #tpu.memory_space<hbm>>)
    %add3A_17 = arith.constant 464 : i32
    %add3A_18 = arith.addi %mul3A_2, %add3A_17 : i32
    %dma_wait3A_19 = arith.constant 0 : i32
    %dma_wait3A_20 = tpu.memref_slice %arg5[%add3A_18, %dma_wait3A_19] : memref<16384x768xf32, #tpu.memory_space<hbm>> -> memref<16x768xf32, #tpu.memory_space<hbm>>
    %dma_wait3A_21 = arith.constant 0 : i32
    %dma_wait3A_22 = tpu.memref_slice %arg5[%add3A_18, %dma_wait3A_21] : memref<16384x768xf32, #tpu.memory_space<hbm>> -> memref<16x768xf32, #tpu.memory_space<hbm>>
    tpu.wait_dma2 semaphore(%arg18 : memref<!tpu.dma_semaphore, #tpu.memory_space<semaphore_mem>>) src(%arg9 : memref<16x768xf32, #tpu.memory_space<vmem>>) dst(%dma_wait3A_22 : memref<16x768xf32, #tpu.memory_space<hbm>>)
    %add3A_23 = arith.constant 480 : i32
    %add3A_24 = arith.addi %mul3A_2, %add3A_23 : i32
    %dma_wait3A_25 = arith.constant 0 : i32
    %dma_wait3A_26 = tpu.memref_slice %arg5[%add3A_24, %dma_wait3A_25] : memref<16384x768xf32, #tpu.memory_space<hbm>> -> memref<16x768xf32, #tpu.memory_space<hbm>>
    %dma_wait3A_27 = arith.constant 0 : i32
    %dma_wait3A_28 = tpu.memref_slice %arg5[%add3A_24, %dma_wait3A_27] : memref<16384x768xf32, #tpu.memory_space<hbm>> -> memref<16x768xf32, #tpu.memory_space<hbm>>
    tpu.wait_dma2 semaphore(%arg19 : memref<!tpu.dma_semaphore, #tpu.memory_space<semaphore_mem>>) src(%arg10 : memref<16x768xf32, #tpu.memory_space<vmem>>) dst(%dma_wait3A_28 : memref<16x768xf32, #tpu.memory_space<hbm>>)
    %add3A_29 = arith.constant 496 : i32
    %add3A_30 = arith.addi %mul3A_2, %add3A_29 : i32
    %dma_wait3A_31 = arith.constant 0 : i32
    %dma_wait3A_32 = tpu.memref_slice %arg5[%add3A_30, %dma_wait3A_31] : memref<16384x768xf32, #tpu.memory_space<hbm>> -> memref<16x768xf32, #tpu.memory_space<hbm>>
    %dma_wait3A_33 = arith.constant 0 : i32
    %dma_wait3A_34 = tpu.memref_slice %arg5[%add3A_30, %dma_wait3A_33] : memref<16384x768xf32, #tpu.memory_space<hbm>> -> memref<16x768xf32, #tpu.memory_space<hbm>>
    tpu.wait_dma2 semaphore(%arg20 : memref<!tpu.dma_semaphore, #tpu.memory_space<semaphore_mem>>) src(%arg11 : memref<16x768xf32, #tpu.memory_space<vmem>>) dst(%dma_wait3A_34 : memref<16x768xf32, #tpu.memory_space<hbm>>)
    return
  }
}

</mosaic_0001>

<sc_bundles>
// kernel: kernel.3.cloned.1.call-start
scs
__scs_entry_jumppad:
0x0: {  	(pc) =	sbr.rel $0x88, $3  }
0x1: {  	(tag) =	ssettag $0x0;
	lr =	simm.s32 $0x1  }
0x2: {  	[smem:$0x3F9E] =	sst lr;
	_ =	strace $0xD0000000  }
0x3: {  	_ = 	snop  }
0x4: {  	_ = 	snop  }
0x5: {  	_ = 	snop  }
0x6: {  	_ = 	snop  }
0x7: {  	_ = 	snop  }
__scs_overlays_trampoline_lowered:
0x8: {  	[smem:$0x3FAD] =	sst s0  }
0x9: {  	[smem:$0x3FAE] =	sst s1  }
0xa: {  	[smem:$0x3FAF] =	sst s2  }
0xb: {  	[smem:$0x3FB0] =	sst s3  }
0xc: {  	[smem:$0x3FB1] =	sst s4  }
0xd: {  	[smem:$0x3FB2] =	sst s5  }
0xe: {  	[smem:$0x3FB3] =	sst s6  }
0xf: {  	[smem:$0x3FB4] =	sst s7  }
0x10: {  	[smem:$0x3FB5] =	sst s8  }
0x11: {  	[smem:$0x3FB6] =	sst s9;
	s0 =	simm.s32 @!p0 $0x0  }
0x12: {  	s1 =	sld [smem:$0x3F9C];
	s0 =	simm.s32 @p0 $0x1  }
0x13: {  	[smem:$0x3FB7] =	sst s0;
	s0 =	simm.s32 @!p1 $0x0  }
0x14: {  	s2 =	sld [smem:$0x3F9B];
	s0 =	simm.s32 @p1 $0x1  }
0x15: {  	[smem:$0x3FB8] =	sst s0;
	s0 =	simm.s32 @!p2 $0x0  }
0x16: {  	s3 =	sld [smem:$0x3FDB];
	s0 =	simm.s32 @p2 $0x1  }
0x17: {  	s4 =	simm.s32 $0x1BF5;
	[smem:$0x3FBA] =	sst s0  }
0x18: {  	s0 =	sld [smem:$0x3F9D];
	_ =	swait.ge [sflag:s4], $0x0  }
0x19: {  	s7 =	sld [smem:$0x3F9E]  }
0x1a: {  	s8 =	sadd.s32 $0xFFFFE003, lr  }
0x1b: {  	s9 =	sadd.s32 $0xFFFFFEF7, lr;
	s5 =	simm.s32 $0xFFFFFFFF;
	p2 =	slt.u32 s8, $0xFFFFF086  }
0x1c: {  	p1 =	slt.u32 s9, $0xF7A;
	s5 =	simm.s32 @!p2 $0x0  }
0x1d: {  	s5 =	simm.s32 @p1 $0x1;
	p0 =	seq.s32 s7, s2  }
0x1e: {  	s7 =	smul.u32 @!p0 $0xF7A, s2;
	p2 =	seq.s32 @!p0 s5, $0x0  }
0x1f: {  	s9 =	smul.u32 $0xF7A, s1;
	s8 =	simm.s32 @!p0 $0x1BF5;
	p2 =	por !p2, p0  }
0x20: {  	[sflag:s8] =	ssyncset.s32 @!p0 $0xFFFFF086;
	s6 =	sadd.s32 @!p0 s3, s7;
	s7 =	simm.s32 @!p0 $0x108  }
0x21: {  	s3 =	sadd.s32 s3, s9;
	s6 =	sadd.s32 @!p0 $0x88, s6;
	s7 =	simm.s32 @p2 $0x1082  }
0x22: {  	[simem:s7], [sflag:s8] =	dma.local @!p0 [hbm:s6], $0xF7A  }
0x23: {  	s9 =	sor.u32 $0xD0000000, s2;
	s6 =	simm.s32 $0x108;
	_ =	swait.ge @!p0 [sflag:s8], $0x0  }
0x24: {  	s3 =	sadd.s32 $0x88, s3;
	s6 =	simm.s32 @!p1 $0x1082;
	[sflag:s4] =	ssyncset.s32 $0xFFFFF086  }
0x25: {  	[simem:s6], [sflag:s4] =	dma.local [hbm:s3], $0xF7A  }
0x26: {  	[smem:$0x3F9E] =	sst s1;
	(tag) =	ssettag s2;
	_ =	strace s9  }
0x27: {  	s1 =	sld [smem:$0x3FAE]  }
0x28: {  	s2 =	sld [smem:$0x3FAF]  }
0x29: {  	s4 =	sld [smem:$0x3FB1]  }
0x2a: {  	p0 =	seq.s32 s5, $0x0;
	s5 =	sld [smem:$0x3FB2]  }
0x2b: {  	s6 =	sld [smem:$0x3FB3]  }
0x2c: {  	s7 =	sld [smem:$0x3FB4]  }
0x2d: {  	s3 =	simm.s32 $0x108;
	s8 =	sld [smem:$0x3FB5]  }
0x2e: {  	s3 =	simm.s32 @!p0 $0x1082;
	s9 =	sld [smem:$0x3FB6]  }
0x2f: {  	lr =	sadd.s32 s0, s3;
	s0 =	sld [smem:$0x3FAD]  }
0x30: {  	s3 =	sld [smem:$0x3FB0]  }
0x31: {  	[smem:$0x3FB9] =	sst s10  }
0x32: {  	s10 =	sld [smem:$0x3FB7];
	_ =	sdelay $0x3  }
0x33: {  	p0 =	seq.s32 s10, $0x1;
	s10 =	sld [smem:$0x3FB9];
	_ =	sdelay $0x3  }
0x34: {  	[smem:$0x3FB9] =	sst s10  }
0x35: {  	s10 =	sld [smem:$0x3FB8];
	_ =	sdelay $0x3  }
0x36: {  	p1 =	seq.s32 s10, $0x1;
	s10 =	sld [smem:$0x3FB9];
	_ =	sdelay $0x3  }
0x37: {  	[smem:$0x3FB9] =	sst s10  }
0x38: {  	s10 =	sld [smem:$0x3FBA]  }
0x39: {  	_ = 	snop;
	(pc) =	sbr.ind lr, $3  }
0x3a: {  	_ = 	snop  }
0x3b: {  	_ = 	snop  }
0x3c: {  	p2 =	seq.s32 s10, $0x1;
	s10 =	sld [smem:$0x3FB9]  }
0x3d: {  	_ =	shalt  }
0x3e: {  	_ =	shalt  }
0x3f: {  	_ =	shalt  }
0x40: {  	_ =	shalt  }
0x41: {  	_ =	shalt  }
0x42: {  	_ =	shalt  }
0x43: {  	_ =	shalt  }
0x44: {  	_ =	shalt  }
0x45: {  	_ =	shalt  }
0x46: {  	_ =	shalt  }
0x47: {  	_ =	shalt  }
0x48: {  	_ =	shalt  }
0x49: {  	_ =	shalt  }
0x4a: {  	_ =	shalt  }
0x4b: {  	_ =	shalt  }
0x4c: {  	_ =	shalt  }
0x4d: {  	_ =	shalt  }
0x4e: {  	_ =	shalt  }
0x4f: {  	_ =	shalt  }
0x50: {  	_ =	shalt  }
0x51: {  	_ =	shalt  }
0x52: {  	_ =	shalt  }
0x53: {  	_ =	shalt  }
0x54: {  	_ =	shalt  }
0x55: {  	_ =	shalt  }
0x56: {  	_ =	shalt  }
0x57: {  	_ =	shalt  }
0x58: {  	_ =	shalt  }
0x59: {  	_ =	shalt  }
0x5a: {  	_ =	shalt  }
0x5b: {  	_ =	shalt  }
0x5c: {  	_ =	shalt  }
0x5d: {  	_ =	shalt  }
0x5e: {  	_ =	shalt  }
0x5f: {  	_ =	shalt  }
0x60: {  	_ =	shalt  }
0x61: {  	_ =	shalt  }
0x62: {  	_ =	shalt  }
0x63: {  	_ =	shalt  }
0x64: {  	_ =	shalt  }
0x65: {  	_ =	shalt  }
0x66: {  	_ =	shalt  }
0x67: {  	_ =	shalt  }
0x68: {  	_ =	shalt  }
0x69: {  	_ =	shalt  }
0x6a: {  	_ =	shalt  }
0x6b: {  	_ =	shalt  }
0x6c: {  	_ =	shalt  }
0x6d: {  	_ =	shalt  }
0x6e: {  	_ =	shalt  }
0x6f: {  	_ =	shalt  }
0x70: {  	_ =	shalt  }
0x71: {  	_ =	shalt  }
0x72: {  	_ =	shalt  }
0x73: {  	_ =	shalt  }
0x74: {  	_ =	shalt  }
0x75: {  	_ =	shalt  }
0x76: {  	_ =	shalt  }
0x77: {  	_ =	shalt  }
0x78: {  	_ =	shalt  }
0x79: {  	_ =	shalt  }
0x7a: {  	_ =	shalt  }
0x7b: {  	_ =	shalt  }
0x7c: {  	_ =	shalt  }
0x7d: {  	_ =	shalt  }
0x7e: {  	_ =	shalt  }
0x7f: {  	_ =	shalt  }
0x80: {  	_ =	shalt  }
0x81: {  	_ =	shalt  }
0x82: {  	_ =	shalt  }
0x83: {  	_ =	shalt  }
0x84: {  	_ =	shalt  }
0x85: {  	_ =	shalt  }
0x86: {  	_ =	shalt  }
0x87: {  	_ =	shalt  }
.Lfunc_end0:
.L_simem_size_0:
called_computation_lowered:
.L_overlay_start_0:
0x88: {  	s2 =	sld [smem:$0x3FD9]  }
0x89: {  	s3 =	sld [smem:$0x3FFE];
	_ =	sdelay $0x1  }
0x8a: {  	s1 =	srdreg.scid  }
0x8b: {  	s0 =	sand.u32 $0x1, s1  }
0x8c: {  	s17 =	sshll.u32 s0, $0xA;
	s2 =	sadd.s32 s3, s2  }
0x8d: {  	s2 =	sadd.s32 s2, s17  }
0x8e: {  	[smem:$0x3FC5] =	sst s2  }
0x8f: {  	_ = 	snop  }
0x90: {  	s2 =	sld [smem:$0x3FC9]  }
0x91: {  	s18 =	sld [smem:$0x3FD0];
	(tm) =	ssettm $0x1  }
0x92: {  	s4 =	sld [smem:$0x3FFB];
	_ =	sdelay $0x3  }
0x93: {  	_ =	strace s4  }
0x94: {  	s4 =	sld [smem:$0x3FFC];
	_ =	sdelay $0x3  }
0x95: {  	_ =	strace s4  }
0x96: {  	s4 =	sld [smem:$0x3FFD];
	_ =	sdelay $0x3  }
0x97: {  	_ =	strace s4  }
0x98: {  	_ =	strace $0x8FFFFFFF  }
0x99: {  	s19 =	sld [smem:$0x3FDB];
	_ =	sdelay $0x1  }
0x9a: {  	s5 =	simm.s32 $_scs_section_size  }
0x9b: {  	s6 =	simm.s32 $_size__tile_overlayer_lowered;
	s7 =	simm.s32 $_tile_overlayer_lowered  }
0x9c: {  	s22 =	simm.s32 $0x1BFF;
	s21 =	sshll.u32 s7, $0x1;
	s4 =	sadd.s32 s5, s19  }
0x9d: {  	s8 =	simm.s32 $0x0;
	s20 =	sshll.u32 s6, $0x1;
	s6 =	sadd.s32 s21, s4  }
0x9e: {  	[timem:s8], [sflag:s22] =	dma.local [hbm:s6], s20  }
0x9f: {  	_ =	swait.ge [sflag:s22], s20  }
0xa0: {  	s5 =	ssub.s32 $0x0, s20;
	[sflag:s22] =	ssyncset.done $0x0  }
0xa1: {  	[sflag:s22] =	ssyncadd.s32 s5;
	_ =	sdelay $0x1  }
0xa2: {  	s23 =	simm.s32 $0x1B8B  }
0xa3: {  	_ =	swait.ge [sflag:s23], $0x1  }
0xa4: {  	[sflag:s23] =	ssyncset.done $0x0  }
0xa5: {  	s25 =	simm.s32 $0x1B8E;
	s24 =	sld [smem:$0x3FFE];
	[sflag:s23] =	ssyncadd.s32 $0xFFFFFFFF  }
0xa6: {  	s26 =	simm.s32 $execute0_lowered;
	[smem:$0x3FD2] =	sst s25  }
0xa7: {  	s6 =	sshll.u32 s26, $0x1;
	_ =	strace $0x80000046;
	[dreg:$0x1] =	wrdreg $0xFFFFFFFF  }
0xa8: {  	s28 =	simm.s32 $_size_execute0_lowered;
	s4 =	sadd.s32 s4, s6;
	[dreg:$0x0] =	wrdreg $0x0  }
0xa9: {  	s6 =	sshll.u32 s28, $0x1;
	[dreg:$0x2] =	wrdreg s4  }
0xaa: {  	[dreg:$0x3] =	wrdreg s6  }
0xab: {  	[dreg:$0x4] =	wrdreg $0xC0  }
0xac: {  	_ =	task [dreg:s8], $0x5FFFF  }
0xad: {  	[dreg:$0x1] =	wrdreg $0xFFFFFFFF  }
0xae: {  	[dreg:$0x0] =	wrdreg $0x60  }
0xaf: {  	[dreg:$0x2] =	wrdreg s2  }
0xb0: {  	[dreg:$0x3] =	wrdreg s24  }
0xb1: {  	[dreg:$0x4] =	wrdreg s18  }
0xb2: {  	[dreg:$0x5] =	wrdreg $0x9  }
0xb3: {  	_ =	task.clear_ibuf [dreg:s8], $0x6FFFF;
	_ =	strace $0x90000046  }
0xb4: {  	s29 =	simm.s32 $0x9;
	_ =	strace $0x80000048  }
0xb5: {  	_ =	swait.ge [sflag:s29], $0x1  }
0xb6: {  	[sflag:s29] =	ssyncadd.s32 $0xFFFFFFFF  }
0xb7: {  	_ =	strace $0x90000048  }
0xb8: {  	_ =	sfence  }
0xb9: {  	s30 =	sld [smem:$0x0];
	_ =	sdelay $0x2  }
0xba: {  	s31 =	sshll.u32 s1, $0xD;
	s1 =	sshrl.u32 s1, $0x2  }
0xbb: {  	s3 =	sand.u32 $0x4000, s31;
	s1 =	sadd.s32 s1, s30  }
0xbc: {  	s0 =	sor.u32 s3, s0;
	s1 =	sshll.u32 s1, $0x11  }
0xbd: {  	s0 =	sor.u32 s1, s0  }
0xbe: {  	s0 =	sadd.s32 $0x8F2B, s0  }
0xbf: {  	[sflag:s0] =	ssyncadd.remote.s32 $0x1  }
0xc0: {  	_ =	sfence.sel $0xFFFF  }
0xc1: {  	[dreg:$0x0] =	wrdreg $0xFFFFFFFF;
	(pc) =	sbr.abs _section_cstart, $3  }
0xc2: {  	[dreg:$0x1] =	wrdreg $0xFFFFFFFF  }
0xc3: {  	_ =	task.clear_ibuf [dreg:s8], $0x2FFFF;
	_ =	strace $0x9FFFFFFF  }
0xc4: {  	(tm) =	ssettm $0x7FFFFFFF  }
0xc5: {  	_ =	shalt  }
tec
execute0_lowered:
.L_overlay_start_1:
0x0: {  	(tag) =	ssettag $0x1  }
0x1: {  	s1 =	rddreg [dreg:$0x0]  }
0x2: {  	s0 =	rddreg [dreg:$0x1];
	s2 =	srdreg.scid  }
0x3: {  	s4 =	stileid.u32;
	s3 =	rddreg [dreg:$0x2]  }
0x4: {  	s16 =	simm.s32 $0x2;
	s2 =	sand.u32 $0x1, s2;
	s4 =	sshll.u32 s4, $0x1  }
0x5: {  	s18 =	simm.s32 $0x3;
	s20 =	simm.s32 $0x4;
	s6 =	sor.u32 s2, s4  }
0x6: {  	s4 =	simm.s32 $0x0;
	s2 =	ssub.s32 $0x2, s2;
	s5 =	sshll.u32 s6, $0x9  }
0x7: {  	s7 =	sshll.u32 s6, $0x7;
	[smem:$0x7FF] =	sst s4;
	s26 =	sshrl.u32 s2, $0x1  }
0x8: {  	s6 =	smul.u32 $0xC000, s6;
	s8 =	sand.u32 $0x3000, s5;
	s7 =	sand.u32 $0x380, s7  }
0x9: {  	_ =	strace $0x80000047;
	s31 =	sor.u32 $0x40, s5;
	s7 =	sor.u32 s7, s8  }
0xa: {  	s29 =	sadd.s32 s1, s6;
	[dreg:$0x7] =	wrdreg s31;
	s7 =	sshrl.u32 s7, $0x3  }
0xb: {  	[dreg:$0x5] =	wrdreg s29;
	s7 =	sadd.s32 s7, s0;
	s0 =	sadd.s32 $0xC00, s0  }
0xc: {  	s28 =	ssub.s32 s2, s26;
	[dreg:$0x4] =	wrdreg s0;
	s30 =	sadd.s32 $0x400, s7  }
0xd: {  	s21 =	simm.s32 $0x1C180;
	s0 =	smax.u32 s28, $0x1;
	[dreg:$0x6] =	wrdreg s30  }
0xe: {  	s22 =	simm.s32 $0x5;
	s6 =	simm.s32 $0x0;
	[dreg:$0x8] =	wrdreg s0  }
.LBB2_1:
0xf: {  	[dreg:$0x9] =	wrdreg s6  }
0x10: {  	s0 =	rddreg [dreg:$0x5]  }
0x11: {  	s2 =	simm.s32 $0x13180;
	s19 =	rddreg [dreg:$0x4]  }
0x12: {  	[tilespmem:s2], [sflag:$0x2] =	stream.linear.gather [hbm4b:s0+s4], $0x3000, $0x38;
	[tilespmem:$0x1F180] =	vst v63  }
0x13: {  	s29 =	simm.s32 $0x12F00;
	s23 =	rddreg [dreg:$0x6]  }
0x14: {  	[tilespmem:s4], [sflag:$0x1] =	stream.linear.gather [hbm4b:s19+s4], $0x12F00, $0x38;
	[tilespmem:$0x1F180] =	vst v63  }
0x15: {  	s24 =	simm.s32 $0x80;
	s25 =	simm.s32 $0x400;
	s26 =	simm.s32 $0xA  }
0x16: {  	[tilespmem:s29], [sflag:$0xA] =	stream.strided.gather [hbm4b:s23+s24], $0x200, s25, s24, $0x38;
	[tilespmem:$0x1F180] =	vst v63  }
0x17: {  	_ =	swait.ge [sflag:s26], $0x200  }
0x18: {  	[sflag:s26] =	ssyncset.done $0x0  }
0x19: {  	s28 =	simm.s32 $0x1;
	[sflag:s26] =	ssyncadd.s32 $0xFFFFFE00  }
0x1a: {  	_ =	swait.ge [sflag:s28], $0x12F00  }
0x1b: {  	s30 =	simm.s32 $0x12F10;
	s31 =	simm.s32 $0x12F20;
	[sflag:s28] =	ssyncset.done $0x0  }
0x1c: {  	s2 =	simm.s32 $0x12F30;
	s0 =	simm.s32 $0x0;
	[sflag:s28] =	ssyncadd.s32 $0xFFFED100  }
.LBB2_2:
0x1d: {  	s12 =	sshll.u32 s0, $0x6  }
0x1e: {  	_ =	swait.ge [sflag:s16], $0x3000;
	s6 =	sor.u32 s5, s12  }
0x1f: {  	p0 =	seq.s32 s0, $0x0;
	[sflag:s16] =	ssyncset.done $0x0;
	s7 =	sor.u32 $0x10, s6  }
0x20: {  	s8 =	simm.s32 @!p0 $0x7;
	[sflag:s16] =	ssyncadd.s32 $0xFFFFD000;
	s7 =	sshrl.u32 s7, $0x3  }
0x21: {  	_ =	swait.ge @!p0 [sflag:s8], $0x3000;
	s13 =	smul.u32 $0x300, s7  }
0x22: {  	s15 =	simm.s32 $0x0;
	[sflag:s8] =	ssyncset.done @!p0 $0x0  }
0x23: {  	s9 =	simm.s32 $0x16180;
	[sflag:s8] =	ssyncadd.s32 @!p0 $0xFFFFD000;
	s7 =	sadd.s32 s1, s13  }
0x24: {  	[tilespmem:s9], [sflag:$0x3] =	stream.linear.gather [hbm4b:s7+s15], $0x3000, $0x38;
	[tilespmem:$0x1F180] =	vst v63  }
0x25: {  	v0 =	vld [tilespmem:s29+$0x0];
	_ =	sdelay $0x4  }
0x26: {  	(v2sf) =	vpush v0, $0x0;
	_ =	sdelay $0xe  }
0x27: {  	s17 =	spop (v2sf)  }
0x28: {  	s7 =	smul.u32 $0xC00, s17;
	_ =	sdelay $0x1  }
0x29: {  	s10 =	sshra.s32 s7, $0x2  }
0x2a: {  	s19 =	simm.s32 $0x0;
	v0 =	vld [tilespmem:s10+$0x0]  }
0x2b: {  	s7 =	smul.u32 $0x6000, s19;
	_ =	sdelay $0x1  }
0x2c: {  	s8 =	sand.u32 $0x380, s15;
	s7 =	sshra.s32 s7, $0x2  }
0x2d: {  	s9 =	sor.u32 s8, s7  }
0x2e: {  	[tilespmem:s9+$0x13180] =	vst.add.f32.msk $0xffff, v0  }
0x2f: {  	v0 =	vld [tilespmem:s10+$0x10];
	_ =	sdelay $0x2  }
0x30: {  	s8 =	sadd.s32 $0x13180, s9  }
0x31: {  	s23 =	sor.u32 $0x10, s8  }
0x32: {  	[tilespmem:s23+$0x0] =	vst.add.f32.msk $0xffff, v0  }
0x33: {  	v0 =	vld [tilespmem:s10+$0x20];
	_ =	sdelay $0x3  }
0x34: {  	s24 =	sor.u32 $0x20, s8  }
0x35: {  	[tilespmem:s24+$0x0] =	vst.add.f32.msk $0xffff, v0  }
0x36: {  	v0 =	vld [tilespmem:s10+$0x30];
	_ =	sdelay $0x3  }
0x37: {  	s25 =	sor.u32 $0x30, s8  }
0x38: {  	[tilespmem:s25+$0x0] =	vst.add.f32.msk $0xffff, v0  }
0x39: {  	v0 =	vld [tilespmem:s10+$0x40];
	_ =	sdelay $0x3  }
0x3a: {  	s26 =	sor.u32 $0x40, s8  }
0x3b: {  	[tilespmem:s26+$0x0] =	vst.add.f32.msk $0xffff, v0  }
0x3c: {  	v0 =	vld [tilespmem:s10+$0x50];
	_ =	sdelay $0x3  }
0x3d: {  	s11 =	sor.u32 $0x50, s8  }
0x3e: {  	[tilespmem:s11+$0x0] =	vst.add.f32.msk $0xffff, v0  }
0x3f: {  	v0 =	vld [tilespmem:s10+$0x60];
	_ =	sdelay $0x3  }
0x40: {  	s14 =	sor.u32 $0x60, s8  }
0x41: {  	[tilespmem:s14+$0x0] =	vst.add.f32.msk $0xffff, v0  }
0x42: {  	v0 =	vld [tilespmem:s10+$0x70];
	_ =	sdelay $0x3  }
0x43: {  	s15 =	sor.u32 $0x70, s8  }
0x44: {  	[tilespmem:s15+$0x0] =	vst.add.f32.msk $0xffff, v0  }
0x45: {  	v0 =	vld [tilespmem:s10+$0x80];
	_ =	sdelay $0x4  }
0x46: {  	[tilespmem:s8+$0x400] =	vst.add.f32.msk $0xffff, v0  }
0x47: {  	v0 =	vld [tilespmem:s10+$0x90];
	_ =	sdelay $0x4  }
0x48: {  	[tilespmem:s8+$0x410] =	vst.add.f32.msk $0xffff, v0  }
0x49: {  	v0 =	vld [tilespmem:s10+$0xA0];
	_ =	sdelay $0x4  }
0x4a: {  	[tilespmem:s8+$0x420] =	vst.add.f32.msk $0xffff, v0  }
0x4b: {  	v0 =	vld [tilespmem:s10+$0xB0];
	_ =	sdelay $0x2  }
0x4c: {  	s14 =	sadd.s32 $0x1, s29  }
0x4d: {  	v1 =	vld [tilespmem:s14+$0x0]  }
0x4e: {  	[tilespmem:s8+$0x430] =	vst.add.f32.msk $0xffff, v0  }
0x4f: {  	v0 =	vld [tilespmem:s10+$0xC0];
	_ =	sdelay $0x2  }
0x50: {  	(v2sf) =	vpush v1, $0x0;
	_ =	sdelay $0x1  }
0x51: {  	[tilespmem:s8+$0x440] =	vst.add.f32.msk $0xffff, v0  }
0x52: {  	v0 =	vld [tilespmem:s10+$0xD0];
	_ =	sdelay $0x4  }
0x53: {  	[tilespmem:s8+$0x450] =	vst.add.f32.msk $0xffff, v0  }
0x54: {  	v0 =	vld [tilespmem:s10+$0xE0];
	_ =	sdelay $0x4  }
0x55: {  	[tilespmem:s8+$0x460] =	vst.add.f32.msk $0xffff, v0  }
0x56: {  	s17 =	spop (v2sf);
	v0 =	vld [tilespmem:s10+$0xF0]  }
0x57: {  	s7 =	smul.u32 $0xC00, s17;
	_ =	sdelay $0x1  }
0x58: {  	s7 =	sshra.s32 s7, $0x2  }
0x59: {  	s11 =	simm.s32 $0x0;
	v1 =	vld [tilespmem:s7+$0x0]  }
0x5a: {  	s19 =	smul.u32 $0x6000, s11;
	[tilespmem:s8+$0x470] =	vst.add.f32.msk $0xffff, v0  }
0x5b: {  	s23 =	simm.s32 $0x80;
	v0 =	vld [tilespmem:s10+$0x100]  }
0x5c: {  	s11 =	sand.u32 $0x380, s23;
	s8 =	sshra.s32 s19, $0x2  }
0x5d: {  	s8 =	sor.u32 s11, s8  }
0x5e: {  	[tilespmem:s8+$0x13180] =	vst.add.f32.msk $0xffff, v1  }
0x5f: {  	v1 =	vld [tilespmem:s7+$0x10]  }
0x60: {  	[tilespmem:s9+$0x13980] =	vst.add.f32.msk $0xffff, v0  }
0x61: {  	v0 =	vld [tilespmem:s10+$0x110]  }
0x62: {  	s11 =	sadd.s32 $0x13180, s8  }
0x63: {  	s15 =	sor.u32 $0x10, s11  }
0x64: {  	[tilespmem:s15+$0x0] =	vst.add.f32.msk $0xffff, v1;
	s15 =	sadd.s32 $0x13980, s9  }
0x65: {  	v1 =	vld [tilespmem:s7+$0x20];
	s17 =	sor.u32 $0x10, s15  }
0x66: {  	[tilespmem:s17+$0x0] =	vst.add.f32.msk $0xffff, v0  }
0x67: {  	v0 =	vld [tilespmem:s10+$0x120];
	_ =	sdelay $0x1  }
0x68: {  	s24 =	sor.u32 $0x20, s11  }
0x69: {  	[tilespmem:s24+$0x0] =	vst.add.f32.msk $0xffff, v1  }
0x6a: {  	s25 =	sor.u32 $0x20, s15;
	v1 =	vld [tilespmem:s7+$0x30]  }
0x6b: {  	[tilespmem:s25+$0x0] =	vst.add.f32.msk $0xffff, v0  }
0x6c: {  	v0 =	vld [tilespmem:s10+$0x130];
	_ =	sdelay $0x1  }
0x6d: {  	s26 =	sor.u32 $0x30, s11  }
0x6e: {  	[tilespmem:s26+$0x0] =	vst.add.f32.msk $0xffff, v1  }
0x6f: {  	s19 =	sor.u32 $0x30, s15;
	v1 =	vld [tilespmem:s7+$0x40]  }
0x70: {  	[tilespmem:s19+$0x0] =	vst.add.f32.msk $0xffff, v0  }
0x71: {  	v0 =	vld [tilespmem:s10+$0x140];
	_ =	sdelay $0x1  }
0x72: {  	s23 =	sor.u32 $0x40, s11  }
0x73: {  	[tilespmem:s23+$0x0] =	vst.add.f32.msk $0xffff, v1  }
0x74: {  	s24 =	sor.u32 $0x40, s15;
	v1 =	vld [tilespmem:s7+$0x50]  }
0x75: {  	[tilespmem:s24+$0x0] =	vst.add.f32.msk $0xffff, v0  }
0x76: {  	v0 =	vld [tilespmem:s10+$0x150];
	_ =	sdelay $0x1  }
0x77: {  	s25 =	sor.u32 $0x50, s11  }
0x78: {  	[tilespmem:s25+$0x0] =	vst.add.f32.msk $0xffff, v1  }
0x79: {  	s26 =	sor.u32 $0x50, s15;
	v1 =	vld [tilespmem:s7+$0x60]  }
0x7a: {  	[tilespmem:s26+$0x0] =	vst.add.f32.msk $0xffff, v0  }
0x7b: {  	v0 =	vld [tilespmem:s10+$0x160];
	_ =	sdelay $0x1  }
0x7c: {  	s19 =	sor.u32 $0x60, s11  }
0x7d: {  	[tilespmem:s19+$0x0] =	vst.add.f32.msk $0xffff, v1  }
0x7e: {  	s23 =	sor.u32 $0x60, s15;
	v1 =	vld [tilespmem:s7+$0x70]  }
0x7f: {  	[tilespmem:s23+$0x0] =	vst.add.f32.msk $0xffff, v0  }
0x80: {  	v0 =	vld [tilespmem:s10+$0x170];
	_ =	sdelay $0x1  }
0x81: {  	s24 =	sor.u32 $0x70, s11  }
0x82: {  	[tilespmem:s24+$0x0] =	vst.add.f32.msk $0xffff, v1  }
0x83: {  	s15 =	sor.u32 $0x70, s15;
	v1 =	vld [tilespmem:s7+$0x80]  }
0x84: {  	[tilespmem:s15+$0x0] =	vst.add.f32.msk $0xffff, v0  }
0x85: {  	v0 =	vld [tilespmem:s10+$0x180];
	_ =	sdelay $0x2  }
0x86: {  	[tilespmem:s11+$0x400] =	vst.add.f32.msk $0xffff, v1  }
0x87: {  	v1 =	vld [tilespmem:s7+$0x90]  }
0x88: {  	[tilespmem:s9+$0x13D80] =	vst.add.f32.msk $0xffff, v0  }
0x89: {  	v0 =	vld [tilespmem:s10+$0x190];
	_ =	sdelay $0x2  }
0x8a: {  	s15 =	sadd.s32 $0x13D80, s9;
	[tilespmem:s11+$0x410] =	vst.add.f32.msk $0xffff, v1  }
0x8b: {  	s25 =	sor.u32 $0x10, s15;
	v1 =	vld [tilespmem:s7+$0xA0]  }
0x8c: {  	[tilespmem:s25+$0x0] =	vst.add.f32.msk $0xffff, v0  }
0x8d: {  	v0 =	vld [tilespmem:s10+$0x1A0];
	_ =	sdelay $0x2  }
0x8e: {  	[tilespmem:s11+$0x420] =	vst.add.f32.msk $0xffff, v1  }
0x8f: {  	s26 =	sor.u32 $0x20, s15;
	v1 =	vld [tilespmem:s7+$0xB0]  }
0x90: {  	[tilespmem:s26+$0x0] =	vst.add.f32.msk $0xffff, v0  }
0x91: {  	v0 =	vld [tilespmem:s10+$0x1B0]  }
0x92: {  	s14 =	sadd.s32 $0x1, s14  }
0x93: {  	v2 =	vld [tilespmem:s14+$0x0]  }
0x94: {  	[tilespmem:s11+$0x430] =	vst.add.f32.msk $0xffff, v1  }
0x95: {  	s19 =	sor.u32 $0x30, s15;
	v1 =	vld [tilespmem:s7+$0xC0]  }
0x96: {  	[tilespmem:s19+$0x0] =	vst.add.f32.msk $0xffff, v0  }
0x97: {  	v0 =	vld [tilespmem:s10+$0x1C0]  }
0x98: {  	(v2sf) =	vpush v2, $0x0;
	_ =	sdelay $0x1  }
0x99: {  	[tilespmem:s11+$0x440] =	vst.add.f32.msk $0xffff, v1  }
0x9a: {  	s23 =	sor.u32 $0x40, s15;
	v1 =	vld [tilespmem:s7+$0xD0]  }
0x9b: {  	[tilespmem:s23+$0x0] =	vst.add.f32.msk $0xffff, v0  }
0x9c: {  	v0 =	vld [tilespmem:s10+$0x1D0];
	_ =	sdelay $0x2  }
0x9d: {  	[tilespmem:s11+$0x450] =	vst.add.f32.msk $0xffff, v1  }
0x9e: {  	s24 =	sor.u32 $0x50, s15;
	v1 =	vld [tilespmem:s7+$0xE0]  }
0x9f: {  	[tilespmem:s24+$0x0] =	vst.add.f32.msk $0xffff, v0  }
0xa0: {  	v0 =	vld [tilespmem:s10+$0x1E0];
	_ =	sdelay $0x2  }
0xa1: {  	[tilespmem:s11+$0x460] =	vst.add.f32.msk $0xffff, v1  }
0xa2: {  	s25 =	sor.u32 $0x60, s15;
	s23 =	spop (v2sf);
	v1 =	vld [tilespmem:s7+$0xF0]  }
0xa3: {  	s26 =	smul.u32 $0xC00, s23;
	[tilespmem:s25+$0x0] =	vst.add.f32.msk $0xffff, v0  }
0xa4: {  	s25 =	sadd.s32 $0x1, s14;
	v0 =	vld [tilespmem:s10+$0x1F0]  }
0xa5: {  	s14 =	sshra.s32 s26, $0x2;
	v2 =	vld [tilespmem:s25+$0x0]  }
0xa6: {  	s19 =	simm.s32 $0x0;
	v3 =	vld [tilespmem:s14+$0x0]  }
0xa7: {  	s23 =	smul.u32 $0x6000, s19;
	[tilespmem:s11+$0x470] =	vst.add.f32.msk $0xffff, v1  }
0xa8: {  	s15 =	sor.u32 $0x70, s15;
	s26 =	simm.s32 $0x100;
	v1 =	vld [tilespmem:s7+$0x100]  }
0xa9: {  	s24 =	sand.u32 $0x380, s26;
	s11 =	sshra.s32 s23, $0x2;
	[tilespmem:s15+$0x0] =	vst.add.f32.msk $0xffff, v0  }
0xaa: {  	s15 =	sor.u32 s24, s11;
	v0 =	vld [tilespmem:s10+$0x200]  }
0xab: {  	[tilespmem:s15+$0x13180] =	vst.add.f32.msk $0xffff, v3  }
0xac: {  	v3 =	vld [tilespmem:s14+$0x10]  }
0xad: {  	[tilespmem:s8+$0x13980] =	vst.add.f32.msk $0xffff, v1  }
0xae: {  	v1 =	vld [tilespmem:s7+$0x110]  }
0xaf: {  	s24 =	sadd.s32 $0x13180, s15;
	[tilespmem:s9+$0x14180] =	vst.add.f32.msk $0xffff, v0  }
0xb0: {  	s19 =	sor.u32 $0x10, s24;
	v0 =	vld [tilespmem:s10+$0x210]  }
0xb1: {  	s11 =	sadd.s32 $0x13980, s8;
	[tilespmem:s19+$0x0] =	vst.add.f32.msk $0xffff, v3  }
0xb2: {  	s23 =	sor.u32 $0x10, s11;
	v3 =	vld [tilespmem:s14+$0x20]  }
0xb3: {  	s17 =	sadd.s32 $0x14180, s9;
	[tilespmem:s23+$0x0] =	vst.add.f32.msk $0xffff, v1  }
0xb4: {  	s19 =	sor.u32 $0x10, s17;
	v1 =	vld [tilespmem:s7+$0x120]  }
0xb5: {  	[tilespmem:s19+$0x0] =	vst.add.f32.msk $0xffff, v0  }
0xb6: {  	s19 =	sor.u32 $0x20, s24;
	v0 =	vld [tilespmem:s10+$0x220]  }
0xb7: {  	[tilespmem:s19+$0x0] =	vst.add.f32.msk $0xffff, v3  }
0xb8: {  	s19 =	sor.u32 $0x20, s11;
	v3 =	vld [tilespmem:s14+$0x30]  }
0xb9: {  	[tilespmem:s19+$0x0] =	vst.add.f32.msk $0xffff, v1  }
0xba: {  	s19 =	sor.u32 $0x20, s17;
	v1 =	vld [tilespmem:s7+$0x130]  }
0xbb: {  	[tilespmem:s19+$0x0] =	vst.add.f32.msk $0xffff, v0  }
0xbc: {  	s19 =	sor.u32 $0x30, s24;
	v0 =	vld [tilespmem:s10+$0x230]  }
0xbd: {  	[tilespmem:s19+$0x0] =	vst.add.f32.msk $0xffff, v3  }
0xbe: {  	s19 =	sor.u32 $0x30, s11;
	v3 =	vld [tilespmem:s14+$0x40]  }
0xbf: {  	[tilespmem:s19+$0x0] =	vst.add.f32.msk $0xffff, v1  }
0xc0: {  	s19 =	sor.u32 $0x30, s17;
	v1 =	vld [tilespmem:s7+$0x140]  }
0xc1: {  	[tilespmem:s19+$0x0] =	vst.add.f32.msk $0xffff, v0  }
0xc2: {  	s19 =	sor.u32 $0x40, s24;
	v0 =	vld [tilespmem:s10+$0x240]  }
0xc3: {  	[tilespmem:s19+$0x0] =	vst.add.f32.msk $0xffff, v3  }
0xc4: {  	s19 =	sor.u32 $0x40, s11;
	v3 =	vld [tilespmem:s14+$0x50]  }
0xc5: {  	[tilespmem:s19+$0x0] =	vst.add.f32.msk $0xffff, v1  }
0xc6: {  	s19 =	sor.u32 $0x40, s17;
	v1 =	vld [tilespmem:s7+$0x150]  }
0xc7: {  	[tilespmem:s19+$0x0] =	vst.add.f32.msk $0xffff, v0  }
0xc8: {  	s19 =	sor.u32 $0x50, s24;
	v0 =	vld [tilespmem:s10+$0x250]  }
0xc9: {  	[tilespmem:s19+$0x0] =	vst.add.f32.msk $0xffff, v3  }
0xca: {  	s19 =	sor.u32 $0x50, s11;
	v3 =	vld [tilespmem:s14+$0x60]  }
0xcb: {  	[tilespmem:s19+$0x0] =	vst.add.f32.msk $0xffff, v1  }
0xcc: {  	s19 =	sor.u32 $0x50, s17;
	v1 =	vld [tilespmem:s7+$0x160]  }
0xcd: {  	[tilespmem:s19+$0x0] =	vst.add.f32.msk $0xffff, v0  }
0xce: {  	s19 =	sor.u32 $0x60, s24;
	v0 =	vld [tilespmem:s10+$0x260]  }
0xcf: {  	[tilespmem:s19+$0x0] =	vst.add.f32.msk $0xffff, v3  }
0xd0: {  	s19 =	sor.u32 $0x60, s11;
	v3 =	vld [tilespmem:s14+$0x70]  }
0xd1: {  	[tilespmem:s19+$0x0] =	vst.add.f32.msk $0xffff, v1  }
0xd2: {  	s19 =	sor.u32 $0x60, s17;
	v1 =	vld [tilespmem:s7+$0x170]  }
0xd3: {  	[tilespmem:s19+$0x0] =	vst.add.f32.msk $0xffff, v0  }
0xd4: {  	s19 =	sor.u32 $0x70, s24;
	v0 =	vld [tilespmem:s10+$0x270]  }
0xd5: {  	[tilespmem:s19+$0x0] =	vst.add.f32.msk $0xffff, v3  }
0xd6: {  	s11 =	sor.u32 $0x70, s11;
	v3 =	vld [tilespmem:s14+$0x80]  }
0xd7: {  	[tilespmem:s11+$0x0] =	vst.add.f32.msk $0xffff, v1  }
0xd8: {  	s19 =	sor.u32 $0x70, s17;
	v1 =	vld [tilespmem:s7+$0x180]  }
0xd9: {  	[tilespmem:s19+$0x0] =	vst.add.f32.msk $0xffff, v0  }
0xda: {  	v0 =	vld [tilespmem:s10+$0x280]  }
0xdb: {  	[tilespmem:s24+$0x400] =	vst.add.f32.msk $0xffff, v3  }
0xdc: {  	v3 =	vld [tilespmem:s14+$0x90]  }
0xdd: {  	[tilespmem:s8+$0x13D80] =	vst.add.f32.msk $0xffff, v1  }
0xde: {  	v1 =	vld [tilespmem:s7+$0x190]  }
0xdf: {  	[tilespmem:s9+$0x14580] =	vst.add.f32.msk $0xffff, v0  }
0xe0: {  	v0 =	vld [tilespmem:s10+$0x290]  }
0xe1: {  	s28 =	sadd.s32 $0x13D80, s8;
	[tilespmem:s24+$0x410] =	vst.add.f32.msk $0xffff, v3  }
0xe2: {  	s23 =	sor.u32 $0x10, s28;
	v3 =	vld [tilespmem:s14+$0xA0]  }
0xe3: {  	[tilespmem:s23+$0x0] =	vst.add.f32.msk $0xffff, v1;
	s23 =	sadd.s32 $0x14580, s9  }
0xe4: {  	v1 =	vld [tilespmem:s7+$0x1A0];
	s9 =	sor.u32 $0x10, s23  }
0xe5: {  	[tilespmem:s9+$0x0] =	vst.add.f32.msk $0xffff, v0  }
0xe6: {  	v0 =	vld [tilespmem:s10+$0x2A0]  }
0xe7: {  	[tilespmem:s24+$0x420] =	vst.add.f32.msk $0xffff, v3  }
0xe8: {  	s17 =	sor.u32 $0x20, s28;
	v3 =	vld [tilespmem:s14+$0xB0]  }
0xe9: {  	[tilespmem:s17+$0x0] =	vst.add.f32.msk $0xffff, v1  }
0xea: {  	s19 =	sor.u32 $0x20, s23;
	v1 =	vld [tilespmem:s7+$0x1B0]  }
0xeb: {  	[tilespmem:s19+$0x0] =	vst.add.f32.msk $0xffff, v0  }
0xec: {  	v0 =	vld [tilespmem:s10+$0x2B0]  }
0xed: {  	[tilespmem:s24+$0x430] =	vst.add.f32.msk $0xffff, v3  }
0xee: {  	s11 =	sor.u32 $0x30, s28;
	v3 =	vld [tilespmem:s14+$0xC0]  }
0xef: {  	[tilespmem:s11+$0x0] =	vst.add.f32.msk $0xffff, v1  }
0xf0: {  	s17 =	sor.u32 $0x30, s23;
	v4 =	vld [tilespmem:s7+$0x1C0]  }
0xf1: {  	[tilespmem:s17+$0x0] =	vst.add.f32.msk $0xffff, v0  }
0xf2: {  	v1 =	vld [tilespmem:s10+$0x2C0]  }
0xf3: {  	(v2sf) =	vpush v2, $0x0;
	[tilespmem:s24+$0x440] =	vst.add.f32.msk $0xffff, v3  }
0xf4: {  	s19 =	sor.u32 $0x40, s28;
	v0 =	vld [tilespmem:s14+$0xD0]  }
0xf5: {  	s9 =	simm.s32 $0x4;
	s11 =	simm.s32 $0x3;
	[tilespmem:s19+$0x0] =	vst.add.f32.msk $0xffff, v4  }
.LBB2_3:
0xf6: {  	p1 =	sne.s32 s9, $0xF;
	v2 =	vld [tilespmem:s7+$0x1D0];
	s17 =	sor.u32 $0x40, s23  }
0xf7: {  	[tilespmem:s17+$0x0] =	vst.add.f32.msk $0xffff, v1  }
0xf8: {  	v1 =	vld [tilespmem:s10+$0x2D0]  }
0xf9: {  	[tilespmem:s24+$0x450] =	vst.add.f32.msk $0xffff, v0  }
0xfa: {  	s17 =	sor.u32 $0x50, s28;
	v3 =	vld [tilespmem:s14+$0xE0]  }
0xfb: {  	[tilespmem:s17+$0x0] =	vst.add.f32.msk $0xffff, v2  }
0xfc: {  	s17 =	sor.u32 $0x50, s23;
	v2 =	vld [tilespmem:s7+$0x1E0]  }
0xfd: {  	[tilespmem:s17+$0x0] =	vst.add.f32.msk $0xffff, v1  }
0xfe: {  	s25 =	sadd.s32 $0x1, s25;
	v1 =	vld [tilespmem:s10+$0x2E0]  }
0xff: {  	v0 =	vld [tilespmem:s25+$0x0]  }
0x100: {  	[tilespmem:s24+$0x460] =	vst.add.f32.msk $0xffff, v3  }
0x101: {  	s17 =	sor.u32 $0x60, s28;
	v3 =	vld [tilespmem:s14+$0xF0]  }
0x102: {  	s19 =	spop (v2sf);
	[tilespmem:s17+$0x0] =	vst.add.f32.msk $0xffff, v2;
	s17 =	sor.u32 $0x60, s23  }
0x103: {  	s19 =	smul.u32 $0xC00, s19;
	[tilespmem:s17+$0x0] =	vst.add.f32.msk $0xffff, v1  }
0x104: {  	v1 =	vld [tilespmem:s10+$0x2F0];
	s10 =	smov.u32 s7;
	s7 =	smov.u32 s14  }
0x105: {  	s14 =	sshra.s32 s19, $0x2;
	v2 =	vld [tilespmem:s10+$0x1F0]  }
0x106: {  	v4 =	vld [tilespmem:s14+$0x0]  }
0x107: {  	s17 =	sshrl.u32 s11, $0x3;
	s11 =	smov.u32 s9;
	[tilespmem:s24+$0x470] =	vst.add.f32.msk $0xffff, v3  }
0x108: {  	s17 =	smul.u32 $0x6000, s17;
	s19 =	sor.u32 $0x70, s23;
	v3 =	vld [tilespmem:s7+$0x100]  }
0x109: {  	s26 =	sadd.s32 $0x80, s26;
	s23 =	sor.u32 $0x70, s28;
	[tilespmem:s19+$0x0] =	vst.add.f32.msk $0xffff, v1  }
0x10a: {  	s17 =	sshra.s32 s17, $0x2;
	s19 =	sand.u32 $0x380, s26;
	[tilespmem:s23+$0x0] =	vst.add.f32.msk $0xffff, v2  }
0x10b: {  	s17 =	sor.u32 s19, s17;
	v1 =	vld [tilespmem:s10+$0x200]  }
0x10c: {  	[tilespmem:s17+$0x13180] =	vst.add.f32.msk $0xffff, v4  }
0x10d: {  	v2 =	vld [tilespmem:s14+$0x10]  }
0x10e: {  	[tilespmem:s15+$0x13980] =	vst.add.f32.msk $0xffff, v3  }
0x10f: {  	v3 =	vld [tilespmem:s7+$0x110]  }
0x110: {  	s24 =	sadd.s32 $0x13180, s17;
	[tilespmem:s8+$0x14180] =	vst.add.f32.msk $0xffff, v1  }
0x111: {  	s19 =	sor.u32 $0x10, s24;
	v1 =	vld [tilespmem:s10+$0x210]  }
0x112: {  	s23 =	sadd.s32 $0x13980, s15;
	[tilespmem:s19+$0x0] =	vst.add.f32.msk $0xffff, v2  }
0x113: {  	s19 =	sor.u32 $0x10, s23;
	v2 =	vld [tilespmem:s14+$0x20]  }
0x114: {  	s28 =	sadd.s32 $0x14180, s8;
	[tilespmem:s19+$0x0] =	vst.add.f32.msk $0xffff, v3  }
0x115: {  	s19 =	sor.u32 $0x10, s28;
	v3 =	vld [tilespmem:s7+$0x120]  }
0x116: {  	[tilespmem:s19+$0x0] =	vst.add.f32.msk $0xffff, v1  }
0x117: {  	s19 =	sor.u32 $0x20, s24;
	v1 =	vld [tilespmem:s10+$0x220]  }
0x118: {  	[tilespmem:s19+$0x0] =	vst.add.f32.msk $0xffff, v2  }
0x119: {  	s19 =	sor.u32 $0x20, s23;
	v2 =	vld [tilespmem:s14+$0x30]  }
0x11a: {  	[tilespmem:s19+$0x0] =	vst.add.f32.msk $0xffff, v3  }
0x11b: {  	s19 =	sor.u32 $0x20, s28;
	v3 =	vld [tilespmem:s7+$0x130]  }
0x11c: {  	[tilespmem:s19+$0x0] =	vst.add.f32.msk $0xffff, v1  }
0x11d: {  	s19 =	sor.u32 $0x30, s24;
	v1 =	vld [tilespmem:s10+$0x230]  }
0x11e: {  	[tilespmem:s19+$0x0] =	vst.add.f32.msk $0xffff, v2  }
0x11f: {  	s19 =	sor.u32 $0x30, s23;
	v2 =	vld [tilespmem:s14+$0x40]  }
0x120: {  	[tilespmem:s19+$0x0] =	vst.add.f32.msk $0xffff, v3  }
0x121: {  	s19 =	sor.u32 $0x30, s28;
	v3 =	vld [tilespmem:s7+$0x140]  }
0x122: {  	[tilespmem:s19+$0x0] =	vst.add.f32.msk $0xffff, v1  }
0x123: {  	s19 =	sor.u32 $0x40, s24;
	v1 =	vld [tilespmem:s10+$0x240]  }
0x124: {  	[tilespmem:s19+$0x0] =	vst.add.f32.msk $0xffff, v2  }
0x125: {  	s19 =	sor.u32 $0x40, s23;
	v2 =	vld [tilespmem:s14+$0x50]  }
0x126: {  	[tilespmem:s19+$0x0] =	vst.add.f32.msk $0xffff, v3  }
0x127: {  	s19 =	sor.u32 $0x40, s28;
	v3 =	vld [tilespmem:s7+$0x150]  }
0x128: {  	[tilespmem:s19+$0x0] =	vst.add.f32.msk $0xffff, v1  }
0x129: {  	s19 =	sor.u32 $0x50, s24;
	v1 =	vld [tilespmem:s10+$0x250]  }
0x12a: {  	[tilespmem:s19+$0x0] =	vst.add.f32.msk $0xffff, v2  }
0x12b: {  	s19 =	sor.u32 $0x50, s23;
	v2 =	vld [tilespmem:s14+$0x60]  }
0x12c: {  	[tilespmem:s19+$0x0] =	vst.add.f32.msk $0xffff, v3  }
0x12d: {  	s19 =	sor.u32 $0x50, s28;
	v3 =	vld [tilespmem:s7+$0x160]  }
0x12e: {  	[tilespmem:s19+$0x0] =	vst.add.f32.msk $0xffff, v1  }
0x12f: {  	s19 =	sor.u32 $0x60, s24;
	v1 =	vld [tilespmem:s10+$0x260]  }
0x130: {  	[tilespmem:s19+$0x0] =	vst.add.f32.msk $0xffff, v2  }
0x131: {  	s19 =	sor.u32 $0x60, s23;
	v2 =	vld [tilespmem:s14+$0x70]  }
0x132: {  	[tilespmem:s19+$0x0] =	vst.add.f32.msk $0xffff, v3  }
0x133: {  	s19 =	sor.u32 $0x60, s28;
	v3 =	vld [tilespmem:s7+$0x170]  }
0x134: {  	[tilespmem:s19+$0x0] =	vst.add.f32.msk $0xffff, v1  }
0x135: {  	s19 =	sor.u32 $0x70, s24;
	v1 =	vld [tilespmem:s10+$0x270]  }
0x136: {  	[tilespmem:s19+$0x0] =	vst.add.f32.msk $0xffff, v2  }
0x137: {  	s19 =	sor.u32 $0x70, s23;
	v2 =	vld [tilespmem:s14+$0x80]  }
0x138: {  	[tilespmem:s19+$0x0] =	vst.add.f32.msk $0xffff, v3  }
0x139: {  	s19 =	sor.u32 $0x70, s28;
	v3 =	vld [tilespmem:s7+$0x180]  }
0x13a: {  	[tilespmem:s19+$0x0] =	vst.add.f32.msk $0xffff, v1  }
0x13b: {  	v1 =	vld [tilespmem:s10+$0x280]  }
0x13c: {  	[tilespmem:s24+$0x400] =	vst.add.f32.msk $0xffff, v2  }
0x13d: {  	v2 =	vld [tilespmem:s14+$0x90]  }
0x13e: {  	[tilespmem:s15+$0x13D80] =	vst.add.f32.msk $0xffff, v3  }
0x13f: {  	v3 =	vld [tilespmem:s7+$0x190]  }
0x140: {  	[tilespmem:s8+$0x14580] =	vst.add.f32.msk $0xffff, v1  }
0x141: {  	v1 =	vld [tilespmem:s10+$0x290]  }
0x142: {  	s28 =	sadd.s32 $0x13D80, s15;
	[tilespmem:s24+$0x410] =	vst.add.f32.msk $0xffff, v2  }
0x143: {  	s19 =	sor.u32 $0x10, s28;
	v2 =	vld [tilespmem:s14+$0xA0]  }
0x144: {  	s23 =	sadd.s32 $0x14580, s8;
	s8 =	smov.u32 s15;
	s15 =	smov.u32 s17;
	[tilespmem:s19+$0x0] =	vst.add.f32.msk $0xffff, v3  }
0x145: {  	s17 =	sor.u32 $0x10, s23;
	v3 =	vld [tilespmem:s7+$0x1A0]  }
0x146: {  	[tilespmem:s17+$0x0] =	vst.add.f32.msk $0xffff, v1  }
0x147: {  	v1 =	vld [tilespmem:s10+$0x2A0]  }
0x148: {  	[tilespmem:s24+$0x420] =	vst.add.f32.msk $0xffff, v2  }
0x149: {  	s17 =	sor.u32 $0x20, s28;
	v2 =	vld [tilespmem:s14+$0xB0]  }
0x14a: {  	[tilespmem:s17+$0x0] =	vst.add.f32.msk $0xffff, v3  }
0x14b: {  	s17 =	sor.u32 $0x20, s23;
	v3 =	vld [tilespmem:s7+$0x1B0]  }
0x14c: {  	[tilespmem:s17+$0x0] =	vst.add.f32.msk $0xffff, v1  }
0x14d: {  	v1 =	vld [tilespmem:s10+$0x2B0]  }
0x14e: {  	[tilespmem:s24+$0x430] =	vst.add.f32.msk $0xffff, v2  }
0x14f: {  	s17 =	sor.u32 $0x30, s28;
	v2 =	vld [tilespmem:s14+$0xC0]  }
0x150: {  	[tilespmem:s17+$0x0] =	vst.add.f32.msk $0xffff, v3  }
0x151: {  	s17 =	sor.u32 $0x30, s23;
	v3 =	vld [tilespmem:s7+$0x1C0]  }
.Ltmp0:
0x152: {  	[tilespmem:s17+$0x0] =	vst.add.f32.msk $0xffff, v1;
	(pc) =	sbr.rel @p1 .LBB2_3-.Ltmp0, $4  }
0x153: {  	v1 =	vld [tilespmem:s10+$0x2C0]  }
0x154: {  	(v2sf) =	vpush v0, $0x0;
	[tilespmem:s24+$0x440] =	vst.add.f32.msk $0xffff, v2  }
0x155: {  	s17 =	sor.u32 $0x40, s28;
	v0 =	vld [tilespmem:s14+$0xD0]  }
0x156: {  	s9 =	sadd.s32 $0x1, s9;
	[tilespmem:s17+$0x0] =	vst.add.f32.msk $0xffff, v3  }
0x157: {  	_ =	sdelay $0xb  }
0x158: {  	s9 =	spop (v2sf)  }
0x159: {  	s9 =	smul.u32 $0xC00, s9;
	_ =	sdelay $0x1  }
0x15a: {  	s25 =	sshra.s32 s9, $0x2  }
0x15b: {  	s11 =	sshrl.u32 s11, $0x3;
	v2 =	vld [tilespmem:s25+$0x0]  }
0x15c: {  	s9 =	smul.u32 $0x6000, s11  }
0x15d: {  	s17 =	sadd.s32 $0x80, s26  }
0x15e: {  	s11 =	sand.u32 $0x380, s17;
	s9 =	sshra.s32 s9, $0x2  }
0x15f: {  	s9 =	sor.u32 s11, s9  }
0x160: {  	[tilespmem:s9+$0x13180] =	vst.add.f32.msk $0xffff, v2  }
0x161: {  	v2 =	vld [tilespmem:s25+$0x10];
	_ =	sdelay $0x2  }
0x162: {  	s11 =	sadd.s32 $0x13180, s9  }
0x163: {  	s17 =	sor.u32 $0x10, s11  }
0x164: {  	[tilespmem:s17+$0x0] =	vst.add.f32.msk $0xffff, v2  }
0x165: {  	v2 =	vld [tilespmem:s25+$0x20];
	_ =	sdelay $0x3  }
0x166: {  	s19 =	sor.u32 $0x20, s11  }
0x167: {  	[tilespmem:s19+$0x0] =	vst.add.f32.msk $0xffff, v2  }
0x168: {  	v2 =	vld [tilespmem:s25+$0x30];
	_ =	sdelay $0x3  }
0x169: {  	s26 =	sor.u32 $0x30, s11  }
0x16a: {  	[tilespmem:s26+$0x0] =	vst.add.f32.msk $0xffff, v2  }
0x16b: {  	v2 =	vld [tilespmem:s25+$0x40];
	_ =	sdelay $0x3  }
0x16c: {  	s19 =	sor.u32 $0x40, s11  }
0x16d: {  	[tilespmem:s19+$0x0] =	vst.add.f32.msk $0xffff, v2  }
0x16e: {  	v2 =	vld [tilespmem:s25+$0x50];
	_ =	sdelay $0x3  }
0x16f: {  	s26 =	sor.u32 $0x50, s11  }
0x170: {  	[tilespmem:s26+$0x0] =	vst.add.f32.msk $0xffff, v2  }
0x171: {  	v2 =	vld [tilespmem:s25+$0x60];
	_ =	sdelay $0x3  }
0x172: {  	s19 =	sor.u32 $0x60, s11  }
0x173: {  	[tilespmem:s19+$0x0] =	vst.add.f32.msk $0xffff, v2  }
0x174: {  	v2 =	vld [tilespmem:s25+$0x70];
	_ =	sdelay $0x3  }
0x175: {  	s26 =	sor.u32 $0x70, s11  }
0x176: {  	[tilespmem:s26+$0x0] =	vst.add.f32.msk $0xffff, v2  }
0x177: {  	v2 =	vld [tilespmem:s25+$0x80];
	_ =	sdelay $0x4  }
0x178: {  	[tilespmem:s11+$0x400] =	vst.add.f32.msk $0xffff, v2  }
0x179: {  	v2 =	vld [tilespmem:s25+$0x90];
	_ =	sdelay $0x4  }
0x17a: {  	[tilespmem:s11+$0x410] =	vst.add.f32.msk $0xffff, v2  }
0x17b: {  	v2 =	vld [tilespmem:s25+$0xA0];
	_ =	sdelay $0x4  }
0x17c: {  	[tilespmem:s11+$0x420] =	vst.add.f32.msk $0xffff, v2  }
0x17d: {  	v2 =	vld [tilespmem:s25+$0xB0];
	_ =	sdelay $0x4  }
0x17e: {  	[tilespmem:s11+$0x430] =	vst.add.f32.msk $0xffff, v2  }
0x17f: {  	v2 =	vld [tilespmem:s25+$0xC0];
	_ =	sdelay $0x4  }
0x180: {  	[tilespmem:s11+$0x440] =	vst.add.f32.msk $0xffff, v2  }
0x181: {  	v2 =	vld [tilespmem:s25+$0xD0];
	_ =	sdelay $0x2  }
0x182: {  	[tilespmem:s24+$0x450] =	vst.add.f32.msk $0xffff, v0  }
0x183: {  	v0 =	vld [tilespmem:s14+$0xE0]  }
0x184: {  	[tilespmem:s11+$0x450] =	vst.add.f32.msk $0xffff, v2  }
0x185: {  	v2 =	vld [tilespmem:s25+$0xE0];
	_ =	sdelay $0x2  }
0x186: {  	[tilespmem:s24+$0x460] =	vst.add.f32.msk $0xffff, v0  }
0x187: {  	v0 =	vld [tilespmem:s14+$0xF0]  }
0x188: {  	[tilespmem:s11+$0x460] =	vst.add.f32.msk $0xffff, v2  }
0x189: {  	v2 =	vld [tilespmem:s25+$0xF0];
	_ =	sdelay $0x2  }
0x18a: {  	[tilespmem:s24+$0x470] =	vst.add.f32.msk $0xffff, v0  }
0x18b: {  	v0 =	vld [tilespmem:s14+$0x100]  }
0x18c: {  	[tilespmem:s11+$0x470] =	vst.add.f32.msk $0xffff, v2  }
0x18d: {  	v2 =	vld [tilespmem:s25+$0x100];
	_ =	sdelay $0x2  }
0x18e: {  	[tilespmem:s15+$0x13980] =	vst.add.f32.msk $0xffff, v0  }
0x18f: {  	v0 =	vld [tilespmem:s14+$0x110]  }
0x190: {  	[tilespmem:s9+$0x13980] =	vst.add.f32.msk $0xffff, v2  }
0x191: {  	v2 =	vld [tilespmem:s25+$0x110]  }
0x192: {  	s11 =	sadd.s32 $0x13980, s15  }
0x193: {  	s19 =	sor.u32 $0x10, s11  }
0x194: {  	s17 =	sadd.s32 $0x13980, s9;
	[tilespmem:s19+$0x0] =	vst.add.f32.msk $0xffff, v0  }
0x195: {  	s19 =	sor.u32 $0x10, s17;
	v0 =	vld [tilespmem:s14+$0x120]  }
0x196: {  	[tilespmem:s19+$0x0] =	vst.add.f32.msk $0xffff, v2  }
0x197: {  	v2 =	vld [tilespmem:s25+$0x120];
	_ =	sdelay $0x1  }
0x198: {  	s24 =	sor.u32 $0x20, s11  }
0x199: {  	[tilespmem:s24+$0x0] =	vst.add.f32.msk $0xffff, v0  }
0x19a: {  	s26 =	sor.u32 $0x20, s17;
	v0 =	vld [tilespmem:s14+$0x130]  }
0x19b: {  	[tilespmem:s26+$0x0] =	vst.add.f32.msk $0xffff, v2  }
0x19c: {  	v2 =	vld [tilespmem:s25+$0x130];
	_ =	sdelay $0x1  }
0x19d: {  	s24 =	sor.u32 $0x30, s11  }
0x19e: {  	[tilespmem:s24+$0x0] =	vst.add.f32.msk $0xffff, v0  }
0x19f: {  	v0 =	vld [tilespmem:s14+$0x140];
	s26 =	sor.u32 $0x30, s17  }
0x1a0: {  	[tilespmem:s26+$0x0] =	vst.add.f32.msk $0xffff, v2  }
0x1a1: {  	v2 =	vld [tilespmem:s25+$0x140];
	_ =	sdelay $0x1  }
0x1a2: {  	s24 =	sor.u32 $0x40, s11  }
0x1a3: {  	[tilespmem:s24+$0x0] =	vst.add.f32.msk $0xffff, v0  }
0x1a4: {  	v0 =	vld [tilespmem:s14+$0x150];
	s26 =	sor.u32 $0x40, s17  }
0x1a5: {  	[tilespmem:s26+$0x0] =	vst.add.f32.msk $0xffff, v2  }
0x1a6: {  	v2 =	vld [tilespmem:s25+$0x150];
	_ =	sdelay $0x1  }
0x1a7: {  	s24 =	sor.u32 $0x50, s11  }
0x1a8: {  	[tilespmem:s24+$0x0] =	vst.add.f32.msk $0xffff, v0  }
0x1a9: {  	v0 =	vld [tilespmem:s14+$0x160];
	s26 =	sor.u32 $0x50, s17  }
0x1aa: {  	[tilespmem:s26+$0x0] =	vst.add.f32.msk $0xffff, v2  }
0x1ab: {  	v2 =	vld [tilespmem:s25+$0x160];
	_ =	sdelay $0x1  }
0x1ac: {  	s24 =	sor.u32 $0x60, s11  }
0x1ad: {  	[tilespmem:s24+$0x0] =	vst.add.f32.msk $0xffff, v0  }
0x1ae: {  	v0 =	vld [tilespmem:s14+$0x170];
	s26 =	sor.u32 $0x60, s17  }
0x1af: {  	[tilespmem:s26+$0x0] =	vst.add.f32.msk $0xffff, v2  }
0x1b0: {  	v2 =	vld [tilespmem:s25+$0x170];
	_ =	sdelay $0x1  }
0x1b1: {  	s11 =	sor.u32 $0x70, s11  }
0x1b2: {  	[tilespmem:s11+$0x0] =	vst.add.f32.msk $0xffff, v0  }
0x1b3: {  	s19 =	sor.u32 $0x70, s17;
	v0 =	vld [tilespmem:s14+$0x180]  }
0x1b4: {  	[tilespmem:s19+$0x0] =	vst.add.f32.msk $0xffff, v2  }
0x1b5: {  	v2 =	vld [tilespmem:s25+$0x180];
	_ =	sdelay $0x2  }
0x1b6: {  	[tilespmem:s15+$0x13D80] =	vst.add.f32.msk $0xffff, v0  }
0x1b7: {  	v0 =	vld [tilespmem:s14+$0x190]  }
0x1b8: {  	[tilespmem:s9+$0x13D80] =	vst.add.f32.msk $0xffff, v2  }
0x1b9: {  	v2 =	vld [tilespmem:s25+$0x190]  }
0x1ba: {  	s11 =	sadd.s32 $0x13D80, s15  }
0x1bb: {  	v3 =	vld [tilespmem:s7+$0x1D0];
	s24 =	sor.u32 $0x10, s11  }
0x1bc: {  	s17 =	sadd.s32 $0x13D80, s9;
	[tilespmem:s24+$0x0] =	vst.add.f32.msk $0xffff, v0  }
0x1bd: {  	s26 =	sor.u32 $0x10, s17;
	v0 =	vld [tilespmem:s14+$0x1A0]  }
0x1be: {  	[tilespmem:s26+$0x0] =	vst.add.f32.msk $0xffff, v2  }
0x1bf: {  	s24 =	sor.u32 $0x40, s23;
	v2 =	vld [tilespmem:s25+$0x1A0]  }
0x1c0: {  	[tilespmem:s24+$0x0] =	vst.add.f32.msk $0xffff, v1  }
0x1c1: {  	v1 =	vld [tilespmem:s10+$0x2D0];
	s26 =	sor.u32 $0x20, s11  }
0x1c2: {  	[tilespmem:s26+$0x0] =	vst.add.f32.msk $0xffff, v0  }
0x1c3: {  	s24 =	sor.u32 $0x20, s17;
	v0 =	vld [tilespmem:s14+$0x1B0]  }
0x1c4: {  	[tilespmem:s24+$0x0] =	vst.add.f32.msk $0xffff, v2  }
0x1c5: {  	s26 =	sor.u32 $0x50, s28;
	v2 =	vld [tilespmem:s25+$0x1B0]  }
0x1c6: {  	[tilespmem:s26+$0x0] =	vst.add.f32.msk $0xffff, v3  }
0x1c7: {  	v3 =	vld [tilespmem:s7+$0x1E0];
	s24 =	sor.u32 $0x30, s11  }
0x1c8: {  	[tilespmem:s24+$0x0] =	vst.add.f32.msk $0xffff, v0  }
0x1c9: {  	s26 =	sor.u32 $0x30, s17;
	v0 =	vld [tilespmem:s14+$0x1C0]  }
0x1ca: {  	[tilespmem:s26+$0x0] =	vst.add.f32.msk $0xffff, v2  }
0x1cb: {  	s24 =	sor.u32 $0x50, s23;
	v2 =	vld [tilespmem:s25+$0x1C0]  }
0x1cc: {  	[tilespmem:s24+$0x0] =	vst.add.f32.msk $0xffff, v1  }
0x1cd: {  	v1 =	vld [tilespmem:s10+$0x2E0];
	s26 =	sor.u32 $0x40, s11  }
0x1ce: {  	[tilespmem:s26+$0x0] =	vst.add.f32.msk $0xffff, v0  }
0x1cf: {  	s24 =	sor.u32 $0x40, s17;
	v0 =	vld [tilespmem:s14+$0x1D0]  }
0x1d0: {  	[tilespmem:s24+$0x0] =	vst.add.f32.msk $0xffff, v2  }
0x1d1: {  	s26 =	sor.u32 $0x60, s28;
	v2 =	vld [tilespmem:s25+$0x1D0]  }
0x1d2: {  	[tilespmem:s26+$0x0] =	vst.add.f32.msk $0xffff, v3;
	s24 =	sor.u32 $0x60, s23  }
0x1d3: {  	s26 =	sor.u32 $0x50, s11;
	[tilespmem:s24+$0x0] =	vst.add.f32.msk $0xffff, v1  }
0x1d4: {  	[tilespmem:s26+$0x0] =	vst.add.f32.msk $0xffff, v0  }
0x1d5: {  	s24 =	sor.u32 $0x50, s17;
	v1 =	vld [tilespmem:s14+$0x1E0]  }
0x1d6: {  	[tilespmem:s24+$0x0] =	vst.add.f32.msk $0xffff, v2  }
0x1d7: {  	v2 =	vld [tilespmem:s25+$0x1E0]  }
0x1d8: {  	v3 =	vld [tilespmem:s7+$0x1F0]  }
0x1d9: {  	s26 =	sor.u32 $0x60, s11;
	v0 =	vld [tilespmem:s10+$0x2F0]  }
0x1da: {  	[tilespmem:s26+$0x0] =	vst.add.f32.msk $0xffff, v1  }
0x1db: {  	s19 =	sor.u32 $0x60, s17;
	v1 =	vld [tilespmem:s14+$0x1F0]  }
0x1dc: {  	[tilespmem:s19+$0x0] =	vst.add.f32.msk $0xffff, v2  }
0x1dd: {  	s24 =	sor.u32 $0x70, s28;
	v2 =	vld [tilespmem:s25+$0x1F0]  }
0x1de: {  	[tilespmem:s24+$0x0] =	vst.add.f32.msk $0xffff, v3  }
0x1df: {  	s26 =	sor.u32 $0x70, s11;
	v3 =	vld [tilespmem:s7+$0x200]  }
0x1e0: {  	[tilespmem:s26+$0x0] =	vst.add.f32.msk $0xffff, v1  }
0x1e1: {  	s11 =	sor.u32 $0x70, s17;
	v1 =	vld [tilespmem:s14+$0x200]  }
0x1e2: {  	[tilespmem:s11+$0x0] =	vst.add.f32.msk $0xffff, v2  }
0x1e3: {  	v2 =	vld [tilespmem:s25+$0x200]  }
0x1e4: {  	[tilespmem:s8+$0x14180] =	vst.add.f32.msk $0xffff, v3  }
0x1e5: {  	v3 =	vld [tilespmem:s7+$0x210]  }
0x1e6: {  	[tilespmem:s15+$0x14180] =	vst.add.f32.msk $0xffff, v1  }
0x1e7: {  	v1 =	vld [tilespmem:s14+$0x210]  }
0x1e8: {  	s10 =	sadd.s32 $0x14180, s8;
	[tilespmem:s9+$0x14180] =	vst.add.f32.msk $0xffff, v2  }
0x1e9: {  	s17 =	sor.u32 $0x10, s10;
	v2 =	vld [tilespmem:s25+$0x210]  }
0x1ea: {  	s11 =	sadd.s32 $0x14180, s15;
	[tilespmem:s17+$0x0] =	vst.add.f32.msk $0xffff, v3  }
0x1eb: {  	s19 =	sor.u32 $0x10, s11;
	v3 =	vld [tilespmem:s7+$0x220]  }
0x1ec: {  	s17 =	sadd.s32 $0x14180, s9;
	[tilespmem:s19+$0x0] =	vst.add.f32.msk $0xffff, v1  }
0x1ed: {  	s24 =	sor.u32 $0x10, s17;
	v1 =	vld [tilespmem:s14+$0x220]  }
0x1ee: {  	[tilespmem:s24+$0x0] =	vst.add.f32.msk $0xffff, v2  }
0x1ef: {  	s26 =	sor.u32 $0x20, s10;
	v2 =	vld [tilespmem:s25+$0x220]  }
0x1f0: {  	[tilespmem:s26+$0x0] =	vst.add.f32.msk $0xffff, v3  }
0x1f1: {  	v3 =	vld [tilespmem:s7+$0x230];
	s24 =	sor.u32 $0x20, s11  }
0x1f2: {  	[tilespmem:s24+$0x0] =	vst.add.f32.msk $0xffff, v1  }
0x1f3: {  	s26 =	sor.u32 $0x20, s17;
	v1 =	vld [tilespmem:s14+$0x230]  }
0x1f4: {  	[tilespmem:s26+$0x0] =	vst.add.f32.msk $0xffff, v2  }
0x1f5: {  	s24 =	sor.u32 $0x30, s10;
	v2 =	vld [tilespmem:s25+$0x230]  }
0x1f6: {  	[tilespmem:s24+$0x0] =	vst.add.f32.msk $0xffff, v3  }
0x1f7: {  	v3 =	vld [tilespmem:s7+$0x240];
	s26 =	sor.u32 $0x30, s11  }
0x1f8: {  	[tilespmem:s26+$0x0] =	vst.add.f32.msk $0xffff, v1  }
0x1f9: {  	s24 =	sor.u32 $0x30, s17;
	v1 =	vld [tilespmem:s14+$0x240]  }
0x1fa: {  	[tilespmem:s24+$0x0] =	vst.add.f32.msk $0xffff, v2  }
0x1fb: {  	s26 =	sor.u32 $0x40, s10;
	v2 =	vld [tilespmem:s25+$0x240]  }
0x1fc: {  	[tilespmem:s26+$0x0] =	vst.add.f32.msk $0xffff, v3  }
0x1fd: {  	v3 =	vld [tilespmem:s7+$0x250];
	s24 =	sor.u32 $0x40, s11  }
0x1fe: {  	[tilespmem:s24+$0x0] =	vst.add.f32.msk $0xffff, v1  }
0x1ff: {  	s26 =	sor.u32 $0x40, s17;
	v1 =	vld [tilespmem:s14+$0x250]  }
0x200: {  	[tilespmem:s26+$0x0] =	vst.add.f32.msk $0xffff, v2  }
0x201: {  	s24 =	sor.u32 $0x50, s10;
	v2 =	vld [tilespmem:s25+$0x250]  }
0x202: {  	[tilespmem:s24+$0x0] =	vst.add.f32.msk $0xffff, v3  }
0x203: {  	v3 =	vld [tilespmem:s7+$0x260];
	s26 =	sor.u32 $0x50, s11  }
0x204: {  	[tilespmem:s26+$0x0] =	vst.add.f32.msk $0xffff, v1  }
0x205: {  	s24 =	sor.u32 $0x50, s17;
	v1 =	vld [tilespmem:s14+$0x260]  }
0x206: {  	[tilespmem:s24+$0x0] =	vst.add.f32.msk $0xffff, v2  }
0x207: {  	s26 =	sor.u32 $0x60, s10;
	v2 =	vld [tilespmem:s25+$0x260]  }
0x208: {  	[tilespmem:s26+$0x0] =	vst.add.f32.msk $0xffff, v3  }
0x209: {  	v3 =	vld [tilespmem:s7+$0x270];
	s24 =	sor.u32 $0x60, s11  }
0x20a: {  	[tilespmem:s24+$0x0] =	vst.add.f32.msk $0xffff, v1  }
0x20b: {  	s26 =	sor.u32 $0x60, s17;
	v1 =	vld [tilespmem:s14+$0x270]  }
0x20c: {  	[tilespmem:s26+$0x0] =	vst.add.f32.msk $0xffff, v2  }
0x20d: {  	s10 =	sor.u32 $0x70, s10;
	v2 =	vld [tilespmem:s25+$0x270]  }
0x20e: {  	[tilespmem:s10+$0x0] =	vst.add.f32.msk $0xffff, v3  }
0x20f: {  	s24 =	sor.u32 $0x70, s11;
	v3 =	vld [tilespmem:s7+$0x280]  }
0x210: {  	[tilespmem:s24+$0x0] =	vst.add.f32.msk $0xffff, v1  }
0x211: {  	s26 =	sor.u32 $0x70, s17;
	v1 =	vld [tilespmem:s14+$0x280]  }
0x212: {  	[tilespmem:s26+$0x0] =	vst.add.f32.msk $0xffff, v2  }
0x213: {  	v2 =	vld [tilespmem:s25+$0x280]  }
0x214: {  	[tilespmem:s8+$0x14580] =	vst.add.f32.msk $0xffff, v3  }
0x215: {  	v3 =	vld [tilespmem:s7+$0x290]  }
0x216: {  	[tilespmem:s15+$0x14580] =	vst.add.f32.msk $0xffff, v1  }
0x217: {  	v1 =	vld [tilespmem:s14+$0x290]  }
0x218: {  	s8 =	sadd.s32 $0x14580, s8;
	[tilespmem:s9+$0x14580] =	vst.add.f32.msk $0xffff, v2  }
0x219: {  	s11 =	sor.u32 $0x10, s8;
	v2 =	vld [tilespmem:s25+$0x290]  }
0x21a: {  	s10 =	sadd.s32 $0x14580, s15;
	[tilespmem:s11+$0x0] =	vst.add.f32.msk $0xffff, v3  }
0x21b: {  	s17 =	sor.u32 $0x10, s10;
	v3 =	vld [tilespmem:s7+$0x2A0]  }
0x21c: {  	s9 =	sadd.s32 $0x14580, s9;
	[tilespmem:s17+$0x0] =	vst.add.f32.msk $0xffff, v1  }
0x21d: {  	s19 =	sor.u32 $0x10, s9;
	v1 =	vld [tilespmem:s14+$0x2A0]  }
0x21e: {  	[tilespmem:s19+$0x0] =	vst.add.f32.msk $0xffff, v2  }
0x21f: {  	s24 =	sor.u32 $0x20, s8;
	v2 =	vld [tilespmem:s25+$0x2A0]  }
0x220: {  	[tilespmem:s24+$0x0] =	vst.add.f32.msk $0xffff, v3  }
0x221: {  	s26 =	sor.u32 $0x20, s10;
	v3 =	vld [tilespmem:s7+$0x2B0]  }
0x222: {  	[tilespmem:s26+$0x0] =	vst.add.f32.msk $0xffff, v1  }
0x223: {  	s15 =	sor.u32 $0x20, s9;
	v1 =	vld [tilespmem:s14+$0x2B0]  }
0x224: {  	[tilespmem:s15+$0x0] =	vst.add.f32.msk $0xffff, v2  }
0x225: {  	s17 =	sor.u32 $0x30, s8;
	v2 =	vld [tilespmem:s25+$0x2B0]  }
0x226: {  	[tilespmem:s17+$0x0] =	vst.add.f32.msk $0xffff, v3  }
0x227: {  	s19 =	sor.u32 $0x30, s10;
	v3 =	vld [tilespmem:s7+$0x2C0]  }
0x228: {  	[tilespmem:s19+$0x0] =	vst.add.f32.msk $0xffff, v1  }
0x229: {  	s24 =	sor.u32 $0x30, s9;
	v1 =	vld [tilespmem:s14+$0x2C0]  }
0x22a: {  	[tilespmem:s24+$0x0] =	vst.add.f32.msk $0xffff, v2  }
0x22b: {  	s26 =	sor.u32 $0x40, s8;
	v2 =	vld [tilespmem:s25+$0x2C0]  }
0x22c: {  	[tilespmem:s26+$0x0] =	vst.add.f32.msk $0xffff, v3  }
0x22d: {  	s15 =	sor.u32 $0x40, s10;
	v3 =	vld [tilespmem:s7+$0x2D0]  }
0x22e: {  	[tilespmem:s15+$0x0] =	vst.add.f32.msk $0xffff, v1  }
0x22f: {  	s17 =	sor.u32 $0x40, s9;
	v1 =	vld [tilespmem:s14+$0x2D0]  }
0x230: {  	[tilespmem:s17+$0x0] =	vst.add.f32.msk $0xffff, v2  }
0x231: {  	s19 =	sor.u32 $0x50, s8;
	v2 =	vld [tilespmem:s25+$0x2D0]  }
0x232: {  	[tilespmem:s19+$0x0] =	vst.add.f32.msk $0xffff, v3  }
0x233: {  	s24 =	sor.u32 $0x50, s10;
	v3 =	vld [tilespmem:s7+$0x2E0]  }
0x234: {  	[tilespmem:s24+$0x0] =	vst.add.f32.msk $0xffff, v1  }
0x235: {  	s26 =	sor.u32 $0x50, s9;
	v1 =	vld [tilespmem:s14+$0x2E0]  }
0x236: {  	[tilespmem:s26+$0x0] =	vst.add.f32.msk $0xffff, v2  }
0x237: {  	s15 =	sor.u32 $0x60, s8;
	v2 =	vld [tilespmem:s25+$0x2E0]  }
0x238: {  	[tilespmem:s15+$0x0] =	vst.add.f32.msk $0xffff, v3  }
0x239: {  	s17 =	sor.u32 $0x60, s10;
	v3 =	vld [tilespmem:s7+$0x2F0]  }
0x23a: {  	[tilespmem:s17+$0x0] =	vst.add.f32.msk $0xffff, v1  }
0x23b: {  	s19 =	sor.u32 $0x60, s9;
	v1 =	vld [tilespmem:s14+$0x2F0]  }
0x23c: {  	[tilespmem:s19+$0x0] =	vst.add.f32.msk $0xffff, v2  }
0x23d: {  	v2 =	vld [tilespmem:s25+$0x2F0]  }
0x23e: {  	s23 =	sor.u32 $0x70, s23  }
0x23f: {  	[tilespmem:s23+$0x0] =	vst.add.f32.msk $0xffff, v0;
	s24 =	sor.u32 $0x70, s8  }
0x240: {  	s26 =	sshrl.u32 s6, $0x3;
	[tilespmem:s24+$0x0] =	vst.add.f32.msk $0xffff, v3;
	s25 =	sor.u32 $0x70, s10  }
0x241: {  	s8 =	smul.u32 $0x300, s26;
	s10 =	sor.u32 $0x70, s9;
	[tilespmem:s25+$0x0] =	vst.add.f32.msk $0xffff, v1  }
0x242: {  	[tilespmem:s10+$0x0] =	vst.add.f32.msk $0xffff, v2  }
0x243: {  	s14 =	simm.s32 $0x13180;
	s11 =	sadd.s32 s3, s8;
	[bflag:$0x0] =	sbarrier.arrive $0xFFFF  }
0x244: {  	[hbm4b:s11+s4] =	stream.linear.scatter [tilespmem:s14], [sflag:$0x6], $0x3000, $0x38;
	[tilespmem:$0x1F180] =	vst v63  }
0x245: {  	_ =	swait.ge [sflag:s18], $0x3000  }
0x246: {  	s15 =	sor.u32 $0x20, s6;
	[sflag:s18] =	ssyncset.done $0x0  }
0x247: {  	s7 =	simm.s32 @!p0 $0x8;
	s6 =	sshrl.u32 s15, $0x3;
	[sflag:s18] =	ssyncadd.s32 $0xFFFFD000  }
0x248: {  	s6 =	smul.u32 $0x300, s6;
	_ =	swait.ge @!p0 [sflag:s7], $0x3000  }
0x249: {  	s23 =	simm.s32 $0x19180;
	[sflag:s7] =	ssyncset.done @!p0 $0x0  }
0x24a: {  	s17 =	sadd.s32 s1, s6;
	s19 =	simm.s32 $0x0;
	[sflag:s7] =	ssyncadd.s32 @!p0 $0xFFFFD000  }
0x24b: {  	[tilespmem:s23], [sflag:$0x4] =	stream.linear.gather [hbm4b:s17+s19], $0x3000, $0x38;
	[tilespmem:$0x1F180] =	vst v63  }
0x24c: {  	v0 =	vld [tilespmem:s30+$0x0];
	_ =	sdelay $0x4  }
0x24d: {  	(v2sf) =	vpush v0, $0x0;
	_ =	sdelay $0xe  }
0x24e: {  	s24 =	spop (v2sf)  }
0x24f: {  	s7 =	smul.u32 $0xC00, s24;
	_ =	sdelay $0x1  }
0x250: {  	s10 =	sshra.s32 s7, $0x2  }
0x251: {  	s25 =	simm.s32 $0x0;
	v0 =	vld [tilespmem:s10+$0x0]  }
0x252: {  	s7 =	smul.u32 $0x6000, s25;
	_ =	sdelay $0x1  }
0x253: {  	s8 =	sand.u32 $0x380, s19;
	s7 =	sshra.s32 s7, $0x2  }
0x254: {  	s9 =	sor.u32 s8, s7  }
0x255: {  	[tilespmem:s9+$0x16180] =	vst.add.f32.msk $0xffff, v0  }
0x256: {  	v0 =	vld [tilespmem:s10+$0x10];
	_ =	sdelay $0x2  }
0x257: {  	s8 =	sadd.s32 $0x16180, s9  }
0x258: {  	s26 =	sor.u32 $0x10, s8  }
0x259: {  	[tilespmem:s26+$0x0] =	vst.add.f32.msk $0xffff, v0  }
0x25a: {  	v0 =	vld [tilespmem:s10+$0x20];
	_ =	sdelay $0x3  }
0x25b: {  	s11 =	sor.u32 $0x20, s8  }
0x25c: {  	[tilespmem:s11+$0x0] =	vst.add.f32.msk $0xffff, v0  }
0x25d: {  	v0 =	vld [tilespmem:s10+$0x30];
	_ =	sdelay $0x3  }
0x25e: {  	s14 =	sor.u32 $0x30, s8  }
0x25f: {  	[tilespmem:s14+$0x0] =	vst.add.f32.msk $0xffff, v0  }
0x260: {  	v0 =	vld [tilespmem:s10+$0x40];
	_ =	sdelay $0x3  }
0x261: {  	s15 =	sor.u32 $0x40, s8  }
0x262: {  	[tilespmem:s15+$0x0] =	vst.add.f32.msk $0xffff, v0  }
0x263: {  	v0 =	vld [tilespmem:s10+$0x50];
	_ =	sdelay $0x3  }
0x264: {  	s17 =	sor.u32 $0x50, s8  }
0x265: {  	[tilespmem:s17+$0x0] =	vst.add.f32.msk $0xffff, v0  }
0x266: {  	v0 =	vld [tilespmem:s10+$0x60];
	_ =	sdelay $0x3  }
0x267: {  	s19 =	sor.u32 $0x60, s8  }
0x268: {  	[tilespmem:s19+$0x0] =	vst.add.f32.msk $0xffff, v0  }
0x269: {  	v0 =	vld [tilespmem:s10+$0x70];
	_ =	sdelay $0x3  }
0x26a: {  	s23 =	sor.u32 $0x70, s8  }
0x26b: {  	[tilespmem:s23+$0x0] =	vst.add.f32.msk $0xffff, v0  }
0x26c: {  	v0 =	vld [tilespmem:s10+$0x80];
	_ =	sdelay $0x4  }
0x26d: {  	[tilespmem:s8+$0x400] =	vst.add.f32.msk $0xffff, v0  }
0x26e: {  	v0 =	vld [tilespmem:s10+$0x90];
	_ =	sdelay $0x4  }
0x26f: {  	[tilespmem:s8+$0x410] =	vst.add.f32.msk $0xffff, v0  }
0x270: {  	v0 =	vld [tilespmem:s10+$0xA0];
	_ =	sdelay $0x4  }
0x271: {  	[tilespmem:s8+$0x420] =	vst.add.f32.msk $0xffff, v0  }
0x272: {  	v0 =	vld [tilespmem:s10+$0xB0];
	_ =	sdelay $0x2  }
0x273: {  	s14 =	sadd.s32 $0x1, s30  }
0x274: {  	v1 =	vld [tilespmem:s14+$0x0]  }
0x275: {  	[tilespmem:s8+$0x430] =	vst.add.f32.msk $0xffff, v0  }
0x276: {  	v0 =	vld [tilespmem:s10+$0xC0];
	_ =	sdelay $0x2  }
0x277: {  	(v2sf) =	vpush v1, $0x0;
	_ =	sdelay $0x1  }
0x278: {  	[tilespmem:s8+$0x440] =	vst.add.f32.msk $0xffff, v0  }
0x279: {  	v0 =	vld [tilespmem:s10+$0xD0];
	_ =	sdelay $0x4  }
0x27a: {  	[tilespmem:s8+$0x450] =	vst.add.f32.msk $0xffff, v0  }
0x27b: {  	v0 =	vld [tilespmem:s10+$0xE0];
	_ =	sdelay $0x4  }
0x27c: {  	[tilespmem:s8+$0x460] =	vst.add.f32.msk $0xffff, v0  }
0x27d: {  	s24 =	spop (v2sf);
	v0 =	vld [tilespmem:s10+$0xF0]  }
0x27e: {  	s7 =	smul.u32 $0xC00, s24;
	_ =	sdelay $0x1  }
0x27f: {  	s7 =	sshra.s32 s7, $0x2  }
0x280: {  	s25 =	simm.s32 $0x0;
	v1 =	vld [tilespmem:s7+$0x0]  }
0x281: {  	s26 =	smul.u32 $0x6000, s25;
	[tilespmem:s8+$0x470] =	vst.add.f32.msk $0xffff, v0  }
0x282: {  	s15 =	simm.s32 $0x80;
	v0 =	vld [tilespmem:s10+$0x100]  }
0x283: {  	s11 =	sand.u32 $0x380, s15;
	s8 =	sshra.s32 s26, $0x2  }
0x284: {  	s8 =	sor.u32 s11, s8  }
0x285: {  	[tilespmem:s8+$0x16180] =	vst.add.f32.msk $0xffff, v1  }
0x286: {  	v1 =	vld [tilespmem:s7+$0x10]  }
0x287: {  	[tilespmem:s9+$0x16980] =	vst.add.f32.msk $0xffff, v0  }
0x288: {  	v0 =	vld [tilespmem:s10+$0x110]  }
0x289: {  	s11 =	sadd.s32 $0x16180, s8  }
0x28a: {  	s17 =	sor.u32 $0x10, s11  }
0x28b: {  	s15 =	sadd.s32 $0x16980, s9;
	[tilespmem:s17+$0x0] =	vst.add.f32.msk $0xffff, v1  }
0x28c: {  	s19 =	sor.u32 $0x10, s15;
	v1 =	vld [tilespmem:s7+$0x20]  }
0x28d: {  	[tilespmem:s19+$0x0] =	vst.add.f32.msk $0xffff, v0  }
0x28e: {  	v0 =	vld [tilespmem:s10+$0x120];
	_ =	sdelay $0x1  }
0x28f: {  	s23 =	sor.u32 $0x20, s11  }
0x290: {  	[tilespmem:s23+$0x0] =	vst.add.f32.msk $0xffff, v1  }
0x291: {  	s24 =	sor.u32 $0x20, s15;
	v1 =	vld [tilespmem:s7+$0x30]  }
0x292: {  	[tilespmem:s24+$0x0] =	vst.add.f32.msk $0xffff, v0  }
0x293: {  	v0 =	vld [tilespmem:s10+$0x130];
	_ =	sdelay $0x1  }
0x294: {  	s25 =	sor.u32 $0x30, s11  }
0x295: {  	[tilespmem:s25+$0x0] =	vst.add.f32.msk $0xffff, v1  }
0x296: {  	s26 =	sor.u32 $0x30, s15;
	v1 =	vld [tilespmem:s7+$0x40]  }
0x297: {  	[tilespmem:s26+$0x0] =	vst.add.f32.msk $0xffff, v0  }
0x298: {  	v0 =	vld [tilespmem:s10+$0x140];
	_ =	sdelay $0x1  }
0x299: {  	s19 =	sor.u32 $0x40, s11  }
0x29a: {  	[tilespmem:s19+$0x0] =	vst.add.f32.msk $0xffff, v1  }
0x29b: {  	s23 =	sor.u32 $0x40, s15;
	v1 =	vld [tilespmem:s7+$0x50]  }
0x29c: {  	[tilespmem:s23+$0x0] =	vst.add.f32.msk $0xffff, v0  }
0x29d: {  	v0 =	vld [tilespmem:s10+$0x150];
	_ =	sdelay $0x1  }
0x29e: {  	s24 =	sor.u32 $0x50, s11  }
0x29f: {  	[tilespmem:s24+$0x0] =	vst.add.f32.msk $0xffff, v1  }
0x2a0: {  	s25 =	sor.u32 $0x50, s15;
	v1 =	vld [tilespmem:s7+$0x60]  }
0x2a1: {  	[tilespmem:s25+$0x0] =	vst.add.f32.msk $0xffff, v0  }
0x2a2: {  	v0 =	vld [tilespmem:s10+$0x160];
	_ =	sdelay $0x1  }
0x2a3: {  	s26 =	sor.u32 $0x60, s11  }
0x2a4: {  	[tilespmem:s26+$0x0] =	vst.add.f32.msk $0xffff, v1  }
0x2a5: {  	s19 =	sor.u32 $0x60, s15;
	v1 =	vld [tilespmem:s7+$0x70]  }
0x2a6: {  	[tilespmem:s19+$0x0] =	vst.add.f32.msk $0xffff, v0  }
0x2a7: {  	v0 =	vld [tilespmem:s10+$0x170];
	_ =	sdelay $0x1  }
0x2a8: {  	s23 =	sor.u32 $0x70, s11  }
0x2a9: {  	[tilespmem:s23+$0x0] =	vst.add.f32.msk $0xffff, v1  }
0x2aa: {  	s15 =	sor.u32 $0x70, s15;
	v1 =	vld [tilespmem:s7+$0x80]  }
0x2ab: {  	[tilespmem:s15+$0x0] =	vst.add.f32.msk $0xffff, v0  }
0x2ac: {  	v0 =	vld [tilespmem:s10+$0x180];
	_ =	sdelay $0x2  }
0x2ad: {  	[tilespmem:s11+$0x400] =	vst.add.f32.msk $0xffff, v1  }
0x2ae: {  	v1 =	vld [tilespmem:s7+$0x90]  }
0x2af: {  	[tilespmem:s9+$0x16D80] =	vst.add.f32.msk $0xffff, v0  }
0x2b0: {  	v0 =	vld [tilespmem:s10+$0x190];
	_ =	sdelay $0x2  }
0x2b1: {  	s15 =	sadd.s32 $0x16D80, s9;
	[tilespmem:s11+$0x410] =	vst.add.f32.msk $0xffff, v1  }
0x2b2: {  	s24 =	sor.u32 $0x10, s15;
	v1 =	vld [tilespmem:s7+$0xA0]  }
0x2b3: {  	[tilespmem:s24+$0x0] =	vst.add.f32.msk $0xffff, v0  }
0x2b4: {  	v0 =	vld [tilespmem:s10+$0x1A0];
	_ =	sdelay $0x2  }
0x2b5: {  	[tilespmem:s11+$0x420] =	vst.add.f32.msk $0xffff, v1  }
0x2b6: {  	s25 =	sor.u32 $0x20, s15;
	v1 =	vld [tilespmem:s7+$0xB0]  }
0x2b7: {  	[tilespmem:s25+$0x0] =	vst.add.f32.msk $0xffff, v0  }
0x2b8: {  	v0 =	vld [tilespmem:s10+$0x1B0]  }
0x2b9: {  	s14 =	sadd.s32 $0x1, s14  }
0x2ba: {  	v2 =	vld [tilespmem:s14+$0x0]  }
0x2bb: {  	[tilespmem:s11+$0x430] =	vst.add.f32.msk $0xffff, v1  }
0x2bc: {  	s26 =	sor.u32 $0x30, s15;
	v1 =	vld [tilespmem:s7+$0xC0]  }
0x2bd: {  	[tilespmem:s26+$0x0] =	vst.add.f32.msk $0xffff, v0  }
0x2be: {  	v0 =	vld [tilespmem:s10+$0x1C0]  }
0x2bf: {  	(v2sf) =	vpush v2, $0x0;
	_ =	sdelay $0x1  }
0x2c0: {  	[tilespmem:s11+$0x440] =	vst.add.f32.msk $0xffff, v1  }
0x2c1: {  	s19 =	sor.u32 $0x40, s15;
	v1 =	vld [tilespmem:s7+$0xD0]  }
0x2c2: {  	[tilespmem:s19+$0x0] =	vst.add.f32.msk $0xffff, v0  }
0x2c3: {  	v0 =	vld [tilespmem:s10+$0x1D0];
	_ =	sdelay $0x2  }
0x2c4: {  	[tilespmem:s11+$0x450] =	vst.add.f32.msk $0xffff, v1  }
0x2c5: {  	s23 =	sor.u32 $0x50, s15;
	v1 =	vld [tilespmem:s7+$0xE0]  }
0x2c6: {  	[tilespmem:s23+$0x0] =	vst.add.f32.msk $0xffff, v0  }
0x2c7: {  	v0 =	vld [tilespmem:s10+$0x1E0];
	_ =	sdelay $0x2  }
0x2c8: {  	[tilespmem:s11+$0x460] =	vst.add.f32.msk $0xffff, v1  }
0x2c9: {  	s24 =	sor.u32 $0x60, s15;
	s25 =	spop (v2sf);
	v1 =	vld [tilespmem:s7+$0xF0]  }
0x2ca: {  	s26 =	smul.u32 $0xC00, s25;
	[tilespmem:s24+$0x0] =	vst.add.f32.msk $0xffff, v0  }
0x2cb: {  	s25 =	sadd.s32 $0x1, s14;
	v0 =	vld [tilespmem:s10+$0x1F0]  }
0x2cc: {  	v2 =	vld [tilespmem:s25+$0x0];
	s14 =	sshra.s32 s26, $0x2  }
0x2cd: {  	v3 =	vld [tilespmem:s14+$0x0];
	s19 =	simm.s32 $0x0  }
0x2ce: {  	s23 =	smul.u32 $0x6000, s19;
	[tilespmem:s11+$0x470] =	vst.add.f32.msk $0xffff, v1  }
0x2cf: {  	s15 =	sor.u32 $0x70, s15;
	s26 =	simm.s32 $0x100;
	v1 =	vld [tilespmem:s7+$0x100]  }
0x2d0: {  	s24 =	sand.u32 $0x380, s26;
	s11 =	sshra.s32 s23, $0x2;
	[tilespmem:s15+$0x0] =	vst.add.f32.msk $0xffff, v0  }
0x2d1: {  	s15 =	sor.u32 s24, s11;
	v0 =	vld [tilespmem:s10+$0x200]  }
0x2d2: {  	[tilespmem:s15+$0x16180] =	vst.add.f32.msk $0xffff, v3  }
0x2d3: {  	v3 =	vld [tilespmem:s14+$0x10]  }
0x2d4: {  	[tilespmem:s8+$0x16980] =	vst.add.f32.msk $0xffff, v1  }
0x2d5: {  	v1 =	vld [tilespmem:s7+$0x110]  }
0x2d6: {  	s24 =	sadd.s32 $0x16180, s15;
	[tilespmem:s9+$0x17180] =	vst.add.f32.msk $0xffff, v0  }
0x2d7: {  	s17 =	sor.u32 $0x10, s24;
	v0 =	vld [tilespmem:s10+$0x210]  }
0x2d8: {  	s11 =	sadd.s32 $0x16980, s8;
	[tilespmem:s17+$0x0] =	vst.add.f32.msk $0xffff, v3  }
0x2d9: {  	s19 =	sor.u32 $0x10, s11;
	v3 =	vld [tilespmem:s14+$0x20]  }
0x2da: {  	s17 =	sadd.s32 $0x17180, s9;
	[tilespmem:s19+$0x0] =	vst.add.f32.msk $0xffff, v1  }
0x2db: {  	s23 =	sor.u32 $0x10, s17;
	v1 =	vld [tilespmem:s7+$0x120]  }
0x2dc: {  	[tilespmem:s23+$0x0] =	vst.add.f32.msk $0xffff, v0  }
0x2dd: {  	s23 =	sor.u32 $0x20, s24;
	v0 =	vld [tilespmem:s10+$0x220]  }
0x2de: {  	[tilespmem:s23+$0x0] =	vst.add.f32.msk $0xffff, v3  }
0x2df: {  	s23 =	sor.u32 $0x20, s11;
	v3 =	vld [tilespmem:s14+$0x30]  }
0x2e0: {  	[tilespmem:s23+$0x0] =	vst.add.f32.msk $0xffff, v1  }
0x2e1: {  	s23 =	sor.u32 $0x20, s17;
	v1 =	vld [tilespmem:s7+$0x130]  }
0x2e2: {  	[tilespmem:s23+$0x0] =	vst.add.f32.msk $0xffff, v0  }
0x2e3: {  	s23 =	sor.u32 $0x30, s24;
	v0 =	vld [tilespmem:s10+$0x230]  }
0x2e4: {  	[tilespmem:s23+$0x0] =	vst.add.f32.msk $0xffff, v3  }
0x2e5: {  	s23 =	sor.u32 $0x30, s11;
	v3 =	vld [tilespmem:s14+$0x40]  }
0x2e6: {  	[tilespmem:s23+$0x0] =	vst.add.f32.msk $0xffff, v1  }
0x2e7: {  	s23 =	sor.u32 $0x30, s17;
	v1 =	vld [tilespmem:s7+$0x140]  }
0x2e8: {  	[tilespmem:s23+$0x0] =	vst.add.f32.msk $0xffff, v0  }
0x2e9: {  	s23 =	sor.u32 $0x40, s24;
	v0 =	vld [tilespmem:s10+$0x240]  }
0x2ea: {  	[tilespmem:s23+$0x0] =	vst.add.f32.msk $0xffff, v3  }
0x2eb: {  	s23 =	sor.u32 $0x40, s11;
	v3 =	vld [tilespmem:s14+$0x50]  }
0x2ec: {  	[tilespmem:s23+$0x0] =	vst.add.f32.msk $0xffff, v1  }
0x2ed: {  	s23 =	sor.u32 $0x40, s17;
	v1 =	vld [tilespmem:s7+$0x150]  }
0x2ee: {  	[tilespmem:s23+$0x0] =	vst.add.f32.msk $0xffff, v0  }
0x2ef: {  	s23 =	sor.u32 $0x50, s24;
	v0 =	vld [tilespmem:s10+$0x250]  }
0x2f0: {  	[tilespmem:s23+$0x0] =	vst.add.f32.msk $0xffff, v3  }
0x2f1: {  	s23 =	sor.u32 $0x50, s11;
	v3 =	vld [tilespmem:s14+$0x60]  }
0x2f2: {  	[tilespmem:s23+$0x0] =	vst.add.f32.msk $0xffff, v1  }
0x2f3: {  	s23 =	sor.u32 $0x50, s17;
	v1 =	vld [tilespmem:s7+$0x160]  }
0x2f4: {  	[tilespmem:s23+$0x0] =	vst.add.f32.msk $0xffff, v0  }
0x2f5: {  	s23 =	sor.u32 $0x60, s24;
	v0 =	vld [tilespmem:s10+$0x260]  }
0x2f6: {  	[tilespmem:s23+$0x0] =	vst.add.f32.msk $0xffff, v3  }
0x2f7: {  	s23 =	sor.u32 $0x60, s11;
	v3 =	vld [tilespmem:s14+$0x70]  }
0x2f8: {  	[tilespmem:s23+$0x0] =	vst.add.f32.msk $0xffff, v1  }
0x2f9: {  	s23 =	sor.u32 $0x60, s17;
	v1 =	vld [tilespmem:s7+$0x170]  }
0x2fa: {  	[tilespmem:s23+$0x0] =	vst.add.f32.msk $0xffff, v0  }
0x2fb: {  	s23 =	sor.u32 $0x70, s24;
	v0 =	vld [tilespmem:s10+$0x270]  }
0x2fc: {  	[tilespmem:s23+$0x0] =	vst.add.f32.msk $0xffff, v3  }
0x2fd: {  	s11 =	sor.u32 $0x70, s11;
	v3 =	vld [tilespmem:s14+$0x80]  }
0x2fe: {  	[tilespmem:s11+$0x0] =	vst.add.f32.msk $0xffff, v1  }
0x2ff: {  	s19 =	sor.u32 $0x70, s17;
	v1 =	vld [tilespmem:s7+$0x180]  }
0x300: {  	[tilespmem:s19+$0x0] =	vst.add.f32.msk $0xffff, v0  }
0x301: {  	v0 =	vld [tilespmem:s10+$0x280]  }
0x302: {  	[tilespmem:s24+$0x400] =	vst.add.f32.msk $0xffff, v3  }
0x303: {  	v3 =	vld [tilespmem:s14+$0x90]  }
0x304: {  	[tilespmem:s8+$0x16D80] =	vst.add.f32.msk $0xffff, v1  }
0x305: {  	v1 =	vld [tilespmem:s7+$0x190]  }
0x306: {  	[tilespmem:s9+$0x17580] =	vst.add.f32.msk $0xffff, v0  }
0x307: {  	v0 =	vld [tilespmem:s10+$0x290]  }
0x308: {  	s28 =	sadd.s32 $0x16D80, s8;
	[tilespmem:s24+$0x410] =	vst.add.f32.msk $0xffff, v3  }
0x309: {  	s23 =	sor.u32 $0x10, s28;
	v3 =	vld [tilespmem:s14+$0xA0]  }
0x30a: {  	[tilespmem:s23+$0x0] =	vst.add.f32.msk $0xffff, v1;
	s23 =	sadd.s32 $0x17580, s9  }
0x30b: {  	v1 =	vld [tilespmem:s7+$0x1A0];
	s9 =	sor.u32 $0x10, s23  }
0x30c: {  	[tilespmem:s9+$0x0] =	vst.add.f32.msk $0xffff, v0  }
0x30d: {  	v0 =	vld [tilespmem:s10+$0x2A0]  }
0x30e: {  	[tilespmem:s24+$0x420] =	vst.add.f32.msk $0xffff, v3  }
0x30f: {  	s17 =	sor.u32 $0x20, s28;
	v3 =	vld [tilespmem:s14+$0xB0]  }
0x310: {  	[tilespmem:s17+$0x0] =	vst.add.f32.msk $0xffff, v1  }
0x311: {  	s19 =	sor.u32 $0x20, s23;
	v1 =	vld [tilespmem:s7+$0x1B0]  }
0x312: {  	[tilespmem:s19+$0x0] =	vst.add.f32.msk $0xffff, v0  }
0x313: {  	v0 =	vld [tilespmem:s10+$0x2B0]  }
0x314: {  	[tilespmem:s24+$0x430] =	vst.add.f32.msk $0xffff, v3  }
0x315: {  	s11 =	sor.u32 $0x30, s28;
	v3 =	vld [tilespmem:s14+$0xC0]  }
0x316: {  	[tilespmem:s11+$0x0] =	vst.add.f32.msk $0xffff, v1  }
0x317: {  	s17 =	sor.u32 $0x30, s23;
	v4 =	vld [tilespmem:s7+$0x1C0]  }
0x318: {  	[tilespmem:s17+$0x0] =	vst.add.f32.msk $0xffff, v0  }
0x319: {  	v1 =	vld [tilespmem:s10+$0x2C0]  }
0x31a: {  	(v2sf) =	vpush v2, $0x0;
	[tilespmem:s24+$0x440] =	vst.add.f32.msk $0xffff, v3  }
0x31b: {  	s19 =	sor.u32 $0x40, s28;
	v0 =	vld [tilespmem:s14+$0xD0]  }
0x31c: {  	s9 =	simm.s32 $0x4;
	s11 =	simm.s32 $0x3;
	[tilespmem:s19+$0x0] =	vst.add.f32.msk $0xffff, v4  }
.LBB2_5:
0x31d: {  	p1 =	sne.s32 s9, $0xF;
	v2 =	vld [tilespmem:s7+$0x1D0];
	s17 =	sor.u32 $0x40, s23  }
0x31e: {  	[tilespmem:s17+$0x0] =	vst.add.f32.msk $0xffff, v1  }
0x31f: {  	v1 =	vld [tilespmem:s10+$0x2D0]  }
0x320: {  	[tilespmem:s24+$0x450] =	vst.add.f32.msk $0xffff, v0  }
0x321: {  	s17 =	sor.u32 $0x50, s28;
	v3 =	vld [tilespmem:s14+$0xE0]  }
0x322: {  	[tilespmem:s17+$0x0] =	vst.add.f32.msk $0xffff, v2  }
0x323: {  	s17 =	sor.u32 $0x50, s23;
	v2 =	vld [tilespmem:s7+$0x1E0]  }
0x324: {  	[tilespmem:s17+$0x0] =	vst.add.f32.msk $0xffff, v1  }
0x325: {  	s25 =	sadd.s32 $0x1, s25;
	v1 =	vld [tilespmem:s10+$0x2E0]  }
0x326: {  	v0 =	vld [tilespmem:s25+$0x0]  }
0x327: {  	[tilespmem:s24+$0x460] =	vst.add.f32.msk $0xffff, v3  }
0x328: {  	s17 =	sor.u32 $0x60, s28;
	v3 =	vld [tilespmem:s14+$0xF0]  }
0x329: {  	s19 =	spop (v2sf);
	[tilespmem:s17+$0x0] =	vst.add.f32.msk $0xffff, v2;
	s17 =	sor.u32 $0x60, s23  }
0x32a: {  	s19 =	smul.u32 $0xC00, s19;
	[tilespmem:s17+$0x0] =	vst.add.f32.msk $0xffff, v1  }
0x32b: {  	v1 =	vld [tilespmem:s10+$0x2F0];
	s10 =	smov.u32 s7;
	s7 =	smov.u32 s14  }
0x32c: {  	s14 =	sshra.s32 s19, $0x2;
	v2 =	vld [tilespmem:s10+$0x1F0]  }
0x32d: {  	v4 =	vld [tilespmem:s14+$0x0]  }
0x32e: {  	s17 =	sshrl.u32 s11, $0x3;
	s11 =	smov.u32 s9;
	[tilespmem:s24+$0x470] =	vst.add.f32.msk $0xffff, v3  }
0x32f: {  	s17 =	smul.u32 $0x6000, s17;
	s19 =	sor.u32 $0x70, s23;
	v3 =	vld [tilespmem:s7+$0x100]  }
0x330: {  	s26 =	sadd.s32 $0x80, s26;
	s23 =	sor.u32 $0x70, s28;
	[tilespmem:s19+$0x0] =	vst.add.f32.msk $0xffff, v1  }
0x331: {  	s17 =	sshra.s32 s17, $0x2;
	s19 =	sand.u32 $0x380, s26;
	[tilespmem:s23+$0x0] =	vst.add.f32.msk $0xffff, v2  }
0x332: {  	s17 =	sor.u32 s19, s17;
	v1 =	vld [tilespmem:s10+$0x200]  }
0x333: {  	[tilespmem:s17+$0x16180] =	vst.add.f32.msk $0xffff, v4  }
0x334: {  	v2 =	vld [tilespmem:s14+$0x10]  }
0x335: {  	[tilespmem:s15+$0x16980] =	vst.add.f32.msk $0xffff, v3  }
0x336: {  	v3 =	vld [tilespmem:s7+$0x110]  }
0x337: {  	s24 =	sadd.s32 $0x16180, s17;
	[tilespmem:s8+$0x17180] =	vst.add.f32.msk $0xffff, v1  }
0x338: {  	s19 =	sor.u32 $0x10, s24;
	v1 =	vld [tilespmem:s10+$0x210]  }
0x339: {  	s23 =	sadd.s32 $0x16980, s15;
	[tilespmem:s19+$0x0] =	vst.add.f32.msk $0xffff, v2  }
0x33a: {  	s19 =	sor.u32 $0x10, s23;
	v2 =	vld [tilespmem:s14+$0x20]  }
0x33b: {  	s28 =	sadd.s32 $0x17180, s8;
	[tilespmem:s19+$0x0] =	vst.add.f32.msk $0xffff, v3  }
0x33c: {  	s19 =	sor.u32 $0x10, s28;
	v3 =	vld [tilespmem:s7+$0x120]  }
0x33d: {  	[tilespmem:s19+$0x0] =	vst.add.f32.msk $0xffff, v1  }
0x33e: {  	s19 =	sor.u32 $0x20, s24;
	v1 =	vld [tilespmem:s10+$0x220]  }
0x33f: {  	[tilespmem:s19+$0x0] =	vst.add.f32.msk $0xffff, v2  }
0x340: {  	s19 =	sor.u32 $0x20, s23;
	v2 =	vld [tilespmem:s14+$0x30]  }
0x341: {  	[tilespmem:s19+$0x0] =	vst.add.f32.msk $0xffff, v3  }
0x342: {  	s19 =	sor.u32 $0x20, s28;
	v3 =	vld [tilespmem:s7+$0x130]  }
0x343: {  	[tilespmem:s19+$0x0] =	vst.add.f32.msk $0xffff, v1  }
0x344: {  	s19 =	sor.u32 $0x30, s24;
	v1 =	vld [tilespmem:s10+$0x230]  }
0x345: {  	[tilespmem:s19+$0x0] =	vst.add.f32.msk $0xffff, v2  }
0x346: {  	s19 =	sor.u32 $0x30, s23;
	v2 =	vld [tilespmem:s14+$0x40]  }
0x347: {  	[tilespmem:s19+$0x0] =	vst.add.f32.msk $0xffff, v3  }
0x348: {  	s19 =	sor.u32 $0x30, s28;
	v3 =	vld [tilespmem:s7+$0x140]  }
0x349: {  	[tilespmem:s19+$0x0] =	vst.add.f32.msk $0xffff, v1  }
0x34a: {  	s19 =	sor.u32 $0x40, s24;
	v1 =	vld [tilespmem:s10+$0x240]  }
0x34b: {  	[tilespmem:s19+$0x0] =	vst.add.f32.msk $0xffff, v2  }
0x34c: {  	s19 =	sor.u32 $0x40, s23;
	v2 =	vld [tilespmem:s14+$0x50]  }
0x34d: {  	[tilespmem:s19+$0x0] =	vst.add.f32.msk $0xffff, v3  }
0x34e: {  	s19 =	sor.u32 $0x40, s28;
	v3 =	vld [tilespmem:s7+$0x150]  }
0x34f: {  	[tilespmem:s19+$0x0] =	vst.add.f32.msk $0xffff, v1  }
0x350: {  	s19 =	sor.u32 $0x50, s24;
	v1 =	vld [tilespmem:s10+$0x250]  }
0x351: {  	[tilespmem:s19+$0x0] =	vst.add.f32.msk $0xffff, v2  }
0x352: {  	s19 =	sor.u32 $0x50, s23;
	v2 =	vld [tilespmem:s14+$0x60]  }
0x353: {  	[tilespmem:s19+$0x0] =	vst.add.f32.msk $0xffff, v3  }
0x354: {  	s19 =	sor.u32 $0x50, s28;
	v3 =	vld [tilespmem:s7+$0x160]  }
0x355: {  	[tilespmem:s19+$0x0] =	vst.add.f32.msk $0xffff, v1  }
0x356: {  	s19 =	sor.u32 $0x60, s24;
	v1 =	vld [tilespmem:s10+$0x260]  }
0x357: {  	[tilespmem:s19+$0x0] =	vst.add.f32.msk $0xffff, v2  }
0x358: {  	s19 =	sor.u32 $0x60, s23;
	v2 =	vld [tilespmem:s14+$0x70]  }
0x359: {  	[tilespmem:s19+$0x0] =	vst.add.f32.msk $0xffff, v3  }
0x35a: {  	s19 =	sor.u32 $0x60, s28;
	v3 =	vld [tilespmem:s7+$0x170]  }
0x35b: {  	[tilespmem:s19+$0x0] =	vst.add.f32.msk $0xffff, v1  }
0x35c: {  	s19 =	sor.u32 $0x70, s24;
	v1 =	vld [tilespmem:s10+$0x270]  }
0x35d: {  	[tilespmem:s19+$0x0] =	vst.add.f32.msk $0xffff, v2  }
0x35e: {  	s19 =	sor.u32 $0x70, s23;
	v2 =	vld [tilespmem:s14+$0x80]  }
0x35f: {  	[tilespmem:s19+$0x0] =	vst.add.f32.msk $0xffff, v3  }
0x360: {  	s19 =	sor.u32 $0x70, s28;
	v3 =	vld [tilespmem:s7+$0x180]  }
0x361: {  	[tilespmem:s19+$0x0] =	vst.add.f32.msk $0xffff, v1  }
0x362: {  	v1 =	vld [tilespmem:s10+$0x280]  }
0x363: {  	[tilespmem:s24+$0x400] =	vst.add.f32.msk $0xffff, v2  }
0x364: {  	v2 =	vld [tilespmem:s14+$0x90]  }
0x365: {  	[tilespmem:s15+$0x16D80] =	vst.add.f32.msk $0xffff, v3  }
0x366: {  	v3 =	vld [tilespmem:s7+$0x190]  }
0x367: {  	[tilespmem:s8+$0x17580] =	vst.add.f32.msk $0xffff, v1  }
0x368: {  	v1 =	vld [tilespmem:s10+$0x290]  }
0x369: {  	s28 =	sadd.s32 $0x16D80, s15;
	[tilespmem:s24+$0x410] =	vst.add.f32.msk $0xffff, v2  }
0x36a: {  	s19 =	sor.u32 $0x10, s28;
	v2 =	vld [tilespmem:s14+$0xA0]  }
0x36b: {  	s23 =	sadd.s32 $0x17580, s8;
	s8 =	smov.u32 s15;
	s15 =	smov.u32 s17;
	[tilespmem:s19+$0x0] =	vst.add.f32.msk $0xffff, v3  }
0x36c: {  	s17 =	sor.u32 $0x10, s23;
	v3 =	vld [tilespmem:s7+$0x1A0]  }
0x36d: {  	[tilespmem:s17+$0x0] =	vst.add.f32.msk $0xffff, v1  }
0x36e: {  	v1 =	vld [tilespmem:s10+$0x2A0]  }
0x36f: {  	[tilespmem:s24+$0x420] =	vst.add.f32.msk $0xffff, v2  }
0x370: {  	s17 =	sor.u32 $0x20, s28;
	v2 =	vld [tilespmem:s14+$0xB0]  }
0x371: {  	[tilespmem:s17+$0x0] =	vst.add.f32.msk $0xffff, v3  }
0x372: {  	s17 =	sor.u32 $0x20, s23;
	v3 =	vld [tilespmem:s7+$0x1B0]  }
0x373: {  	[tilespmem:s17+$0x0] =	vst.add.f32.msk $0xffff, v1  }
0x374: {  	v1 =	vld [tilespmem:s10+$0x2B0]  }
0x375: {  	[tilespmem:s24+$0x430] =	vst.add.f32.msk $0xffff, v2  }
0x376: {  	s17 =	sor.u32 $0x30, s28;
	v2 =	vld [tilespmem:s14+$0xC0]  }
0x377: {  	[tilespmem:s17+$0x0] =	vst.add.f32.msk $0xffff, v3  }
0x378: {  	s17 =	sor.u32 $0x30, s23;
	v3 =	vld [tilespmem:s7+$0x1C0]  }
.Ltmp1:
0x379: {  	[tilespmem:s17+$0x0] =	vst.add.f32.msk $0xffff, v1;
	(pc) =	sbr.rel @p1 .LBB2_5-.Ltmp1, $4  }
0x37a: {  	v1 =	vld [tilespmem:s10+$0x2C0]  }
0x37b: {  	(v2sf) =	vpush v0, $0x0;
	[tilespmem:s24+$0x440] =	vst.add.f32.msk $0xffff, v2  }
0x37c: {  	s17 =	sor.u32 $0x40, s28;
	v0 =	vld [tilespmem:s14+$0xD0]  }
0x37d: {  	s9 =	sadd.s32 $0x1, s9;
	[tilespmem:s17+$0x0] =	vst.add.f32.msk $0xffff, v3  }
0x37e: {  	_ =	sdelay $0xb  }
0x37f: {  	s9 =	spop (v2sf)  }
0x380: {  	s9 =	smul.u32 $0xC00, s9;
	_ =	sdelay $0x1  }
0x381: {  	s25 =	sshra.s32 s9, $0x2  }
0x382: {  	s11 =	sshrl.u32 s11, $0x3;
	v2 =	vld [tilespmem:s25+$0x0]  }
0x383: {  	s9 =	smul.u32 $0x6000, s11  }
0x384: {  	s17 =	sadd.s32 $0x80, s26  }
0x385: {  	s11 =	sand.u32 $0x380, s17;
	s9 =	sshra.s32 s9, $0x2  }
0x386: {  	s9 =	sor.u32 s11, s9  }
0x387: {  	[tilespmem:s9+$0x16180] =	vst.add.f32.msk $0xffff, v2  }
0x388: {  	v2 =	vld [tilespmem:s25+$0x10];
	_ =	sdelay $0x2  }
0x389: {  	s11 =	sadd.s32 $0x16180, s9  }
0x38a: {  	s17 =	sor.u32 $0x10, s11  }
0x38b: {  	[tilespmem:s17+$0x0] =	vst.add.f32.msk $0xffff, v2  }
0x38c: {  	v2 =	vld [tilespmem:s25+$0x20];
	_ =	sdelay $0x3  }
0x38d: {  	s19 =	sor.u32 $0x20, s11  }
0x38e: {  	[tilespmem:s19+$0x0] =	vst.add.f32.msk $0xffff, v2  }
0x38f: {  	v2 =	vld [tilespmem:s25+$0x30];
	_ =	sdelay $0x3  }
0x390: {  	s26 =	sor.u32 $0x30, s11  }
0x391: {  	[tilespmem:s26+$0x0] =	vst.add.f32.msk $0xffff, v2  }
0x392: {  	v2 =	vld [tilespmem:s25+$0x40];
	_ =	sdelay $0x3  }
0x393: {  	s19 =	sor.u32 $0x40, s11  }
0x394: {  	[tilespmem:s19+$0x0] =	vst.add.f32.msk $0xffff, v2  }
0x395: {  	v2 =	vld [tilespmem:s25+$0x50];
	_ =	sdelay $0x3  }
0x396: {  	s26 =	sor.u32 $0x50, s11  }
0x397: {  	[tilespmem:s26+$0x0] =	vst.add.f32.msk $0xffff, v2  }
0x398: {  	v2 =	vld [tilespmem:s25+$0x60];
	_ =	sdelay $0x3  }
0x399: {  	s19 =	sor.u32 $0x60, s11  }
0x39a: {  	[tilespmem:s19+$0x0] =	vst.add.f32.msk $0xffff, v2  }
0x39b: {  	v2 =	vld [tilespmem:s25+$0x70];
	_ =	sdelay $0x3  }
0x39c: {  	s26 =	sor.u32 $0x70, s11  }
0x39d: {  	[tilespmem:s26+$0x0] =	vst.add.f32.msk $0xffff, v2  }
0x39e: {  	v2 =	vld [tilespmem:s25+$0x80];
	_ =	sdelay $0x4  }
0x39f: {  	[tilespmem:s11+$0x400] =	vst.add.f32.msk $0xffff, v2  }
0x3a0: {  	v2 =	vld [tilespmem:s25+$0x90];
	_ =	sdelay $0x4  }
0x3a1: {  	[tilespmem:s11+$0x410] =	vst.add.f32.msk $0xffff, v2  }
0x3a2: {  	v2 =	vld [tilespmem:s25+$0xA0];
	_ =	sdelay $0x4  }
0x3a3: {  	[tilespmem:s11+$0x420] =	vst.add.f32.msk $0xffff, v2  }
0x3a4: {  	v2 =	vld [tilespmem:s25+$0xB0];
	_ =	sdelay $0x4  }
0x3a5: {  	[tilespmem:s11+$0x430] =	vst.add.f32.msk $0xffff, v2  }
0x3a6: {  	v2 =	vld [tilespmem:s25+$0xC0];
	_ =	sdelay $0x4  }
0x3a7: {  	[tilespmem:s11+$0x440] =	vst.add.f32.msk $0xffff, v2  }
0x3a8: {  	v2 =	vld [tilespmem:s25+$0xD0];
	_ =	sdelay $0x2  }
0x3a9: {  	[tilespmem:s24+$0x450] =	vst.add.f32.msk $0xffff, v0  }
0x3aa: {  	v0 =	vld [tilespmem:s14+$0xE0]  }
0x3ab: {  	[tilespmem:s11+$0x450] =	vst.add.f32.msk $0xffff, v2  }
0x3ac: {  	v2 =	vld [tilespmem:s25+$0xE0];
	_ =	sdelay $0x2  }
0x3ad: {  	[tilespmem:s24+$0x460] =	vst.add.f32.msk $0xffff, v0  }
0x3ae: {  	v0 =	vld [tilespmem:s14+$0xF0]  }
0x3af: {  	[tilespmem:s11+$0x460] =	vst.add.f32.msk $0xffff, v2  }
0x3b0: {  	v2 =	vld [tilespmem:s25+$0xF0];
	_ =	sdelay $0x2  }
0x3b1: {  	[tilespmem:s24+$0x470] =	vst.add.f32.msk $0xffff, v0  }
0x3b2: {  	v0 =	vld [tilespmem:s14+$0x100]  }
0x3b3: {  	[tilespmem:s11+$0x470] =	vst.add.f32.msk $0xffff, v2  }
0x3b4: {  	v2 =	vld [tilespmem:s25+$0x100];
	_ =	sdelay $0x2  }
0x3b5: {  	[tilespmem:s15+$0x16980] =	vst.add.f32.msk $0xffff, v0  }
0x3b6: {  	v0 =	vld [tilespmem:s14+$0x110]  }
0x3b7: {  	[tilespmem:s9+$0x16980] =	vst.add.f32.msk $0xffff, v2  }
0x3b8: {  	v2 =	vld [tilespmem:s25+$0x110]  }
0x3b9: {  	s11 =	sadd.s32 $0x16980, s15  }
0x3ba: {  	s19 =	sor.u32 $0x10, s11  }
0x3bb: {  	s17 =	sadd.s32 $0x16980, s9;
	[tilespmem:s19+$0x0] =	vst.add.f32.msk $0xffff, v0  }
0x3bc: {  	s19 =	sor.u32 $0x10, s17;
	v0 =	vld [tilespmem:s14+$0x120]  }
0x3bd: {  	[tilespmem:s19+$0x0] =	vst.add.f32.msk $0xffff, v2  }
0x3be: {  	v2 =	vld [tilespmem:s25+$0x120];
	_ =	sdelay $0x1  }
0x3bf: {  	s24 =	sor.u32 $0x20, s11  }
0x3c0: {  	[tilespmem:s24+$0x0] =	vst.add.f32.msk $0xffff, v0  }
0x3c1: {  	s26 =	sor.u32 $0x20, s17;
	v0 =	vld [tilespmem:s14+$0x130]  }
0x3c2: {  	[tilespmem:s26+$0x0] =	vst.add.f32.msk $0xffff, v2  }
0x3c3: {  	v2 =	vld [tilespmem:s25+$0x130];
	_ =	sdelay $0x1  }
0x3c4: {  	s24 =	sor.u32 $0x30, s11  }
0x3c5: {  	[tilespmem:s24+$0x0] =	vst.add.f32.msk $0xffff, v0  }
0x3c6: {  	v0 =	vld [tilespmem:s14+$0x140];
	s26 =	sor.u32 $0x30, s17  }
0x3c7: {  	[tilespmem:s26+$0x0] =	vst.add.f32.msk $0xffff, v2  }
0x3c8: {  	v2 =	vld [tilespmem:s25+$0x140];
	_ =	sdelay $0x1  }
0x3c9: {  	s24 =	sor.u32 $0x40, s11  }
0x3ca: {  	[tilespmem:s24+$0x0] =	vst.add.f32.msk $0xffff, v0  }
0x3cb: {  	v0 =	vld [tilespmem:s14+$0x150];
	s26 =	sor.u32 $0x40, s17  }
0x3cc: {  	[tilespmem:s26+$0x0] =	vst.add.f32.msk $0xffff, v2  }
0x3cd: {  	v2 =	vld [tilespmem:s25+$0x150];
	_ =	sdelay $0x1  }
0x3ce: {  	s24 =	sor.u32 $0x50, s11  }
0x3cf: {  	[tilespmem:s24+$0x0] =	vst.add.f32.msk $0xffff, v0  }
0x3d0: {  	v0 =	vld [tilespmem:s14+$0x160];
	s26 =	sor.u32 $0x50, s17  }
0x3d1: {  	[tilespmem:s26+$0x0] =	vst.add.f32.msk $0xffff, v2  }
0x3d2: {  	v2 =	vld [tilespmem:s25+$0x160];
	_ =	sdelay $0x1  }
0x3d3: {  	s24 =	sor.u32 $0x60, s11  }
0x3d4: {  	[tilespmem:s24+$0x0] =	vst.add.f32.msk $0xffff, v0  }
0x3d5: {  	v0 =	vld [tilespmem:s14+$0x170];
	s26 =	sor.u32 $0x60, s17  }
0x3d6: {  	[tilespmem:s26+$0x0] =	vst.add.f32.msk $0xffff, v2  }
0x3d7: {  	v2 =	vld [tilespmem:s25+$0x170];
	_ =	sdelay $0x1  }
0x3d8: {  	s11 =	sor.u32 $0x70, s11  }
0x3d9: {  	[tilespmem:s11+$0x0] =	vst.add.f32.msk $0xffff, v0  }
0x3da: {  	s17 =	sor.u32 $0x70, s17;
	v0 =	vld [tilespmem:s14+$0x180]  }
0x3db: {  	[tilespmem:s17+$0x0] =	vst.add.f32.msk $0xffff, v2  }
0x3dc: {  	v2 =	vld [tilespmem:s25+$0x180];
	_ =	sdelay $0x2  }
0x3dd: {  	[tilespmem:s15+$0x16D80] =	vst.add.f32.msk $0xffff, v0  }
0x3de: {  	v0 =	vld [tilespmem:s14+$0x190]  }
0x3df: {  	[tilespmem:s9+$0x16D80] =	vst.add.f32.msk $0xffff, v2  }
0x3e0: {  	v2 =	vld [tilespmem:s25+$0x190]  }
0x3e1: {  	s11 =	sadd.s32 $0x16D80, s15  }
0x3e2: {  	v3 =	vld [tilespmem:s7+$0x1D0];
	s19 =	sor.u32 $0x10, s11  }
0x3e3: {  	s17 =	sadd.s32 $0x16D80, s9;
	[tilespmem:s19+$0x0] =	vst.add.f32.msk $0xffff, v0  }
0x3e4: {  	s24 =	sor.u32 $0x10, s17;
	v0 =	vld [tilespmem:s14+$0x1A0]  }
0x3e5: {  	[tilespmem:s24+$0x0] =	vst.add.f32.msk $0xffff, v2  }
0x3e6: {  	s26 =	sor.u32 $0x40, s23;
	v2 =	vld [tilespmem:s25+$0x1A0]  }
0x3e7: {  	[tilespmem:s26+$0x0] =	vst.add.f32.msk $0xffff, v1  }
0x3e8: {  	v1 =	vld [tilespmem:s10+$0x2D0];
	s24 =	sor.u32 $0x20, s11  }
0x3e9: {  	[tilespmem:s24+$0x0] =	vst.add.f32.msk $0xffff, v0  }
0x3ea: {  	s26 =	sor.u32 $0x20, s17;
	v0 =	vld [tilespmem:s14+$0x1B0]  }
0x3eb: {  	[tilespmem:s26+$0x0] =	vst.add.f32.msk $0xffff, v2  }
0x3ec: {  	s24 =	sor.u32 $0x50, s28;
	v2 =	vld [tilespmem:s25+$0x1B0]  }
0x3ed: {  	[tilespmem:s24+$0x0] =	vst.add.f32.msk $0xffff, v3  }
0x3ee: {  	v3 =	vld [tilespmem:s7+$0x1E0];
	s26 =	sor.u32 $0x30, s11  }
0x3ef: {  	[tilespmem:s26+$0x0] =	vst.add.f32.msk $0xffff, v0  }
0x3f0: {  	s24 =	sor.u32 $0x30, s17;
	v0 =	vld [tilespmem:s14+$0x1C0]  }
0x3f1: {  	[tilespmem:s24+$0x0] =	vst.add.f32.msk $0xffff, v2  }
0x3f2: {  	s26 =	sor.u32 $0x50, s23;
	v2 =	vld [tilespmem:s25+$0x1C0]  }
0x3f3: {  	[tilespmem:s26+$0x0] =	vst.add.f32.msk $0xffff, v1  }
0x3f4: {  	v1 =	vld [tilespmem:s10+$0x2E0];
	s24 =	sor.u32 $0x40, s11  }
0x3f5: {  	[tilespmem:s24+$0x0] =	vst.add.f32.msk $0xffff, v0  }
0x3f6: {  	s26 =	sor.u32 $0x40, s17;
	v0 =	vld [tilespmem:s14+$0x1D0]  }
0x3f7: {  	[tilespmem:s26+$0x0] =	vst.add.f32.msk $0xffff, v2  }
0x3f8: {  	s24 =	sor.u32 $0x60, s28;
	v2 =	vld [tilespmem:s25+$0x1D0]  }
0x3f9: {  	[tilespmem:s24+$0x0] =	vst.add.f32.msk $0xffff, v3;
	s26 =	sor.u32 $0x60, s23  }
0x3fa: {  	s24 =	sor.u32 $0x50, s11;
	[tilespmem:s26+$0x0] =	vst.add.f32.msk $0xffff, v1  }
0x3fb: {  	[tilespmem:s24+$0x0] =	vst.add.f32.msk $0xffff, v0  }
0x3fc: {  	s26 =	sor.u32 $0x50, s17;
	v1 =	vld [tilespmem:s14+$0x1E0]  }
0x3fd: {  	[tilespmem:s26+$0x0] =	vst.add.f32.msk $0xffff, v2  }
0x3fe: {  	v2 =	vld [tilespmem:s25+$0x1E0]  }
0x3ff: {  	v3 =	vld [tilespmem:s7+$0x1F0]  }
0x400: {  	s19 =	sor.u32 $0x60, s11;
	v0 =	vld [tilespmem:s10+$0x2F0]  }
0x401: {  	[tilespmem:s19+$0x0] =	vst.add.f32.msk $0xffff, v1  }
0x402: {  	s24 =	sor.u32 $0x60, s17;
	v1 =	vld [tilespmem:s14+$0x1F0]  }
0x403: {  	[tilespmem:s24+$0x0] =	vst.add.f32.msk $0xffff, v2  }
0x404: {  	s26 =	sor.u32 $0x70, s28;
	v2 =	vld [tilespmem:s25+$0x1F0]  }
0x405: {  	[tilespmem:s26+$0x0] =	vst.add.f32.msk $0xffff, v3  }
0x406: {  	s11 =	sor.u32 $0x70, s11;
	v3 =	vld [tilespmem:s7+$0x200]  }
0x407: {  	[tilespmem:s11+$0x0] =	vst.add.f32.msk $0xffff, v1  }
0x408: {  	s17 =	sor.u32 $0x70, s17;
	v1 =	vld [tilespmem:s14+$0x200]  }
0x409: {  	[tilespmem:s17+$0x0] =	vst.add.f32.msk $0xffff, v2  }
0x40a: {  	v2 =	vld [tilespmem:s25+$0x200]  }
0x40b: {  	[tilespmem:s8+$0x17180] =	vst.add.f32.msk $0xffff, v3  }
0x40c: {  	v3 =	vld [tilespmem:s7+$0x210]  }
0x40d: {  	[tilespmem:s15+$0x17180] =	vst.add.f32.msk $0xffff, v1  }
0x40e: {  	v1 =	vld [tilespmem:s14+$0x210]  }
0x40f: {  	s10 =	sadd.s32 $0x17180, s8;
	[tilespmem:s9+$0x17180] =	vst.add.f32.msk $0xffff, v2  }
0x410: {  	s19 =	sor.u32 $0x10, s10;
	v2 =	vld [tilespmem:s25+$0x210]  }
0x411: {  	s11 =	sadd.s32 $0x17180, s15;
	[tilespmem:s19+$0x0] =	vst.add.f32.msk $0xffff, v3  }
0x412: {  	s24 =	sor.u32 $0x10, s11;
	v3 =	vld [tilespmem:s7+$0x220]  }
0x413: {  	s17 =	sadd.s32 $0x17180, s9;
	[tilespmem:s24+$0x0] =	vst.add.f32.msk $0xffff, v1  }
0x414: {  	s26 =	sor.u32 $0x10, s17;
	v1 =	vld [tilespmem:s14+$0x220]  }
0x415: {  	[tilespmem:s26+$0x0] =	vst.add.f32.msk $0xffff, v2  }
0x416: {  	s24 =	sor.u32 $0x20, s10;
	v2 =	vld [tilespmem:s25+$0x220]  }
0x417: {  	[tilespmem:s24+$0x0] =	vst.add.f32.msk $0xffff, v3  }
0x418: {  	v3 =	vld [tilespmem:s7+$0x230];
	s26 =	sor.u32 $0x20, s11  }
0x419: {  	[tilespmem:s26+$0x0] =	vst.add.f32.msk $0xffff, v1  }
0x41a: {  	s24 =	sor.u32 $0x20, s17;
	v1 =	vld [tilespmem:s14+$0x230]  }
0x41b: {  	[tilespmem:s24+$0x0] =	vst.add.f32.msk $0xffff, v2  }
0x41c: {  	s26 =	sor.u32 $0x30, s10;
	v2 =	vld [tilespmem:s25+$0x230]  }
0x41d: {  	[tilespmem:s26+$0x0] =	vst.add.f32.msk $0xffff, v3  }
0x41e: {  	v3 =	vld [tilespmem:s7+$0x240];
	s24 =	sor.u32 $0x30, s11  }
0x41f: {  	[tilespmem:s24+$0x0] =	vst.add.f32.msk $0xffff, v1  }
0x420: {  	s26 =	sor.u32 $0x30, s17;
	v1 =	vld [tilespmem:s14+$0x240]  }
0x421: {  	[tilespmem:s26+$0x0] =	vst.add.f32.msk $0xffff, v2  }
0x422: {  	s24 =	sor.u32 $0x40, s10;
	v2 =	vld [tilespmem:s25+$0x240]  }
0x423: {  	[tilespmem:s24+$0x0] =	vst.add.f32.msk $0xffff, v3  }
0x424: {  	v3 =	vld [tilespmem:s7+$0x250];
	s26 =	sor.u32 $0x40, s11  }
0x425: {  	[tilespmem:s26+$0x0] =	vst.add.f32.msk $0xffff, v1  }
0x426: {  	s24 =	sor.u32 $0x40, s17;
	v1 =	vld [tilespmem:s14+$0x250]  }
0x427: {  	[tilespmem:s24+$0x0] =	vst.add.f32.msk $0xffff, v2  }
0x428: {  	s26 =	sor.u32 $0x50, s10;
	v2 =	vld [tilespmem:s25+$0x250]  }
0x429: {  	[tilespmem:s26+$0x0] =	vst.add.f32.msk $0xffff, v3  }
0x42a: {  	v3 =	vld [tilespmem:s7+$0x260];
	s24 =	sor.u32 $0x50, s11  }
0x42b: {  	[tilespmem:s24+$0x0] =	vst.add.f32.msk $0xffff, v1  }
0x42c: {  	s26 =	sor.u32 $0x50, s17;
	v1 =	vld [tilespmem:s14+$0x260]  }
0x42d: {  	[tilespmem:s26+$0x0] =	vst.add.f32.msk $0xffff, v2  }
0x42e: {  	s24 =	sor.u32 $0x60, s10;
	v2 =	vld [tilespmem:s25+$0x260]  }
0x42f: {  	[tilespmem:s24+$0x0] =	vst.add.f32.msk $0xffff, v3  }
0x430: {  	v3 =	vld [tilespmem:s7+$0x270];
	s26 =	sor.u32 $0x60, s11  }
0x431: {  	[tilespmem:s26+$0x0] =	vst.add.f32.msk $0xffff, v1  }
0x432: {  	s24 =	sor.u32 $0x60, s17;
	v1 =	vld [tilespmem:s14+$0x270]  }
0x433: {  	[tilespmem:s24+$0x0] =	vst.add.f32.msk $0xffff, v2  }
0x434: {  	s10 =	sor.u32 $0x70, s10;
	v2 =	vld [tilespmem:s25+$0x270]  }
0x435: {  	[tilespmem:s10+$0x0] =	vst.add.f32.msk $0xffff, v3  }
0x436: {  	s26 =	sor.u32 $0x70, s11;
	v3 =	vld [tilespmem:s7+$0x280]  }
0x437: {  	[tilespmem:s26+$0x0] =	vst.add.f32.msk $0xffff, v1  }
0x438: {  	s11 =	sor.u32 $0x70, s17;
	v1 =	vld [tilespmem:s14+$0x280]  }
0x439: {  	[tilespmem:s11+$0x0] =	vst.add.f32.msk $0xffff, v2  }
0x43a: {  	v2 =	vld [tilespmem:s25+$0x280]  }
0x43b: {  	[tilespmem:s8+$0x17580] =	vst.add.f32.msk $0xffff, v3  }
0x43c: {  	v3 =	vld [tilespmem:s7+$0x290]  }
0x43d: {  	[tilespmem:s15+$0x17580] =	vst.add.f32.msk $0xffff, v1  }
0x43e: {  	v1 =	vld [tilespmem:s14+$0x290]  }
0x43f: {  	s8 =	sadd.s32 $0x17580, s8;
	[tilespmem:s9+$0x17580] =	vst.add.f32.msk $0xffff, v2  }
0x440: {  	s17 =	sor.u32 $0x10, s8;
	v2 =	vld [tilespmem:s25+$0x290]  }
0x441: {  	s10 =	sadd.s32 $0x17580, s15;
	[tilespmem:s17+$0x0] =	vst.add.f32.msk $0xffff, v3  }
0x442: {  	s19 =	sor.u32 $0x10, s10;
	v3 =	vld [tilespmem:s7+$0x2A0]  }
0x443: {  	s9 =	sadd.s32 $0x17580, s9;
	[tilespmem:s19+$0x0] =	vst.add.f32.msk $0xffff, v1  }
0x444: {  	s24 =	sor.u32 $0x10, s9;
	v1 =	vld [tilespmem:s14+$0x2A0]  }
0x445: {  	[tilespmem:s24+$0x0] =	vst.add.f32.msk $0xffff, v2  }
0x446: {  	s26 =	sor.u32 $0x20, s8;
	v2 =	vld [tilespmem:s25+$0x2A0]  }
0x447: {  	[tilespmem:s26+$0x0] =	vst.add.f32.msk $0xffff, v3  }
0x448: {  	s15 =	sor.u32 $0x20, s10;
	v3 =	vld [tilespmem:s7+$0x2B0]  }
0x449: {  	[tilespmem:s15+$0x0] =	vst.add.f32.msk $0xffff, v1  }
0x44a: {  	s17 =	sor.u32 $0x20, s9;
	v1 =	vld [tilespmem:s14+$0x2B0]  }
0x44b: {  	[tilespmem:s17+$0x0] =	vst.add.f32.msk $0xffff, v2  }
0x44c: {  	s19 =	sor.u32 $0x30, s8;
	v2 =	vld [tilespmem:s25+$0x2B0]  }
0x44d: {  	[tilespmem:s19+$0x0] =	vst.add.f32.msk $0xffff, v3  }
0x44e: {  	s24 =	sor.u32 $0x30, s10;
	v3 =	vld [tilespmem:s7+$0x2C0]  }
0x44f: {  	[tilespmem:s24+$0x0] =	vst.add.f32.msk $0xffff, v1  }
0x450: {  	s26 =	sor.u32 $0x30, s9;
	v1 =	vld [tilespmem:s14+$0x2C0]  }
0x451: {  	[tilespmem:s26+$0x0] =	vst.add.f32.msk $0xffff, v2  }
0x452: {  	s15 =	sor.u32 $0x40, s8;
	v2 =	vld [tilespmem:s25+$0x2C0]  }
0x453: {  	[tilespmem:s15+$0x0] =	vst.add.f32.msk $0xffff, v3  }
0x454: {  	s17 =	sor.u32 $0x40, s10;
	v3 =	vld [tilespmem:s7+$0x2D0]  }
0x455: {  	[tilespmem:s17+$0x0] =	vst.add.f32.msk $0xffff, v1  }
0x456: {  	s19 =	sor.u32 $0x40, s9;
	v1 =	vld [tilespmem:s14+$0x2D0]  }
0x457: {  	[tilespmem:s19+$0x0] =	vst.add.f32.msk $0xffff, v2  }
0x458: {  	s24 =	sor.u32 $0x50, s8;
	v2 =	vld [tilespmem:s25+$0x2D0]  }
0x459: {  	[tilespmem:s24+$0x0] =	vst.add.f32.msk $0xffff, v3  }
0x45a: {  	s26 =	sor.u32 $0x50, s10;
	v3 =	vld [tilespmem:s7+$0x2E0]  }
0x45b: {  	[tilespmem:s26+$0x0] =	vst.add.f32.msk $0xffff, v1  }
0x45c: {  	s15 =	sor.u32 $0x50, s9;
	v1 =	vld [tilespmem:s14+$0x2E0]  }
0x45d: {  	[tilespmem:s15+$0x0] =	vst.add.f32.msk $0xffff, v2  }
0x45e: {  	s17 =	sor.u32 $0x60, s8;
	v2 =	vld [tilespmem:s25+$0x2E0]  }
0x45f: {  	[tilespmem:s17+$0x0] =	vst.add.f32.msk $0xffff, v3  }
0x460: {  	s19 =	sor.u32 $0x60, s10;
	v3 =	vld [tilespmem:s7+$0x2F0]  }
0x461: {  	[tilespmem:s19+$0x0] =	vst.add.f32.msk $0xffff, v1  }
0x462: {  	s24 =	sor.u32 $0x60, s9;
	v1 =	vld [tilespmem:s14+$0x2F0]  }
0x463: {  	[tilespmem:s24+$0x0] =	vst.add.f32.msk $0xffff, v2  }
0x464: {  	v2 =	vld [tilespmem:s25+$0x2F0]  }
0x465: {  	s26 =	sor.u32 $0x70, s23  }
0x466: {  	s8 =	sor.u32 $0x70, s8;
	[tilespmem:s26+$0x0] =	vst.add.f32.msk $0xffff, v0  }
0x467: {  	s11 =	sor.u32 $0x70, s10;
	[tilespmem:s8+$0x0] =	vst.add.f32.msk $0xffff, v3  }
0x468: {  	s14 =	sor.u32 $0x70, s9;
	[tilespmem:s11+$0x0] =	vst.add.f32.msk $0xffff, v1  }
0x469: {  	[tilespmem:s14+$0x0] =	vst.add.f32.msk $0xffff, v2  }
0x46a: {  	s17 =	simm.s32 $0x16180;
	s15 =	sadd.s32 s3, s13;
	[bflag:$0x0] =	sbarrier.arrive $0xFFFF  }
0x46b: {  	[hbm4b:s15+s4] =	stream.linear.scatter [tilespmem:s17], [sflag:$0x7], $0x3000, $0x38;
	[tilespmem:$0x1F180] =	vst v63  }
0x46c: {  	s19 =	sor.u32 $0x30, s12;
	_ =	swait.ge [sflag:s20], $0x3000  }
0x46d: {  	s7 =	sor.u32 s5, s19;
	[sflag:s20] =	ssyncset.done $0x0  }
0x46e: {  	s8 =	simm.s32 @!p0 $0x9;
	s7 =	sshrl.u32 s7, $0x3;
	[sflag:s20] =	ssyncadd.s32 $0xFFFFD000  }
0x46f: {  	s13 =	smul.u32 $0x300, s7;
	_ =	swait.ge @!p0 [sflag:s8], $0x3000  }
0x470: {  	[sflag:s8] =	ssyncset.done @!p0 $0x0  }
0x471: {  	s23 =	simm.s32 $0x0;
	s7 =	sadd.s32 s1, s13;
	[sflag:s8] =	ssyncadd.s32 @!p0 $0xFFFFD000  }
0x472: {  	[tilespmem:s21], [sflag:$0x5] =	stream.linear.gather [hbm4b:s7+s23], $0x3000, $0x38;
	[tilespmem:$0x1F180] =	vst v63  }
0x473: {  	v0 =	vld [tilespmem:s31+$0x0];
	_ =	sdelay $0x4  }
0x474: {  	(v2sf) =	vpush v0, $0x0;
	_ =	sdelay $0xe  }
0x475: {  	s24 =	spop (v2sf)  }
0x476: {  	s7 =	smul.u32 $0xC00, s24;
	_ =	sdelay $0x1  }
0x477: {  	s10 =	sshra.s32 s7, $0x2  }
0x478: {  	s25 =	simm.s32 $0x0;
	v0 =	vld [tilespmem:s10+$0x0]  }
0x479: {  	s7 =	smul.u32 $0x6000, s25;
	_ =	sdelay $0x1  }
0x47a: {  	s8 =	sand.u32 $0x380, s23;
	s7 =	sshra.s32 s7, $0x2  }
0x47b: {  	s9 =	sor.u32 s8, s7  }
0x47c: {  	[tilespmem:s9+$0x19180] =	vst.add.f32.msk $0xffff, v0  }
0x47d: {  	v0 =	vld [tilespmem:s10+$0x10];
	_ =	sdelay $0x2  }
0x47e: {  	s8 =	sadd.s32 $0x19180, s9  }
0x47f: {  	s26 =	sor.u32 $0x10, s8  }
0x480: {  	[tilespmem:s26+$0x0] =	vst.add.f32.msk $0xffff, v0  }
0x481: {  	v0 =	vld [tilespmem:s10+$0x20];
	_ =	sdelay $0x3  }
0x482: {  	s11 =	sor.u32 $0x20, s8  }
0x483: {  	[tilespmem:s11+$0x0] =	vst.add.f32.msk $0xffff, v0  }
0x484: {  	v0 =	vld [tilespmem:s10+$0x30];
	_ =	sdelay $0x3  }
0x485: {  	s14 =	sor.u32 $0x30, s8  }
0x486: {  	[tilespmem:s14+$0x0] =	vst.add.f32.msk $0xffff, v0  }
0x487: {  	v0 =	vld [tilespmem:s10+$0x40];
	_ =	sdelay $0x3  }
0x488: {  	s15 =	sor.u32 $0x40, s8  }
0x489: {  	[tilespmem:s15+$0x0] =	vst.add.f32.msk $0xffff, v0  }
0x48a: {  	v0 =	vld [tilespmem:s10+$0x50];
	_ =	sdelay $0x3  }
0x48b: {  	s17 =	sor.u32 $0x50, s8  }
0x48c: {  	[tilespmem:s17+$0x0] =	vst.add.f32.msk $0xffff, v0  }
0x48d: {  	v0 =	vld [tilespmem:s10+$0x60];
	_ =	sdelay $0x3  }
0x48e: {  	s19 =	sor.u32 $0x60, s8  }
0x48f: {  	[tilespmem:s19+$0x0] =	vst.add.f32.msk $0xffff, v0  }
0x490: {  	v0 =	vld [tilespmem:s10+$0x70];
	_ =	sdelay $0x3  }
0x491: {  	s23 =	sor.u32 $0x70, s8  }
0x492: {  	[tilespmem:s23+$0x0] =	vst.add.f32.msk $0xffff, v0  }
0x493: {  	v0 =	vld [tilespmem:s10+$0x80];
	_ =	sdelay $0x4  }
0x494: {  	[tilespmem:s8+$0x400] =	vst.add.f32.msk $0xffff, v0  }
0x495: {  	v0 =	vld [tilespmem:s10+$0x90];
	_ =	sdelay $0x4  }
0x496: {  	[tilespmem:s8+$0x410] =	vst.add.f32.msk $0xffff, v0  }
0x497: {  	v0 =	vld [tilespmem:s10+$0xA0];
	_ =	sdelay $0x4  }
0x498: {  	[tilespmem:s8+$0x420] =	vst.add.f32.msk $0xffff, v0  }
0x499: {  	v0 =	vld [tilespmem:s10+$0xB0];
	_ =	sdelay $0x2  }
0x49a: {  	s14 =	sadd.s32 $0x1, s31  }
0x49b: {  	v1 =	vld [tilespmem:s14+$0x0]  }
0x49c: {  	[tilespmem:s8+$0x430] =	vst.add.f32.msk $0xffff, v0  }
0x49d: {  	v0 =	vld [tilespmem:s10+$0xC0];
	_ =	sdelay $0x2  }
0x49e: {  	(v2sf) =	vpush v1, $0x0;
	_ =	sdelay $0x1  }
0x49f: {  	[tilespmem:s8+$0x440] =	vst.add.f32.msk $0xffff, v0  }
0x4a0: {  	v0 =	vld [tilespmem:s10+$0xD0];
	_ =	sdelay $0x4  }
0x4a1: {  	[tilespmem:s8+$0x450] =	vst.add.f32.msk $0xffff, v0  }
0x4a2: {  	v0 =	vld [tilespmem:s10+$0xE0];
	_ =	sdelay $0x4  }
0x4a3: {  	[tilespmem:s8+$0x460] =	vst.add.f32.msk $0xffff, v0  }
0x4a4: {  	s24 =	spop (v2sf);
	v0 =	vld [tilespmem:s10+$0xF0]  }
0x4a5: {  	s7 =	smul.u32 $0xC00, s24;
	_ =	sdelay $0x1  }
0x4a6: {  	s7 =	sshra.s32 s7, $0x2  }
0x4a7: {  	s25 =	simm.s32 $0x0;
	v1 =	vld [tilespmem:s7+$0x0]  }
0x4a8: {  	s26 =	smul.u32 $0x6000, s25;
	[tilespmem:s8+$0x470] =	vst.add.f32.msk $0xffff, v0  }
0x4a9: {  	s15 =	simm.s32 $0x80;
	v0 =	vld [tilespmem:s10+$0x100]  }
0x4aa: {  	s11 =	sand.u32 $0x380, s15;
	s8 =	sshra.s32 s26, $0x2  }
0x4ab: {  	s8 =	sor.u32 s11, s8  }
0x4ac: {  	[tilespmem:s8+$0x19180] =	vst.add.f32.msk $0xffff, v1  }
0x4ad: {  	v1 =	vld [tilespmem:s7+$0x10]  }
0x4ae: {  	[tilespmem:s9+$0x19980] =	vst.add.f32.msk $0xffff, v0  }
0x4af: {  	v0 =	vld [tilespmem:s10+$0x110]  }
0x4b0: {  	s11 =	sadd.s32 $0x19180, s8  }
0x4b1: {  	s17 =	sor.u32 $0x10, s11  }
0x4b2: {  	s15 =	sadd.s32 $0x19980, s9;
	[tilespmem:s17+$0x0] =	vst.add.f32.msk $0xffff, v1  }
0x4b3: {  	s19 =	sor.u32 $0x10, s15;
	v1 =	vld [tilespmem:s7+$0x20]  }
0x4b4: {  	[tilespmem:s19+$0x0] =	vst.add.f32.msk $0xffff, v0  }
0x4b5: {  	v0 =	vld [tilespmem:s10+$0x120];
	_ =	sdelay $0x1  }
0x4b6: {  	s23 =	sor.u32 $0x20, s11  }
0x4b7: {  	[tilespmem:s23+$0x0] =	vst.add.f32.msk $0xffff, v1  }
0x4b8: {  	s24 =	sor.u32 $0x20, s15;
	v1 =	vld [tilespmem:s7+$0x30]  }
0x4b9: {  	[tilespmem:s24+$0x0] =	vst.add.f32.msk $0xffff, v0  }
0x4ba: {  	v0 =	vld [tilespmem:s10+$0x130];
	_ =	sdelay $0x1  }
0x4bb: {  	s25 =	sor.u32 $0x30, s11  }
0x4bc: {  	[tilespmem:s25+$0x0] =	vst.add.f32.msk $0xffff, v1  }
0x4bd: {  	s26 =	sor.u32 $0x30, s15;
	v1 =	vld [tilespmem:s7+$0x40]  }
0x4be: {  	[tilespmem:s26+$0x0] =	vst.add.f32.msk $0xffff, v0  }
0x4bf: {  	v0 =	vld [tilespmem:s10+$0x140];
	_ =	sdelay $0x1  }
0x4c0: {  	s19 =	sor.u32 $0x40, s11  }
0x4c1: {  	[tilespmem:s19+$0x0] =	vst.add.f32.msk $0xffff, v1  }
0x4c2: {  	s23 =	sor.u32 $0x40, s15;
	v1 =	vld [tilespmem:s7+$0x50]  }
0x4c3: {  	[tilespmem:s23+$0x0] =	vst.add.f32.msk $0xffff, v0  }
0x4c4: {  	v0 =	vld [tilespmem:s10+$0x150];
	_ =	sdelay $0x1  }
0x4c5: {  	s24 =	sor.u32 $0x50, s11  }
0x4c6: {  	[tilespmem:s24+$0x0] =	vst.add.f32.msk $0xffff, v1  }
0x4c7: {  	s25 =	sor.u32 $0x50, s15;
	v1 =	vld [tilespmem:s7+$0x60]  }
0x4c8: {  	[tilespmem:s25+$0x0] =	vst.add.f32.msk $0xffff, v0  }
0x4c9: {  	v0 =	vld [tilespmem:s10+$0x160];
	_ =	sdelay $0x1  }
0x4ca: {  	s26 =	sor.u32 $0x60, s11  }
0x4cb: {  	[tilespmem:s26+$0x0] =	vst.add.f32.msk $0xffff, v1  }
0x4cc: {  	s19 =	sor.u32 $0x60, s15;
	v1 =	vld [tilespmem:s7+$0x70]  }
0x4cd: {  	[tilespmem:s19+$0x0] =	vst.add.f32.msk $0xffff, v0  }
0x4ce: {  	v0 =	vld [tilespmem:s10+$0x170];
	_ =	sdelay $0x1  }
0x4cf: {  	s23 =	sor.u32 $0x70, s11  }
0x4d0: {  	[tilespmem:s23+$0x0] =	vst.add.f32.msk $0xffff, v1  }
0x4d1: {  	s15 =	sor.u32 $0x70, s15;
	v1 =	vld [tilespmem:s7+$0x80]  }
0x4d2: {  	[tilespmem:s15+$0x0] =	vst.add.f32.msk $0xffff, v0  }
0x4d3: {  	v0 =	vld [tilespmem:s10+$0x180];
	_ =	sdelay $0x2  }
0x4d4: {  	[tilespmem:s11+$0x400] =	vst.add.f32.msk $0xffff, v1  }
0x4d5: {  	v1 =	vld [tilespmem:s7+$0x90]  }
0x4d6: {  	[tilespmem:s9+$0x19D80] =	vst.add.f32.msk $0xffff, v0  }
0x4d7: {  	v0 =	vld [tilespmem:s10+$0x190];
	_ =	sdelay $0x2  }
0x4d8: {  	s15 =	sadd.s32 $0x19D80, s9;
	[tilespmem:s11+$0x410] =	vst.add.f32.msk $0xffff, v1  }
0x4d9: {  	s24 =	sor.u32 $0x10, s15;
	v1 =	vld [tilespmem:s7+$0xA0]  }
0x4da: {  	[tilespmem:s24+$0x0] =	vst.add.f32.msk $0xffff, v0  }
0x4db: {  	v0 =	vld [tilespmem:s10+$0x1A0];
	_ =	sdelay $0x2  }
0x4dc: {  	[tilespmem:s11+$0x420] =	vst.add.f32.msk $0xffff, v1  }
0x4dd: {  	s25 =	sor.u32 $0x20, s15;
	v1 =	vld [tilespmem:s7+$0xB0]  }
0x4de: {  	[tilespmem:s25+$0x0] =	vst.add.f32.msk $0xffff, v0  }
0x4df: {  	v0 =	vld [tilespmem:s10+$0x1B0]  }
0x4e0: {  	s14 =	sadd.s32 $0x1, s14  }
0x4e1: {  	v2 =	vld [tilespmem:s14+$0x0]  }
0x4e2: {  	[tilespmem:s11+$0x430] =	vst.add.f32.msk $0xffff, v1  }
0x4e3: {  	s26 =	sor.u32 $0x30, s15;
	v1 =	vld [tilespmem:s7+$0xC0]  }
0x4e4: {  	[tilespmem:s26+$0x0] =	vst.add.f32.msk $0xffff, v0  }
0x4e5: {  	v0 =	vld [tilespmem:s10+$0x1C0]  }
0x4e6: {  	(v2sf) =	vpush v2, $0x0;
	_ =	sdelay $0x1  }
0x4e7: {  	[tilespmem:s11+$0x440] =	vst.add.f32.msk $0xffff, v1  }
0x4e8: {  	s19 =	sor.u32 $0x40, s15;
	v1 =	vld [tilespmem:s7+$0xD0]  }
0x4e9: {  	[tilespmem:s19+$0x0] =	vst.add.f32.msk $0xffff, v0  }
0x4ea: {  	v0 =	vld [tilespmem:s10+$0x1D0];
	_ =	sdelay $0x2  }
0x4eb: {  	[tilespmem:s11+$0x450] =	vst.add.f32.msk $0xffff, v1  }
0x4ec: {  	s23 =	sor.u32 $0x50, s15;
	v1 =	vld [tilespmem:s7+$0xE0]  }
0x4ed: {  	[tilespmem:s23+$0x0] =	vst.add.f32.msk $0xffff, v0  }
0x4ee: {  	v0 =	vld [tilespmem:s10+$0x1E0];
	_ =	sdelay $0x2  }
0x4ef: {  	[tilespmem:s11+$0x460] =	vst.add.f32.msk $0xffff, v1  }
0x4f0: {  	s24 =	sor.u32 $0x60, s15;
	s25 =	spop (v2sf);
	v1 =	vld [tilespmem:s7+$0xF0]  }
0x4f1: {  	s26 =	smul.u32 $0xC00, s25;
	[tilespmem:s24+$0x0] =	vst.add.f32.msk $0xffff, v0  }
0x4f2: {  	s25 =	sadd.s32 $0x1, s14;
	v0 =	vld [tilespmem:s10+$0x1F0]  }
0x4f3: {  	v2 =	vld [tilespmem:s25+$0x0];
	s14 =	sshra.s32 s26, $0x2  }
0x4f4: {  	v3 =	vld [tilespmem:s14+$0x0];
	s19 =	simm.s32 $0x0  }
0x4f5: {  	s23 =	smul.u32 $0x6000, s19;
	[tilespmem:s11+$0x470] =	vst.add.f32.msk $0xffff, v1  }
0x4f6: {  	s15 =	sor.u32 $0x70, s15;
	s26 =	simm.s32 $0x100;
	v1 =	vld [tilespmem:s7+$0x100]  }
0x4f7: {  	s24 =	sand.u32 $0x380, s26;
	s11 =	sshra.s32 s23, $0x2;
	[tilespmem:s15+$0x0] =	vst.add.f32.msk $0xffff, v0  }
0x4f8: {  	s15 =	sor.u32 s24, s11;
	v0 =	vld [tilespmem:s10+$0x200]  }
0x4f9: {  	[tilespmem:s15+$0x19180] =	vst.add.f32.msk $0xffff, v3  }
0x4fa: {  	v3 =	vld [tilespmem:s14+$0x10]  }
0x4fb: {  	[tilespmem:s8+$0x19980] =	vst.add.f32.msk $0xffff, v1  }
0x4fc: {  	v1 =	vld [tilespmem:s7+$0x110]  }
0x4fd: {  	s24 =	sadd.s32 $0x19180, s15;
	[tilespmem:s9+$0x1A180] =	vst.add.f32.msk $0xffff, v0  }
0x4fe: {  	s17 =	sor.u32 $0x10, s24;
	v0 =	vld [tilespmem:s10+$0x210]  }
0x4ff: {  	s11 =	sadd.s32 $0x19980, s8;
	[tilespmem:s17+$0x0] =	vst.add.f32.msk $0xffff, v3  }
0x500: {  	s19 =	sor.u32 $0x10, s11;
	v3 =	vld [tilespmem:s14+$0x20]  }
0x501: {  	s17 =	sadd.s32 $0x1A180, s9;
	[tilespmem:s19+$0x0] =	vst.add.f32.msk $0xffff, v1  }
0x502: {  	s23 =	sor.u32 $0x10, s17;
	v1 =	vld [tilespmem:s7+$0x120]  }
0x503: {  	[tilespmem:s23+$0x0] =	vst.add.f32.msk $0xffff, v0  }
0x504: {  	s23 =	sor.u32 $0x20, s24;
	v0 =	vld [tilespmem:s10+$0x220]  }
0x505: {  	[tilespmem:s23+$0x0] =	vst.add.f32.msk $0xffff, v3  }
0x506: {  	s23 =	sor.u32 $0x20, s11;
	v3 =	vld [tilespmem:s14+$0x30]  }
0x507: {  	[tilespmem:s23+$0x0] =	vst.add.f32.msk $0xffff, v1  }
0x508: {  	s23 =	sor.u32 $0x20, s17;
	v1 =	vld [tilespmem:s7+$0x130]  }
0x509: {  	[tilespmem:s23+$0x0] =	vst.add.f32.msk $0xffff, v0  }
0x50a: {  	s23 =	sor.u32 $0x30, s24;
	v0 =	vld [tilespmem:s10+$0x230]  }
0x50b: {  	[tilespmem:s23+$0x0] =	vst.add.f32.msk $0xffff, v3  }
0x50c: {  	s23 =	sor.u32 $0x30, s11;
	v3 =	vld [tilespmem:s14+$0x40]  }
0x50d: {  	[tilespmem:s23+$0x0] =	vst.add.f32.msk $0xffff, v1  }
0x50e: {  	s23 =	sor.u32 $0x30, s17;
	v1 =	vld [tilespmem:s7+$0x140]  }
0x50f: {  	[tilespmem:s23+$0x0] =	vst.add.f32.msk $0xffff, v0  }
0x510: {  	s23 =	sor.u32 $0x40, s24;
	v0 =	vld [tilespmem:s10+$0x240]  }
0x511: {  	[tilespmem:s23+$0x0] =	vst.add.f32.msk $0xffff, v3  }
0x512: {  	s23 =	sor.u32 $0x40, s11;
	v3 =	vld [tilespmem:s14+$0x50]  }
0x513: {  	[tilespmem:s23+$0x0] =	vst.add.f32.msk $0xffff, v1  }
0x514: {  	s23 =	sor.u32 $0x40, s17;
	v1 =	vld [tilespmem:s7+$0x150]  }
0x515: {  	[tilespmem:s23+$0x0] =	vst.add.f32.msk $0xffff, v0  }
0x516: {  	s23 =	sor.u32 $0x50, s24;
	v0 =	vld [tilespmem:s10+$0x250]  }
0x517: {  	[tilespmem:s23+$0x0] =	vst.add.f32.msk $0xffff, v3  }
0x518: {  	s23 =	sor.u32 $0x50, s11;
	v3 =	vld [tilespmem:s14+$0x60]  }
0x519: {  	[tilespmem:s23+$0x0] =	vst.add.f32.msk $0xffff, v1  }
0x51a: {  	s23 =	sor.u32 $0x50, s17;
	v1 =	vld [tilespmem:s7+$0x160]  }
0x51b: {  	[tilespmem:s23+$0x0] =	vst.add.f32.msk $0xffff, v0  }
0x51c: {  	s23 =	sor.u32 $0x60, s24;
	v0 =	vld [tilespmem:s10+$0x260]  }
0x51d: {  	[tilespmem:s23+$0x0] =	vst.add.f32.msk $0xffff, v3  }
0x51e: {  	s23 =	sor.u32 $0x60, s11;
	v3 =	vld [tilespmem:s14+$0x70]  }
0x51f: {  	[tilespmem:s23+$0x0] =	vst.add.f32.msk $0xffff, v1  }
0x520: {  	s23 =	sor.u32 $0x60, s17;
	v1 =	vld [tilespmem:s7+$0x170]  }
0x521: {  	[tilespmem:s23+$0x0] =	vst.add.f32.msk $0xffff, v0  }
0x522: {  	s23 =	sor.u32 $0x70, s24;
	v0 =	vld [tilespmem:s10+$0x270]  }
0x523: {  	[tilespmem:s23+$0x0] =	vst.add.f32.msk $0xffff, v3  }
0x524: {  	s11 =	sor.u32 $0x70, s11;
	v3 =	vld [tilespmem:s14+$0x80]  }
0x525: {  	[tilespmem:s11+$0x0] =	vst.add.f32.msk $0xffff, v1  }
0x526: {  	s19 =	sor.u32 $0x70, s17;
	v1 =	vld [tilespmem:s7+$0x180]  }
0x527: {  	[tilespmem:s19+$0x0] =	vst.add.f32.msk $0xffff, v0  }
0x528: {  	v0 =	vld [tilespmem:s10+$0x280]  }
0x529: {  	[tilespmem:s24+$0x400] =	vst.add.f32.msk $0xffff, v3  }
0x52a: {  	v3 =	vld [tilespmem:s14+$0x90]  }
0x52b: {  	[tilespmem:s8+$0x19D80] =	vst.add.f32.msk $0xffff, v1  }
0x52c: {  	v1 =	vld [tilespmem:s7+$0x190]  }
0x52d: {  	[tilespmem:s9+$0x1A580] =	vst.add.f32.msk $0xffff, v0  }
0x52e: {  	v0 =	vld [tilespmem:s10+$0x290]  }
0x52f: {  	s28 =	sadd.s32 $0x19D80, s8;
	[tilespmem:s24+$0x410] =	vst.add.f32.msk $0xffff, v3  }
0x530: {  	s23 =	sor.u32 $0x10, s28;
	v3 =	vld [tilespmem:s14+$0xA0]  }
0x531: {  	[tilespmem:s23+$0x0] =	vst.add.f32.msk $0xffff, v1;
	s23 =	sadd.s32 $0x1A580, s9  }
0x532: {  	v1 =	vld [tilespmem:s7+$0x1A0];
	s9 =	sor.u32 $0x10, s23  }
0x533: {  	[tilespmem:s9+$0x0] =	vst.add.f32.msk $0xffff, v0  }
0x534: {  	v0 =	vld [tilespmem:s10+$0x2A0]  }
0x535: {  	[tilespmem:s24+$0x420] =	vst.add.f32.msk $0xffff, v3  }
0x536: {  	s17 =	sor.u32 $0x20, s28;
	v3 =	vld [tilespmem:s14+$0xB0]  }
0x537: {  	[tilespmem:s17+$0x0] =	vst.add.f32.msk $0xffff, v1  }
0x538: {  	s19 =	sor.u32 $0x20, s23;
	v1 =	vld [tilespmem:s7+$0x1B0]  }
0x539: {  	[tilespmem:s19+$0x0] =	vst.add.f32.msk $0xffff, v0  }
0x53a: {  	v0 =	vld [tilespmem:s10+$0x2B0]  }
0x53b: {  	[tilespmem:s24+$0x430] =	vst.add.f32.msk $0xffff, v3  }
0x53c: {  	s11 =	sor.u32 $0x30, s28;
	v3 =	vld [tilespmem:s14+$0xC0]  }
0x53d: {  	[tilespmem:s11+$0x0] =	vst.add.f32.msk $0xffff, v1  }
0x53e: {  	s17 =	sor.u32 $0x30, s23;
	v4 =	vld [tilespmem:s7+$0x1C0]  }
0x53f: {  	[tilespmem:s17+$0x0] =	vst.add.f32.msk $0xffff, v0  }
0x540: {  	v1 =	vld [tilespmem:s10+$0x2C0]  }
0x541: {  	(v2sf) =	vpush v2, $0x0;
	[tilespmem:s24+$0x440] =	vst.add.f32.msk $0xffff, v3  }
0x542: {  	s19 =	sor.u32 $0x40, s28;
	v0 =	vld [tilespmem:s14+$0xD0]  }
0x543: {  	s9 =	simm.s32 $0x4;
	s11 =	simm.s32 $0x3;
	[tilespmem:s19+$0x0] =	vst.add.f32.msk $0xffff, v4  }
.LBB2_7:
0x544: {  	p0 =	sne.s32 s9, $0xF;
	v2 =	vld [tilespmem:s7+$0x1D0];
	s17 =	sor.u32 $0x40, s23  }
0x545: {  	[tilespmem:s17+$0x0] =	vst.add.f32.msk $0xffff, v1  }
0x546: {  	v1 =	vld [tilespmem:s10+$0x2D0]  }
0x547: {  	[tilespmem:s24+$0x450] =	vst.add.f32.msk $0xffff, v0  }
0x548: {  	s17 =	sor.u32 $0x50, s28;
	v3 =	vld [tilespmem:s14+$0xE0]  }
0x549: {  	[tilespmem:s17+$0x0] =	vst.add.f32.msk $0xffff, v2  }
0x54a: {  	s17 =	sor.u32 $0x50, s23;
	v2 =	vld [tilespmem:s7+$0x1E0]  }
0x54b: {  	[tilespmem:s17+$0x0] =	vst.add.f32.msk $0xffff, v1  }
0x54c: {  	s25 =	sadd.s32 $0x1, s25;
	v1 =	vld [tilespmem:s10+$0x2E0]  }
0x54d: {  	v0 =	vld [tilespmem:s25+$0x0]  }
0x54e: {  	[tilespmem:s24+$0x460] =	vst.add.f32.msk $0xffff, v3  }
0x54f: {  	s17 =	sor.u32 $0x60, s28;
	v3 =	vld [tilespmem:s14+$0xF0]  }
0x550: {  	s19 =	spop (v2sf);
	[tilespmem:s17+$0x0] =	vst.add.f32.msk $0xffff, v2;
	s17 =	sor.u32 $0x60, s23  }
0x551: {  	s19 =	smul.u32 $0xC00, s19;
	[tilespmem:s17+$0x0] =	vst.add.f32.msk $0xffff, v1  }
0x552: {  	v1 =	vld [tilespmem:s10+$0x2F0];
	s10 =	smov.u32 s7;
	s7 =	smov.u32 s14  }
0x553: {  	s14 =	sshra.s32 s19, $0x2;
	v2 =	vld [tilespmem:s10+$0x1F0]  }
0x554: {  	v4 =	vld [tilespmem:s14+$0x0]  }
0x555: {  	s17 =	sshrl.u32 s11, $0x3;
	s11 =	smov.u32 s9;
	[tilespmem:s24+$0x470] =	vst.add.f32.msk $0xffff, v3  }
0x556: {  	s17 =	smul.u32 $0x6000, s17;
	s19 =	sor.u32 $0x70, s23;
	v3 =	vld [tilespmem:s7+$0x100]  }
0x557: {  	s26 =	sadd.s32 $0x80, s26;
	s23 =	sor.u32 $0x70, s28;
	[tilespmem:s19+$0x0] =	vst.add.f32.msk $0xffff, v1  }
0x558: {  	s17 =	sshra.s32 s17, $0x2;
	s19 =	sand.u32 $0x380, s26;
	[tilespmem:s23+$0x0] =	vst.add.f32.msk $0xffff, v2  }
0x559: {  	s17 =	sor.u32 s19, s17;
	v1 =	vld [tilespmem:s10+$0x200]  }
0x55a: {  	[tilespmem:s17+$0x19180] =	vst.add.f32.msk $0xffff, v4  }
0x55b: {  	v2 =	vld [tilespmem:s14+$0x10]  }
0x55c: {  	[tilespmem:s15+$0x19980] =	vst.add.f32.msk $0xffff, v3  }
0x55d: {  	v3 =	vld [tilespmem:s7+$0x110]  }
0x55e: {  	s24 =	sadd.s32 $0x19180, s17;
	[tilespmem:s8+$0x1A180] =	vst.add.f32.msk $0xffff, v1  }
0x55f: {  	s19 =	sor.u32 $0x10, s24;
	v1 =	vld [tilespmem:s10+$0x210]  }
0x560: {  	s23 =	sadd.s32 $0x19980, s15;
	[tilespmem:s19+$0x0] =	vst.add.f32.msk $0xffff, v2  }
0x561: {  	s19 =	sor.u32 $0x10, s23;
	v2 =	vld [tilespmem:s14+$0x20]  }
0x562: {  	s28 =	sadd.s32 $0x1A180, s8;
	[tilespmem:s19+$0x0] =	vst.add.f32.msk $0xffff, v3  }
0x563: {  	s19 =	sor.u32 $0x10, s28;
	v3 =	vld [tilespmem:s7+$0x120]  }
0x564: {  	[tilespmem:s19+$0x0] =	vst.add.f32.msk $0xffff, v1  }
0x565: {  	s19 =	sor.u32 $0x20, s24;
	v1 =	vld [tilespmem:s10+$0x220]  }
0x566: {  	[tilespmem:s19+$0x0] =	vst.add.f32.msk $0xffff, v2  }
0x567: {  	s19 =	sor.u32 $0x20, s23;
	v2 =	vld [tilespmem:s14+$0x30]  }
0x568: {  	[tilespmem:s19+$0x0] =	vst.add.f32.msk $0xffff, v3  }
0x569: {  	s19 =	sor.u32 $0x20, s28;
	v3 =	vld [tilespmem:s7+$0x130]  }
0x56a: {  	[tilespmem:s19+$0x0] =	vst.add.f32.msk $0xffff, v1  }
0x56b: {  	s19 =	sor.u32 $0x30, s24;
	v1 =	vld [tilespmem:s10+$0x230]  }
0x56c: {  	[tilespmem:s19+$0x0] =	vst.add.f32.msk $0xffff, v2  }
0x56d: {  	s19 =	sor.u32 $0x30, s23;
	v2 =	vld [tilespmem:s14+$0x40]  }
0x56e: {  	[tilespmem:s19+$0x0] =	vst.add.f32.msk $0xffff, v3  }
0x56f: {  	s19 =	sor.u32 $0x30, s28;
	v3 =	vld [tilespmem:s7+$0x140]  }
0x570: {  	[tilespmem:s19+$0x0] =	vst.add.f32.msk $0xffff, v1  }
0x571: {  	s19 =	sor.u32 $0x40, s24;
	v1 =	vld [tilespmem:s10+$0x240]  }
0x572: {  	[tilespmem:s19+$0x0] =	vst.add.f32.msk $0xffff, v2  }
0x573: {  	s19 =	sor.u32 $0x40, s23;
	v2 =	vld [tilespmem:s14+$0x50]  }
0x574: {  	[tilespmem:s19+$0x0] =	vst.add.f32.msk $0xffff, v3  }
0x575: {  	s19 =	sor.u32 $0x40, s28;
	v3 =	vld [tilespmem:s7+$0x150]  }
0x576: {  	[tilespmem:s19+$0x0] =	vst.add.f32.msk $0xffff, v1  }
0x577: {  	s19 =	sor.u32 $0x50, s24;
	v1 =	vld [tilespmem:s10+$0x250]  }
0x578: {  	[tilespmem:s19+$0x0] =	vst.add.f32.msk $0xffff, v2  }
0x579: {  	s19 =	sor.u32 $0x50, s23;
	v2 =	vld [tilespmem:s14+$0x60]  }
0x57a: {  	[tilespmem:s19+$0x0] =	vst.add.f32.msk $0xffff, v3  }
0x57b: {  	s19 =	sor.u32 $0x50, s28;
	v3 =	vld [tilespmem:s7+$0x160]  }
0x57c: {  	[tilespmem:s19+$0x0] =	vst.add.f32.msk $0xffff, v1  }
0x57d: {  	s19 =	sor.u32 $0x60, s24;
	v1 =	vld [tilespmem:s10+$0x260]  }
0x57e: {  	[tilespmem:s19+$0x0] =	vst.add.f32.msk $0xffff, v2  }
0x57f: {  	s19 =	sor.u32 $0x60, s23;
	v2 =	vld [tilespmem:s14+$0x70]  }
0x580: {  	[tilespmem:s19+$0x0] =	vst.add.f32.msk $0xffff, v3  }
0x581: {  	s19 =	sor.u32 $0x60, s28;
	v3 =	vld [tilespmem:s7+$0x170]  }
0x582: {  	[tilespmem:s19+$0x0] =	vst.add.f32.msk $0xffff, v1  }
0x583: {  	s19 =	sor.u32 $0x70, s24;
	v1 =	vld [tilespmem:s10+$0x270]  }
0x584: {  	[tilespmem:s19+$0x0] =	vst.add.f32.msk $0xffff, v2  }
0x585: {  	s19 =	sor.u32 $0x70, s23;
	v2 =	vld [tilespmem:s14+$0x80]  }
0x586: {  	[tilespmem:s19+$0x0] =	vst.add.f32.msk $0xffff, v3  }
0x587: {  	s19 =	sor.u32 $0x70, s28;
	v3 =	vld [tilespmem:s7+$0x180]  }
0x588: {  	[tilespmem:s19+$0x0] =	vst.add.f32.msk $0xffff, v1  }
0x589: {  	v1 =	vld [tilespmem:s10+$0x280]  }
0x58a: {  	[tilespmem:s24+$0x400] =	vst.add.f32.msk $0xffff, v2  }
0x58b: {  	v2 =	vld [tilespmem:s14+$0x90]  }
0x58c: {  	[tilespmem:s15+$0x19D80] =	vst.add.f32.msk $0xffff, v3  }
0x58d: {  	v3 =	vld [tilespmem:s7+$0x190]  }
0x58e: {  	[tilespmem:s8+$0x1A580] =	vst.add.f32.msk $0xffff, v1  }
0x58f: {  	v1 =	vld [tilespmem:s10+$0x290]  }
0x590: {  	s28 =	sadd.s32 $0x19D80, s15;
	[tilespmem:s24+$0x410] =	vst.add.f32.msk $0xffff, v2  }
0x591: {  	s19 =	sor.u32 $0x10, s28;
	v2 =	vld [tilespmem:s14+$0xA0]  }
0x592: {  	s23 =	sadd.s32 $0x1A580, s8;
	s8 =	smov.u32 s15;
	s15 =	smov.u32 s17;
	[tilespmem:s19+$0x0] =	vst.add.f32.msk $0xffff, v3  }
0x593: {  	s17 =	sor.u32 $0x10, s23;
	v3 =	vld [tilespmem:s7+$0x1A0]  }
0x594: {  	[tilespmem:s17+$0x0] =	vst.add.f32.msk $0xffff, v1  }
0x595: {  	v1 =	vld [tilespmem:s10+$0x2A0]  }
0x596: {  	[tilespmem:s24+$0x420] =	vst.add.f32.msk $0xffff, v2  }
0x597: {  	s17 =	sor.u32 $0x20, s28;
	v2 =	vld [tilespmem:s14+$0xB0]  }
0x598: {  	[tilespmem:s17+$0x0] =	vst.add.f32.msk $0xffff, v3  }
0x599: {  	s17 =	sor.u32 $0x20, s23;
	v3 =	vld [tilespmem:s7+$0x1B0]  }
0x59a: {  	[tilespmem:s17+$0x0] =	vst.add.f32.msk $0xffff, v1  }
0x59b: {  	v1 =	vld [tilespmem:s10+$0x2B0]  }
0x59c: {  	[tilespmem:s24+$0x430] =	vst.add.f32.msk $0xffff, v2  }
0x59d: {  	s17 =	sor.u32 $0x30, s28;
	v2 =	vld [tilespmem:s14+$0xC0]  }
0x59e: {  	[tilespmem:s17+$0x0] =	vst.add.f32.msk $0xffff, v3  }
0x59f: {  	s17 =	sor.u32 $0x30, s23;
	v3 =	vld [tilespmem:s7+$0x1C0]  }
.Ltmp2:
0x5a0: {  	[tilespmem:s17+$0x0] =	vst.add.f32.msk $0xffff, v1;
	(pc) =	sbr.rel @p0 .LBB2_7-.Ltmp2, $4  }
0x5a1: {  	v1 =	vld [tilespmem:s10+$0x2C0]  }
0x5a2: {  	(v2sf) =	vpush v0, $0x0;
	[tilespmem:s24+$0x440] =	vst.add.f32.msk $0xffff, v2  }
0x5a3: {  	s17 =	sor.u32 $0x40, s28;
	v0 =	vld [tilespmem:s14+$0xD0]  }
0x5a4: {  	s9 =	sadd.s32 $0x1, s9;
	[tilespmem:s17+$0x0] =	vst.add.f32.msk $0xffff, v3  }
0x5a5: {  	_ =	sdelay $0xb  }
0x5a6: {  	s9 =	spop (v2sf)  }
0x5a7: {  	s9 =	smul.u32 $0xC00, s9;
	_ =	sdelay $0x1  }
0x5a8: {  	s25 =	sshra.s32 s9, $0x2  }
0x5a9: {  	s11 =	sshrl.u32 s11, $0x3;
	v2 =	vld [tilespmem:s25+$0x0]  }
0x5aa: {  	s9 =	smul.u32 $0x6000, s11  }
0x5ab: {  	s17 =	sadd.s32 $0x80, s26  }
0x5ac: {  	s11 =	sand.u32 $0x380, s17;
	s9 =	sshra.s32 s9, $0x2  }
0x5ad: {  	s9 =	sor.u32 s11, s9  }
0x5ae: {  	[tilespmem:s9+$0x19180] =	vst.add.f32.msk $0xffff, v2  }
0x5af: {  	v2 =	vld [tilespmem:s25+$0x10];
	_ =	sdelay $0x2  }
0x5b0: {  	s11 =	sadd.s32 $0x19180, s9  }
0x5b1: {  	s17 =	sor.u32 $0x10, s11  }
0x5b2: {  	[tilespmem:s17+$0x0] =	vst.add.f32.msk $0xffff, v2  }
0x5b3: {  	v2 =	vld [tilespmem:s25+$0x20];
	_ =	sdelay $0x3  }
0x5b4: {  	s19 =	sor.u32 $0x20, s11  }
0x5b5: {  	[tilespmem:s19+$0x0] =	vst.add.f32.msk $0xffff, v2  }
0x5b6: {  	v2 =	vld [tilespmem:s25+$0x30];
	_ =	sdelay $0x3  }
0x5b7: {  	s26 =	sor.u32 $0x30, s11  }
0x5b8: {  	[tilespmem:s26+$0x0] =	vst.add.f32.msk $0xffff, v2  }
0x5b9: {  	v2 =	vld [tilespmem:s25+$0x40];
	_ =	sdelay $0x3  }
0x5ba: {  	s19 =	sor.u32 $0x40, s11  }
0x5bb: {  	[tilespmem:s19+$0x0] =	vst.add.f32.msk $0xffff, v2  }
0x5bc: {  	v2 =	vld [tilespmem:s25+$0x50];
	_ =	sdelay $0x3  }
0x5bd: {  	s26 =	sor.u32 $0x50, s11  }
0x5be: {  	[tilespmem:s26+$0x0] =	vst.add.f32.msk $0xffff, v2  }
0x5bf: {  	v2 =	vld [tilespmem:s25+$0x60];
	_ =	sdelay $0x3  }
0x5c0: {  	s19 =	sor.u32 $0x60, s11  }
0x5c1: {  	[tilespmem:s19+$0x0] =	vst.add.f32.msk $0xffff, v2  }
0x5c2: {  	v2 =	vld [tilespmem:s25+$0x70];
	_ =	sdelay $0x3  }
0x5c3: {  	s26 =	sor.u32 $0x70, s11  }
0x5c4: {  	[tilespmem:s26+$0x0] =	vst.add.f32.msk $0xffff, v2  }
0x5c5: {  	v2 =	vld [tilespmem:s25+$0x80];
	_ =	sdelay $0x4  }
0x5c6: {  	[tilespmem:s11+$0x400] =	vst.add.f32.msk $0xffff, v2  }
0x5c7: {  	v2 =	vld [tilespmem:s25+$0x90];
	_ =	sdelay $0x4  }
0x5c8: {  	[tilespmem:s11+$0x410] =	vst.add.f32.msk $0xffff, v2  }
0x5c9: {  	v2 =	vld [tilespmem:s25+$0xA0];
	_ =	sdelay $0x4  }
0x5ca: {  	[tilespmem:s11+$0x420] =	vst.add.f32.msk $0xffff, v2  }
0x5cb: {  	v2 =	vld [tilespmem:s25+$0xB0];
	_ =	sdelay $0x4  }
0x5cc: {  	[tilespmem:s11+$0x430] =	vst.add.f32.msk $0xffff, v2  }
0x5cd: {  	v2 =	vld [tilespmem:s25+$0xC0];
	_ =	sdelay $0x4  }
0x5ce: {  	[tilespmem:s11+$0x440] =	vst.add.f32.msk $0xffff, v2  }
0x5cf: {  	v2 =	vld [tilespmem:s25+$0xD0];
	_ =	sdelay $0x2  }
0x5d0: {  	[tilespmem:s24+$0x450] =	vst.add.f32.msk $0xffff, v0  }
0x5d1: {  	v0 =	vld [tilespmem:s14+$0xE0]  }
0x5d2: {  	[tilespmem:s11+$0x450] =	vst.add.f32.msk $0xffff, v2  }
0x5d3: {  	v2 =	vld [tilespmem:s25+$0xE0];
	_ =	sdelay $0x2  }
0x5d4: {  	[tilespmem:s24+$0x460] =	vst.add.f32.msk $0xffff, v0  }
0x5d5: {  	v0 =	vld [tilespmem:s14+$0xF0]  }
0x5d6: {  	[tilespmem:s11+$0x460] =	vst.add.f32.msk $0xffff, v2  }
0x5d7: {  	v2 =	vld [tilespmem:s25+$0xF0];
	_ =	sdelay $0x2  }
0x5d8: {  	[tilespmem:s24+$0x470] =	vst.add.f32.msk $0xffff, v0  }
0x5d9: {  	v0 =	vld [tilespmem:s14+$0x100]  }
0x5da: {  	[tilespmem:s11+$0x470] =	vst.add.f32.msk $0xffff, v2  }
0x5db: {  	v2 =	vld [tilespmem:s25+$0x100];
	_ =	sdelay $0x2  }
0x5dc: {  	[tilespmem:s15+$0x19980] =	vst.add.f32.msk $0xffff, v0  }
0x5dd: {  	v0 =	vld [tilespmem:s14+$0x110]  }
0x5de: {  	[tilespmem:s9+$0x19980] =	vst.add.f32.msk $0xffff, v2  }
0x5df: {  	v2 =	vld [tilespmem:s25+$0x110]  }
0x5e0: {  	s11 =	sadd.s32 $0x19980, s15  }
0x5e1: {  	s19 =	sor.u32 $0x10, s11  }
0x5e2: {  	s17 =	sadd.s32 $0x19980, s9;
	[tilespmem:s19+$0x0] =	vst.add.f32.msk $0xffff, v0  }
0x5e3: {  	s19 =	sor.u32 $0x10, s17;
	v0 =	vld [tilespmem:s14+$0x120]  }
0x5e4: {  	[tilespmem:s19+$0x0] =	vst.add.f32.msk $0xffff, v2  }
0x5e5: {  	v2 =	vld [tilespmem:s25+$0x120];
	_ =	sdelay $0x1  }
0x5e6: {  	s24 =	sor.u32 $0x20, s11  }
0x5e7: {  	[tilespmem:s24+$0x0] =	vst.add.f32.msk $0xffff, v0  }
0x5e8: {  	s26 =	sor.u32 $0x20, s17;
	v0 =	vld [tilespmem:s14+$0x130]  }
0x5e9: {  	[tilespmem:s26+$0x0] =	vst.add.f32.msk $0xffff, v2  }
0x5ea: {  	v2 =	vld [tilespmem:s25+$0x130];
	_ =	sdelay $0x1  }
0x5eb: {  	s24 =	sor.u32 $0x30, s11  }
0x5ec: {  	[tilespmem:s24+$0x0] =	vst.add.f32.msk $0xffff, v0  }
0x5ed: {  	v0 =	vld [tilespmem:s14+$0x140];
	s26 =	sor.u32 $0x30, s17  }
0x5ee: {  	[tilespmem:s26+$0x0] =	vst.add.f32.msk $0xffff, v2  }
0x5ef: {  	v2 =	vld [tilespmem:s25+$0x140];
	_ =	sdelay $0x1  }
0x5f0: {  	s24 =	sor.u32 $0x40, s11  }
0x5f1: {  	[tilespmem:s24+$0x0] =	vst.add.f32.msk $0xffff, v0  }
0x5f2: {  	v0 =	vld [tilespmem:s14+$0x150];
	s26 =	sor.u32 $0x40, s17  }
0x5f3: {  	[tilespmem:s26+$0x0] =	vst.add.f32.msk $0xffff, v2  }
0x5f4: {  	v2 =	vld [tilespmem:s25+$0x150];
	_ =	sdelay $0x1  }
0x5f5: {  	s24 =	sor.u32 $0x50, s11  }
0x5f6: {  	[tilespmem:s24+$0x0] =	vst.add.f32.msk $0xffff, v0  }
0x5f7: {  	v0 =	vld [tilespmem:s14+$0x160];
	s26 =	sor.u32 $0x50, s17  }
0x5f8: {  	[tilespmem:s26+$0x0] =	vst.add.f32.msk $0xffff, v2  }
0x5f9: {  	v2 =	vld [tilespmem:s25+$0x160];
	_ =	sdelay $0x1  }
0x5fa: {  	s24 =	sor.u32 $0x60, s11  }
0x5fb: {  	[tilespmem:s24+$0x0] =	vst.add.f32.msk $0xffff, v0  }
0x5fc: {  	v0 =	vld [tilespmem:s14+$0x170];
	s26 =	sor.u32 $0x60, s17  }
0x5fd: {  	[tilespmem:s26+$0x0] =	vst.add.f32.msk $0xffff, v2  }
0x5fe: {  	v2 =	vld [tilespmem:s25+$0x170];
	_ =	sdelay $0x1  }
0x5ff: {  	s11 =	sor.u32 $0x70, s11  }
0x600: {  	[tilespmem:s11+$0x0] =	vst.add.f32.msk $0xffff, v0  }
0x601: {  	s17 =	sor.u32 $0x70, s17;
	v0 =	vld [tilespmem:s14+$0x180]  }
0x602: {  	[tilespmem:s17+$0x0] =	vst.add.f32.msk $0xffff, v2  }
0x603: {  	v2 =	vld [tilespmem:s25+$0x180];
	_ =	sdelay $0x2  }
0x604: {  	[tilespmem:s15+$0x19D80] =	vst.add.f32.msk $0xffff, v0  }
0x605: {  	v0 =	vld [tilespmem:s14+$0x190]  }
0x606: {  	[tilespmem:s9+$0x19D80] =	vst.add.f32.msk $0xffff, v2  }
0x607: {  	v2 =	vld [tilespmem:s25+$0x190]  }
0x608: {  	s11 =	sadd.s32 $0x19D80, s15  }
0x609: {  	v3 =	vld [tilespmem:s7+$0x1D0];
	s19 =	sor.u32 $0x10, s11  }
0x60a: {  	s17 =	sadd.s32 $0x19D80, s9;
	[tilespmem:s19+$0x0] =	vst.add.f32.msk $0xffff, v0  }
0x60b: {  	s24 =	sor.u32 $0x10, s17;
	v0 =	vld [tilespmem:s14+$0x1A0]  }
0x60c: {  	[tilespmem:s24+$0x0] =	vst.add.f32.msk $0xffff, v2  }
0x60d: {  	s26 =	sor.u32 $0x40, s23;
	v2 =	vld [tilespmem:s25+$0x1A0]  }
0x60e: {  	[tilespmem:s26+$0x0] =	vst.add.f32.msk $0xffff, v1  }
0x60f: {  	v1 =	vld [tilespmem:s10+$0x2D0];
	s24 =	sor.u32 $0x20, s11  }
0x610: {  	[tilespmem:s24+$0x0] =	vst.add.f32.msk $0xffff, v0  }
0x611: {  	s26 =	sor.u32 $0x20, s17;
	v0 =	vld [tilespmem:s14+$0x1B0]  }
0x612: {  	[tilespmem:s26+$0x0] =	vst.add.f32.msk $0xffff, v2  }
0x613: {  	s24 =	sor.u32 $0x50, s28;
	v2 =	vld [tilespmem:s25+$0x1B0]  }
0x614: {  	[tilespmem:s24+$0x0] =	vst.add.f32.msk $0xffff, v3  }
0x615: {  	v3 =	vld [tilespmem:s7+$0x1E0];
	s26 =	sor.u32 $0x30, s11  }
0x616: {  	[tilespmem:s26+$0x0] =	vst.add.f32.msk $0xffff, v0  }
0x617: {  	s24 =	sor.u32 $0x30, s17;
	v0 =	vld [tilespmem:s14+$0x1C0]  }
0x618: {  	[tilespmem:s24+$0x0] =	vst.add.f32.msk $0xffff, v2  }
0x619: {  	s26 =	sor.u32 $0x50, s23;
	v2 =	vld [tilespmem:s25+$0x1C0]  }
0x61a: {  	[tilespmem:s26+$0x0] =	vst.add.f32.msk $0xffff, v1  }
0x61b: {  	v1 =	vld [tilespmem:s10+$0x2E0];
	s24 =	sor.u32 $0x40, s11  }
0x61c: {  	[tilespmem:s24+$0x0] =	vst.add.f32.msk $0xffff, v0  }
0x61d: {  	s26 =	sor.u32 $0x40, s17;
	v0 =	vld [tilespmem:s14+$0x1D0]  }
0x61e: {  	[tilespmem:s26+$0x0] =	vst.add.f32.msk $0xffff, v2  }
0x61f: {  	s24 =	sor.u32 $0x60, s28;
	v2 =	vld [tilespmem:s25+$0x1D0]  }
0x620: {  	[tilespmem:s24+$0x0] =	vst.add.f32.msk $0xffff, v3;
	s26 =	sor.u32 $0x60, s23  }
0x621: {  	s24 =	sor.u32 $0x50, s11;
	[tilespmem:s26+$0x0] =	vst.add.f32.msk $0xffff, v1  }
0x622: {  	[tilespmem:s24+$0x0] =	vst.add.f32.msk $0xffff, v0  }
0x623: {  	s26 =	sor.u32 $0x50, s17;
	v1 =	vld [tilespmem:s14+$0x1E0]  }
0x624: {  	[tilespmem:s26+$0x0] =	vst.add.f32.msk $0xffff, v2  }
0x625: {  	v2 =	vld [tilespmem:s25+$0x1E0]  }
0x626: {  	v3 =	vld [tilespmem:s7+$0x1F0]  }
0x627: {  	s19 =	sor.u32 $0x60, s11;
	v0 =	vld [tilespmem:s10+$0x2F0]  }
0x628: {  	[tilespmem:s19+$0x0] =	vst.add.f32.msk $0xffff, v1  }
0x629: {  	s24 =	sor.u32 $0x60, s17;
	v1 =	vld [tilespmem:s14+$0x1F0]  }
0x62a: {  	[tilespmem:s24+$0x0] =	vst.add.f32.msk $0xffff, v2  }
0x62b: {  	s26 =	sor.u32 $0x70, s28;
	v2 =	vld [tilespmem:s25+$0x1F0]  }
0x62c: {  	[tilespmem:s26+$0x0] =	vst.add.f32.msk $0xffff, v3  }
0x62d: {  	s28 =	sor.u32 $0x70, s11;
	v3 =	vld [tilespmem:s7+$0x200]  }
0x62e: {  	[tilespmem:s28+$0x0] =	vst.add.f32.msk $0xffff, v1  }
0x62f: {  	s11 =	sor.u32 $0x70, s17;
	v1 =	vld [tilespmem:s14+$0x200]  }
0x630: {  	[tilespmem:s11+$0x0] =	vst.add.f32.msk $0xffff, v2  }
0x631: {  	v2 =	vld [tilespmem:s25+$0x200]  }
0x632: {  	[tilespmem:s8+$0x1A180] =	vst.add.f32.msk $0xffff, v3  }
0x633: {  	v3 =	vld [tilespmem:s7+$0x210]  }
0x634: {  	[tilespmem:s15+$0x1A180] =	vst.add.f32.msk $0xffff, v1  }
0x635: {  	v1 =	vld [tilespmem:s14+$0x210]  }
0x636: {  	s10 =	sadd.s32 $0x1A180, s8;
	[tilespmem:s9+$0x1A180] =	vst.add.f32.msk $0xffff, v2  }
0x637: {  	s17 =	sor.u32 $0x10, s10;
	v2 =	vld [tilespmem:s25+$0x210]  }
0x638: {  	s11 =	sadd.s32 $0x1A180, s15;
	[tilespmem:s17+$0x0] =	vst.add.f32.msk $0xffff, v3  }
0x639: {  	s19 =	sor.u32 $0x10, s11;
	v3 =	vld [tilespmem:s7+$0x220]  }
0x63a: {  	s17 =	sadd.s32 $0x1A180, s9;
	[tilespmem:s19+$0x0] =	vst.add.f32.msk $0xffff, v1  }
0x63b: {  	s24 =	sor.u32 $0x10, s17;
	v1 =	vld [tilespmem:s14+$0x220]  }
0x63c: {  	[tilespmem:s24+$0x0] =	vst.add.f32.msk $0xffff, v2  }
0x63d: {  	s26 =	sor.u32 $0x20, s10;
	v2 =	vld [tilespmem:s25+$0x220]  }
0x63e: {  	[tilespmem:s26+$0x0] =	vst.add.f32.msk $0xffff, v3  }
0x63f: {  	s28 =	sor.u32 $0x20, s11;
	v3 =	vld [tilespmem:s7+$0x230]  }
0x640: {  	[tilespmem:s28+$0x0] =	vst.add.f32.msk $0xffff, v1  }
0x641: {  	s24 =	sor.u32 $0x20, s17;
	v1 =	vld [tilespmem:s14+$0x230]  }
0x642: {  	[tilespmem:s24+$0x0] =	vst.add.f32.msk $0xffff, v2  }
0x643: {  	s26 =	sor.u32 $0x30, s10;
	v2 =	vld [tilespmem:s25+$0x230]  }
0x644: {  	[tilespmem:s26+$0x0] =	vst.add.f32.msk $0xffff, v3  }
0x645: {  	s28 =	sor.u32 $0x30, s11;
	v3 =	vld [tilespmem:s7+$0x240]  }
0x646: {  	[tilespmem:s28+$0x0] =	vst.add.f32.msk $0xffff, v1  }
0x647: {  	s24 =	sor.u32 $0x30, s17;
	v1 =	vld [tilespmem:s14+$0x240]  }
0x648: {  	[tilespmem:s24+$0x0] =	vst.add.f32.msk $0xffff, v2  }
0x649: {  	s26 =	sor.u32 $0x40, s10;
	v2 =	vld [tilespmem:s25+$0x240]  }
0x64a: {  	[tilespmem:s26+$0x0] =	vst.add.f32.msk $0xffff, v3  }
0x64b: {  	s28 =	sor.u32 $0x40, s11;
	v3 =	vld [tilespmem:s7+$0x250]  }
0x64c: {  	[tilespmem:s28+$0x0] =	vst.add.f32.msk $0xffff, v1  }
0x64d: {  	s24 =	sor.u32 $0x40, s17;
	v1 =	vld [tilespmem:s14+$0x250]  }
0x64e: {  	[tilespmem:s24+$0x0] =	vst.add.f32.msk $0xffff, v2  }
0x64f: {  	s26 =	sor.u32 $0x50, s10;
	v2 =	vld [tilespmem:s25+$0x250]  }
0x650: {  	[tilespmem:s26+$0x0] =	vst.add.f32.msk $0xffff, v3  }
0x651: {  	s28 =	sor.u32 $0x50, s11;
	v3 =	vld [tilespmem:s7+$0x260]  }
0x652: {  	[tilespmem:s28+$0x0] =	vst.add.f32.msk $0xffff, v1  }
0x653: {  	s24 =	sor.u32 $0x50, s17;
	v1 =	vld [tilespmem:s14+$0x260]  }
0x654: {  	[tilespmem:s24+$0x0] =	vst.add.f32.msk $0xffff, v2  }
0x655: {  	s26 =	sor.u32 $0x60, s10;
	v2 =	vld [tilespmem:s25+$0x260]  }
0x656: {  	[tilespmem:s26+$0x0] =	vst.add.f32.msk $0xffff, v3  }
0x657: {  	s28 =	sor.u32 $0x60, s11;
	v3 =	vld [tilespmem:s7+$0x270]  }
0x658: {  	[tilespmem:s28+$0x0] =	vst.add.f32.msk $0xffff, v1  }
0x659: {  	s24 =	sor.u32 $0x60, s17;
	v1 =	vld [tilespmem:s14+$0x270]  }
0x65a: {  	[tilespmem:s24+$0x0] =	vst.add.f32.msk $0xffff, v2  }
0x65b: {  	s10 =	sor.u32 $0x70, s10;
	v2 =	vld [tilespmem:s25+$0x270]  }
0x65c: {  	[tilespmem:s10+$0x0] =	vst.add.f32.msk $0xffff, v3  }
0x65d: {  	s26 =	sor.u32 $0x70, s11;
	v3 =	vld [tilespmem:s7+$0x280]  }
0x65e: {  	[tilespmem:s26+$0x0] =	vst.add.f32.msk $0xffff, v1  }
0x65f: {  	s28 =	sor.u32 $0x70, s17;
	v1 =	vld [tilespmem:s14+$0x280]  }
0x660: {  	[tilespmem:s28+$0x0] =	vst.add.f32.msk $0xffff, v2  }
0x661: {  	v2 =	vld [tilespmem:s25+$0x280]  }
0x662: {  	[tilespmem:s8+$0x1A580] =	vst.add.f32.msk $0xffff, v3  }
0x663: {  	v3 =	vld [tilespmem:s7+$0x290]  }
0x664: {  	[tilespmem:s15+$0x1A580] =	vst.add.f32.msk $0xffff, v1  }
0x665: {  	v1 =	vld [tilespmem:s14+$0x290]  }
0x666: {  	s8 =	sadd.s32 $0x1A580, s8;
	[tilespmem:s9+$0x1A580] =	vst.add.f32.msk $0xffff, v2  }
0x667: {  	s11 =	sor.u32 $0x10, s8;
	v2 =	vld [tilespmem:s25+$0x290]  }
0x668: {  	s10 =	sadd.s32 $0x1A580, s15;
	[tilespmem:s11+$0x0] =	vst.add.f32.msk $0xffff, v3  }
0x669: {  	s15 =	sor.u32 $0x10, s10;
	v3 =	vld [tilespmem:s7+$0x2A0]  }
0x66a: {  	s9 =	sadd.s32 $0x1A580, s9;
	[tilespmem:s15+$0x0] =	vst.add.f32.msk $0xffff, v1  }
0x66b: {  	s17 =	sor.u32 $0x10, s9;
	v1 =	vld [tilespmem:s14+$0x2A0]  }
0x66c: {  	[tilespmem:s17+$0x0] =	vst.add.f32.msk $0xffff, v2  }
0x66d: {  	s19 =	sor.u32 $0x20, s8;
	v2 =	vld [tilespmem:s25+$0x2A0]  }
0x66e: {  	[tilespmem:s19+$0x0] =	vst.add.f32.msk $0xffff, v3  }
0x66f: {  	s24 =	sor.u32 $0x20, s10;
	v3 =	vld [tilespmem:s7+$0x2B0]  }
0x670: {  	[tilespmem:s24+$0x0] =	vst.add.f32.msk $0xffff, v1  }
0x671: {  	s26 =	sor.u32 $0x20, s9;
	v1 =	vld [tilespmem:s14+$0x2B0]  }
0x672: {  	[tilespmem:s26+$0x0] =	vst.add.f32.msk $0xffff, v2  }
0x673: {  	s28 =	sor.u32 $0x30, s8;
	v2 =	vld [tilespmem:s25+$0x2B0]  }
0x674: {  	[tilespmem:s28+$0x0] =	vst.add.f32.msk $0xffff, v3  }
0x675: {  	s15 =	sor.u32 $0x30, s10;
	v3 =	vld [tilespmem:s7+$0x2C0]  }
0x676: {  	[tilespmem:s15+$0x0] =	vst.add.f32.msk $0xffff, v1  }
0x677: {  	s17 =	sor.u32 $0x30, s9;
	v1 =	vld [tilespmem:s14+$0x2C0]  }
0x678: {  	[tilespmem:s17+$0x0] =	vst.add.f32.msk $0xffff, v2  }
0x679: {  	s19 =	sor.u32 $0x40, s8;
	v2 =	vld [tilespmem:s25+$0x2C0]  }
0x67a: {  	[tilespmem:s19+$0x0] =	vst.add.f32.msk $0xffff, v3  }
0x67b: {  	s24 =	sor.u32 $0x40, s10;
	v3 =	vld [tilespmem:s7+$0x2D0]  }
0x67c: {  	[tilespmem:s24+$0x0] =	vst.add.f32.msk $0xffff, v1  }
0x67d: {  	s26 =	sor.u32 $0x40, s9;
	v1 =	vld [tilespmem:s14+$0x2D0]  }
0x67e: {  	[tilespmem:s26+$0x0] =	vst.add.f32.msk $0xffff, v2  }
0x67f: {  	s28 =	sor.u32 $0x50, s8;
	v2 =	vld [tilespmem:s25+$0x2D0]  }
0x680: {  	[tilespmem:s28+$0x0] =	vst.add.f32.msk $0xffff, v3  }
0x681: {  	s15 =	sor.u32 $0x50, s10;
	v3 =	vld [tilespmem:s7+$0x2E0]  }
0x682: {  	[tilespmem:s15+$0x0] =	vst.add.f32.msk $0xffff, v1  }
0x683: {  	s17 =	sor.u32 $0x50, s9;
	v1 =	vld [tilespmem:s14+$0x2E0]  }
0x684: {  	[tilespmem:s17+$0x0] =	vst.add.f32.msk $0xffff, v2  }
0x685: {  	s19 =	sor.u32 $0x60, s8;
	v2 =	vld [tilespmem:s25+$0x2E0]  }
0x686: {  	[tilespmem:s19+$0x0] =	vst.add.f32.msk $0xffff, v3  }
0x687: {  	s24 =	sor.u32 $0x60, s10;
	v3 =	vld [tilespmem:s7+$0x2F0]  }
0x688: {  	[tilespmem:s24+$0x0] =	vst.add.f32.msk $0xffff, v1  }
0x689: {  	s26 =	sor.u32 $0x60, s9;
	v1 =	vld [tilespmem:s14+$0x2F0]  }
0x68a: {  	[tilespmem:s26+$0x0] =	vst.add.f32.msk $0xffff, v2  }
0x68b: {  	v2 =	vld [tilespmem:s25+$0x2F0]  }
0x68c: {  	s28 =	sor.u32 $0x70, s23  }
0x68d: {  	s8 =	sor.u32 $0x70, s8;
	[tilespmem:s28+$0x0] =	vst.add.f32.msk $0xffff, v0  }
0x68e: {  	s10 =	sor.u32 $0x70, s10;
	[tilespmem:s8+$0x0] =	vst.add.f32.msk $0xffff, v3  }
0x68f: {  	s11 =	sor.u32 $0x70, s9;
	[tilespmem:s10+$0x0] =	vst.add.f32.msk $0xffff, v1  }
0x690: {  	[tilespmem:s11+$0x0] =	vst.add.f32.msk $0xffff, v2  }
0x691: {  	s6 =	sadd.s32 s3, s6;
	s14 =	simm.s32 $0x19180;
	[bflag:$0x0] =	sbarrier.arrive $0xFFFF  }
0x692: {  	[hbm4b:s6+s4] =	stream.linear.scatter [tilespmem:s14], [sflag:$0x8], $0x3000, $0x38;
	[tilespmem:$0x1F180] =	vst v63  }
0x693: {  	_ =	swait.ge [sflag:s22], $0x3000  }
0x694: {  	p0 =	seq.s32 s0, $0x7;
	s7 =	rddreg [dreg:$0x7]  }
0x695: {  	[sflag:s22] =	ssyncset.done $0x0;
	s7 =	sadd.s32 @!p0 s12, s7  }
0x696: {  	s6 =	simm.s32 @!p0 $0x6;
	[sflag:s22] =	ssyncadd.s32 $0xFFFFD000;
	s7 =	sshrl.u32 @!p0 s7, $0x3  }
0x697: {  	_ =	swait.ge @!p0 [sflag:s6], $0x3000;
	s7 =	smul.u32 @!p0 $0x300, s7  }
0x698: {  	s8 =	simm.s32 @!p0 $0x13180;
	[sflag:s6] =	ssyncset.done @!p0 $0x0  }
0x699: {  	[sflag:s6] =	ssyncadd.s32 @!p0 $0xFFFFD000;
	s6 =	sadd.s32 @!p0 s1, s7;
	s7 =	simm.s32 @!p0 $0x0  }
0x69a: {  	[tilespmem:s8], [sflag:$0x2] =	stream.linear.gather @!p0 [hbm4b:s6+s7], $0x3000, $0x38;
	[tilespmem:$0x1F180] =	vst v63  }
0x69b: {  	v0 =	vld [tilespmem:s2+$0x0];
	_ =	sdelay $0x4  }
0x69c: {  	(v2sf) =	vpush v0, $0x0;
	_ =	sdelay $0xe  }
0x69d: {  	s15 =	spop (v2sf)  }
0x69e: {  	s6 =	smul.u32 $0xC00, s15;
	_ =	sdelay $0x1  }
0x69f: {  	s8 =	sshra.s32 s6, $0x2  }
0x6a0: {  	s17 =	simm.s32 $0x0;
	v0 =	vld [tilespmem:s8+$0x0]  }
0x6a1: {  	s6 =	smul.u32 $0x6000, s17  }
0x6a2: {  	s19 =	simm.s32 $0x0  }
0x6a3: {  	s7 =	sand.u32 $0x380, s19;
	s6 =	sshra.s32 s6, $0x2  }
0x6a4: {  	s9 =	sor.u32 s7, s6  }
0x6a5: {  	[tilespmem:s9+$0x1C180] =	vst.add.f32.msk $0xffff, v0  }
0x6a6: {  	v0 =	vld [tilespmem:s8+$0x10];
	_ =	sdelay $0x2  }
0x6a7: {  	s7 =	sadd.s32 $0x1C180, s9  }
0x6a8: {  	s23 =	sor.u32 $0x10, s7  }
0x6a9: {  	[tilespmem:s23+$0x0] =	vst.add.f32.msk $0xffff, v0  }
0x6aa: {  	v0 =	vld [tilespmem:s8+$0x20];
	_ =	sdelay $0x3  }
0x6ab: {  	s24 =	sor.u32 $0x20, s7  }
0x6ac: {  	[tilespmem:s24+$0x0] =	vst.add.f32.msk $0xffff, v0  }
0x6ad: {  	v0 =	vld [tilespmem:s8+$0x30];
	_ =	sdelay $0x3  }
0x6ae: {  	s25 =	sor.u32 $0x30, s7  }
0x6af: {  	[tilespmem:s25+$0x0] =	vst.add.f32.msk $0xffff, v0  }
0x6b0: {  	v0 =	vld [tilespmem:s8+$0x40];
	_ =	sdelay $0x3  }
0x6b1: {  	s26 =	sor.u32 $0x40, s7  }
0x6b2: {  	[tilespmem:s26+$0x0] =	vst.add.f32.msk $0xffff, v0  }
0x6b3: {  	v0 =	vld [tilespmem:s8+$0x50];
	_ =	sdelay $0x3  }
0x6b4: {  	s28 =	sor.u32 $0x50, s7  }
0x6b5: {  	[tilespmem:s28+$0x0] =	vst.add.f32.msk $0xffff, v0  }
0x6b6: {  	v0 =	vld [tilespmem:s8+$0x60];
	_ =	sdelay $0x3  }
0x6b7: {  	s10 =	sor.u32 $0x60, s7  }
0x6b8: {  	[tilespmem:s10+$0x0] =	vst.add.f32.msk $0xffff, v0  }
0x6b9: {  	v0 =	vld [tilespmem:s8+$0x70];
	_ =	sdelay $0x3  }
0x6ba: {  	s11 =	sor.u32 $0x70, s7  }
0x6bb: {  	[tilespmem:s11+$0x0] =	vst.add.f32.msk $0xffff, v0  }
0x6bc: {  	v0 =	vld [tilespmem:s8+$0x80];
	_ =	sdelay $0x4  }
0x6bd: {  	[tilespmem:s7+$0x400] =	vst.add.f32.msk $0xffff, v0  }
0x6be: {  	v0 =	vld [tilespmem:s8+$0x90];
	_ =	sdelay $0x4  }
0x6bf: {  	[tilespmem:s7+$0x410] =	vst.add.f32.msk $0xffff, v0  }
0x6c0: {  	v0 =	vld [tilespmem:s8+$0xA0];
	_ =	sdelay $0x4  }
0x6c1: {  	[tilespmem:s7+$0x420] =	vst.add.f32.msk $0xffff, v0  }
0x6c2: {  	v0 =	vld [tilespmem:s8+$0xB0];
	_ =	sdelay $0x2  }
0x6c3: {  	s10 =	sadd.s32 $0x1, s2  }
0x6c4: {  	v1 =	vld [tilespmem:s10+$0x0]  }
0x6c5: {  	[tilespmem:s7+$0x430] =	vst.add.f32.msk $0xffff, v0  }
0x6c6: {  	v0 =	vld [tilespmem:s8+$0xC0];
	_ =	sdelay $0x2  }
0x6c7: {  	(v2sf) =	vpush v1, $0x0;
	_ =	sdelay $0x1  }
0x6c8: {  	[tilespmem:s7+$0x440] =	vst.add.f32.msk $0xffff, v0  }
0x6c9: {  	v0 =	vld [tilespmem:s8+$0xD0];
	_ =	sdelay $0x4  }
0x6ca: {  	[tilespmem:s7+$0x450] =	vst.add.f32.msk $0xffff, v0  }
0x6cb: {  	v0 =	vld [tilespmem:s8+$0xE0];
	_ =	sdelay $0x4  }
0x6cc: {  	[tilespmem:s7+$0x460] =	vst.add.f32.msk $0xffff, v0  }
0x6cd: {  	s12 =	spop (v2sf);
	v0 =	vld [tilespmem:s8+$0xF0]  }
0x6ce: {  	s6 =	smul.u32 $0xC00, s12;
	_ =	sdelay $0x1  }
0x6cf: {  	s6 =	sshra.s32 s6, $0x2  }
0x6d0: {  	s14 =	simm.s32 $0x0;
	v1 =	vld [tilespmem:s6+$0x0]  }
0x6d1: {  	s15 =	smul.u32 $0x6000, s14;
	[tilespmem:s7+$0x470] =	vst.add.f32.msk $0xffff, v0  }
0x6d2: {  	s17 =	simm.s32 $0x80;
	v0 =	vld [tilespmem:s8+$0x100]  }
0x6d3: {  	s11 =	sand.u32 $0x380, s17;
	s7 =	sshra.s32 s15, $0x2  }
0x6d4: {  	s7 =	sor.u32 s11, s7  }
0x6d5: {  	[tilespmem:s7+$0x1C180] =	vst.add.f32.msk $0xffff, v1  }
0x6d6: {  	v1 =	vld [tilespmem:s6+$0x10]  }
0x6d7: {  	[tilespmem:s9+$0x1C980] =	vst.add.f32.msk $0xffff, v0  }
0x6d8: {  	v0 =	vld [tilespmem:s8+$0x110]  }
0x6d9: {  	s11 =	sadd.s32 $0x1C180, s7  }
0x6da: {  	s19 =	sor.u32 $0x10, s11  }
0x6db: {  	s12 =	sadd.s32 $0x1C980, s9;
	[tilespmem:s19+$0x0] =	vst.add.f32.msk $0xffff, v1  }
0x6dc: {  	s23 =	sor.u32 $0x10, s12;
	v1 =	vld [tilespmem:s6+$0x20]  }
0x6dd: {  	[tilespmem:s23+$0x0] =	vst.add.f32.msk $0xffff, v0  }
0x6de: {  	v0 =	vld [tilespmem:s8+$0x120];
	_ =	sdelay $0x1  }
0x6df: {  	s24 =	sor.u32 $0x20, s11  }
0x6e0: {  	[tilespmem:s24+$0x0] =	vst.add.f32.msk $0xffff, v1  }
0x6e1: {  	s25 =	sor.u32 $0x20, s12;
	v1 =	vld [tilespmem:s6+$0x30]  }
0x6e2: {  	[tilespmem:s25+$0x0] =	vst.add.f32.msk $0xffff, v0  }
0x6e3: {  	v0 =	vld [tilespmem:s8+$0x130];
	_ =	sdelay $0x1  }
0x6e4: {  	s26 =	sor.u32 $0x30, s11  }
0x6e5: {  	[tilespmem:s26+$0x0] =	vst.add.f32.msk $0xffff, v1  }
0x6e6: {  	s28 =	sor.u32 $0x30, s12;
	v1 =	vld [tilespmem:s6+$0x40]  }
0x6e7: {  	[tilespmem:s28+$0x0] =	vst.add.f32.msk $0xffff, v0  }
0x6e8: {  	v0 =	vld [tilespmem:s8+$0x140];
	_ =	sdelay $0x1  }
0x6e9: {  	s15 =	sor.u32 $0x40, s11  }
0x6ea: {  	[tilespmem:s15+$0x0] =	vst.add.f32.msk $0xffff, v1  }
0x6eb: {  	s17 =	sor.u32 $0x40, s12;
	v1 =	vld [tilespmem:s6+$0x50]  }
0x6ec: {  	[tilespmem:s17+$0x0] =	vst.add.f32.msk $0xffff, v0  }
0x6ed: {  	v0 =	vld [tilespmem:s8+$0x150];
	_ =	sdelay $0x1  }
0x6ee: {  	s19 =	sor.u32 $0x50, s11  }
0x6ef: {  	[tilespmem:s19+$0x0] =	vst.add.f32.msk $0xffff, v1  }
0x6f0: {  	s23 =	sor.u32 $0x50, s12;
	v1 =	vld [tilespmem:s6+$0x60]  }
0x6f1: {  	[tilespmem:s23+$0x0] =	vst.add.f32.msk $0xffff, v0  }
0x6f2: {  	v0 =	vld [tilespmem:s8+$0x160];
	_ =	sdelay $0x1  }
0x6f3: {  	s24 =	sor.u32 $0x60, s11  }
0x6f4: {  	[tilespmem:s24+$0x0] =	vst.add.f32.msk $0xffff, v1  }
0x6f5: {  	s25 =	sor.u32 $0x60, s12;
	v1 =	vld [tilespmem:s6+$0x70]  }
0x6f6: {  	[tilespmem:s25+$0x0] =	vst.add.f32.msk $0xffff, v0  }
0x6f7: {  	v0 =	vld [tilespmem:s8+$0x170];
	_ =	sdelay $0x1  }
0x6f8: {  	s26 =	sor.u32 $0x70, s11  }
0x6f9: {  	[tilespmem:s26+$0x0] =	vst.add.f32.msk $0xffff, v1  }
0x6fa: {  	s12 =	sor.u32 $0x70, s12;
	v1 =	vld [tilespmem:s6+$0x80]  }
0x6fb: {  	[tilespmem:s12+$0x0] =	vst.add.f32.msk $0xffff, v0  }
0x6fc: {  	v0 =	vld [tilespmem:s8+$0x180];
	_ =	sdelay $0x2  }
0x6fd: {  	[tilespmem:s11+$0x400] =	vst.add.f32.msk $0xffff, v1  }
0x6fe: {  	v1 =	vld [tilespmem:s6+$0x90]  }
0x6ff: {  	[tilespmem:s9+$0x1CD80] =	vst.add.f32.msk $0xffff, v0  }
0x700: {  	v0 =	vld [tilespmem:s8+$0x190];
	_ =	sdelay $0x2  }
0x701: {  	s12 =	sadd.s32 $0x1CD80, s9;
	[tilespmem:s11+$0x410] =	vst.add.f32.msk $0xffff, v1  }
0x702: {  	s28 =	sor.u32 $0x10, s12;
	v1 =	vld [tilespmem:s6+$0xA0]  }
0x703: {  	[tilespmem:s28+$0x0] =	vst.add.f32.msk $0xffff, v0  }
0x704: {  	v0 =	vld [tilespmem:s8+$0x1A0];
	_ =	sdelay $0x2  }
0x705: {  	[tilespmem:s11+$0x420] =	vst.add.f32.msk $0xffff, v1  }
0x706: {  	s15 =	sor.u32 $0x20, s12;
	v1 =	vld [tilespmem:s6+$0xB0]  }
0x707: {  	[tilespmem:s15+$0x0] =	vst.add.f32.msk $0xffff, v0  }
0x708: {  	v0 =	vld [tilespmem:s8+$0x1B0]  }
0x709: {  	s10 =	sadd.s32 $0x1, s10  }
0x70a: {  	v2 =	vld [tilespmem:s10+$0x0]  }
0x70b: {  	[tilespmem:s11+$0x430] =	vst.add.f32.msk $0xffff, v1  }
0x70c: {  	s17 =	sor.u32 $0x30, s12;
	v1 =	vld [tilespmem:s6+$0xC0]  }
0x70d: {  	[tilespmem:s17+$0x0] =	vst.add.f32.msk $0xffff, v0  }
0x70e: {  	v0 =	vld [tilespmem:s8+$0x1C0]  }
0x70f: {  	(v2sf) =	vpush v2, $0x0;
	_ =	sdelay $0x1  }
0x710: {  	[tilespmem:s11+$0x440] =	vst.add.f32.msk $0xffff, v1  }
0x711: {  	s19 =	sor.u32 $0x40, s12;
	v1 =	vld [tilespmem:s6+$0xD0]  }
0x712: {  	[tilespmem:s19+$0x0] =	vst.add.f32.msk $0xffff, v0  }
0x713: {  	v0 =	vld [tilespmem:s8+$0x1D0];
	_ =	sdelay $0x2  }
0x714: {  	[tilespmem:s11+$0x450] =	vst.add.f32.msk $0xffff, v1  }
0x715: {  	s23 =	sor.u32 $0x50, s12;
	v1 =	vld [tilespmem:s6+$0xE0]  }
0x716: {  	[tilespmem:s23+$0x0] =	vst.add.f32.msk $0xffff, v0  }
0x717: {  	v0 =	vld [tilespmem:s8+$0x1E0];
	_ =	sdelay $0x2  }
0x718: {  	[tilespmem:s11+$0x460] =	vst.add.f32.msk $0xffff, v1  }
0x719: {  	s25 =	spop (v2sf);
	s24 =	sor.u32 $0x60, s12;
	v1 =	vld [tilespmem:s6+$0xF0]  }
0x71a: {  	s26 =	smul.u32 $0xC00, s25;
	[tilespmem:s24+$0x0] =	vst.add.f32.msk $0xffff, v0  }
0x71b: {  	s23 =	sadd.s32 $0x1, s10;
	v0 =	vld [tilespmem:s8+$0x1F0]  }
0x71c: {  	s10 =	sshra.s32 s26, $0x2;
	v2 =	vld [tilespmem:s23+$0x0]  }
0x71d: {  	s28 =	simm.s32 $0x0;
	v3 =	vld [tilespmem:s10+$0x0]  }
0x71e: {  	s14 =	smul.u32 $0x6000, s28;
	[tilespmem:s11+$0x470] =	vst.add.f32.msk $0xffff, v1  }
0x71f: {  	s12 =	sor.u32 $0x70, s12;
	s24 =	simm.s32 $0x100;
	v1 =	vld [tilespmem:s6+$0x100]  }
0x720: {  	s15 =	sand.u32 $0x380, s24;
	s11 =	sshra.s32 s14, $0x2;
	[tilespmem:s12+$0x0] =	vst.add.f32.msk $0xffff, v0  }
0x721: {  	s12 =	sor.u32 s15, s11;
	v0 =	vld [tilespmem:s8+$0x200]  }
0x722: {  	[tilespmem:s12+$0x1C180] =	vst.add.f32.msk $0xffff, v3  }
0x723: {  	v3 =	vld [tilespmem:s10+$0x10]  }
0x724: {  	[tilespmem:s7+$0x1C980] =	vst.add.f32.msk $0xffff, v1  }
0x725: {  	v1 =	vld [tilespmem:s6+$0x110]  }
0x726: {  	s15 =	sadd.s32 $0x1C180, s12;
	[tilespmem:s9+$0x1D180] =	vst.add.f32.msk $0xffff, v0  }
0x727: {  	s17 =	sor.u32 $0x10, s15;
	v0 =	vld [tilespmem:s8+$0x210]  }
0x728: {  	s11 =	sadd.s32 $0x1C980, s7;
	[tilespmem:s17+$0x0] =	vst.add.f32.msk $0xffff, v3  }
0x729: {  	s19 =	sor.u32 $0x10, s11;
	v3 =	vld [tilespmem:s10+$0x20]  }
0x72a: {  	s14 =	sadd.s32 $0x1D180, s9;
	[tilespmem:s19+$0x0] =	vst.add.f32.msk $0xffff, v1  }
0x72b: {  	s25 =	sor.u32 $0x10, s14;
	v1 =	vld [tilespmem:s6+$0x120]  }
0x72c: {  	[tilespmem:s25+$0x0] =	vst.add.f32.msk $0xffff, v0  }
0x72d: {  	s26 =	sor.u32 $0x20, s15;
	v0 =	vld [tilespmem:s8+$0x220]  }
0x72e: {  	[tilespmem:s26+$0x0] =	vst.add.f32.msk $0xffff, v3  }
0x72f: {  	s28 =	sor.u32 $0x20, s11;
	v3 =	vld [tilespmem:s10+$0x30]  }
0x730: {  	[tilespmem:s28+$0x0] =	vst.add.f32.msk $0xffff, v1  }
0x731: {  	s19 =	sor.u32 $0x20, s14;
	v1 =	vld [tilespmem:s6+$0x130]  }
0x732: {  	[tilespmem:s19+$0x0] =	vst.add.f32.msk $0xffff, v0  }
0x733: {  	s25 =	sor.u32 $0x30, s15;
	v0 =	vld [tilespmem:s8+$0x230]  }
0x734: {  	[tilespmem:s25+$0x0] =	vst.add.f32.msk $0xffff, v3  }
0x735: {  	s26 =	sor.u32 $0x30, s11;
	v3 =	vld [tilespmem:s10+$0x40]  }
0x736: {  	[tilespmem:s26+$0x0] =	vst.add.f32.msk $0xffff, v1  }
0x737: {  	s28 =	sor.u32 $0x30, s14;
	v1 =	vld [tilespmem:s6+$0x140]  }
0x738: {  	[tilespmem:s28+$0x0] =	vst.add.f32.msk $0xffff, v0  }
0x739: {  	s19 =	sor.u32 $0x40, s15;
	v0 =	vld [tilespmem:s8+$0x240]  }
0x73a: {  	[tilespmem:s19+$0x0] =	vst.add.f32.msk $0xffff, v3  }
0x73b: {  	s25 =	sor.u32 $0x40, s11;
	v3 =	vld [tilespmem:s10+$0x50]  }
0x73c: {  	[tilespmem:s25+$0x0] =	vst.add.f32.msk $0xffff, v1  }
0x73d: {  	s26 =	sor.u32 $0x40, s14;
	v1 =	vld [tilespmem:s6+$0x150]  }
0x73e: {  	[tilespmem:s26+$0x0] =	vst.add.f32.msk $0xffff, v0  }
0x73f: {  	s28 =	sor.u32 $0x50, s15;
	v0 =	vld [tilespmem:s8+$0x250]  }
0x740: {  	[tilespmem:s28+$0x0] =	vst.add.f32.msk $0xffff, v3  }
0x741: {  	s19 =	sor.u32 $0x50, s11;
	v3 =	vld [tilespmem:s10+$0x60]  }
0x742: {  	[tilespmem:s19+$0x0] =	vst.add.f32.msk $0xffff, v1  }
0x743: {  	s25 =	sor.u32 $0x50, s14;
	v1 =	vld [tilespmem:s6+$0x160]  }
0x744: {  	[tilespmem:s25+$0x0] =	vst.add.f32.msk $0xffff, v0  }
0x745: {  	s26 =	sor.u32 $0x60, s15;
	v0 =	vld [tilespmem:s8+$0x260]  }
0x746: {  	[tilespmem:s26+$0x0] =	vst.add.f32.msk $0xffff, v3  }
0x747: {  	s28 =	sor.u32 $0x60, s11;
	v3 =	vld [tilespmem:s10+$0x70]  }
0x748: {  	[tilespmem:s28+$0x0] =	vst.add.f32.msk $0xffff, v1  }
0x749: {  	s19 =	sor.u32 $0x60, s14;
	v1 =	vld [tilespmem:s6+$0x170]  }
0x74a: {  	[tilespmem:s19+$0x0] =	vst.add.f32.msk $0xffff, v0  }
0x74b: {  	s25 =	sor.u32 $0x70, s15;
	v0 =	vld [tilespmem:s8+$0x270]  }
0x74c: {  	[tilespmem:s25+$0x0] =	vst.add.f32.msk $0xffff, v3  }
0x74d: {  	s11 =	sor.u32 $0x70, s11;
	v3 =	vld [tilespmem:s10+$0x80]  }
0x74e: {  	[tilespmem:s11+$0x0] =	vst.add.f32.msk $0xffff, v1  }
0x74f: {  	s26 =	sor.u32 $0x70, s14;
	v1 =	vld [tilespmem:s6+$0x180]  }
0x750: {  	[tilespmem:s26+$0x0] =	vst.add.f32.msk $0xffff, v0  }
0x751: {  	v0 =	vld [tilespmem:s8+$0x280]  }
0x752: {  	[tilespmem:s15+$0x400] =	vst.add.f32.msk $0xffff, v3  }
0x753: {  	v3 =	vld [tilespmem:s10+$0x90]  }
0x754: {  	[tilespmem:s7+$0x1CD80] =	vst.add.f32.msk $0xffff, v1  }
0x755: {  	v1 =	vld [tilespmem:s6+$0x190]  }
0x756: {  	[tilespmem:s9+$0x1D580] =	vst.add.f32.msk $0xffff, v0  }
0x757: {  	v0 =	vld [tilespmem:s8+$0x290]  }
0x758: {  	s25 =	sadd.s32 $0x1CD80, s7;
	[tilespmem:s15+$0x410] =	vst.add.f32.msk $0xffff, v3  }
0x759: {  	s28 =	sor.u32 $0x10, s25;
	v3 =	vld [tilespmem:s10+$0xA0]  }
0x75a: {  	s14 =	sadd.s32 $0x1D580, s9;
	[tilespmem:s28+$0x0] =	vst.add.f32.msk $0xffff, v1  }
0x75b: {  	s9 =	sor.u32 $0x10, s14;
	v1 =	vld [tilespmem:s6+$0x1A0]  }
0x75c: {  	[tilespmem:s9+$0x0] =	vst.add.f32.msk $0xffff, v0  }
0x75d: {  	v0 =	vld [tilespmem:s8+$0x2A0]  }
0x75e: {  	[tilespmem:s15+$0x420] =	vst.add.f32.msk $0xffff, v3  }
0x75f: {  	s11 =	sor.u32 $0x20, s25;
	v3 =	vld [tilespmem:s10+$0xB0]  }
0x760: {  	[tilespmem:s11+$0x0] =	vst.add.f32.msk $0xffff, v1  }
0x761: {  	s17 =	sor.u32 $0x20, s14;
	v1 =	vld [tilespmem:s6+$0x1B0]  }
0x762: {  	[tilespmem:s17+$0x0] =	vst.add.f32.msk $0xffff, v0  }
0x763: {  	v0 =	vld [tilespmem:s8+$0x2B0]  }
0x764: {  	[tilespmem:s15+$0x430] =	vst.add.f32.msk $0xffff, v3  }
0x765: {  	s19 =	sor.u32 $0x30, s25;
	v3 =	vld [tilespmem:s10+$0xC0]  }
0x766: {  	[tilespmem:s19+$0x0] =	vst.add.f32.msk $0xffff, v1  }
0x767: {  	s26 =	sor.u32 $0x30, s14;
	v4 =	vld [tilespmem:s6+$0x1C0]  }
0x768: {  	[tilespmem:s26+$0x0] =	vst.add.f32.msk $0xffff, v0  }
0x769: {  	v1 =	vld [tilespmem:s8+$0x2C0]  }
0x76a: {  	(v2sf) =	vpush v2, $0x0;
	[tilespmem:s15+$0x440] =	vst.add.f32.msk $0xffff, v3  }
0x76b: {  	s28 =	sor.u32 $0x40, s25;
	v0 =	vld [tilespmem:s10+$0xD0]  }
0x76c: {  	s9 =	simm.s32 $0x4;
	s11 =	simm.s32 $0x3;
	[tilespmem:s28+$0x0] =	vst.add.f32.msk $0xffff, v4  }
.LBB2_9:
0x76d: {  	p0 =	sne.s32 s9, $0xF;
	v2 =	vld [tilespmem:s6+$0x1D0];
	s17 =	sor.u32 $0x40, s14  }
0x76e: {  	[tilespmem:s17+$0x0] =	vst.add.f32.msk $0xffff, v1  }
0x76f: {  	v1 =	vld [tilespmem:s8+$0x2D0]  }
0x770: {  	[tilespmem:s15+$0x450] =	vst.add.f32.msk $0xffff, v0  }
0x771: {  	s17 =	sor.u32 $0x50, s25;
	v3 =	vld [tilespmem:s10+$0xE0]  }
0x772: {  	[tilespmem:s17+$0x0] =	vst.add.f32.msk $0xffff, v2  }
0x773: {  	s17 =	sor.u32 $0x50, s14;
	v2 =	vld [tilespmem:s6+$0x1E0]  }
0x774: {  	[tilespmem:s17+$0x0] =	vst.add.f32.msk $0xffff, v1  }
0x775: {  	s23 =	sadd.s32 $0x1, s23;
	v1 =	vld [tilespmem:s8+$0x2E0]  }
0x776: {  	v0 =	vld [tilespmem:s23+$0x0]  }
0x777: {  	[tilespmem:s15+$0x460] =	vst.add.f32.msk $0xffff, v3  }
0x778: {  	s17 =	sor.u32 $0x60, s25;
	v3 =	vld [tilespmem:s10+$0xF0]  }
0x779: {  	s19 =	spop (v2sf);
	[tilespmem:s17+$0x0] =	vst.add.f32.msk $0xffff, v2;
	s17 =	sor.u32 $0x60, s14  }
0x77a: {  	s19 =	smul.u32 $0xC00, s19;
	[tilespmem:s17+$0x0] =	vst.add.f32.msk $0xffff, v1  }
0x77b: {  	v1 =	vld [tilespmem:s8+$0x2F0];
	s8 =	smov.u32 s6;
	s6 =	smov.u32 s10  }
0x77c: {  	s10 =	sshra.s32 s19, $0x2;
	v2 =	vld [tilespmem:s8+$0x1F0]  }
0x77d: {  	v4 =	vld [tilespmem:s10+$0x0]  }
0x77e: {  	s17 =	sshrl.u32 s11, $0x3;
	s11 =	smov.u32 s9;
	[tilespmem:s15+$0x470] =	vst.add.f32.msk $0xffff, v3  }
0x77f: {  	s14 =	sor.u32 $0x70, s14;
	s15 =	smul.u32 $0x6000, s17;
	v3 =	vld [tilespmem:s6+$0x100]  }
0x780: {  	s24 =	sadd.s32 $0x80, s24;
	s17 =	sor.u32 $0x70, s25;
	[tilespmem:s14+$0x0] =	vst.add.f32.msk $0xffff, v1  }
0x781: {  	s14 =	sand.u32 $0x380, s24;
	s15 =	sshra.s32 s15, $0x2;
	[tilespmem:s17+$0x0] =	vst.add.f32.msk $0xffff, v2  }
0x782: {  	s17 =	sor.u32 s14, s15;
	v1 =	vld [tilespmem:s8+$0x200]  }
0x783: {  	[tilespmem:s17+$0x1C180] =	vst.add.f32.msk $0xffff, v4  }
0x784: {  	v2 =	vld [tilespmem:s10+$0x10]  }
0x785: {  	[tilespmem:s12+$0x1C980] =	vst.add.f32.msk $0xffff, v3  }
0x786: {  	v3 =	vld [tilespmem:s6+$0x110]  }
0x787: {  	s15 =	sadd.s32 $0x1C180, s17;
	[tilespmem:s7+$0x1D180] =	vst.add.f32.msk $0xffff, v1  }
0x788: {  	s14 =	sor.u32 $0x10, s15;
	v1 =	vld [tilespmem:s8+$0x210]  }
0x789: {  	[tilespmem:s14+$0x0] =	vst.add.f32.msk $0xffff, v2;
	s14 =	sadd.s32 $0x1C980, s12  }
0x78a: {  	v2 =	vld [tilespmem:s10+$0x20];
	s19 =	sor.u32 $0x10, s14  }
0x78b: {  	s25 =	sadd.s32 $0x1D180, s7;
	[tilespmem:s19+$0x0] =	vst.add.f32.msk $0xffff, v3  }
0x78c: {  	s19 =	sor.u32 $0x10, s25;
	v3 =	vld [tilespmem:s6+$0x120]  }
0x78d: {  	[tilespmem:s19+$0x0] =	vst.add.f32.msk $0xffff, v1  }
0x78e: {  	s19 =	sor.u32 $0x20, s15;
	v1 =	vld [tilespmem:s8+$0x220]  }
0x78f: {  	[tilespmem:s19+$0x0] =	vst.add.f32.msk $0xffff, v2  }
0x790: {  	s19 =	sor.u32 $0x20, s14;
	v2 =	vld [tilespmem:s10+$0x30]  }
0x791: {  	[tilespmem:s19+$0x0] =	vst.add.f32.msk $0xffff, v3  }
0x792: {  	s19 =	sor.u32 $0x20, s25;
	v3 =	vld [tilespmem:s6+$0x130]  }
0x793: {  	[tilespmem:s19+$0x0] =	vst.add.f32.msk $0xffff, v1  }
0x794: {  	s19 =	sor.u32 $0x30, s15;
	v1 =	vld [tilespmem:s8+$0x230]  }
0x795: {  	[tilespmem:s19+$0x0] =	vst.add.f32.msk $0xffff, v2  }
0x796: {  	s19 =	sor.u32 $0x30, s14;
	v2 =	vld [tilespmem:s10+$0x40]  }
0x797: {  	[tilespmem:s19+$0x0] =	vst.add.f32.msk $0xffff, v3  }
0x798: {  	s19 =	sor.u32 $0x30, s25;
	v3 =	vld [tilespmem:s6+$0x140]  }
0x799: {  	[tilespmem:s19+$0x0] =	vst.add.f32.msk $0xffff, v1  }
0x79a: {  	s19 =	sor.u32 $0x40, s15;
	v1 =	vld [tilespmem:s8+$0x240]  }
0x79b: {  	[tilespmem:s19+$0x0] =	vst.add.f32.msk $0xffff, v2  }
0x79c: {  	s19 =	sor.u32 $0x40, s14;
	v2 =	vld [tilespmem:s10+$0x50]  }
0x79d: {  	[tilespmem:s19+$0x0] =	vst.add.f32.msk $0xffff, v3  }
0x79e: {  	s19 =	sor.u32 $0x40, s25;
	v3 =	vld [tilespmem:s6+$0x150]  }
0x79f: {  	[tilespmem:s19+$0x0] =	vst.add.f32.msk $0xffff, v1  }
0x7a0: {  	s19 =	sor.u32 $0x50, s15;
	v1 =	vld [tilespmem:s8+$0x250]  }
0x7a1: {  	[tilespmem:s19+$0x0] =	vst.add.f32.msk $0xffff, v2  }
0x7a2: {  	s19 =	sor.u32 $0x50, s14;
	v2 =	vld [tilespmem:s10+$0x60]  }
0x7a3: {  	[tilespmem:s19+$0x0] =	vst.add.f32.msk $0xffff, v3  }
0x7a4: {  	s19 =	sor.u32 $0x50, s25;
	v3 =	vld [tilespmem:s6+$0x160]  }
0x7a5: {  	[tilespmem:s19+$0x0] =	vst.add.f32.msk $0xffff, v1  }
0x7a6: {  	s19 =	sor.u32 $0x60, s15;
	v1 =	vld [tilespmem:s8+$0x260]  }
0x7a7: {  	[tilespmem:s19+$0x0] =	vst.add.f32.msk $0xffff, v2  }
0x7a8: {  	s19 =	sor.u32 $0x60, s14;
	v2 =	vld [tilespmem:s10+$0x70]  }
0x7a9: {  	[tilespmem:s19+$0x0] =	vst.add.f32.msk $0xffff, v3  }
0x7aa: {  	s19 =	sor.u32 $0x60, s25;
	v3 =	vld [tilespmem:s6+$0x170]  }
0x7ab: {  	[tilespmem:s19+$0x0] =	vst.add.f32.msk $0xffff, v1  }
0x7ac: {  	s19 =	sor.u32 $0x70, s15;
	v1 =	vld [tilespmem:s8+$0x270]  }
0x7ad: {  	[tilespmem:s19+$0x0] =	vst.add.f32.msk $0xffff, v2  }
0x7ae: {  	s14 =	sor.u32 $0x70, s14;
	v2 =	vld [tilespmem:s10+$0x80]  }
0x7af: {  	[tilespmem:s14+$0x0] =	vst.add.f32.msk $0xffff, v3  }
0x7b0: {  	s14 =	sor.u32 $0x70, s25;
	v3 =	vld [tilespmem:s6+$0x180]  }
0x7b1: {  	[tilespmem:s14+$0x0] =	vst.add.f32.msk $0xffff, v1  }
0x7b2: {  	v1 =	vld [tilespmem:s8+$0x280]  }
0x7b3: {  	[tilespmem:s15+$0x400] =	vst.add.f32.msk $0xffff, v2  }
0x7b4: {  	v2 =	vld [tilespmem:s10+$0x90]  }
0x7b5: {  	[tilespmem:s12+$0x1CD80] =	vst.add.f32.msk $0xffff, v3  }
0x7b6: {  	v3 =	vld [tilespmem:s6+$0x190]  }
0x7b7: {  	[tilespmem:s7+$0x1D580] =	vst.add.f32.msk $0xffff, v1  }
0x7b8: {  	v1 =	vld [tilespmem:s8+$0x290]  }
0x7b9: {  	s25 =	sadd.s32 $0x1CD80, s12;
	[tilespmem:s15+$0x410] =	vst.add.f32.msk $0xffff, v2  }
0x7ba: {  	s14 =	sor.u32 $0x10, s25;
	v2 =	vld [tilespmem:s10+$0xA0]  }
0x7bb: {  	[tilespmem:s14+$0x0] =	vst.add.f32.msk $0xffff, v3;
	s14 =	sadd.s32 $0x1D580, s7;
	s7 =	smov.u32 s12;
	s12 =	smov.u32 s17  }
0x7bc: {  	v3 =	vld [tilespmem:s6+$0x1A0];
	s17 =	sor.u32 $0x10, s14  }
0x7bd: {  	[tilespmem:s17+$0x0] =	vst.add.f32.msk $0xffff, v1  }
0x7be: {  	v1 =	vld [tilespmem:s8+$0x2A0]  }
0x7bf: {  	[tilespmem:s15+$0x420] =	vst.add.f32.msk $0xffff, v2  }
0x7c0: {  	s17 =	sor.u32 $0x20, s25;
	v2 =	vld [tilespmem:s10+$0xB0]  }
0x7c1: {  	[tilespmem:s17+$0x0] =	vst.add.f32.msk $0xffff, v3  }
0x7c2: {  	s17 =	sor.u32 $0x20, s14;
	v3 =	vld [tilespmem:s6+$0x1B0]  }
0x7c3: {  	[tilespmem:s17+$0x0] =	vst.add.f32.msk $0xffff, v1  }
0x7c4: {  	v1 =	vld [tilespmem:s8+$0x2B0]  }
0x7c5: {  	[tilespmem:s15+$0x430] =	vst.add.f32.msk $0xffff, v2  }
0x7c6: {  	s17 =	sor.u32 $0x30, s25;
	v2 =	vld [tilespmem:s10+$0xC0]  }
0x7c7: {  	[tilespmem:s17+$0x0] =	vst.add.f32.msk $0xffff, v3  }
0x7c8: {  	s17 =	sor.u32 $0x30, s14;
	v3 =	vld [tilespmem:s6+$0x1C0]  }
.Ltmp3:
0x7c9: {  	[tilespmem:s17+$0x0] =	vst.add.f32.msk $0xffff, v1;
	(pc) =	sbr.rel @p0 .LBB2_9-.Ltmp3, $4  }
0x7ca: {  	v1 =	vld [tilespmem:s8+$0x2C0]  }
0x7cb: {  	(v2sf) =	vpush v0, $0x0;
	[tilespmem:s15+$0x440] =	vst.add.f32.msk $0xffff, v2  }
0x7cc: {  	s17 =	sor.u32 $0x40, s25;
	v0 =	vld [tilespmem:s10+$0xD0]  }
0x7cd: {  	s9 =	sadd.s32 $0x1, s9;
	[tilespmem:s17+$0x0] =	vst.add.f32.msk $0xffff, v3  }
0x7ce: {  	_ =	sdelay $0xb  }
0x7cf: {  	s9 =	spop (v2sf)  }
0x7d0: {  	s9 =	smul.u32 $0xC00, s9;
	_ =	sdelay $0x1  }
0x7d1: {  	s23 =	sshra.s32 s9, $0x2  }
0x7d2: {  	s19 =	sshrl.u32 s11, $0x3;
	v2 =	vld [tilespmem:s23+$0x0]  }
0x7d3: {  	s9 =	smul.u32 $0x6000, s19  }
0x7d4: {  	s24 =	sadd.s32 $0x80, s24  }
0x7d5: {  	s11 =	sand.u32 $0x380, s24;
	s9 =	sshra.s32 s9, $0x2  }
0x7d6: {  	s9 =	sor.u32 s11, s9  }
0x7d7: {  	[tilespmem:s9+$0x1C180] =	vst.add.f32.msk $0xffff, v2  }
0x7d8: {  	v2 =	vld [tilespmem:s23+$0x10];
	_ =	sdelay $0x2  }
0x7d9: {  	s11 =	sadd.s32 $0x1C180, s9  }
0x7da: {  	s17 =	sor.u32 $0x10, s11  }
0x7db: {  	[tilespmem:s17+$0x0] =	vst.add.f32.msk $0xffff, v2  }
0x7dc: {  	v2 =	vld [tilespmem:s23+$0x20];
	_ =	sdelay $0x3  }
0x7dd: {  	s26 =	sor.u32 $0x20, s11  }
0x7de: {  	[tilespmem:s26+$0x0] =	vst.add.f32.msk $0xffff, v2  }
0x7df: {  	v2 =	vld [tilespmem:s23+$0x30];
	_ =	sdelay $0x3  }
0x7e0: {  	s28 =	sor.u32 $0x30, s11  }
0x7e1: {  	[tilespmem:s28+$0x0] =	vst.add.f32.msk $0xffff, v2  }
0x7e2: {  	v2 =	vld [tilespmem:s23+$0x40];
	_ =	sdelay $0x3  }
0x7e3: {  	s19 =	sor.u32 $0x40, s11  }
0x7e4: {  	[tilespmem:s19+$0x0] =	vst.add.f32.msk $0xffff, v2  }
0x7e5: {  	v2 =	vld [tilespmem:s23+$0x50];
	_ =	sdelay $0x3  }
0x7e6: {  	s24 =	sor.u32 $0x50, s11  }
0x7e7: {  	[tilespmem:s24+$0x0] =	vst.add.f32.msk $0xffff, v2  }
0x7e8: {  	v2 =	vld [tilespmem:s23+$0x60];
	_ =	sdelay $0x3  }
0x7e9: {  	s26 =	sor.u32 $0x60, s11  }
0x7ea: {  	[tilespmem:s26+$0x0] =	vst.add.f32.msk $0xffff, v2  }
0x7eb: {  	v2 =	vld [tilespmem:s23+$0x70];
	_ =	sdelay $0x3  }
0x7ec: {  	s28 =	sor.u32 $0x70, s11  }
0x7ed: {  	[tilespmem:s28+$0x0] =	vst.add.f32.msk $0xffff, v2  }
0x7ee: {  	v2 =	vld [tilespmem:s23+$0x80];
	_ =	sdelay $0x4  }
0x7ef: {  	[tilespmem:s11+$0x400] =	vst.add.f32.msk $0xffff, v2  }
0x7f0: {  	v2 =	vld [tilespmem:s23+$0x90];
	_ =	sdelay $0x4  }
0x7f1: {  	[tilespmem:s11+$0x410] =	vst.add.f32.msk $0xffff, v2  }
0x7f2: {  	v2 =	vld [tilespmem:s23+$0xA0];
	_ =	sdelay $0x4  }
0x7f3: {  	[tilespmem:s11+$0x420] =	vst.add.f32.msk $0xffff, v2  }
0x7f4: {  	v2 =	vld [tilespmem:s23+$0xB0];
	_ =	sdelay $0x4  }
0x7f5: {  	[tilespmem:s11+$0x430] =	vst.add.f32.msk $0xffff, v2  }
0x7f6: {  	v2 =	vld [tilespmem:s23+$0xC0];
	_ =	sdelay $0x4  }
0x7f7: {  	[tilespmem:s11+$0x440] =	vst.add.f32.msk $0xffff, v2  }
0x7f8: {  	v2 =	vld [tilespmem:s23+$0xD0];
	_ =	sdelay $0x2  }
0x7f9: {  	[tilespmem:s15+$0x450] =	vst.add.f32.msk $0xffff, v0  }
0x7fa: {  	v0 =	vld [tilespmem:s10+$0xE0]  }
0x7fb: {  	[tilespmem:s11+$0x450] =	vst.add.f32.msk $0xffff, v2  }
0x7fc: {  	v2 =	vld [tilespmem:s23+$0xE0];
	_ =	sdelay $0x2  }
0x7fd: {  	[tilespmem:s15+$0x460] =	vst.add.f32.msk $0xffff, v0  }
0x7fe: {  	v0 =	vld [tilespmem:s10+$0xF0]  }
0x7ff: {  	[tilespmem:s11+$0x460] =	vst.add.f32.msk $0xffff, v2  }
0x800: {  	v2 =	vld [tilespmem:s23+$0xF0];
	_ =	sdelay $0x2  }
0x801: {  	[tilespmem:s15+$0x470] =	vst.add.f32.msk $0xffff, v0  }
0x802: {  	v0 =	vld [tilespmem:s10+$0x100]  }
0x803: {  	[tilespmem:s11+$0x470] =	vst.add.f32.msk $0xffff, v2  }
0x804: {  	v2 =	vld [tilespmem:s23+$0x100];
	_ =	sdelay $0x2  }
0x805: {  	[tilespmem:s12+$0x1C980] =	vst.add.f32.msk $0xffff, v0  }
0x806: {  	v0 =	vld [tilespmem:s10+$0x110]  }
0x807: {  	[tilespmem:s9+$0x1C980] =	vst.add.f32.msk $0xffff, v2  }
0x808: {  	v2 =	vld [tilespmem:s23+$0x110]  }
0x809: {  	s11 =	sadd.s32 $0x1C980, s12  }
0x80a: {  	s19 =	sor.u32 $0x10, s11  }
0x80b: {  	s15 =	sadd.s32 $0x1C980, s9;
	[tilespmem:s19+$0x0] =	vst.add.f32.msk $0xffff, v0  }
0x80c: {  	s24 =	sor.u32 $0x10, s15;
	v0 =	vld [tilespmem:s10+$0x120]  }
0x80d: {  	[tilespmem:s24+$0x0] =	vst.add.f32.msk $0xffff, v2  }
0x80e: {  	v2 =	vld [tilespmem:s23+$0x120];
	_ =	sdelay $0x1  }
0x80f: {  	s26 =	sor.u32 $0x20, s11  }
0x810: {  	[tilespmem:s26+$0x0] =	vst.add.f32.msk $0xffff, v0  }
0x811: {  	s28 =	sor.u32 $0x20, s15;
	v0 =	vld [tilespmem:s10+$0x130]  }
0x812: {  	[tilespmem:s28+$0x0] =	vst.add.f32.msk $0xffff, v2  }
0x813: {  	v2 =	vld [tilespmem:s23+$0x130];
	_ =	sdelay $0x1  }
0x814: {  	s19 =	sor.u32 $0x30, s11  }
0x815: {  	[tilespmem:s19+$0x0] =	vst.add.f32.msk $0xffff, v0  }
0x816: {  	s24 =	sor.u32 $0x30, s15;
	v0 =	vld [tilespmem:s10+$0x140]  }
0x817: {  	[tilespmem:s24+$0x0] =	vst.add.f32.msk $0xffff, v2  }
0x818: {  	v2 =	vld [tilespmem:s23+$0x140];
	_ =	sdelay $0x1  }
0x819: {  	s26 =	sor.u32 $0x40, s11  }
0x81a: {  	[tilespmem:s26+$0x0] =	vst.add.f32.msk $0xffff, v0  }
0x81b: {  	s28 =	sor.u32 $0x40, s15;
	v0 =	vld [tilespmem:s10+$0x150]  }
0x81c: {  	[tilespmem:s28+$0x0] =	vst.add.f32.msk $0xffff, v2  }
0x81d: {  	v2 =	vld [tilespmem:s23+$0x150];
	_ =	sdelay $0x1  }
0x81e: {  	s19 =	sor.u32 $0x50, s11  }
0x81f: {  	[tilespmem:s19+$0x0] =	vst.add.f32.msk $0xffff, v0  }
0x820: {  	s24 =	sor.u32 $0x50, s15;
	v0 =	vld [tilespmem:s10+$0x160]  }
0x821: {  	[tilespmem:s24+$0x0] =	vst.add.f32.msk $0xffff, v2  }
0x822: {  	v2 =	vld [tilespmem:s23+$0x160];
	_ =	sdelay $0x1  }
0x823: {  	s26 =	sor.u32 $0x60, s11  }
0x824: {  	[tilespmem:s26+$0x0] =	vst.add.f32.msk $0xffff, v0  }
0x825: {  	s28 =	sor.u32 $0x60, s15;
	v0 =	vld [tilespmem:s10+$0x170]  }
0x826: {  	[tilespmem:s28+$0x0] =	vst.add.f32.msk $0xffff, v2  }
0x827: {  	v2 =	vld [tilespmem:s23+$0x170];
	_ =	sdelay $0x1  }
0x828: {  	s11 =	sor.u32 $0x70, s11  }
0x829: {  	[tilespmem:s11+$0x0] =	vst.add.f32.msk $0xffff, v0  }
0x82a: {  	s15 =	sor.u32 $0x70, s15;
	v0 =	vld [tilespmem:s10+$0x180]  }
0x82b: {  	[tilespmem:s15+$0x0] =	vst.add.f32.msk $0xffff, v2  }
0x82c: {  	v2 =	vld [tilespmem:s23+$0x180];
	_ =	sdelay $0x2  }
0x82d: {  	[tilespmem:s12+$0x1CD80] =	vst.add.f32.msk $0xffff, v0  }
0x82e: {  	v0 =	vld [tilespmem:s10+$0x190]  }
0x82f: {  	[tilespmem:s9+$0x1CD80] =	vst.add.f32.msk $0xffff, v2  }
0x830: {  	v2 =	vld [tilespmem:s23+$0x190]  }
0x831: {  	s11 =	sadd.s32 $0x1CD80, s12  }
0x832: {  	v3 =	vld [tilespmem:s6+$0x1D0];
	s17 =	sor.u32 $0x10, s11  }
0x833: {  	s15 =	sadd.s32 $0x1CD80, s9;
	[tilespmem:s17+$0x0] =	vst.add.f32.msk $0xffff, v0  }
0x834: {  	s19 =	sor.u32 $0x10, s15;
	v0 =	vld [tilespmem:s10+$0x1A0]  }
0x835: {  	[tilespmem:s19+$0x0] =	vst.add.f32.msk $0xffff, v2  }
0x836: {  	s24 =	sor.u32 $0x40, s14;
	v2 =	vld [tilespmem:s23+$0x1A0]  }
0x837: {  	[tilespmem:s24+$0x0] =	vst.add.f32.msk $0xffff, v1  }
0x838: {  	v1 =	vld [tilespmem:s8+$0x2D0];
	s26 =	sor.u32 $0x20, s11  }
0x839: {  	[tilespmem:s26+$0x0] =	vst.add.f32.msk $0xffff, v0  }
0x83a: {  	s28 =	sor.u32 $0x20, s15;
	v0 =	vld [tilespmem:s10+$0x1B0]  }
0x83b: {  	[tilespmem:s28+$0x0] =	vst.add.f32.msk $0xffff, v2  }
0x83c: {  	s19 =	sor.u32 $0x50, s25;
	v2 =	vld [tilespmem:s23+$0x1B0]  }
0x83d: {  	[tilespmem:s19+$0x0] =	vst.add.f32.msk $0xffff, v3  }
0x83e: {  	s24 =	sor.u32 $0x30, s11;
	v3 =	vld [tilespmem:s6+$0x1E0]  }
0x83f: {  	[tilespmem:s24+$0x0] =	vst.add.f32.msk $0xffff, v0  }
0x840: {  	s26 =	sor.u32 $0x30, s15;
	v0 =	vld [tilespmem:s10+$0x1C0]  }
0x841: {  	[tilespmem:s26+$0x0] =	vst.add.f32.msk $0xffff, v2  }
0x842: {  	s28 =	sor.u32 $0x50, s14;
	v2 =	vld [tilespmem:s23+$0x1C0]  }
0x843: {  	[tilespmem:s28+$0x0] =	vst.add.f32.msk $0xffff, v1  }
0x844: {  	s19 =	sor.u32 $0x40, s11;
	v1 =	vld [tilespmem:s8+$0x2E0]  }
0x845: {  	[tilespmem:s19+$0x0] =	vst.add.f32.msk $0xffff, v0  }
0x846: {  	s24 =	sor.u32 $0x40, s15;
	v0 =	vld [tilespmem:s10+$0x1D0]  }
0x847: {  	[tilespmem:s24+$0x0] =	vst.add.f32.msk $0xffff, v2  }
0x848: {  	s26 =	sor.u32 $0x60, s25;
	v2 =	vld [tilespmem:s23+$0x1D0]  }
0x849: {  	s28 =	sor.u32 $0x60, s14;
	[tilespmem:s26+$0x0] =	vst.add.f32.msk $0xffff, v3  }
0x84a: {  	s19 =	sor.u32 $0x50, s11;
	[tilespmem:s28+$0x0] =	vst.add.f32.msk $0xffff, v1  }
0x84b: {  	[tilespmem:s19+$0x0] =	vst.add.f32.msk $0xffff, v0  }
0x84c: {  	v62 =	vld [tilespmem:s10+$0x1E0];
	s24 =	sor.u32 $0x50, s15  }
0x84d: {  	[tilespmem:s24+$0x0] =	vst.add.f32.msk $0xffff, v2  }
0x84e: {  	v2 =	vld [tilespmem:s23+$0x1E0]  }
0x84f: {  	v63 =	vld [tilespmem:s8+$0x2F0]  }
0x850: {  	s26 =	sor.u32 $0x60, s11;
	v3 =	vld [tilespmem:s6+$0x1F0]  }
0x851: {  	[tilespmem:s26+$0x0] =	vst.add.f32.msk $0xffff, v62  }
0x852: {  	s28 =	sor.u32 $0x60, s15;
	v1 =	vld [tilespmem:s10+$0x1F0]  }
0x853: {  	[tilespmem:s28+$0x0] =	vst.add.f32.msk $0xffff, v2  }
0x854: {  	s17 =	sor.u32 $0x70, s25;
	v2 =	vld [tilespmem:s23+$0x1F0]  }
0x855: {  	[tilespmem:s17+$0x0] =	vst.add.f32.msk $0xffff, v3  }
0x856: {  	s19 =	sor.u32 $0x70, s11;
	v3 =	vld [tilespmem:s6+$0x200]  }
0x857: {  	[tilespmem:s19+$0x0] =	vst.add.f32.msk $0xffff, v1  }
0x858: {  	s24 =	sor.u32 $0x70, s15;
	v1 =	vld [tilespmem:s10+$0x200]  }
0x859: {  	[tilespmem:s24+$0x0] =	vst.add.f32.msk $0xffff, v2  }
0x85a: {  	v2 =	vld [tilespmem:s23+$0x200]  }
0x85b: {  	[tilespmem:s7+$0x1D180] =	vst.add.f32.msk $0xffff, v3  }
0x85c: {  	v3 =	vld [tilespmem:s6+$0x210]  }
0x85d: {  	[tilespmem:s12+$0x1D180] =	vst.add.f32.msk $0xffff, v1  }
0x85e: {  	v1 =	vld [tilespmem:s10+$0x210]  }
0x85f: {  	s8 =	sadd.s32 $0x1D180, s7;
	[tilespmem:s9+$0x1D180] =	vst.add.f32.msk $0xffff, v2  }
0x860: {  	s25 =	sor.u32 $0x10, s8;
	v2 =	vld [tilespmem:s23+$0x210]  }
0x861: {  	s11 =	sadd.s32 $0x1D180, s12;
	[tilespmem:s25+$0x0] =	vst.add.f32.msk $0xffff, v3  }
0x862: {  	s26 =	sor.u32 $0x10, s11;
	v3 =	vld [tilespmem:s6+$0x220]  }
0x863: {  	s15 =	sadd.s32 $0x1D180, s9;
	[tilespmem:s26+$0x0] =	vst.add.f32.msk $0xffff, v1  }
0x864: {  	s28 =	sor.u32 $0x10, s15;
	v1 =	vld [tilespmem:s10+$0x220]  }
0x865: {  	[tilespmem:s28+$0x0] =	vst.add.f32.msk $0xffff, v2  }
0x866: {  	s19 =	sor.u32 $0x20, s8;
	v2 =	vld [tilespmem:s23+$0x220]  }
0x867: {  	[tilespmem:s19+$0x0] =	vst.add.f32.msk $0xffff, v3  }
0x868: {  	s24 =	sor.u32 $0x20, s11;
	v3 =	vld [tilespmem:s6+$0x230]  }
0x869: {  	[tilespmem:s24+$0x0] =	vst.add.f32.msk $0xffff, v1  }
0x86a: {  	s25 =	sor.u32 $0x20, s15;
	v1 =	vld [tilespmem:s10+$0x230]  }
0x86b: {  	[tilespmem:s25+$0x0] =	vst.add.f32.msk $0xffff, v2  }
0x86c: {  	s26 =	sor.u32 $0x30, s8;
	v2 =	vld [tilespmem:s23+$0x230]  }
0x86d: {  	[tilespmem:s26+$0x0] =	vst.add.f32.msk $0xffff, v3  }
0x86e: {  	v3 =	vld [tilespmem:s6+$0x240];
	s28 =	sor.u32 $0x30, s11  }
0x86f: {  	[tilespmem:s28+$0x0] =	vst.add.f32.msk $0xffff, v1  }
0x870: {  	s19 =	sor.u32 $0x30, s15;
	v1 =	vld [tilespmem:s10+$0x240]  }
0x871: {  	[tilespmem:s19+$0x0] =	vst.add.f32.msk $0xffff, v2  }
0x872: {  	s24 =	sor.u32 $0x40, s8;
	v2 =	vld [tilespmem:s23+$0x240]  }
0x873: {  	[tilespmem:s24+$0x0] =	vst.add.f32.msk $0xffff, v3  }
0x874: {  	v3 =	vld [tilespmem:s6+$0x250];
	s25 =	sor.u32 $0x40, s11  }
0x875: {  	[tilespmem:s25+$0x0] =	vst.add.f32.msk $0xffff, v1  }
0x876: {  	s26 =	sor.u32 $0x40, s15;
	v1 =	vld [tilespmem:s10+$0x250]  }
0x877: {  	[tilespmem:s26+$0x0] =	vst.add.f32.msk $0xffff, v2  }
0x878: {  	s28 =	sor.u32 $0x50, s8;
	v2 =	vld [tilespmem:s23+$0x250]  }
0x879: {  	[tilespmem:s28+$0x0] =	vst.add.f32.msk $0xffff, v3  }
0x87a: {  	v3 =	vld [tilespmem:s6+$0x260];
	s19 =	sor.u32 $0x50, s11  }
0x87b: {  	[tilespmem:s19+$0x0] =	vst.add.f32.msk $0xffff, v1  }
0x87c: {  	s24 =	sor.u32 $0x50, s15;
	v1 =	vld [tilespmem:s10+$0x260]  }
0x87d: {  	[tilespmem:s24+$0x0] =	vst.add.f32.msk $0xffff, v2  }
0x87e: {  	s25 =	sor.u32 $0x60, s8;
	v2 =	vld [tilespmem:s23+$0x260]  }
0x87f: {  	[tilespmem:s25+$0x0] =	vst.add.f32.msk $0xffff, v3  }
0x880: {  	v3 =	vld [tilespmem:s6+$0x270];
	s26 =	sor.u32 $0x60, s11  }
0x881: {  	[tilespmem:s26+$0x0] =	vst.add.f32.msk $0xffff, v1  }
0x882: {  	s28 =	sor.u32 $0x60, s15;
	v1 =	vld [tilespmem:s10+$0x270]  }
0x883: {  	[tilespmem:s28+$0x0] =	vst.add.f32.msk $0xffff, v2  }
0x884: {  	s8 =	sor.u32 $0x70, s8;
	v2 =	vld [tilespmem:s23+$0x270]  }
0x885: {  	[tilespmem:s8+$0x0] =	vst.add.f32.msk $0xffff, v3  }
0x886: {  	s11 =	sor.u32 $0x70, s11;
	v3 =	vld [tilespmem:s6+$0x280]  }
0x887: {  	[tilespmem:s11+$0x0] =	vst.add.f32.msk $0xffff, v1  }
0x888: {  	s15 =	sor.u32 $0x70, s15;
	v1 =	vld [tilespmem:s10+$0x280]  }
0x889: {  	[tilespmem:s15+$0x0] =	vst.add.f32.msk $0xffff, v2  }
0x88a: {  	v2 =	vld [tilespmem:s23+$0x280]  }
0x88b: {  	[tilespmem:s7+$0x1D580] =	vst.add.f32.msk $0xffff, v3  }
0x88c: {  	v3 =	vld [tilespmem:s6+$0x290]  }
0x88d: {  	[tilespmem:s12+$0x1D580] =	vst.add.f32.msk $0xffff, v1  }
0x88e: {  	v1 =	vld [tilespmem:s10+$0x290]  }
0x88f: {  	s7 =	sadd.s32 $0x1D580, s7;
	[tilespmem:s9+$0x1D580] =	vst.add.f32.msk $0xffff, v2  }
0x890: {  	s17 =	sor.u32 $0x10, s7;
	v2 =	vld [tilespmem:s23+$0x290]  }
0x891: {  	s8 =	sadd.s32 $0x1D580, s12;
	[tilespmem:s17+$0x0] =	vst.add.f32.msk $0xffff, v3  }
0x892: {  	s19 =	sor.u32 $0x10, s8;
	v3 =	vld [tilespmem:s6+$0x2A0]  }
0x893: {  	[tilespmem:s19+$0x0] =	vst.add.f32.msk $0xffff, v1;
	s9 =	sadd.s32 $0x1D580, s9  }
0x894: {  	v1 =	vld [tilespmem:s10+$0x2A0];
	s24 =	sor.u32 $0x10, s9  }
0x895: {  	[tilespmem:s24+$0x0] =	vst.add.f32.msk $0xffff, v2  }
0x896: {  	s25 =	sor.u32 $0x20, s7;
	v2 =	vld [tilespmem:s23+$0x2A0]  }
0x897: {  	[tilespmem:s25+$0x0] =	vst.add.f32.msk $0xffff, v3  }
0x898: {  	s26 =	sor.u32 $0x20, s8;
	v3 =	vld [tilespmem:s6+$0x2B0]  }
0x899: {  	[tilespmem:s26+$0x0] =	vst.add.f32.msk $0xffff, v1  }
0x89a: {  	s28 =	sor.u32 $0x20, s9;
	v1 =	vld [tilespmem:s10+$0x2B0]  }
0x89b: {  	[tilespmem:s28+$0x0] =	vst.add.f32.msk $0xffff, v2  }
0x89c: {  	s12 =	sor.u32 $0x30, s7;
	v2 =	vld [tilespmem:s23+$0x2B0]  }
0x89d: {  	[tilespmem:s12+$0x0] =	vst.add.f32.msk $0xffff, v3  }
0x89e: {  	s15 =	sor.u32 $0x30, s8;
	v3 =	vld [tilespmem:s6+$0x2C0]  }
0x89f: {  	[tilespmem:s15+$0x0] =	vst.add.f32.msk $0xffff, v1  }
0x8a0: {  	s17 =	sor.u32 $0x30, s9;
	v1 =	vld [tilespmem:s10+$0x2C0]  }
0x8a1: {  	[tilespmem:s17+$0x0] =	vst.add.f32.msk $0xffff, v2  }
0x8a2: {  	s19 =	sor.u32 $0x40, s7;
	v2 =	vld [tilespmem:s23+$0x2C0]  }
0x8a3: {  	[tilespmem:s19+$0x0] =	vst.add.f32.msk $0xffff, v3  }
0x8a4: {  	s24 =	sor.u32 $0x40, s8;
	v3 =	vld [tilespmem:s6+$0x2D0]  }
0x8a5: {  	[tilespmem:s24+$0x0] =	vst.add.f32.msk $0xffff, v1  }
0x8a6: {  	s25 =	sor.u32 $0x40, s9;
	v1 =	vld [tilespmem:s10+$0x2D0]  }
0x8a7: {  	[tilespmem:s25+$0x0] =	vst.add.f32.msk $0xffff, v2  }
0x8a8: {  	s26 =	sor.u32 $0x50, s7;
	v2 =	vld [tilespmem:s23+$0x2D0]  }
0x8a9: {  	[tilespmem:s26+$0x0] =	vst.add.f32.msk $0xffff, v3  }
0x8aa: {  	s28 =	sor.u32 $0x50, s8;
	v3 =	vld [tilespmem:s6+$0x2E0]  }
0x8ab: {  	[tilespmem:s28+$0x0] =	vst.add.f32.msk $0xffff, v1  }
0x8ac: {  	s12 =	sor.u32 $0x50, s9;
	v1 =	vld [tilespmem:s10+$0x2E0]  }
0x8ad: {  	[tilespmem:s12+$0x0] =	vst.add.f32.msk $0xffff, v2  }
0x8ae: {  	s15 =	sor.u32 $0x60, s7;
	v2 =	vld [tilespmem:s23+$0x2E0]  }
0x8af: {  	[tilespmem:s15+$0x0] =	vst.add.f32.msk $0xffff, v3  }
0x8b0: {  	s17 =	sor.u32 $0x60, s8;
	v3 =	vld [tilespmem:s6+$0x2F0]  }
0x8b1: {  	[tilespmem:s17+$0x0] =	vst.add.f32.msk $0xffff, v1  }
0x8b2: {  	s19 =	sor.u32 $0x60, s9;
	v1 =	vld [tilespmem:s10+$0x2F0]  }
0x8b3: {  	[tilespmem:s19+$0x0] =	vst.add.f32.msk $0xffff, v2  }
0x8b4: {  	v2 =	vld [tilespmem:s23+$0x2F0]  }
0x8b5: {  	s0 =	sadd.s32 $0x1, s0;
	s24 =	sor.u32 $0x70, s7  }
0x8b6: {  	p0 =	sne.s32 s0, $0x8;
	s25 =	sor.u32 $0x70, s8;
	[tilespmem:s24+$0x0] =	vst.add.f32.msk $0xffff, v3  }
.Ltmp4:
0x8b7: {  	[tilespmem:s25+$0x0] =	vst.add.f32.msk $0xffff, v1;
	s23 =	sor.u32 $0x70, s14;
	(pc) =	sbr.rel @p0 .LBB2_2-.Ltmp4, $4  }
0x8b8: {  	s26 =	sor.u32 $0x70, s9;
	[tilespmem:s23+$0x0] =	vst.add.f32.msk $0xffff, v63  }
0x8b9: {  	s29 =	sadd.s32 $0x40, s29;
	s30 =	sadd.s32 $0x40, s30;
	s31 =	sadd.s32 $0x40, s31;
	[tilespmem:s26+$0x0] =	vst.add.f32.msk $0xffff, v2  }
0x8ba: {  	s2 =	sadd.s32 $0x40, s2;
	s28 =	sadd.s32 s3, s13;
	[bflag:$0x0] =	sbarrier.arrive $0xFFFF  }
0x8bb: {  	[hbm4b:s28+s4] =	stream.linear.scatter [tilespmem:s21], [sflag:$0x9], $0x3000, $0x38;
	[tilespmem:$0x1F180] =	vst v63  }
0x8bc: {  	s0 =	simm.s32 $0x6  }
0x8bd: {  	_ =	swait.ge [sflag:s0], $0x3000  }
0x8be: {  	[sflag:s0] =	ssyncset.done $0x0  }
0x8bf: {  	s29 =	simm.s32 $0x7;
	[sflag:s0] =	ssyncadd.s32 $0xFFFFD000  }
0x8c0: {  	_ =	swait.ge [sflag:s29], $0x3000  }
0x8c1: {  	[sflag:s29] =	ssyncset.done $0x0  }
0x8c2: {  	s30 =	simm.s32 $0x8;
	[sflag:s29] =	ssyncadd.s32 $0xFFFFD000  }
0x8c3: {  	_ =	swait.ge [sflag:s30], $0x3000  }
0x8c4: {  	[sflag:s30] =	ssyncset.done $0x0  }
0x8c5: {  	s2 =	simm.s32 $0x9;
	[sflag:s30] =	ssyncadd.s32 $0xFFFFD000  }
0x8c6: {  	_ =	swait.ge [sflag:s2], $0x3000  }
0x8c7: {  	s6 =	rddreg [dreg:$0x9]  }
0x8c8: {  	s31 =	rddreg [dreg:$0x8];
	s6 =	sadd.s32 $0x1, s6  }
0x8c9: {  	p0 =	sne.s32 s6, s31  }
.Ltmp5:
0x8ca: {  	_ = 	snop;
	(pc) =	sbr.rel @p0 .LBB2_1-.Ltmp5, $3  }
0x8cb: {  	_ =	sdelay $0x1  }
0x8cc: {  	[sflag:s2] =	ssyncset.done $0x0  }
0x8cd: {  	[sflag:s2] =	ssyncadd.s32 $0xFFFFD000  }
0x8ce: {  	_ =	sfence.sel $0x180000  }
0x8cf: {  	[bflag:$0x0] =	sbarrier.arrive $0xFFFF  }
0x8d0: {  	_ =	strace $0x90000047  }
0x8d1: {  	s0 =	stileid.u32;
	[bflag:$0x2] =	sbarrier.arrive $0xFFFF  }
0x8d2: {  	p0 =	sne.s32 s0, $0x0;
	s0 =	rddreg [dreg:$0x3]  }
0x8d3: {  	s0 =	sadd.s32 @!p0 $0x100000, s0  }
0x8d4: {  	[sflag:s0] =	ssyncadd.tile.s32 @!p0 $0x1;
	_ =	shalt  }
.Lfunc_end2:
_tile_overlayer_lowered:
.L_overlay_start_2:
0x8d5: {  	(tag) =	ssettag $0x2  }
0x8d6: {  	s0 =	rddreg [dreg:$0x0];
	s2 =	stileid.u32  }
0x8d7: {  	s1 =	rddreg [dreg:$0x1];
	p0 =	sne.s32 s2, $0x0  }
0x8d8: {  	s3 =	rddreg [dreg:$0x2];
	[bflag:$0x3] =	sbarrier.arrive $0xFFFF;
	s2 =	simm.s32 @!p0 $0x1C0A  }
0x8d9: {  	[timem:s3], [sflag:s2] =	dma.local @!p0 [hbm:s0], s1  }
0x8da: {  	s0 =	simm.s32 @!p0 $0xA  }
0x8db: {  	_ =	swait.ge @!p0 [sflag:s0], s1  }
0x8dc: {  	s1 =	ssub.s32 @!p0 $0x0, s1;
	[sflag:s0] =	ssyncset.done @!p0 $0x0  }
0x8dd: {  	[sflag:s0] =	ssyncadd.s32 @!p0 s1  }
0x8de: {  	[bflag:$0x3] =	sbarrier.arrive $0xFFFF  }
0x8df: {  	_ =	shalt  }

</sc_bundles>
